<compile_context>
chip_gen: v7x
topology: tpu7x:2x2x1
jax: 0.10.2.dev20260603
libtpu: 0.0.44.dev20260713+nightly
codegen_flags: <defaults>
</compile_context>

<pallas_src>
import functools

import jax
import jax.numpy as jnp
from jax import lax
from jax.experimental import pallas as pl
from jax.experimental.pallas import tpu as pltpu
from jax.experimental.pallas import tpu_sc as plsc

D_MODEL = 128
HALF = 64
_NW = 32
_CHUNK = 128


def _transform_body(x_ref, p_ref, w_ref, b_ref, oe_ref, op_ref):
    w1 = w_ref[:, 0:HALF]
    oe_ref[:] = lax.dot_general(x_ref[:], w1, (((1,), (1,)), ((), ())),
                                preferred_element_type=jnp.float32)

    @pl.when(pl.program_id(0) == 0)
    def _prop():
        w2 = w_ref[:, HALF:D_MODEL]
        op_ref[:] = lax.dot_general(p_ref[:], w2, (((1,), (1,)), ((), ())),
                                    preferred_element_type=jnp.float32
                                    ) + b_ref[:]


def _transform_tables(etab, ptab, w, b2d):
    v = etab.shape[0]
    vp = ptab.shape[0]
    r = 2000
    return pl.pallas_call(
        _transform_body,
        grid=(v // r,),
        in_specs=[pl.BlockSpec((r, HALF), lambda i: (i, 0)),
                  pl.BlockSpec((vp, HALF), lambda i: (0, 0)),
                  pl.BlockSpec((D_MODEL, D_MODEL), lambda i: (0, 0)),
                  pl.BlockSpec((1, D_MODEL), lambda i: (0, 0))],
        out_specs=[pl.BlockSpec((r, D_MODEL), lambda i: (i, 0)),
                   pl.BlockSpec((vp, D_MODEL), lambda i: (0, 0))],
        out_shape=[jax.ShapeDtypeStruct((v, D_MODEL), jnp.float32),
                   jax.ShapeDtypeStruct((vp, D_MODEL), jnp.float32)],
    )(etab, ptab, w, b2d)


def _sc_combine(te, tp, eid, pid):
    b = eid.shape[0]
    per_w = b // _NW
    n_iter = per_w // _CHUNK
    mesh = plsc.VectorSubcoreMesh(core_axis_name="c", subcore_axis_name="s")

    assert n_iter % 4 == 0 and n_iter >= 8

    @functools.partial(
        pl.kernel, mesh=mesh,
        out_type=jax.ShapeDtypeStruct((b, D_MODEL), jnp.float32),
        scratch_types=[
            pltpu.VMEM((2, 4 * _CHUNK), jnp.int32),
            pltpu.VMEM((2, 4 * _CHUNK), jnp.int32),
            pltpu.VMEM((2, _CHUNK, D_MODEL), jnp.float32),
            pltpu.VMEM((2, _CHUNK, D_MODEL), jnp.float32),
            pltpu.VMEM((2, _CHUNK, D_MODEL), jnp.float32),
            pltpu.VMEM_SHARED((1000, D_MODEL), jnp.float32),
            pltpu.SemaphoreType.DMA((2,)),
            pltpu.SemaphoreType.DMA((2,)),
            pltpu.SemaphoreType.DMA((2,)),
            pltpu.SemaphoreType.DMA((2,)),
        ],
    )
    def k(te_hbm, tp_hbm, eid_hbm, pid_hbm, out_hbm, eixb, pixb, ebufs,
          pbufs, obufs, tp_sh, isem, esem, psem, wsem):
        wid = lax.axis_index("s") * 2 + lax.axis_index("c")
        base = wid * per_w

        @pl.when(lax.axis_index("s") == 0)
        def _stage():
            pltpu.sync_copy(tp_hbm, tp_sh)

        plsc.subcore_barrier()

        pltpu.sync_copy(eid_hbm.at[pl.ds(base, 4 * _CHUNK)], eixb.at[0])
        pltpu.sync_copy(pid_hbm.at[pl.ds(base, 4 * _CHUNK)], pixb.at[0])
        for i in (0, 1):
            sl = pl.ds(i * _CHUNK, _CHUNK)
            pltpu.async_copy(te_hbm.at[eixb.at[0, sl]], ebufs.at[i],
                             esem.at[i])
            pltpu.async_copy(tp_sh.at[pixb.at[0, sl]], pbufs.at[i],
                             psem.at[i])
        pltpu.async_copy(eid_hbm.at[pl.ds(base + 4 * _CHUNK, 4 * _CHUNK)],
                         eixb.at[1], isem.at[1])
        pltpu.async_copy(pid_hbm.at[pl.ds(base + 4 * _CHUNK, 4 * _CHUNK)],
                         pixb.at[1], isem.at[1])

        def quad(fq, carry):
            cur = fq % 2
            nxt = 1 - cur
            for sub in range(4):
                i = fq * 4 + sub
                bb = sub % 2
                sq = pl.ds(sub * _CHUNK, _CHUNK)

                pltpu.make_async_copy(te_hbm.at[eixb.at[cur, sq]],
                                      ebufs.at[bb], esem.at[bb]).wait()
                pltpu.make_async_copy(tp_sh.at[pixb.at[cur, sq]],
                                      pbufs.at[bb], psem.at[bb]).wait()

                @pl.when(i >= 2)
                def _wdrain():
                    pltpu.make_async_copy(
                        obufs.at[bb], out_hbm.at[pl.ds(base, _CHUNK)],
                        wsem.at[bb]).wait()

                if sub == 3:
                    @pl.when(i + 5 < n_iter)
                    def _pfidx():
                        offb = base + (fq + 2) * 4 * _CHUNK
                        pltpu.async_copy(
                            eid_hbm.at[pl.ds(offb, 4 * _CHUNK)],
                            eixb.at[cur], isem.at[cur])
                        pltpu.async_copy(
                            pid_hbm.at[pl.ds(offb, 4 * _CHUNK)],
                            pixb.at[cur], isem.at[cur])

                def addrow(r4, c2):
                    for rr in range(4):
                        r2 = r4 * 4 + rr
                        for j in range(D_MODEL // 16):
                            sl = pl.ds(j * 16, 16)
                            obufs[bb, r2, sl] = (ebufs[bb, r2, sl]
                                                 + pbufs[bb, r2, sl])
                    return c2

                lax.fori_loop(0, _CHUNK // 4, addrow, 0)

                off = base + i * _CHUNK
                pltpu.async_copy(obufs.at[bb], out_hbm.at[pl.ds(off, _CHUNK)],
                                 wsem.at[bb])

                @pl.when(i + 2 < n_iter)
                def _gnext():
                    slot2 = nxt if sub >= 2 else cur
                    sq2 = pl.ds(((sub + 2) % 4) * _CHUNK, _CHUNK)
                    if sub == 2:
                        pltpu.make_async_copy(
                            eid_hbm.at[pl.ds(base, 4 * _CHUNK)],
                            eixb.at[slot2], isem.at[slot2]).wait()
                        pltpu.make_async_copy(
                            pid_hbm.at[pl.ds(base, 4 * _CHUNK)],
                            pixb.at[slot2], isem.at[slot2]).wait()
                    pltpu.async_copy(te_hbm.at[eixb.at[slot2, sq2]],
                                     ebufs.at[bb], esem.at[bb])
                    pltpu.async_copy(tp_sh.at[pixb.at[slot2, sq2]],
                                     pbufs.at[bb], psem.at[bb])
            return carry

        lax.fori_loop(0, n_iter // 4, quad, 0)

        for bb in (0, 1):
            pltpu.make_async_copy(obufs.at[bb],
                                  out_hbm.at[pl.ds(base, _CHUNK)],
                                  wsem.at[bb]).wait()

    return k(te, tp, eid, pid)


def kernel(element_ids, property_ids, element_table, property_table,
           fusion_w, fusion_b):
    bsz, n = element_ids.shape
    eid = element_ids.reshape(-1).astype(jnp.int32)
    pid = property_ids.reshape(-1).astype(jnp.int32)
    te, tp = _transform_tables(element_table, property_table, fusion_w,
                               fusion_b.reshape(1, -1))
    out = _sc_combine(te, tp, eid, pid)
    return out.reshape(bsz, n, D_MODEL)

# --- scband reference (transcript-rebuilt; emitter-appended) ---
"""Pipeline reference for scband-class-embedding-66649302499670 (READ-ONLY COPY).

The authoritative reference and input builder live on the scoring server;
editing this copy changes nothing except your own understanding.
"""

import jax, jax.numpy as jnp
import numpy as np

D_MODEL = 128
ELEM_VOCAB = 100000
PROP_VOCAB = 1000
BATCH = 4096
NUM_ELEMENTS = 200


def setup_inputs(seed: int = 0) -> dict:
    key = jax.random.key(seed)
    k1, k2, k3, k4, k5, k6 = jax.random.split(key, 6)
    half = D_MODEL // 2
    element_ids = jax.random.randint(k1, (BATCH, NUM_ELEMENTS), 0, ELEM_VOCAB, dtype=jnp.int64) if jax.config.jax_enable_x64 else jax.random.randint(k1, (BATCH, NUM_ELEMENTS), 0, ELEM_VOCAB, dtype=jnp.int32)
    property_ids = jax.random.randint(k2, (BATCH, NUM_ELEMENTS), 0, PROP_VOCAB, dtype=jnp.int32)
    element_table = jax.random.normal(k3, (ELEM_VOCAB, half), dtype=jnp.float32)
    property_table = jax.random.normal(k4, (PROP_VOCAB, half), dtype=jnp.float32)
    bound = 1.0 / np.sqrt(D_MODEL)
    fusion_w = jax.random.uniform(k5, (D_MODEL, D_MODEL), minval=-bound, maxval=bound, dtype=jnp.float32)
    fusion_b = jax.random.uniform(k6, (D_MODEL,), minval=-bound, maxval=bound, dtype=jnp.float32)
    return {
        "element_ids": element_ids,
        "property_ids": property_ids,
        "element_table": element_table,
        "property_table": property_table,
        "fusion_w": fusion_w,
        "fusion_b": fusion_b,
    }


def reference(element_ids, property_ids, element_table, property_table, fusion_w, fusion_b):
    # embedding lookups (gather)
    element_emb = jnp.take(element_table, element_ids, axis=0)    # [B, N, d/2]
    property_emb = jnp.take(property_table, property_ids, axis=0)  # [B, N, d/2]
    combined = jnp.concatenate([element_emb, property_emb], axis=-1)  # [B, N, d]
    # nn.Linear: y = x @ W^T + b
    output = combined @ fusion_w.T + fusion_b
    return output

if __name__ == "__main__":
    import jax
    _d = setup_inputs()
    print(jax.jit(kernel)(*tuple(_d.values())))

</pallas_src>

<mosaic_0001>
#map = affine_map<(d0, d1) -> (0, 0)>
#map1 = affine_map<(d0, d1) -> (0)>
module attributes {stable_mosaic.version = 14 : i64} {
  func.func @k(%arg0: i32, %arg1: i32, %arg2: memref<100000x128xf32, #tpu.memory_space<hbm>>, %arg3: memref<1000x128xf32, #tpu.memory_space<hbm>>, %arg4: memref<819200xi32, #tpu.memory_space<hbm>>, %arg5: memref<819200xi32, #tpu.memory_space<hbm>>, %arg6: memref<819200x128xf32, #tpu.memory_space<hbm>>, %arg7: memref<2x512xi32, #tpu.memory_space<vmem>>, %arg8: memref<2x512xi32, #tpu.memory_space<vmem>>, %arg9: memref<2x128x128xf32, #tpu.memory_space<vmem>>, %arg10: memref<2x128x128xf32, #tpu.memory_space<vmem>>, %arg11: memref<2x128x128xf32, #tpu.memory_space<vmem>>, %arg12: memref<1000x128xf32, #tpu.memory_space<vmem_shared>>, %arg13: memref<2x!tpu.dma_semaphore, #tpu.memory_space<semaphore_mem>>, %arg14: memref<2x!tpu.dma_semaphore, #tpu.memory_space<semaphore_mem>>, %arg15: memref<2x!tpu.dma_semaphore, #tpu.memory_space<semaphore_mem>>, %arg16: memref<2x!tpu.dma_semaphore, #tpu.memory_space<semaphore_mem>>) attributes {dimension_semantics = [#tpu.dimension_semantics<core_parallel>, #tpu.dimension_semantics<subcore_parallel>], iteration_bounds = array<i64: 2, 16>, scalar_prefetch = 0 : i64, scratch_operands = 10 : i64, tpu.core_type = #tpu.core_type<sc_vector_subcore>, window_params = [{transform_indices = #map}, {transform_indices = #map}, {transform_indices = #map1}, {transform_indices = #map1}, {transform_indices = #map}]} {
    %mul3A = arith.constant 2 : i32
    %mul3A_0 = arith.muli %arg1, %mul3A : i32
    %add3A = arith.addi %mul3A_0, %arg0 : i32
    %mul3A_1 = arith.constant 25600 : i32
    %mul3A_2 = arith.muli %add3A, %mul3A_1 : i32
    %eq3A = arith.constant 0 : i32
    %eq3A_3 = arith.cmpi eq, %arg1, %eq3A : i32
    %convert_element_type3A = arith.extui %eq3A_3 : i1 to i32
    %cond3A = arith.constant 0 : i32
    %cond3A_4 = arith.cmpi ne, %convert_element_type3A, %cond3A : i32
    scf.if %cond3A_4 {
      "tpu.region"() ({
        %run_scoped3A_129 = tpu.sem_alloc : memref<!tpu.dma_semaphore, #tpu.memory_space<semaphore_mem>>
        tpu.enqueue_dma source(%arg3 : memref<1000x128xf32, #tpu.memory_space<hbm>>) target(%arg12 : memref<1000x128xf32, #tpu.memory_space<vmem_shared>>) target_semaphore(%run_scoped3A_129 : memref<!tpu.dma_semaphore, #tpu.memory_space<semaphore_mem>>)
        tpu.wait_dma2 semaphore(%run_scoped3A_129 : memref<!tpu.dma_semaphore, #tpu.memory_space<semaphore_mem>>) src(%arg3 : memref<1000x128xf32, #tpu.memory_space<hbm>>) dst(%arg12 : memref<1000x128xf32, #tpu.memory_space<vmem_shared>>)
        tpu.yield
      }) : () -> ()
    } else {
    }
    %barrier3A = arith.constant 0 : index
    tpu.barrier barrier_id(%barrier3A)
    %run_scoped3A = arith.constant 0 : i32
    "tpu.region"() ({
      %run_scoped3A_129 = tpu.sem_alloc : memref<!tpu.dma_semaphore, #tpu.memory_space<semaphore_mem>>
      %dma_start3A_130 = arith.constant 0 : i32
      %dma_start3A_131 = tpu.memref_slice %arg7[%run_scoped3A, %dma_start3A_130] : memref<2x512xi32, #tpu.memory_space<vmem>> -> memref<1x512xi32, #tpu.memory_space<vmem>>
      %dma_start3A_132 = tpu.memref_squeeze %dma_start3A_131 : memref<1x512xi32, #tpu.memory_space<vmem>> -> memref<512xi32, #tpu.memory_space<vmem>>
      %dma_start3A_133 = tpu.memref_slice %arg4[%mul3A_2] : memref<819200xi32, #tpu.memory_space<hbm>> -> memref<512xi32, #tpu.memory_space<hbm>>
      %dma_start3A_134 = arith.constant 0 : i32
      %dma_start3A_135 = tpu.memref_slice %arg7[%run_scoped3A, %dma_start3A_134] : memref<2x512xi32, #tpu.memory_space<vmem>> -> memref<1x512xi32, #tpu.memory_space<vmem>>
      %dma_start3A_136 = tpu.memref_squeeze %dma_start3A_135 : memref<1x512xi32, #tpu.memory_space<vmem>> -> memref<512xi32, #tpu.memory_space<vmem>>
      %dma_start3A_137 = tpu.memref_slice %arg4[%mul3A_2] : memref<819200xi32, #tpu.memory_space<hbm>> -> memref<512xi32, #tpu.memory_space<hbm>>
      tpu.enqueue_dma source(%dma_start3A_137 : memref<512xi32, #tpu.memory_space<hbm>>) target(%dma_start3A_136 : memref<512xi32, #tpu.memory_space<vmem>>) target_semaphore(%run_scoped3A_129 : memref<!tpu.dma_semaphore, #tpu.memory_space<semaphore_mem>>)
      %dma_wait3A_138 = arith.constant 0 : i32
      %dma_wait3A_139 = tpu.memref_slice %arg7[%run_scoped3A, %dma_wait3A_138] : memref<2x512xi32, #tpu.memory_space<vmem>> -> memref<1x512xi32, #tpu.memory_space<vmem>>
      %dma_wait3A_140 = tpu.memref_squeeze %dma_wait3A_139 : memref<1x512xi32, #tpu.memory_space<vmem>> -> memref<512xi32, #tpu.memory_space<vmem>>
      %dma_wait3A_141 = tpu.memref_slice %arg4[%mul3A_2] : memref<819200xi32, #tpu.memory_space<hbm>> -> memref<512xi32, #tpu.memory_space<hbm>>
      %dma_wait3A_142 = arith.constant 0 : i32
      %dma_wait3A_143 = tpu.memref_slice %arg7[%run_scoped3A, %dma_wait3A_142] : memref<2x512xi32, #tpu.memory_space<vmem>> -> memref<1x512xi32, #tpu.memory_space<vmem>>
      %dma_wait3A_144 = tpu.memref_squeeze %dma_wait3A_143 : memref<1x512xi32, #tpu.memory_space<vmem>> -> memref<512xi32, #tpu.memory_space<vmem>>
      %dma_wait3A_145 = tpu.memref_slice %arg4[%mul3A_2] : memref<819200xi32, #tpu.memory_space<hbm>> -> memref<512xi32, #tpu.memory_space<hbm>>
      tpu.wait_dma2 semaphore(%run_scoped3A_129 : memref<!tpu.dma_semaphore, #tpu.memory_space<semaphore_mem>>) src(%dma_wait3A_145 : memref<512xi32, #tpu.memory_space<hbm>>) dst(%dma_wait3A_144 : memref<512xi32, #tpu.memory_space<vmem>>)
      tpu.yield
    }) : () -> ()
    %run_scoped3A_5 = arith.constant 0 : i32
    "tpu.region"() ({
      %run_scoped3A_129 = tpu.sem_alloc : memref<!tpu.dma_semaphore, #tpu.memory_space<semaphore_mem>>
      %dma_start3A_130 = arith.constant 0 : i32
      %dma_start3A_131 = tpu.memref_slice %arg8[%run_scoped3A_5, %dma_start3A_130] : memref<2x512xi32, #tpu.memory_space<vmem>> -> memref<1x512xi32, #tpu.memory_space<vmem>>
      %dma_start3A_132 = tpu.memref_squeeze %dma_start3A_131 : memref<1x512xi32, #tpu.memory_space<vmem>> -> memref<512xi32, #tpu.memory_space<vmem>>
      %dma_start3A_133 = tpu.memref_slice %arg5[%mul3A_2] : memref<819200xi32, #tpu.memory_space<hbm>> -> memref<512xi32, #tpu.memory_space<hbm>>
      %dma_start3A_134 = arith.constant 0 : i32
      %dma_start3A_135 = tpu.memref_slice %arg8[%run_scoped3A_5, %dma_start3A_134] : memref<2x512xi32, #tpu.memory_space<vmem>> -> memref<1x512xi32, #tpu.memory_space<vmem>>
      %dma_start3A_136 = tpu.memref_squeeze %dma_start3A_135 : memref<1x512xi32, #tpu.memory_space<vmem>> -> memref<512xi32, #tpu.memory_space<vmem>>
      %dma_start3A_137 = tpu.memref_slice %arg5[%mul3A_2] : memref<819200xi32, #tpu.memory_space<hbm>> -> memref<512xi32, #tpu.memory_space<hbm>>
      tpu.enqueue_dma source(%dma_start3A_137 : memref<512xi32, #tpu.memory_space<hbm>>) target(%dma_start3A_136 : memref<512xi32, #tpu.memory_space<vmem>>) target_semaphore(%run_scoped3A_129 : memref<!tpu.dma_semaphore, #tpu.memory_space<semaphore_mem>>)
      %dma_wait3A_138 = arith.constant 0 : i32
      %dma_wait3A_139 = tpu.memref_slice %arg8[%run_scoped3A_5, %dma_wait3A_138] : memref<2x512xi32, #tpu.memory_space<vmem>> -> memref<1x512xi32, #tpu.memory_space<vmem>>
      %dma_wait3A_140 = tpu.memref_squeeze %dma_wait3A_139 : memref<1x512xi32, #tpu.memory_space<vmem>> -> memref<512xi32, #tpu.memory_space<vmem>>
      %dma_wait3A_141 = tpu.memref_slice %arg5[%mul3A_2] : memref<819200xi32, #tpu.memory_space<hbm>> -> memref<512xi32, #tpu.memory_space<hbm>>
      %dma_wait3A_142 = arith.constant 0 : i32
      %dma_wait3A_143 = tpu.memref_slice %arg8[%run_scoped3A_5, %dma_wait3A_142] : memref<2x512xi32, #tpu.memory_space<vmem>> -> memref<1x512xi32, #tpu.memory_space<vmem>>
      %dma_wait3A_144 = tpu.memref_squeeze %dma_wait3A_143 : memref<1x512xi32, #tpu.memory_space<vmem>> -> memref<512xi32, #tpu.memory_space<vmem>>
      %dma_wait3A_145 = tpu.memref_slice %arg5[%mul3A_2] : memref<819200xi32, #tpu.memory_space<hbm>> -> memref<512xi32, #tpu.memory_space<hbm>>
      tpu.wait_dma2 semaphore(%run_scoped3A_129 : memref<!tpu.dma_semaphore, #tpu.memory_space<semaphore_mem>>) src(%dma_wait3A_145 : memref<512xi32, #tpu.memory_space<hbm>>) dst(%dma_wait3A_144 : memref<512xi32, #tpu.memory_space<vmem>>)
      tpu.yield
    }) : () -> ()
    %dma_start3A = arith.constant 0 : i32
    %dma_start3A_6 = arith.constant 0 : i32
    %dma_start3A_7 = arith.constant 0 : i32
    %dma_start3A_8 = arith.constant 0 : i32
    %dma_start3A_9 = arith.constant 0 : i32
    %dma_start3A_10 = tpu.memref_slice %arg9[%dma_start3A_6, %dma_start3A_8, %dma_start3A_9] : memref<2x128x128xf32, #tpu.memory_space<vmem>> -> memref<1x128x128xf32, #tpu.memory_space<vmem>>
    %dma_start3A_11 = tpu.memref_squeeze %dma_start3A_10 : memref<1x128x128xf32, #tpu.memory_space<vmem>> -> memref<128x128xf32, #tpu.memory_space<vmem>>
    %dma_start3A_12 = arith.constant 0 : i32
    %dma_start3A_13 = tpu.memref_slice %arg7[%dma_start3A, %dma_start3A_12] : memref<2x512xi32, #tpu.memory_space<vmem>> -> memref<1x128xi32, #tpu.memory_space<vmem>>
    %dma_start3A_14 = tpu.memref_squeeze %dma_start3A_13 : memref<1x128xi32, #tpu.memory_space<vmem>> -> memref<128xi32, #tpu.memory_space<vmem>>
    %dma_start3A_15 = arith.constant 0 : i32
    %dma_start3A_16 = arith.constant 0 : i32
    %dma_start3A_17 = tpu.memref_slice %arg2[%dma_start3A_15, %dma_start3A_16] : memref<100000x128xf32, #tpu.memory_space<hbm>> -> memref<100000x128xf32, #tpu.memory_space<hbm>>
    %dma_start3A_18 = tpu.memref_slice %arg14[%dma_start3A_7] : memref<2x!tpu.dma_semaphore, #tpu.memory_space<semaphore_mem>> -> memref<1x!tpu.dma_semaphore, #tpu.memory_space<semaphore_mem>>
    %dma_start3A_19 = tpu.memref_squeeze %dma_start3A_18 : memref<1x!tpu.dma_semaphore, #tpu.memory_space<semaphore_mem>> -> memref<!tpu.dma_semaphore, #tpu.memory_space<semaphore_mem>>
    tpu.enqueue_indirect_dma source(%dma_start3A_17 : memref<100000x128xf32, #tpu.memory_space<hbm>>) target(%dma_start3A_11 : memref<128x128xf32, #tpu.memory_space<vmem>>) offsets(%dma_start3A_14 : memref<128xi32, #tpu.memory_space<vmem>>) semaphore(%dma_start3A_19 : memref<!tpu.dma_semaphore, #tpu.memory_space<semaphore_mem>>)
    %dma_start3A_20 = arith.constant 0 : i32
    %dma_start3A_21 = arith.constant 0 : i32
    %dma_start3A_22 = arith.constant 0 : i32
    %dma_start3A_23 = arith.constant 0 : i32
    %dma_start3A_24 = arith.constant 0 : i32
    %dma_start3A_25 = tpu.memref_slice %arg10[%dma_start3A_21, %dma_start3A_23, %dma_start3A_24] : memref<2x128x128xf32, #tpu.memory_space<vmem>> -> memref<1x128x128xf32, #tpu.memory_space<vmem>>
    %dma_start3A_26 = tpu.memref_squeeze %dma_start3A_25 : memref<1x128x128xf32, #tpu.memory_space<vmem>> -> memref<128x128xf32, #tpu.memory_space<vmem>>
    %dma_start3A_27 = arith.constant 0 : i32
    %dma_start3A_28 = tpu.memref_slice %arg8[%dma_start3A_20, %dma_start3A_27] : memref<2x512xi32, #tpu.memory_space<vmem>> -> memref<1x128xi32, #tpu.memory_space<vmem>>
    %dma_start3A_29 = tpu.memref_squeeze %dma_start3A_28 : memref<1x128xi32, #tpu.memory_space<vmem>> -> memref<128xi32, #tpu.memory_space<vmem>>
    %dma_start3A_30 = arith.constant 0 : i32
    %dma_start3A_31 = arith.constant 0 : i32
    %dma_start3A_32 = tpu.memref_slice %arg12[%dma_start3A_30, %dma_start3A_31] : memref<1000x128xf32, #tpu.memory_space<vmem_shared>> -> memref<1000x128xf32, #tpu.memory_space<vmem_shared>>
    %dma_start3A_33 = tpu.memref_slice %arg15[%dma_start3A_22] : memref<2x!tpu.dma_semaphore, #tpu.memory_space<semaphore_mem>> -> memref<1x!tpu.dma_semaphore, #tpu.memory_space<semaphore_mem>>
    %dma_start3A_34 = tpu.memref_squeeze %dma_start3A_33 : memref<1x!tpu.dma_semaphore, #tpu.memory_space<semaphore_mem>> -> memref<!tpu.dma_semaphore, #tpu.memory_space<semaphore_mem>>
    tpu.enqueue_indirect_dma source(%dma_start3A_32 : memref<1000x128xf32, #tpu.memory_space<vmem_shared>>) target(%dma_start3A_26 : memref<128x128xf32, #tpu.memory_space<vmem>>) offsets(%dma_start3A_29 : memref<128xi32, #tpu.memory_space<vmem>>) semaphore(%dma_start3A_34 : memref<!tpu.dma_semaphore, #tpu.memory_space<semaphore_mem>>)
    %dma_start3A_35 = arith.constant 0 : i32
    %dma_start3A_36 = arith.constant 1 : i32
    %dma_start3A_37 = arith.constant 1 : i32
    %dma_start3A_38 = arith.constant 0 : i32
    %dma_start3A_39 = arith.constant 0 : i32
    %dma_start3A_40 = tpu.memref_slice %arg9[%dma_start3A_36, %dma_start3A_38, %dma_start3A_39] : memref<2x128x128xf32, #tpu.memory_space<vmem>> -> memref<1x128x128xf32, #tpu.memory_space<vmem>>
    %dma_start3A_41 = tpu.memref_squeeze %dma_start3A_40 : memref<1x128x128xf32, #tpu.memory_space<vmem>> -> memref<128x128xf32, #tpu.memory_space<vmem>>
    %dma_start3A_42 = arith.constant 128 : i32
    %dma_start3A_43 = tpu.memref_slice %arg7[%dma_start3A_35, %dma_start3A_42] : memref<2x512xi32, #tpu.memory_space<vmem>> -> memref<1x128xi32, #tpu.memory_space<vmem>>
    %dma_start3A_44 = tpu.memref_squeeze %dma_start3A_43 : memref<1x128xi32, #tpu.memory_space<vmem>> -> memref<128xi32, #tpu.memory_space<vmem>>
    %dma_start3A_45 = arith.constant 0 : i32
    %dma_start3A_46 = arith.constant 0 : i32
    %dma_start3A_47 = tpu.memref_slice %arg2[%dma_start3A_45, %dma_start3A_46] : memref<100000x128xf32, #tpu.memory_space<hbm>> -> memref<100000x128xf32, #tpu.memory_space<hbm>>
    %dma_start3A_48 = tpu.memref_slice %arg14[%dma_start3A_37] : memref<2x!tpu.dma_semaphore, #tpu.memory_space<semaphore_mem>> -> memref<1x!tpu.dma_semaphore, #tpu.memory_space<semaphore_mem>>
    %dma_start3A_49 = tpu.memref_squeeze %dma_start3A_48 : memref<1x!tpu.dma_semaphore, #tpu.memory_space<semaphore_mem>> -> memref<!tpu.dma_semaphore, #tpu.memory_space<semaphore_mem>>
    tpu.enqueue_indirect_dma source(%dma_start3A_47 : memref<100000x128xf32, #tpu.memory_space<hbm>>) target(%dma_start3A_41 : memref<128x128xf32, #tpu.memory_space<vmem>>) offsets(%dma_start3A_44 : memref<128xi32, #tpu.memory_space<vmem>>) semaphore(%dma_start3A_49 : memref<!tpu.dma_semaphore, #tpu.memory_space<semaphore_mem>>)
    %dma_start3A_50 = arith.constant 0 : i32
    %dma_start3A_51 = arith.constant 1 : i32
    %dma_start3A_52 = arith.constant 1 : i32
    %dma_start3A_53 = arith.constant 0 : i32
    %dma_start3A_54 = arith.constant 0 : i32
    %dma_start3A_55 = tpu.memref_slice %arg10[%dma_start3A_51, %dma_start3A_53, %dma_start3A_54] : memref<2x128x128xf32, #tpu.memory_space<vmem>> -> memref<1x128x128xf32, #tpu.memory_space<vmem>>
    %dma_start3A_56 = tpu.memref_squeeze %dma_start3A_55 : memref<1x128x128xf32, #tpu.memory_space<vmem>> -> memref<128x128xf32, #tpu.memory_space<vmem>>
    %dma_start3A_57 = arith.constant 128 : i32
    %dma_start3A_58 = tpu.memref_slice %arg8[%dma_start3A_50, %dma_start3A_57] : memref<2x512xi32, #tpu.memory_space<vmem>> -> memref<1x128xi32, #tpu.memory_space<vmem>>
    %dma_start3A_59 = tpu.memref_squeeze %dma_start3A_58 : memref<1x128xi32, #tpu.memory_space<vmem>> -> memref<128xi32, #tpu.memory_space<vmem>>
    %dma_start3A_60 = arith.constant 0 : i32
    %dma_start3A_61 = arith.constant 0 : i32
    %dma_start3A_62 = tpu.memref_slice %arg12[%dma_start3A_60, %dma_start3A_61] : memref<1000x128xf32, #tpu.memory_space<vmem_shared>> -> memref<1000x128xf32, #tpu.memory_space<vmem_shared>>
    %dma_start3A_63 = tpu.memref_slice %arg15[%dma_start3A_52] : memref<2x!tpu.dma_semaphore, #tpu.memory_space<semaphore_mem>> -> memref<1x!tpu.dma_semaphore, #tpu.memory_space<semaphore_mem>>
    %dma_start3A_64 = tpu.memref_squeeze %dma_start3A_63 : memref<1x!tpu.dma_semaphore, #tpu.memory_space<semaphore_mem>> -> memref<!tpu.dma_semaphore, #tpu.memory_space<semaphore_mem>>
    tpu.enqueue_indirect_dma source(%dma_start3A_62 : memref<1000x128xf32, #tpu.memory_space<vmem_shared>>) target(%dma_start3A_56 : memref<128x128xf32, #tpu.memory_space<vmem>>) offsets(%dma_start3A_59 : memref<128xi32, #tpu.memory_space<vmem>>) semaphore(%dma_start3A_64 : memref<!tpu.dma_semaphore, #tpu.memory_space<semaphore_mem>>)
    %add3A_65 = arith.constant 512 : i32
    %add3A_66 = arith.addi %mul3A_2, %add3A_65 : i32
    %dma_start3A_67 = arith.constant 1 : i32
    %dma_start3A_68 = arith.constant 1 : i32
    %dma_start3A_69 = arith.constant 0 : i32
    %dma_start3A_70 = tpu.memref_slice %arg7[%dma_start3A_67, %dma_start3A_69] : memref<2x512xi32, #tpu.memory_space<vmem>> -> memref<1x512xi32, #tpu.memory_space<vmem>>
    %dma_start3A_71 = tpu.memref_squeeze %dma_start3A_70 : memref<1x512xi32, #tpu.memory_space<vmem>> -> memref<512xi32, #tpu.memory_space<vmem>>
    %dma_start3A_72 = tpu.memref_slice %arg4[%add3A_66] : memref<819200xi32, #tpu.memory_space<hbm>> -> memref<512xi32, #tpu.memory_space<hbm>>
    %dma_start3A_73 = tpu.memref_slice %arg13[%dma_start3A_68] : memref<2x!tpu.dma_semaphore, #tpu.memory_space<semaphore_mem>> -> memref<1x!tpu.dma_semaphore, #tpu.memory_space<semaphore_mem>>
    %dma_start3A_74 = tpu.memref_squeeze %dma_start3A_73 : memref<1x!tpu.dma_semaphore, #tpu.memory_space<semaphore_mem>> -> memref<!tpu.dma_semaphore, #tpu.memory_space<semaphore_mem>>
    %dma_start3A_75 = arith.constant 0 : i32
    %dma_start3A_76 = tpu.memref_slice %arg7[%dma_start3A_67, %dma_start3A_75] : memref<2x512xi32, #tpu.memory_space<vmem>> -> memref<1x512xi32, #tpu.memory_space<vmem>>
    %dma_start3A_77 = tpu.memref_squeeze %dma_start3A_76 : memref<1x512xi32, #tpu.memory_space<vmem>> -> memref<512xi32, #tpu.memory_space<vmem>>
    %dma_start3A_78 = tpu.memref_slice %arg4[%add3A_66] : memref<819200xi32, #tpu.memory_space<hbm>> -> memref<512xi32, #tpu.memory_space<hbm>>
    tpu.enqueue_dma source(%dma_start3A_78 : memref<512xi32, #tpu.memory_space<hbm>>) target(%dma_start3A_77 : memref<512xi32, #tpu.memory_space<vmem>>) target_semaphore(%dma_start3A_74 : memref<!tpu.dma_semaphore, #tpu.memory_space<semaphore_mem>>)
    %add3A_79 = arith.constant 512 : i32
    %add3A_80 = arith.addi %mul3A_2, %add3A_79 : i32
    %dma_start3A_81 = arith.constant 1 : i32
    %dma_start3A_82 = arith.constant 1 : i32
    %dma_start3A_83 = arith.constant 0 : i32
    %dma_start3A_84 = tpu.memref_slice %arg8[%dma_start3A_81, %dma_start3A_83] : memref<2x512xi32, #tpu.memory_space<vmem>> -> memref<1x512xi32, #tpu.memory_space<vmem>>
    %dma_start3A_85 = tpu.memref_squeeze %dma_start3A_84 : memref<1x512xi32, #tpu.memory_space<vmem>> -> memref<512xi32, #tpu.memory_space<vmem>>
    %dma_start3A_86 = tpu.memref_slice %arg5[%add3A_80] : memref<819200xi32, #tpu.memory_space<hbm>> -> memref<512xi32, #tpu.memory_space<hbm>>
    %dma_start3A_87 = tpu.memref_slice %arg13[%dma_start3A_82] : memref<2x!tpu.dma_semaphore, #tpu.memory_space<semaphore_mem>> -> memref<1x!tpu.dma_semaphore, #tpu.memory_space<semaphore_mem>>
    %dma_start3A_88 = tpu.memref_squeeze %dma_start3A_87 : memref<1x!tpu.dma_semaphore, #tpu.memory_space<semaphore_mem>> -> memref<!tpu.dma_semaphore, #tpu.memory_space<semaphore_mem>>
    %dma_start3A_89 = arith.constant 0 : i32
    %dma_start3A_90 = tpu.memref_slice %arg8[%dma_start3A_81, %dma_start3A_89] : memref<2x512xi32, #tpu.memory_space<vmem>> -> memref<1x512xi32, #tpu.memory_space<vmem>>
    %dma_start3A_91 = tpu.memref_squeeze %dma_start3A_90 : memref<1x512xi32, #tpu.memory_space<vmem>> -> memref<512xi32, #tpu.memory_space<vmem>>
    %dma_start3A_92 = tpu.memref_slice %arg5[%add3A_80] : memref<819200xi32, #tpu.memory_space<hbm>> -> memref<512xi32, #tpu.memory_space<hbm>>
    tpu.enqueue_dma source(%dma_start3A_92 : memref<512xi32, #tpu.memory_space<hbm>>) target(%dma_start3A_91 : memref<512xi32, #tpu.memory_space<vmem>>) target_semaphore(%dma_start3A_88 : memref<!tpu.dma_semaphore, #tpu.memory_space<semaphore_mem>>)
    %scan3A = arith.constant 0 : i32
    %scan3A_93 = arith.constant 0 : i32
    %scan3A_94 = arith.constant 50 : i32
    %scan3A_95 = arith.addi %scan3A_93, %scan3A_94 : i32
    %scan3A_96 = arith.constant 1 : i32
    scf.for %scan3A_129 = %scan3A_93 to %scan3A_95 step %scan3A_96  : i32 {
      %jit3A = arith.constant 2 : i32
      %eq3A_130 = arith.constant 0 : i32
      %eq3A_131 = arith.cmpi eq, %jit3A, %eq3A_130 : i32
      %jit3A_132 = arith.constant 1 : i32
      %select_n3A = arith.select %eq3A_131, %jit3A_132, %jit3A : i32
      %rem3A = arith.remsi %scan3A_129, %select_n3A : i32
      %ne3A = arith.constant 0 : i32
      %ne3A_133 = arith.cmpi ne, %rem3A, %ne3A : i32
      %lt3A = arith.constant 0 : i32
      %lt3A_134 = arith.cmpi slt, %rem3A, %lt3A : i32
      %lt3A_135 = arith.constant 0 : i32
      %lt3A_136 = arith.cmpi slt, %select_n3A, %lt3A_135 : i32
      %ne3A_137 = arith.xori %lt3A_134, %lt3A_136 : i1
      %and3A = arith.andi %ne3A_137, %ne3A_133 : i1
      %add3A_138 = arith.addi %rem3A, %select_n3A : i32
      %select_n3A_139 = arith.select %and3A, %add3A_138, %rem3A : i32
      %sub3A = arith.constant 1 : i32
      %sub3A_140 = arith.subi %sub3A, %select_n3A_139 : i32
      %mul3A_141 = arith.constant 4 : i32
      %mul3A_142 = arith.muli %scan3A_129, %mul3A_141 : i32
      %add3A_143 = arith.constant 0 : i32
      %add3A_144 = arith.addi %mul3A_142, %add3A_143 : i32
      %dma_wait3A_145 = arith.constant 0 : i32
      %dma_wait3A_146 = arith.constant 0 : i32
      %dma_wait3A_147 = arith.constant 0 : i32
      %dma_wait3A_148 = arith.constant 0 : i32
      %dma_wait3A_149 = tpu.memref_slice %arg9[%dma_wait3A_145, %dma_wait3A_147, %dma_wait3A_148] : memref<2x128x128xf32, #tpu.memory_space<vmem>> -> memref<1x128x128xf32, #tpu.memory_space<vmem>>
      %dma_wait3A_150 = tpu.memref_squeeze %dma_wait3A_149 : memref<1x128x128xf32, #tpu.memory_space<vmem>> -> memref<128x128xf32, #tpu.memory_space<vmem>>
      %dma_wait3A_151 = arith.constant 0 : i32
      %dma_wait3A_152 = tpu.memref_slice %arg7[%select_n3A_139, %dma_wait3A_151] : memref<2x512xi32, #tpu.memory_space<vmem>> -> memref<1x128xi32, #tpu.memory_space<vmem>>
      %dma_wait3A_153 = tpu.memref_squeeze %dma_wait3A_152 : memref<1x128xi32, #tpu.memory_space<vmem>> -> memref<128xi32, #tpu.memory_space<vmem>>
      %dma_wait3A_154 = arith.constant 0 : i32
      %dma_wait3A_155 = arith.constant 0 : i32
      %dma_wait3A_156 = tpu.memref_slice %arg2[%dma_wait3A_154, %dma_wait3A_155] : memref<100000x128xf32, #tpu.memory_space<hbm>> -> memref<100000x128xf32, #tpu.memory_space<hbm>>
      %dma_wait3A_157 = tpu.memref_slice %arg14[%dma_wait3A_146] : memref<2x!tpu.dma_semaphore, #tpu.memory_space<semaphore_mem>> -> memref<1x!tpu.dma_semaphore, #tpu.memory_space<semaphore_mem>>
      %dma_wait3A_158 = tpu.memref_squeeze %dma_wait3A_157 : memref<1x!tpu.dma_semaphore, #tpu.memory_space<semaphore_mem>> -> memref<!tpu.dma_semaphore, #tpu.memory_space<semaphore_mem>>
      tpu.wait_indirect_dma semaphore(%dma_wait3A_158 : memref<!tpu.dma_semaphore, #tpu.memory_space<semaphore_mem>>) src(%dma_wait3A_156 : memref<100000x128xf32, #tpu.memory_space<hbm>>) dst(%dma_wait3A_150 : memref<128x128xf32, #tpu.memory_space<vmem>>)
      %dma_wait3A_159 = arith.constant 0 : i32
      %dma_wait3A_160 = arith.constant 0 : i32
      %dma_wait3A_161 = arith.constant 0 : i32
      %dma_wait3A_162 = arith.constant 0 : i32
      %dma_wait3A_163 = tpu.memref_slice %arg10[%dma_wait3A_159, %dma_wait3A_161, %dma_wait3A_162] : memref<2x128x128xf32, #tpu.memory_space<vmem>> -> memref<1x128x128xf32, #tpu.memory_space<vmem>>
      %dma_wait3A_164 = tpu.memref_squeeze %dma_wait3A_163 : memref<1x128x128xf32, #tpu.memory_space<vmem>> -> memref<128x128xf32, #tpu.memory_space<vmem>>
      %dma_wait3A_165 = arith.constant 0 : i32
      %dma_wait3A_166 = tpu.memref_slice %arg8[%select_n3A_139, %dma_wait3A_165] : memref<2x512xi32, #tpu.memory_space<vmem>> -> memref<1x128xi32, #tpu.memory_space<vmem>>
      %dma_wait3A_167 = tpu.memref_squeeze %dma_wait3A_166 : memref<1x128xi32, #tpu.memory_space<vmem>> -> memref<128xi32, #tpu.memory_space<vmem>>
      %dma_wait3A_168 = arith.constant 0 : i32
      %dma_wait3A_169 = arith.constant 0 : i32
      %dma_wait3A_170 = tpu.memref_slice %arg12[%dma_wait3A_168, %dma_wait3A_169] : memref<1000x128xf32, #tpu.memory_space<vmem_shared>> -> memref<1000x128xf32, #tpu.memory_space<vmem_shared>>
      %dma_wait3A_171 = tpu.memref_slice %arg15[%dma_wait3A_160] : memref<2x!tpu.dma_semaphore, #tpu.memory_space<semaphore_mem>> -> memref<1x!tpu.dma_semaphore, #tpu.memory_space<semaphore_mem>>
      %dma_wait3A_172 = tpu.memref_squeeze %dma_wait3A_171 : memref<1x!tpu.dma_semaphore, #tpu.memory_space<semaphore_mem>> -> memref<!tpu.dma_semaphore, #tpu.memory_space<semaphore_mem>>
      tpu.wait_indirect_dma semaphore(%dma_wait3A_172 : memref<!tpu.dma_semaphore, #tpu.memory_space<semaphore_mem>>) src(%dma_wait3A_170 : memref<1000x128xf32, #tpu.memory_space<vmem_shared>>) dst(%dma_wait3A_164 : memref<128x128xf32, #tpu.memory_space<vmem>>)
      %ge3A = arith.constant 2 : i32
      %ge3A_173 = arith.cmpi sge, %add3A_144, %ge3A : i32
      %convert_element_type3A_174 = arith.extui %ge3A_173 : i1 to i32
      %cond3A_175 = arith.constant 0 : i32
      %cond3A_176 = arith.cmpi ne, %convert_element_type3A_174, %cond3A_175 : i32
      scf.if %cond3A_176 {
        %dma_wait3A_423 = arith.constant 0 : i32
        %dma_wait3A_424 = arith.constant 0 : i32
        %dma_wait3A_425 = arith.constant 0 : i32
        %dma_wait3A_426 = arith.constant 0 : i32
        %dma_wait3A_427 = tpu.memref_slice %arg11[%dma_wait3A_423, %dma_wait3A_425, %dma_wait3A_426] : memref<2x128x128xf32, #tpu.memory_space<vmem>> -> memref<1x128x128xf32, #tpu.memory_space<vmem>>
        %dma_wait3A_428 = tpu.memref_squeeze %dma_wait3A_427 : memref<1x128x128xf32, #tpu.memory_space<vmem>> -> memref<128x128xf32, #tpu.memory_space<vmem>>
        %dma_wait3A_429 = arith.constant 0 : i32
        %dma_wait3A_430 = tpu.memref_slice %arg6[%mul3A_2, %dma_wait3A_429] : memref<819200x128xf32, #tpu.memory_space<hbm>> -> memref<128x128xf32, #tpu.memory_space<hbm>>
        %dma_wait3A_431 = tpu.memref_slice %arg16[%dma_wait3A_424] : memref<2x!tpu.dma_semaphore, #tpu.memory_space<semaphore_mem>> -> memref<1x!tpu.dma_semaphore, #tpu.memory_space<semaphore_mem>>
        %dma_wait3A_432 = tpu.memref_squeeze %dma_wait3A_431 : memref<1x!tpu.dma_semaphore, #tpu.memory_space<semaphore_mem>> -> memref<!tpu.dma_semaphore, #tpu.memory_space<semaphore_mem>>
        %dma_wait3A_433 = arith.constant 0 : i32
        %dma_wait3A_434 = tpu.memref_slice %arg6[%mul3A_2, %dma_wait3A_433] : memref<819200x128xf32, #tpu.memory_space<hbm>> -> memref<128x128xf32, #tpu.memory_space<hbm>>
        %dma_wait3A_435 = arith.constant 0 : i32
        %dma_wait3A_436 = arith.constant 0 : i32
        %dma_wait3A_437 = tpu.memref_slice %arg11[%dma_wait3A_423, %dma_wait3A_435, %dma_wait3A_436] : memref<2x128x128xf32, #tpu.memory_space<vmem>> -> memref<1x128x128xf32, #tpu.memory_space<vmem>>
        %dma_wait3A_438 = tpu.memref_squeeze %dma_wait3A_437 : memref<1x128x128xf32, #tpu.memory_space<vmem>> -> memref<128x128xf32, #tpu.memory_space<vmem>>
        tpu.wait_dma2 semaphore(%dma_wait3A_432 : memref<!tpu.dma_semaphore, #tpu.memory_space<semaphore_mem>>) src(%dma_wait3A_438 : memref<128x128xf32, #tpu.memory_space<vmem>>) dst(%dma_wait3A_434 : memref<128x128xf32, #tpu.memory_space<hbm>>)
      } else {
      }
      %scan3A_177 = arith.constant 0 : i32
      %scan3A_178 = arith.constant 0 : i32
      %scan3A_179 = arith.constant 32 : i32
      %scan3A_180 = arith.addi %scan3A_178, %scan3A_179 : i32
      %scan3A_181 = arith.constant 1 : i32
      scf.for %scan3A_423 = %scan3A_178 to %scan3A_180 step %scan3A_181  : i32 {
        %mul3A_424 = arith.constant 4 : i32
        %mul3A_425 = arith.muli %scan3A_423, %mul3A_424 : i32
        %add3A_426 = arith.constant 0 : i32
        %add3A_427 = arith.addi %mul3A_425, %add3A_426 : i32
        %get3A = arith.constant 0 : i32
        %get3A_428 = arith.index_cast %get3A : i32 to index
        %get3A_429 = arith.index_cast %add3A_427 : i32 to index
        %get3A_430 = arith.constant 0 : index
        %get3A_431 = tpu.vector_load %arg9[%get3A_428, %get3A_429, %get3A_430] {strides = array<i32>} : memref<2x128x128xf32, #tpu.memory_space<vmem>>, vector<1x1x16xf32>,
        %get3A_432 = vector.shape_cast %get3A_431 : vector<1x1x16xf32> to vector<16xf32>
        %get3A_433 = arith.constant 0 : i32
        %get3A_434 = arith.index_cast %get3A_433 : i32 to index
        %get3A_435 = arith.index_cast %add3A_427 : i32 to index
        %get3A_436 = arith.constant 0 : index
        %get3A_437 = tpu.vector_load %arg10[%get3A_434, %get3A_435, %get3A_436] {strides = array<i32>} : memref<2x128x128xf32, #tpu.memory_space<vmem>>, vector<1x1x16xf32>,
        %get3A_438 = vector.shape_cast %get3A_437 : vector<1x1x16xf32> to vector<16xf32>
        %add3A_439 = arith.addf %get3A_432, %get3A_438 : vector<16xf32>
        %swap3A = arith.constant 0 : i32
        %swap3A_440 = arith.index_cast %swap3A : i32 to index
        %swap3A_441 = arith.index_cast %add3A_427 : i32 to index
        %swap3A_442 = arith.constant 0 : index
        %swap3A_443 = tpu.vector_load %arg11[%swap3A_440, %swap3A_441, %swap3A_442] {strides = array<i32>} : memref<2x128x128xf32, #tpu.memory_space<vmem>>, vector<1x1x16xf32>,
        %swap3A_444 = vector.shape_cast %swap3A_443 : vector<1x1x16xf32> to vector<16xf32>
        %swap3A_445 = vector.shape_cast %add3A_439 : vector<16xf32> to vector<1x1x16xf32>
        tpu.vector_store %arg11[%swap3A_440, %swap3A_441, %swap3A_442], %swap3A_445 {strides = array<i32>} : memref<2x128x128xf32, #tpu.memory_space<vmem>>, vector<1x1x16xf32>,
        %get3A_446 = arith.constant 0 : i32
        %get3A_447 = arith.index_cast %get3A_446 : i32 to index
        %get3A_448 = arith.index_cast %add3A_427 : i32 to index
        %get3A_449 = arith.constant 16 : index
        %get3A_450 = tpu.vector_load %arg9[%get3A_447, %get3A_448, %get3A_449] {strides = array<i32>} : memref<2x128x128xf32, #tpu.memory_space<vmem>>, vector<1x1x16xf32>,
        %get3A_451 = vector.shape_cast %get3A_450 : vector<1x1x16xf32> to vector<16xf32>
        %get3A_452 = arith.constant 0 : i32
        %get3A_453 = arith.index_cast %get3A_452 : i32 to index
        %get3A_454 = arith.index_cast %add3A_427 : i32 to index
        %get3A_455 = arith.constant 16 : index
        %get3A_456 = tpu.vector_load %arg10[%get3A_453, %get3A_454, %get3A_455] {strides = array<i32>} : memref<2x128x128xf32, #tpu.memory_space<vmem>>, vector<1x1x16xf32>,
        %get3A_457 = vector.shape_cast %get3A_456 : vector<1x1x16xf32> to vector<16xf32>
        %add3A_458 = arith.addf %get3A_451, %get3A_457 : vector<16xf32>
        %swap3A_459 = arith.constant 0 : i32
        %swap3A_460 = arith.index_cast %swap3A_459 : i32 to index
        %swap3A_461 = arith.index_cast %add3A_427 : i32 to index
        %swap3A_462 = arith.constant 16 : index
        %swap3A_463 = tpu.vector_load %arg11[%swap3A_460, %swap3A_461, %swap3A_462] {strides = array<i32>} : memref<2x128x128xf32, #tpu.memory_space<vmem>>, vector<1x1x16xf32>,
        %swap3A_464 = vector.shape_cast %swap3A_463 : vector<1x1x16xf32> to vector<16xf32>
        %swap3A_465 = vector.shape_cast %add3A_458 : vector<16xf32> to vector<1x1x16xf32>
        tpu.vector_store %arg11[%swap3A_460, %swap3A_461, %swap3A_462], %swap3A_465 {strides = array<i32>} : memref<2x128x128xf32, #tpu.memory_space<vmem>>, vector<1x1x16xf32>,
        %get3A_466 = arith.constant 0 : i32
        %get3A_467 = arith.index_cast %get3A_466 : i32 to index
        %get3A_468 = arith.index_cast %add3A_427 : i32 to index
        %get3A_469 = arith.constant 32 : index
        %get3A_470 = tpu.vector_load %arg9[%get3A_467, %get3A_468, %get3A_469] {strides = array<i32>} : memref<2x128x128xf32, #tpu.memory_space<vmem>>, vector<1x1x16xf32>,
        %get3A_471 = vector.shape_cast %get3A_470 : vector<1x1x16xf32> to vector<16xf32>
        %get3A_472 = arith.constant 0 : i32
        %get3A_473 = arith.index_cast %get3A_472 : i32 to index
        %get3A_474 = arith.index_cast %add3A_427 : i32 to index
        %get3A_475 = arith.constant 32 : index
        %get3A_476 = tpu.vector_load %arg10[%get3A_473, %get3A_474, %get3A_475] {strides = array<i32>} : memref<2x128x128xf32, #tpu.memory_space<vmem>>, vector<1x1x16xf32>,
        %get3A_477 = vector.shape_cast %get3A_476 : vector<1x1x16xf32> to vector<16xf32>
        %add3A_478 = arith.addf %get3A_471, %get3A_477 : vector<16xf32>
        %swap3A_479 = arith.constant 0 : i32
        %swap3A_480 = arith.index_cast %swap3A_479 : i32 to index
        %swap3A_481 = arith.index_cast %add3A_427 : i32 to index
        %swap3A_482 = arith.constant 32 : index
        %swap3A_483 = tpu.vector_load %arg11[%swap3A_480, %swap3A_481, %swap3A_482] {strides = array<i32>} : memref<2x128x128xf32, #tpu.memory_space<vmem>>, vector<1x1x16xf32>,
        %swap3A_484 = vector.shape_cast %swap3A_483 : vector<1x1x16xf32> to vector<16xf32>
        %swap3A_485 = vector.shape_cast %add3A_478 : vector<16xf32> to vector<1x1x16xf32>
        tpu.vector_store %arg11[%swap3A_480, %swap3A_481, %swap3A_482], %swap3A_485 {strides = array<i32>} : memref<2x128x128xf32, #tpu.memory_space<vmem>>, vector<1x1x16xf32>,
        %get3A_486 = arith.constant 0 : i32
        %get3A_487 = arith.index_cast %get3A_486 : i32 to index
        %get3A_488 = arith.index_cast %add3A_427 : i32 to index
        %get3A_489 = arith.constant 48 : index
        %get3A_490 = tpu.vector_load %arg9[%get3A_487, %get3A_488, %get3A_489] {strides = array<i32>} : memref<2x128x128xf32, #tpu.memory_space<vmem>>, vector<1x1x16xf32>,
        %get3A_491 = vector.shape_cast %get3A_490 : vector<1x1x16xf32> to vector<16xf32>
        %get3A_492 = arith.constant 0 : i32
        %get3A_493 = arith.index_cast %get3A_492 : i32 to index
        %get3A_494 = arith.index_cast %add3A_427 : i32 to index
        %get3A_495 = arith.constant 48 : index
        %get3A_496 = tpu.vector_load %arg10[%get3A_493, %get3A_494, %get3A_495] {strides = array<i32>} : memref<2x128x128xf32, #tpu.memory_space<vmem>>, vector<1x1x16xf32>,
        %get3A_497 = vector.shape_cast %get3A_496 : vector<1x1x16xf32> to vector<16xf32>
        %add3A_498 = arith.addf %get3A_491, %get3A_497 : vector<16xf32>
        %swap3A_499 = arith.constant 0 : i32
        %swap3A_500 = arith.index_cast %swap3A_499 : i32 to index
        %swap3A_501 = arith.index_cast %add3A_427 : i32 to index
        %swap3A_502 = arith.constant 48 : index
        %swap3A_503 = tpu.vector_load %arg11[%swap3A_500, %swap3A_501, %swap3A_502] {strides = array<i32>} : memref<2x128x128xf32, #tpu.memory_space<vmem>>, vector<1x1x16xf32>,
        %swap3A_504 = vector.shape_cast %swap3A_503 : vector<1x1x16xf32> to vector<16xf32>
        %swap3A_505 = vector.shape_cast %add3A_498 : vector<16xf32> to vector<1x1x16xf32>
        tpu.vector_store %arg11[%swap3A_500, %swap3A_501, %swap3A_502], %swap3A_505 {strides = array<i32>} : memref<2x128x128xf32, #tpu.memory_space<vmem>>, vector<1x1x16xf32>,
        %get3A_506 = arith.constant 0 : i32
        %get3A_507 = arith.index_cast %get3A_506 : i32 to index
        %get3A_508 = arith.index_cast %add3A_427 : i32 to index
        %get3A_509 = arith.constant 64 : index
        %get3A_510 = tpu.vector_load %arg9[%get3A_507, %get3A_508, %get3A_509] {strides = array<i32>} : memref<2x128x128xf32, #tpu.memory_space<vmem>>, vector<1x1x16xf32>,
        %get3A_511 = vector.shape_cast %get3A_510 : vector<1x1x16xf32> to vector<16xf32>
        %get3A_512 = arith.constant 0 : i32
        %get3A_513 = arith.index_cast %get3A_512 : i32 to index
        %get3A_514 = arith.index_cast %add3A_427 : i32 to index
        %get3A_515 = arith.constant 64 : index
        %get3A_516 = tpu.vector_load %arg10[%get3A_513, %get3A_514, %get3A_515] {strides = array<i32>} : memref<2x128x128xf32, #tpu.memory_space<vmem>>, vector<1x1x16xf32>,
        %get3A_517 = vector.shape_cast %get3A_516 : vector<1x1x16xf32> to vector<16xf32>
        %add3A_518 = arith.addf %get3A_511, %get3A_517 : vector<16xf32>
        %swap3A_519 = arith.constant 0 : i32
        %swap3A_520 = arith.index_cast %swap3A_519 : i32 to index
        %swap3A_521 = arith.index_cast %add3A_427 : i32 to index
        %swap3A_522 = arith.constant 64 : index
        %swap3A_523 = tpu.vector_load %arg11[%swap3A_520, %swap3A_521, %swap3A_522] {strides = array<i32>} : memref<2x128x128xf32, #tpu.memory_space<vmem>>, vector<1x1x16xf32>,
        %swap3A_524 = vector.shape_cast %swap3A_523 : vector<1x1x16xf32> to vector<16xf32>
        %swap3A_525 = vector.shape_cast %add3A_518 : vector<16xf32> to vector<1x1x16xf32>
        tpu.vector_store %arg11[%swap3A_520, %swap3A_521, %swap3A_522], %swap3A_525 {strides = array<i32>} : memref<2x128x128xf32, #tpu.memory_space<vmem>>, vector<1x1x16xf32>,
        %get3A_526 = arith.constant 0 : i32
        %get3A_527 = arith.index_cast %get3A_526 : i32 to index
        %get3A_528 = arith.index_cast %add3A_427 : i32 to index
        %get3A_529 = arith.constant 80 : index
        %get3A_530 = tpu.vector_load %arg9[%get3A_527, %get3A_528, %get3A_529] {strides = array<i32>} : memref<2x128x128xf32, #tpu.memory_space<vmem>>, vector<1x1x16xf32>,
        %get3A_531 = vector.shape_cast %get3A_530 : vector<1x1x16xf32> to vector<16xf32>
        %get3A_532 = arith.constant 0 : i32
        %get3A_533 = arith.index_cast %get3A_532 : i32 to index
        %get3A_534 = arith.index_cast %add3A_427 : i32 to index
        %get3A_535 = arith.constant 80 : index
        %get3A_536 = tpu.vector_load %arg10[%get3A_533, %get3A_534, %get3A_535] {strides = array<i32>} : memref<2x128x128xf32, #tpu.memory_space<vmem>>, vector<1x1x16xf32>,
        %get3A_537 = vector.shape_cast %get3A_536 : vector<1x1x16xf32> to vector<16xf32>
        %add3A_538 = arith.addf %get3A_531, %get3A_537 : vector<16xf32>
        %swap3A_539 = arith.constant 0 : i32
        %swap3A_540 = arith.index_cast %swap3A_539 : i32 to index
        %swap3A_541 = arith.index_cast %add3A_427 : i32 to index
        %swap3A_542 = arith.constant 80 : index
        %swap3A_543 = tpu.vector_load %arg11[%swap3A_540, %swap3A_541, %swap3A_542] {strides = array<i32>} : memref<2x128x128xf32, #tpu.memory_space<vmem>>, vector<1x1x16xf32>,
        %swap3A_544 = vector.shape_cast %swap3A_543 : vector<1x1x16xf32> to vector<16xf32>
        %swap3A_545 = vector.shape_cast %add3A_538 : vector<16xf32> to vector<1x1x16xf32>
        tpu.vector_store %arg11[%swap3A_540, %swap3A_541, %swap3A_542], %swap3A_545 {strides = array<i32>} : memref<2x128x128xf32, #tpu.memory_space<vmem>>, vector<1x1x16xf32>,
        %get3A_546 = arith.constant 0 : i32
        %get3A_547 = arith.index_cast %get3A_546 : i32 to index
        %get3A_548 = arith.index_cast %add3A_427 : i32 to index
        %get3A_549 = arith.constant 96 : index
        %get3A_550 = tpu.vector_load %arg9[%get3A_547, %get3A_548, %get3A_549] {strides = array<i32>} : memref<2x128x128xf32, #tpu.memory_space<vmem>>, vector<1x1x16xf32>,
        %get3A_551 = vector.shape_cast %get3A_550 : vector<1x1x16xf32> to vector<16xf32>
        %get3A_552 = arith.constant 0 : i32
        %get3A_553 = arith.index_cast %get3A_552 : i32 to index
        %get3A_554 = arith.index_cast %add3A_427 : i32 to index
        %get3A_555 = arith.constant 96 : index
        %get3A_556 = tpu.vector_load %arg10[%get3A_553, %get3A_554, %get3A_555] {strides = array<i32>} : memref<2x128x128xf32, #tpu.memory_space<vmem>>, vector<1x1x16xf32>,
        %get3A_557 = vector.shape_cast %get3A_556 : vector<1x1x16xf32> to vector<16xf32>
        %add3A_558 = arith.addf %get3A_551, %get3A_557 : vector<16xf32>
        %swap3A_559 = arith.constant 0 : i32
        %swap3A_560 = arith.index_cast %swap3A_559 : i32 to index
        %swap3A_561 = arith.index_cast %add3A_427 : i32 to index
        %swap3A_562 = arith.constant 96 : index
        %swap3A_563 = tpu.vector_load %arg11[%swap3A_560, %swap3A_561, %swap3A_562] {strides = array<i32>} : memref<2x128x128xf32, #tpu.memory_space<vmem>>, vector<1x1x16xf32>,
        %swap3A_564 = vector.shape_cast %swap3A_563 : vector<1x1x16xf32> to vector<16xf32>
        %swap3A_565 = vector.shape_cast %add3A_558 : vector<16xf32> to vector<1x1x16xf32>
        tpu.vector_store %arg11[%swap3A_560, %swap3A_561, %swap3A_562], %swap3A_565 {strides = array<i32>} : memref<2x128x128xf32, #tpu.memory_space<vmem>>, vector<1x1x16xf32>,
        %get3A_566 = arith.constant 0 : i32
        %get3A_567 = arith.index_cast %get3A_566 : i32 to index
        %get3A_568 = arith.index_cast %add3A_427 : i32 to index
        %get3A_569 = arith.constant 112 : index
        %get3A_570 = tpu.vector_load %arg9[%get3A_567, %get3A_568, %get3A_569] {strides = array<i32>} : memref<2x128x128xf32, #tpu.memory_space<vmem>>, vector<1x1x16xf32>,
        %get3A_571 = vector.shape_cast %get3A_570 : vector<1x1x16xf32> to vector<16xf32>
        %get3A_572 = arith.constant 0 : i32
        %get3A_573 = arith.index_cast %get3A_572 : i32 to index
        %get3A_574 = arith.index_cast %add3A_427 : i32 to index
        %get3A_575 = arith.constant 112 : index
        %get3A_576 = tpu.vector_load %arg10[%get3A_573, %get3A_574, %get3A_575] {strides = array<i32>} : memref<2x128x128xf32, #tpu.memory_space<vmem>>, vector<1x1x16xf32>,
        %get3A_577 = vector.shape_cast %get3A_576 : vector<1x1x16xf32> to vector<16xf32>
        %add3A_578 = arith.addf %get3A_571, %get3A_577 : vector<16xf32>
        %swap3A_579 = arith.constant 0 : i32
        %swap3A_580 = arith.index_cast %swap3A_579 : i32 to index
        %swap3A_581 = arith.index_cast %add3A_427 : i32 to index
        %swap3A_582 = arith.constant 112 : index
        %swap3A_583 = tpu.vector_load %arg11[%swap3A_580, %swap3A_581, %swap3A_582] {strides = array<i32>} : memref<2x128x128xf32, #tpu.memory_space<vmem>>, vector<1x1x16xf32>,
        %swap3A_584 = vector.shape_cast %swap3A_583 : vector<1x1x16xf32> to vector<16xf32>
        %swap3A_585 = vector.shape_cast %add3A_578 : vector<16xf32> to vector<1x1x16xf32>
        tpu.vector_store %arg11[%swap3A_580, %swap3A_581, %swap3A_582], %swap3A_585 {strides = array<i32>} : memref<2x128x128xf32, #tpu.memory_space<vmem>>, vector<1x1x16xf32>,
        %mul3A_586 = arith.constant 4 : i32
        %mul3A_587 = arith.muli %scan3A_423, %mul3A_586 : i32
        %add3A_588 = arith.constant 1 : i32
        %add3A_589 = arith.addi %mul3A_587, %add3A_588 : i32
        %get3A_590 = arith.constant 0 : i32
        %get3A_591 = arith.index_cast %get3A_590 : i32 to index
        %get3A_592 = arith.index_cast %add3A_589 : i32 to index
        %get3A_593 = arith.constant 0 : index
        %get3A_594 = tpu.vector_load %arg9[%get3A_591, %get3A_592, %get3A_593] {strides = array<i32>} : memref<2x128x128xf32, #tpu.memory_space<vmem>>, vector<1x1x16xf32>,
        %get3A_595 = vector.shape_cast %get3A_594 : vector<1x1x16xf32> to vector<16xf32>
        %get3A_596 = arith.constant 0 : i32
        %get3A_597 = arith.index_cast %get3A_596 : i32 to index
        %get3A_598 = arith.index_cast %add3A_589 : i32 to index
        %get3A_599 = arith.constant 0 : index
        %get3A_600 = tpu.vector_load %arg10[%get3A_597, %get3A_598, %get3A_599] {strides = array<i32>} : memref<2x128x128xf32, #tpu.memory_space<vmem>>, vector<1x1x16xf32>,
        %get3A_601 = vector.shape_cast %get3A_600 : vector<1x1x16xf32> to vector<16xf32>
        %add3A_602 = arith.addf %get3A_595, %get3A_601 : vector<16xf32>
        %swap3A_603 = arith.constant 0 : i32
        %swap3A_604 = arith.index_cast %swap3A_603 : i32 to index
        %swap3A_605 = arith.index_cast %add3A_589 : i32 to index
        %swap3A_606 = arith.constant 0 : index
        %swap3A_607 = tpu.vector_load %arg11[%swap3A_604, %swap3A_605, %swap3A_606] {strides = array<i32>} : memref<2x128x128xf32, #tpu.memory_space<vmem>>, vector<1x1x16xf32>,
        %swap3A_608 = vector.shape_cast %swap3A_607 : vector<1x1x16xf32> to vector<16xf32>
        %swap3A_609 = vector.shape_cast %add3A_602 : vector<16xf32> to vector<1x1x16xf32>
        tpu.vector_store %arg11[%swap3A_604, %swap3A_605, %swap3A_606], %swap3A_609 {strides = array<i32>} : memref<2x128x128xf32, #tpu.memory_space<vmem>>, vector<1x1x16xf32>,
        %get3A_610 = arith.constant 0 : i32
        %get3A_611 = arith.index_cast %get3A_610 : i32 to index
        %get3A_612 = arith.index_cast %add3A_589 : i32 to index
        %get3A_613 = arith.constant 16 : index
        %get3A_614 = tpu.vector_load %arg9[%get3A_611, %get3A_612, %get3A_613] {strides = array<i32>} : memref<2x128x128xf32, #tpu.memory_space<vmem>>, vector<1x1x16xf32>,
        %get3A_615 = vector.shape_cast %get3A_614 : vector<1x1x16xf32> to vector<16xf32>
        %get3A_616 = arith.constant 0 : i32
        %get3A_617 = arith.index_cast %get3A_616 : i32 to index
        %get3A_618 = arith.index_cast %add3A_589 : i32 to index
        %get3A_619 = arith.constant 16 : index
        %get3A_620 = tpu.vector_load %arg10[%get3A_617, %get3A_618, %get3A_619] {strides = array<i32>} : memref<2x128x128xf32, #tpu.memory_space<vmem>>, vector<1x1x16xf32>,
        %get3A_621 = vector.shape_cast %get3A_620 : vector<1x1x16xf32> to vector<16xf32>
        %add3A_622 = arith.addf %get3A_615, %get3A_621 : vector<16xf32>
        %swap3A_623 = arith.constant 0 : i32
        %swap3A_624 = arith.index_cast %swap3A_623 : i32 to index
        %swap3A_625 = arith.index_cast %add3A_589 : i32 to index
        %swap3A_626 = arith.constant 16 : index
        %swap3A_627 = tpu.vector_load %arg11[%swap3A_624, %swap3A_625, %swap3A_626] {strides = array<i32>} : memref<2x128x128xf32, #tpu.memory_space<vmem>>, vector<1x1x16xf32>,
        %swap3A_628 = vector.shape_cast %swap3A_627 : vector<1x1x16xf32> to vector<16xf32>
        %swap3A_629 = vector.shape_cast %add3A_622 : vector<16xf32> to vector<1x1x16xf32>
        tpu.vector_store %arg11[%swap3A_624, %swap3A_625, %swap3A_626], %swap3A_629 {strides = array<i32>} : memref<2x128x128xf32, #tpu.memory_space<vmem>>, vector<1x1x16xf32>,
        %get3A_630 = arith.constant 0 : i32
        %get3A_631 = arith.index_cast %get3A_630 : i32 to index
        %get3A_632 = arith.index_cast %add3A_589 : i32 to index
        %get3A_633 = arith.constant 32 : index
        %get3A_634 = tpu.vector_load %arg9[%get3A_631, %get3A_632, %get3A_633] {strides = array<i32>} : memref<2x128x128xf32, #tpu.memory_space<vmem>>, vector<1x1x16xf32>,
        %get3A_635 = vector.shape_cast %get3A_634 : vector<1x1x16xf32> to vector<16xf32>
        %get3A_636 = arith.constant 0 : i32
        %get3A_637 = arith.index_cast %get3A_636 : i32 to index
        %get3A_638 = arith.index_cast %add3A_589 : i32 to index
        %get3A_639 = arith.constant 32 : index
        %get3A_640 = tpu.vector_load %arg10[%get3A_637, %get3A_638, %get3A_639] {strides = array<i32>} : memref<2x128x128xf32, #tpu.memory_space<vmem>>, vector<1x1x16xf32>,
        %get3A_641 = vector.shape_cast %get3A_640 : vector<1x1x16xf32> to vector<16xf32>
        %add3A_642 = arith.addf %get3A_635, %get3A_641 : vector<16xf32>
        %swap3A_643 = arith.constant 0 : i32
        %swap3A_644 = arith.index_cast %swap3A_643 : i32 to index
        %swap3A_645 = arith.index_cast %add3A_589 : i32 to index
        %swap3A_646 = arith.constant 32 : index
        %swap3A_647 = tpu.vector_load %arg11[%swap3A_644, %swap3A_645, %swap3A_646] {strides = array<i32>} : memref<2x128x128xf32, #tpu.memory_space<vmem>>, vector<1x1x16xf32>,
        %swap3A_648 = vector.shape_cast %swap3A_647 : vector<1x1x16xf32> to vector<16xf32>
        %swap3A_649 = vector.shape_cast %add3A_642 : vector<16xf32> to vector<1x1x16xf32>
        tpu.vector_store %arg11[%swap3A_644, %swap3A_645, %swap3A_646], %swap3A_649 {strides = array<i32>} : memref<2x128x128xf32, #tpu.memory_space<vmem>>, vector<1x1x16xf32>,
        %get3A_650 = arith.constant 0 : i32
        %get3A_651 = arith.index_cast %get3A_650 : i32 to index
        %get3A_652 = arith.index_cast %add3A_589 : i32 to index
        %get3A_653 = arith.constant 48 : index
        %get3A_654 = tpu.vector_load %arg9[%get3A_651, %get3A_652, %get3A_653] {strides = array<i32>} : memref<2x128x128xf32, #tpu.memory_space<vmem>>, vector<1x1x16xf32>,
        %get3A_655 = vector.shape_cast %get3A_654 : vector<1x1x16xf32> to vector<16xf32>
        %get3A_656 = arith.constant 0 : i32
        %get3A_657 = arith.index_cast %get3A_656 : i32 to index
        %get3A_658 = arith.index_cast %add3A_589 : i32 to index
        %get3A_659 = arith.constant 48 : index
        %get3A_660 = tpu.vector_load %arg10[%get3A_657, %get3A_658, %get3A_659] {strides = array<i32>} : memref<2x128x128xf32, #tpu.memory_space<vmem>>, vector<1x1x16xf32>,
        %get3A_661 = vector.shape_cast %get3A_660 : vector<1x1x16xf32> to vector<16xf32>
        %add3A_662 = arith.addf %get3A_655, %get3A_661 : vector<16xf32>
        %swap3A_663 = arith.constant 0 : i32
        %swap3A_664 = arith.index_cast %swap3A_663 : i32 to index
        %swap3A_665 = arith.index_cast %add3A_589 : i32 to index
        %swap3A_666 = arith.constant 48 : index
        %swap3A_667 = tpu.vector_load %arg11[%swap3A_664, %swap3A_665, %swap3A_666] {strides = array<i32>} : memref<2x128x128xf32, #tpu.memory_space<vmem>>, vector<1x1x16xf32>,
        %swap3A_668 = vector.shape_cast %swap3A_667 : vector<1x1x16xf32> to vector<16xf32>
        %swap3A_669 = vector.shape_cast %add3A_662 : vector<16xf32> to vector<1x1x16xf32>
        tpu.vector_store %arg11[%swap3A_664, %swap3A_665, %swap3A_666], %swap3A_669 {strides = array<i32>} : memref<2x128x128xf32, #tpu.memory_space<vmem>>, vector<1x1x16xf32>,
        %get3A_670 = arith.constant 0 : i32
        %get3A_671 = arith.index_cast %get3A_670 : i32 to index
        %get3A_672 = arith.index_cast %add3A_589 : i32 to index
        %get3A_673 = arith.constant 64 : index
        %get3A_674 = tpu.vector_load %arg9[%get3A_671, %get3A_672, %get3A_673] {strides = array<i32>} : memref<2x128x128xf32, #tpu.memory_space<vmem>>, vector<1x1x16xf32>,
        %get3A_675 = vector.shape_cast %get3A_674 : vector<1x1x16xf32> to vector<16xf32>
        %get3A_676 = arith.constant 0 : i32
        %get3A_677 = arith.index_cast %get3A_676 : i32 to index
        %get3A_678 = arith.index_cast %add3A_589 : i32 to index
        %get3A_679 = arith.constant 64 : index
        %get3A_680 = tpu.vector_load %arg10[%get3A_677, %get3A_678, %get3A_679] {strides = array<i32>} : memref<2x128x128xf32, #tpu.memory_space<vmem>>, vector<1x1x16xf32>,
        %get3A_681 = vector.shape_cast %get3A_680 : vector<1x1x16xf32> to vector<16xf32>
        %add3A_682 = arith.addf %get3A_675, %get3A_681 : vector<16xf32>
        %swap3A_683 = arith.constant 0 : i32
        %swap3A_684 = arith.index_cast %swap3A_683 : i32 to index
        %swap3A_685 = arith.index_cast %add3A_589 : i32 to index
        %swap3A_686 = arith.constant 64 : index
        %swap3A_687 = tpu.vector_load %arg11[%swap3A_684, %swap3A_685, %swap3A_686] {strides = array<i32>} : memref<2x128x128xf32, #tpu.memory_space<vmem>>, vector<1x1x16xf32>,
        %swap3A_688 = vector.shape_cast %swap3A_687 : vector<1x1x16xf32> to vector<16xf32>
        %swap3A_689 = vector.shape_cast %add3A_682 : vector<16xf32> to vector<1x1x16xf32>
        tpu.vector_store %arg11[%swap3A_684, %swap3A_685, %swap3A_686], %swap3A_689 {strides = array<i32>} : memref<2x128x128xf32, #tpu.memory_space<vmem>>, vector<1x1x16xf32>,
        %get3A_690 = arith.constant 0 : i32
        %get3A_691 = arith.index_cast %get3A_690 : i32 to index
        %get3A_692 = arith.index_cast %add3A_589 : i32 to index
        %get3A_693 = arith.constant 80 : index
        %get3A_694 = tpu.vector_load %arg9[%get3A_691, %get3A_692, %get3A_693] {strides = array<i32>} : memref<2x128x128xf32, #tpu.memory_space<vmem>>, vector<1x1x16xf32>,
        %get3A_695 = vector.shape_cast %get3A_694 : vector<1x1x16xf32> to vector<16xf32>
        %get3A_696 = arith.constant 0 : i32
        %get3A_697 = arith.index_cast %get3A_696 : i32 to index
        %get3A_698 = arith.index_cast %add3A_589 : i32 to index
        %get3A_699 = arith.constant 80 : index
        %get3A_700 = tpu.vector_load %arg10[%get3A_697, %get3A_698, %get3A_699] {strides = array<i32>} : memref<2x128x128xf32, #tpu.memory_space<vmem>>, vector<1x1x16xf32>,
        %get3A_701 = vector.shape_cast %get3A_700 : vector<1x1x16xf32> to vector<16xf32>
        %add3A_702 = arith.addf %get3A_695, %get3A_701 : vector<16xf32>
        %swap3A_703 = arith.constant 0 : i32
        %swap3A_704 = arith.index_cast %swap3A_703 : i32 to index
        %swap3A_705 = arith.index_cast %add3A_589 : i32 to index
        %swap3A_706 = arith.constant 80 : index
        %swap3A_707 = tpu.vector_load %arg11[%swap3A_704, %swap3A_705, %swap3A_706] {strides = array<i32>} : memref<2x128x128xf32, #tpu.memory_space<vmem>>, vector<1x1x16xf32>,
        %swap3A_708 = vector.shape_cast %swap3A_707 : vector<1x1x16xf32> to vector<16xf32>
        %swap3A_709 = vector.shape_cast %add3A_702 : vector<16xf32> to vector<1x1x16xf32>
        tpu.vector_store %arg11[%swap3A_704, %swap3A_705, %swap3A_706], %swap3A_709 {strides = array<i32>} : memref<2x128x128xf32, #tpu.memory_space<vmem>>, vector<1x1x16xf32>,
        %get3A_710 = arith.constant 0 : i32
        %get3A_711 = arith.index_cast %get3A_710 : i32 to index
        %get3A_712 = arith.index_cast %add3A_589 : i32 to index
        %get3A_713 = arith.constant 96 : index
        %get3A_714 = tpu.vector_load %arg9[%get3A_711, %get3A_712, %get3A_713] {strides = array<i32>} : memref<2x128x128xf32, #tpu.memory_space<vmem>>, vector<1x1x16xf32>,
        %get3A_715 = vector.shape_cast %get3A_714 : vector<1x1x16xf32> to vector<16xf32>
        %get3A_716 = arith.constant 0 : i32
        %get3A_717 = arith.index_cast %get3A_716 : i32 to index
        %get3A_718 = arith.index_cast %add3A_589 : i32 to index
        %get3A_719 = arith.constant 96 : index
        %get3A_720 = tpu.vector_load %arg10[%get3A_717, %get3A_718, %get3A_719] {strides = array<i32>} : memref<2x128x128xf32, #tpu.memory_space<vmem>>, vector<1x1x16xf32>,
        %get3A_721 = vector.shape_cast %get3A_720 : vector<1x1x16xf32> to vector<16xf32>
        %add3A_722 = arith.addf %get3A_715, %get3A_721 : vector<16xf32>
        %swap3A_723 = arith.constant 0 : i32
        %swap3A_724 = arith.index_cast %swap3A_723 : i32 to index
        %swap3A_725 = arith.index_cast %add3A_589 : i32 to index
        %swap3A_726 = arith.constant 96 : index
        %swap3A_727 = tpu.vector_load %arg11[%swap3A_724, %swap3A_725, %swap3A_726] {strides = array<i32>} : memref<2x128x128xf32, #tpu.memory_space<vmem>>, vector<1x1x16xf32>,
        %swap3A_728 = vector.shape_cast %swap3A_727 : vector<1x1x16xf32> to vector<16xf32>
        %swap3A_729 = vector.shape_cast %add3A_722 : vector<16xf32> to vector<1x1x16xf32>
        tpu.vector_store %arg11[%swap3A_724, %swap3A_725, %swap3A_726], %swap3A_729 {strides = array<i32>} : memref<2x128x128xf32, #tpu.memory_space<vmem>>, vector<1x1x16xf32>,
        %get3A_730 = arith.constant 0 : i32
        %get3A_731 = arith.index_cast %get3A_730 : i32 to index
        %get3A_732 = arith.index_cast %add3A_589 : i32 to index
        %get3A_733 = arith.constant 112 : index
        %get3A_734 = tpu.vector_load %arg9[%get3A_731, %get3A_732, %get3A_733] {strides = array<i32>} : memref<2x128x128xf32, #tpu.memory_space<vmem>>, vector<1x1x16xf32>,
        %get3A_735 = vector.shape_cast %get3A_734 : vector<1x1x16xf32> to vector<16xf32>
        %get3A_736 = arith.constant 0 : i32
        %get3A_737 = arith.index_cast %get3A_736 : i32 to index
        %get3A_738 = arith.index_cast %add3A_589 : i32 to index
        %get3A_739 = arith.constant 112 : index
        %get3A_740 = tpu.vector_load %arg10[%get3A_737, %get3A_738, %get3A_739] {strides = array<i32>} : memref<2x128x128xf32, #tpu.memory_space<vmem>>, vector<1x1x16xf32>,
        %get3A_741 = vector.shape_cast %get3A_740 : vector<1x1x16xf32> to vector<16xf32>
        %add3A_742 = arith.addf %get3A_735, %get3A_741 : vector<16xf32>
        %swap3A_743 = arith.constant 0 : i32
        %swap3A_744 = arith.index_cast %swap3A_743 : i32 to index
        %swap3A_745 = arith.index_cast %add3A_589 : i32 to index
        %swap3A_746 = arith.constant 112 : index
        %swap3A_747 = tpu.vector_load %arg11[%swap3A_744, %swap3A_745, %swap3A_746] {strides = array<i32>} : memref<2x128x128xf32, #tpu.memory_space<vmem>>, vector<1x1x16xf32>,
        %swap3A_748 = vector.shape_cast %swap3A_747 : vector<1x1x16xf32> to vector<16xf32>
        %swap3A_749 = vector.shape_cast %add3A_742 : vector<16xf32> to vector<1x1x16xf32>
        tpu.vector_store %arg11[%swap3A_744, %swap3A_745, %swap3A_746], %swap3A_749 {strides = array<i32>} : memref<2x128x128xf32, #tpu.memory_space<vmem>>, vector<1x1x16xf32>,
        %mul3A_750 = arith.constant 4 : i32
        %mul3A_751 = arith.muli %scan3A_423, %mul3A_750 : i32
        %add3A_752 = arith.constant 2 : i32
        %add3A_753 = arith.addi %mul3A_751, %add3A_752 : i32
        %get3A_754 = arith.constant 0 : i32
        %get3A_755 = arith.index_cast %get3A_754 : i32 to index
        %get3A_756 = arith.index_cast %add3A_753 : i32 to index
        %get3A_757 = arith.constant 0 : index
        %get3A_758 = tpu.vector_load %arg9[%get3A_755, %get3A_756, %get3A_757] {strides = array<i32>} : memref<2x128x128xf32, #tpu.memory_space<vmem>>, vector<1x1x16xf32>,
        %get3A_759 = vector.shape_cast %get3A_758 : vector<1x1x16xf32> to vector<16xf32>
        %get3A_760 = arith.constant 0 : i32
        %get3A_761 = arith.index_cast %get3A_760 : i32 to index
        %get3A_762 = arith.index_cast %add3A_753 : i32 to index
        %get3A_763 = arith.constant 0 : index
        %get3A_764 = tpu.vector_load %arg10[%get3A_761, %get3A_762, %get3A_763] {strides = array<i32>} : memref<2x128x128xf32, #tpu.memory_space<vmem>>, vector<1x1x16xf32>,
        %get3A_765 = vector.shape_cast %get3A_764 : vector<1x1x16xf32> to vector<16xf32>
        %add3A_766 = arith.addf %get3A_759, %get3A_765 : vector<16xf32>
        %swap3A_767 = arith.constant 0 : i32
        %swap3A_768 = arith.index_cast %swap3A_767 : i32 to index
        %swap3A_769 = arith.index_cast %add3A_753 : i32 to index
        %swap3A_770 = arith.constant 0 : index
        %swap3A_771 = tpu.vector_load %arg11[%swap3A_768, %swap3A_769, %swap3A_770] {strides = array<i32>} : memref<2x128x128xf32, #tpu.memory_space<vmem>>, vector<1x1x16xf32>,
        %swap3A_772 = vector.shape_cast %swap3A_771 : vector<1x1x16xf32> to vector<16xf32>
        %swap3A_773 = vector.shape_cast %add3A_766 : vector<16xf32> to vector<1x1x16xf32>
        tpu.vector_store %arg11[%swap3A_768, %swap3A_769, %swap3A_770], %swap3A_773 {strides = array<i32>} : memref<2x128x128xf32, #tpu.memory_space<vmem>>, vector<1x1x16xf32>,
        %get3A_774 = arith.constant 0 : i32
        %get3A_775 = arith.index_cast %get3A_774 : i32 to index
        %get3A_776 = arith.index_cast %add3A_753 : i32 to index
        %get3A_777 = arith.constant 16 : index
        %get3A_778 = tpu.vector_load %arg9[%get3A_775, %get3A_776, %get3A_777] {strides = array<i32>} : memref<2x128x128xf32, #tpu.memory_space<vmem>>, vector<1x1x16xf32>,
        %get3A_779 = vector.shape_cast %get3A_778 : vector<1x1x16xf32> to vector<16xf32>
        %get3A_780 = arith.constant 0 : i32
        %get3A_781 = arith.index_cast %get3A_780 : i32 to index
        %get3A_782 = arith.index_cast %add3A_753 : i32 to index
        %get3A_783 = arith.constant 16 : index
        %get3A_784 = tpu.vector_load %arg10[%get3A_781, %get3A_782, %get3A_783] {strides = array<i32>} : memref<2x128x128xf32, #tpu.memory_space<vmem>>, vector<1x1x16xf32>,
        %get3A_785 = vector.shape_cast %get3A_784 : vector<1x1x16xf32> to vector<16xf32>
        %add3A_786 = arith.addf %get3A_779, %get3A_785 : vector<16xf32>
        %swap3A_787 = arith.constant 0 : i32
        %swap3A_788 = arith.index_cast %swap3A_787 : i32 to index
        %swap3A_789 = arith.index_cast %add3A_753 : i32 to index
        %swap3A_790 = arith.constant 16 : index
        %swap3A_791 = tpu.vector_load %arg11[%swap3A_788, %swap3A_789, %swap3A_790] {strides = array<i32>} : memref<2x128x128xf32, #tpu.memory_space<vmem>>, vector<1x1x16xf32>,
        %swap3A_792 = vector.shape_cast %swap3A_791 : vector<1x1x16xf32> to vector<16xf32>
        %swap3A_793 = vector.shape_cast %add3A_786 : vector<16xf32> to vector<1x1x16xf32>
        tpu.vector_store %arg11[%swap3A_788, %swap3A_789, %swap3A_790], %swap3A_793 {strides = array<i32>} : memref<2x128x128xf32, #tpu.memory_space<vmem>>, vector<1x1x16xf32>,
        %get3A_794 = arith.constant 0 : i32
        %get3A_795 = arith.index_cast %get3A_794 : i32 to index
        %get3A_796 = arith.index_cast %add3A_753 : i32 to index
        %get3A_797 = arith.constant 32 : index
        %get3A_798 = tpu.vector_load %arg9[%get3A_795, %get3A_796, %get3A_797] {strides = array<i32>} : memref<2x128x128xf32, #tpu.memory_space<vmem>>, vector<1x1x16xf32>,
        %get3A_799 = vector.shape_cast %get3A_798 : vector<1x1x16xf32> to vector<16xf32>
        %get3A_800 = arith.constant 0 : i32
        %get3A_801 = arith.index_cast %get3A_800 : i32 to index
        %get3A_802 = arith.index_cast %add3A_753 : i32 to index
        %get3A_803 = arith.constant 32 : index
        %get3A_804 = tpu.vector_load %arg10[%get3A_801, %get3A_802, %get3A_803] {strides = array<i32>} : memref<2x128x128xf32, #tpu.memory_space<vmem>>, vector<1x1x16xf32>,
        %get3A_805 = vector.shape_cast %get3A_804 : vector<1x1x16xf32> to vector<16xf32>
        %add3A_806 = arith.addf %get3A_799, %get3A_805 : vector<16xf32>
        %swap3A_807 = arith.constant 0 : i32
        %swap3A_808 = arith.index_cast %swap3A_807 : i32 to index
        %swap3A_809 = arith.index_cast %add3A_753 : i32 to index
        %swap3A_810 = arith.constant 32 : index
        %swap3A_811 = tpu.vector_load %arg11[%swap3A_808, %swap3A_809, %swap3A_810] {strides = array<i32>} : memref<2x128x128xf32, #tpu.memory_space<vmem>>, vector<1x1x16xf32>,
        %swap3A_812 = vector.shape_cast %swap3A_811 : vector<1x1x16xf32> to vector<16xf32>
        %swap3A_813 = vector.shape_cast %add3A_806 : vector<16xf32> to vector<1x1x16xf32>
        tpu.vector_store %arg11[%swap3A_808, %swap3A_809, %swap3A_810], %swap3A_813 {strides = array<i32>} : memref<2x128x128xf32, #tpu.memory_space<vmem>>, vector<1x1x16xf32>,
        %get3A_814 = arith.constant 0 : i32
        %get3A_815 = arith.index_cast %get3A_814 : i32 to index
        %get3A_816 = arith.index_cast %add3A_753 : i32 to index
        %get3A_817 = arith.constant 48 : index
        %get3A_818 = tpu.vector_load %arg9[%get3A_815, %get3A_816, %get3A_817] {strides = array<i32>} : memref<2x128x128xf32, #tpu.memory_space<vmem>>, vector<1x1x16xf32>,
        %get3A_819 = vector.shape_cast %get3A_818 : vector<1x1x16xf32> to vector<16xf32>
        %get3A_820 = arith.constant 0 : i32
        %get3A_821 = arith.index_cast %get3A_820 : i32 to index
        %get3A_822 = arith.index_cast %add3A_753 : i32 to index
        %get3A_823 = arith.constant 48 : index
        %get3A_824 = tpu.vector_load %arg10[%get3A_821, %get3A_822, %get3A_823] {strides = array<i32>} : memref<2x128x128xf32, #tpu.memory_space<vmem>>, vector<1x1x16xf32>,
        %get3A_825 = vector.shape_cast %get3A_824 : vector<1x1x16xf32> to vector<16xf32>
        %add3A_826 = arith.addf %get3A_819, %get3A_825 : vector<16xf32>
        %swap3A_827 = arith.constant 0 : i32
        %swap3A_828 = arith.index_cast %swap3A_827 : i32 to index
        %swap3A_829 = arith.index_cast %add3A_753 : i32 to index
        %swap3A_830 = arith.constant 48 : index
        %swap3A_831 = tpu.vector_load %arg11[%swap3A_828, %swap3A_829, %swap3A_830] {strides = array<i32>} : memref<2x128x128xf32, #tpu.memory_space<vmem>>, vector<1x1x16xf32>,
        %swap3A_832 = vector.shape_cast %swap3A_831 : vector<1x1x16xf32> to vector<16xf32>
        %swap3A_833 = vector.shape_cast %add3A_826 : vector<16xf32> to vector<1x1x16xf32>
        tpu.vector_store %arg11[%swap3A_828, %swap3A_829, %swap3A_830], %swap3A_833 {strides = array<i32>} : memref<2x128x128xf32, #tpu.memory_space<vmem>>, vector<1x1x16xf32>,
        %get3A_834 = arith.constant 0 : i32
        %get3A_835 = arith.index_cast %get3A_834 : i32 to index
        %get3A_836 = arith.index_cast %add3A_753 : i32 to index
        %get3A_837 = arith.constant 64 : index
        %get3A_838 = tpu.vector_load %arg9[%get3A_835, %get3A_836, %get3A_837] {strides = array<i32>} : memref<2x128x128xf32, #tpu.memory_space<vmem>>, vector<1x1x16xf32>,
        %get3A_839 = vector.shape_cast %get3A_838 : vector<1x1x16xf32> to vector<16xf32>
        %get3A_840 = arith.constant 0 : i32
        %get3A_841 = arith.index_cast %get3A_840 : i32 to index
        %get3A_842 = arith.index_cast %add3A_753 : i32 to index
        %get3A_843 = arith.constant 64 : index
        %get3A_844 = tpu.vector_load %arg10[%get3A_841, %get3A_842, %get3A_843] {strides = array<i32>} : memref<2x128x128xf32, #tpu.memory_space<vmem>>, vector<1x1x16xf32>,
        %get3A_845 = vector.shape_cast %get3A_844 : vector<1x1x16xf32> to vector<16xf32>
        %add3A_846 = arith.addf %get3A_839, %get3A_845 : vector<16xf32>
        %swap3A_847 = arith.constant 0 : i32
        %swap3A_848 = arith.index_cast %swap3A_847 : i32 to index
        %swap3A_849 = arith.index_cast %add3A_753 : i32 to index
        %swap3A_850 = arith.constant 64 : index
        %swap3A_851 = tpu.vector_load %arg11[%swap3A_848, %swap3A_849, %swap3A_850] {strides = array<i32>} : memref<2x128x128xf32, #tpu.memory_space<vmem>>, vector<1x1x16xf32>,
        %swap3A_852 = vector.shape_cast %swap3A_851 : vector<1x1x16xf32> to vector<16xf32>
        %swap3A_853 = vector.shape_cast %add3A_846 : vector<16xf32> to vector<1x1x16xf32>
        tpu.vector_store %arg11[%swap3A_848, %swap3A_849, %swap3A_850], %swap3A_853 {strides = array<i32>} : memref<2x128x128xf32, #tpu.memory_space<vmem>>, vector<1x1x16xf32>,
        %get3A_854 = arith.constant 0 : i32
        %get3A_855 = arith.index_cast %get3A_854 : i32 to index
        %get3A_856 = arith.index_cast %add3A_753 : i32 to index
        %get3A_857 = arith.constant 80 : index
        %get3A_858 = tpu.vector_load %arg9[%get3A_855, %get3A_856, %get3A_857] {strides = array<i32>} : memref<2x128x128xf32, #tpu.memory_space<vmem>>, vector<1x1x16xf32>,
        %get3A_859 = vector.shape_cast %get3A_858 : vector<1x1x16xf32> to vector<16xf32>
        %get3A_860 = arith.constant 0 : i32
        %get3A_861 = arith.index_cast %get3A_860 : i32 to index
        %get3A_862 = arith.index_cast %add3A_753 : i32 to index
        %get3A_863 = arith.constant 80 : index
        %get3A_864 = tpu.vector_load %arg10[%get3A_861, %get3A_862, %get3A_863] {strides = array<i32>} : memref<2x128x128xf32, #tpu.memory_space<vmem>>, vector<1x1x16xf32>,
        %get3A_865 = vector.shape_cast %get3A_864 : vector<1x1x16xf32> to vector<16xf32>
        %add3A_866 = arith.addf %get3A_859, %get3A_865 : vector<16xf32>
        %swap3A_867 = arith.constant 0 : i32
        %swap3A_868 = arith.index_cast %swap3A_867 : i32 to index
        %swap3A_869 = arith.index_cast %add3A_753 : i32 to index
        %swap3A_870 = arith.constant 80 : index
        %swap3A_871 = tpu.vector_load %arg11[%swap3A_868, %swap3A_869, %swap3A_870] {strides = array<i32>} : memref<2x128x128xf32, #tpu.memory_space<vmem>>, vector<1x1x16xf32>,
        %swap3A_872 = vector.shape_cast %swap3A_871 : vector<1x1x16xf32> to vector<16xf32>
        %swap3A_873 = vector.shape_cast %add3A_866 : vector<16xf32> to vector<1x1x16xf32>
        tpu.vector_store %arg11[%swap3A_868, %swap3A_869, %swap3A_870], %swap3A_873 {strides = array<i32>} : memref<2x128x128xf32, #tpu.memory_space<vmem>>, vector<1x1x16xf32>,
        %get3A_874 = arith.constant 0 : i32
        %get3A_875 = arith.index_cast %get3A_874 : i32 to index
        %get3A_876 = arith.index_cast %add3A_753 : i32 to index
        %get3A_877 = arith.constant 96 : index
        %get3A_878 = tpu.vector_load %arg9[%get3A_875, %get3A_876, %get3A_877] {strides = array<i32>} : memref<2x128x128xf32, #tpu.memory_space<vmem>>, vector<1x1x16xf32>,
        %get3A_879 = vector.shape_cast %get3A_878 : vector<1x1x16xf32> to vector<16xf32>
        %get3A_880 = arith.constant 0 : i32
        %get3A_881 = arith.index_cast %get3A_880 : i32 to index
        %get3A_882 = arith.index_cast %add3A_753 : i32 to index
        %get3A_883 = arith.constant 96 : index
        %get3A_884 = tpu.vector_load %arg10[%get3A_881, %get3A_882, %get3A_883] {strides = array<i32>} : memref<2x128x128xf32, #tpu.memory_space<vmem>>, vector<1x1x16xf32>,
        %get3A_885 = vector.shape_cast %get3A_884 : vector<1x1x16xf32> to vector<16xf32>
        %add3A_886 = arith.addf %get3A_879, %get3A_885 : vector<16xf32>
        %swap3A_887 = arith.constant 0 : i32
        %swap3A_888 = arith.index_cast %swap3A_887 : i32 to index
        %swap3A_889 = arith.index_cast %add3A_753 : i32 to index
        %swap3A_890 = arith.constant 96 : index
        %swap3A_891 = tpu.vector_load %arg11[%swap3A_888, %swap3A_889, %swap3A_890] {strides = array<i32>} : memref<2x128x128xf32, #tpu.memory_space<vmem>>, vector<1x1x16xf32>,
        %swap3A_892 = vector.shape_cast %swap3A_891 : vector<1x1x16xf32> to vector<16xf32>
        %swap3A_893 = vector.shape_cast %add3A_886 : vector<16xf32> to vector<1x1x16xf32>
        tpu.vector_store %arg11[%swap3A_888, %swap3A_889, %swap3A_890], %swap3A_893 {strides = array<i32>} : memref<2x128x128xf32, #tpu.memory_space<vmem>>, vector<1x1x16xf32>,
        %get3A_894 = arith.constant 0 : i32
        %get3A_895 = arith.index_cast %get3A_894 : i32 to index
        %get3A_896 = arith.index_cast %add3A_753 : i32 to index
        %get3A_897 = arith.constant 112 : index
        %get3A_898 = tpu.vector_load %arg9[%get3A_895, %get3A_896, %get3A_897] {strides = array<i32>} : memref<2x128x128xf32, #tpu.memory_space<vmem>>, vector<1x1x16xf32>,
        %get3A_899 = vector.shape_cast %get3A_898 : vector<1x1x16xf32> to vector<16xf32>
        %get3A_900 = arith.constant 0 : i32
        %get3A_901 = arith.index_cast %get3A_900 : i32 to index
        %get3A_902 = arith.index_cast %add3A_753 : i32 to index
        %get3A_903 = arith.constant 112 : index
        %get3A_904 = tpu.vector_load %arg10[%get3A_901, %get3A_902, %get3A_903] {strides = array<i32>} : memref<2x128x128xf32, #tpu.memory_space<vmem>>, vector<1x1x16xf32>,
        %get3A_905 = vector.shape_cast %get3A_904 : vector<1x1x16xf32> to vector<16xf32>
        %add3A_906 = arith.addf %get3A_899, %get3A_905 : vector<16xf32>
        %swap3A_907 = arith.constant 0 : i32
        %swap3A_908 = arith.index_cast %swap3A_907 : i32 to index
        %swap3A_909 = arith.index_cast %add3A_753 : i32 to index
        %swap3A_910 = arith.constant 112 : index
        %swap3A_911 = tpu.vector_load %arg11[%swap3A_908, %swap3A_909, %swap3A_910] {strides = array<i32>} : memref<2x128x128xf32, #tpu.memory_space<vmem>>, vector<1x1x16xf32>,
        %swap3A_912 = vector.shape_cast %swap3A_911 : vector<1x1x16xf32> to vector<16xf32>
        %swap3A_913 = vector.shape_cast %add3A_906 : vector<16xf32> to vector<1x1x16xf32>
        tpu.vector_store %arg11[%swap3A_908, %swap3A_909, %swap3A_910], %swap3A_913 {strides = array<i32>} : memref<2x128x128xf32, #tpu.memory_space<vmem>>, vector<1x1x16xf32>,
        %mul3A_914 = arith.constant 4 : i32
        %mul3A_915 = arith.muli %scan3A_423, %mul3A_914 : i32
        %add3A_916 = arith.constant 3 : i32
        %add3A_917 = arith.addi %mul3A_915, %add3A_916 : i32
        %get3A_918 = arith.constant 0 : i32
        %get3A_919 = arith.index_cast %get3A_918 : i32 to index
        %get3A_920 = arith.index_cast %add3A_917 : i32 to index
        %get3A_921 = arith.constant 0 : index
        %get3A_922 = tpu.vector_load %arg9[%get3A_919, %get3A_920, %get3A_921] {strides = array<i32>} : memref<2x128x128xf32, #tpu.memory_space<vmem>>, vector<1x1x16xf32>,
        %get3A_923 = vector.shape_cast %get3A_922 : vector<1x1x16xf32> to vector<16xf32>
        %get3A_924 = arith.constant 0 : i32
        %get3A_925 = arith.index_cast %get3A_924 : i32 to index
        %get3A_926 = arith.index_cast %add3A_917 : i32 to index
        %get3A_927 = arith.constant 0 : index
        %get3A_928 = tpu.vector_load %arg10[%get3A_925, %get3A_926, %get3A_927] {strides = array<i32>} : memref<2x128x128xf32, #tpu.memory_space<vmem>>, vector<1x1x16xf32>,
        %get3A_929 = vector.shape_cast %get3A_928 : vector<1x1x16xf32> to vector<16xf32>
        %add3A_930 = arith.addf %get3A_923, %get3A_929 : vector<16xf32>
        %swap3A_931 = arith.constant 0 : i32
        %swap3A_932 = arith.index_cast %swap3A_931 : i32 to index
        %swap3A_933 = arith.index_cast %add3A_917 : i32 to index
        %swap3A_934 = arith.constant 0 : index
        %swap3A_935 = tpu.vector_load %arg11[%swap3A_932, %swap3A_933, %swap3A_934] {strides = array<i32>} : memref<2x128x128xf32, #tpu.memory_space<vmem>>, vector<1x1x16xf32>,
        %swap3A_936 = vector.shape_cast %swap3A_935 : vector<1x1x16xf32> to vector<16xf32>
        %swap3A_937 = vector.shape_cast %add3A_930 : vector<16xf32> to vector<1x1x16xf32>
        tpu.vector_store %arg11[%swap3A_932, %swap3A_933, %swap3A_934], %swap3A_937 {strides = array<i32>} : memref<2x128x128xf32, #tpu.memory_space<vmem>>, vector<1x1x16xf32>,
        %get3A_938 = arith.constant 0 : i32
        %get3A_939 = arith.index_cast %get3A_938 : i32 to index
        %get3A_940 = arith.index_cast %add3A_917 : i32 to index
        %get3A_941 = arith.constant 16 : index
        %get3A_942 = tpu.vector_load %arg9[%get3A_939, %get3A_940, %get3A_941] {strides = array<i32>} : memref<2x128x128xf32, #tpu.memory_space<vmem>>, vector<1x1x16xf32>,
        %get3A_943 = vector.shape_cast %get3A_942 : vector<1x1x16xf32> to vector<16xf32>
        %get3A_944 = arith.constant 0 : i32
        %get3A_945 = arith.index_cast %get3A_944 : i32 to index
        %get3A_946 = arith.index_cast %add3A_917 : i32 to index
        %get3A_947 = arith.constant 16 : index
        %get3A_948 = tpu.vector_load %arg10[%get3A_945, %get3A_946, %get3A_947] {strides = array<i32>} : memref<2x128x128xf32, #tpu.memory_space<vmem>>, vector<1x1x16xf32>,
        %get3A_949 = vector.shape_cast %get3A_948 : vector<1x1x16xf32> to vector<16xf32>
        %add3A_950 = arith.addf %get3A_943, %get3A_949 : vector<16xf32>
        %swap3A_951 = arith.constant 0 : i32
        %swap3A_952 = arith.index_cast %swap3A_951 : i32 to index
        %swap3A_953 = arith.index_cast %add3A_917 : i32 to index
        %swap3A_954 = arith.constant 16 : index
        %swap3A_955 = tpu.vector_load %arg11[%swap3A_952, %swap3A_953, %swap3A_954] {strides = array<i32>} : memref<2x128x128xf32, #tpu.memory_space<vmem>>, vector<1x1x16xf32>,
        %swap3A_956 = vector.shape_cast %swap3A_955 : vector<1x1x16xf32> to vector<16xf32>
        %swap3A_957 = vector.shape_cast %add3A_950 : vector<16xf32> to vector<1x1x16xf32>
        tpu.vector_store %arg11[%swap3A_952, %swap3A_953, %swap3A_954], %swap3A_957 {strides = array<i32>} : memref<2x128x128xf32, #tpu.memory_space<vmem>>, vector<1x1x16xf32>,
        %get3A_958 = arith.constant 0 : i32
        %get3A_959 = arith.index_cast %get3A_958 : i32 to index
        %get3A_960 = arith.index_cast %add3A_917 : i32 to index
        %get3A_961 = arith.constant 32 : index
        %get3A_962 = tpu.vector_load %arg9[%get3A_959, %get3A_960, %get3A_961] {strides = array<i32>} : memref<2x128x128xf32, #tpu.memory_space<vmem>>, vector<1x1x16xf32>,
        %get3A_963 = vector.shape_cast %get3A_962 : vector<1x1x16xf32> to vector<16xf32>
        %get3A_964 = arith.constant 0 : i32
        %get3A_965 = arith.index_cast %get3A_964 : i32 to index
        %get3A_966 = arith.index_cast %add3A_917 : i32 to index
        %get3A_967 = arith.constant 32 : index
        %get3A_968 = tpu.vector_load %arg10[%get3A_965, %get3A_966, %get3A_967] {strides = array<i32>} : memref<2x128x128xf32, #tpu.memory_space<vmem>>, vector<1x1x16xf32>,
        %get3A_969 = vector.shape_cast %get3A_968 : vector<1x1x16xf32> to vector<16xf32>
        %add3A_970 = arith.addf %get3A_963, %get3A_969 : vector<16xf32>
        %swap3A_971 = arith.constant 0 : i32
        %swap3A_972 = arith.index_cast %swap3A_971 : i32 to index
        %swap3A_973 = arith.index_cast %add3A_917 : i32 to index
        %swap3A_974 = arith.constant 32 : index
        %swap3A_975 = tpu.vector_load %arg11[%swap3A_972, %swap3A_973, %swap3A_974] {strides = array<i32>} : memref<2x128x128xf32, #tpu.memory_space<vmem>>, vector<1x1x16xf32>,
        %swap3A_976 = vector.shape_cast %swap3A_975 : vector<1x1x16xf32> to vector<16xf32>
        %swap3A_977 = vector.shape_cast %add3A_970 : vector<16xf32> to vector<1x1x16xf32>
        tpu.vector_store %arg11[%swap3A_972, %swap3A_973, %swap3A_974], %swap3A_977 {strides = array<i32>} : memref<2x128x128xf32, #tpu.memory_space<vmem>>, vector<1x1x16xf32>,
        %get3A_978 = arith.constant 0 : i32
        %get3A_979 = arith.index_cast %get3A_978 : i32 to index
        %get3A_980 = arith.index_cast %add3A_917 : i32 to index
        %get3A_981 = arith.constant 48 : index
        %get3A_982 = tpu.vector_load %arg9[%get3A_979, %get3A_980, %get3A_981] {strides = array<i32>} : memref<2x128x128xf32, #tpu.memory_space<vmem>>, vector<1x1x16xf32>,
        %get3A_983 = vector.shape_cast %get3A_982 : vector<1x1x16xf32> to vector<16xf32>
        %get3A_984 = arith.constant 0 : i32
        %get3A_985 = arith.index_cast %get3A_984 : i32 to index
        %get3A_986 = arith.index_cast %add3A_917 : i32 to index
        %get3A_987 = arith.constant 48 : index
        %get3A_988 = tpu.vector_load %arg10[%get3A_985, %get3A_986, %get3A_987] {strides = array<i32>} : memref<2x128x128xf32, #tpu.memory_space<vmem>>, vector<1x1x16xf32>,
        %get3A_989 = vector.shape_cast %get3A_988 : vector<1x1x16xf32> to vector<16xf32>
        %add3A_990 = arith.addf %get3A_983, %get3A_989 : vector<16xf32>
        %swap3A_991 = arith.constant 0 : i32
        %swap3A_992 = arith.index_cast %swap3A_991 : i32 to index
        %swap3A_993 = arith.index_cast %add3A_917 : i32 to index
        %swap3A_994 = arith.constant 48 : index
        %swap3A_995 = tpu.vector_load %arg11[%swap3A_992, %swap3A_993, %swap3A_994] {strides = array<i32>} : memref<2x128x128xf32, #tpu.memory_space<vmem>>, vector<1x1x16xf32>,
        %swap3A_996 = vector.shape_cast %swap3A_995 : vector<1x1x16xf32> to vector<16xf32>
        %swap3A_997 = vector.shape_cast %add3A_990 : vector<16xf32> to vector<1x1x16xf32>
        tpu.vector_store %arg11[%swap3A_992, %swap3A_993, %swap3A_994], %swap3A_997 {strides = array<i32>} : memref<2x128x128xf32, #tpu.memory_space<vmem>>, vector<1x1x16xf32>,
        %get3A_998 = arith.constant 0 : i32
        %get3A_999 = arith.index_cast %get3A_998 : i32 to index
        %get3A_1000 = arith.index_cast %add3A_917 : i32 to index
        %get3A_1001 = arith.constant 64 : index
        %get3A_1002 = tpu.vector_load %arg9[%get3A_999, %get3A_1000, %get3A_1001] {strides = array<i32>} : memref<2x128x128xf32, #tpu.memory_space<vmem>>, vector<1x1x16xf32>,
        %get3A_1003 = vector.shape_cast %get3A_1002 : vector<1x1x16xf32> to vector<16xf32>
        %get3A_1004 = arith.constant 0 : i32
        %get3A_1005 = arith.index_cast %get3A_1004 : i32 to index
        %get3A_1006 = arith.index_cast %add3A_917 : i32 to index
        %get3A_1007 = arith.constant 64 : index
        %get3A_1008 = tpu.vector_load %arg10[%get3A_1005, %get3A_1006, %get3A_1007] {strides = array<i32>} : memref<2x128x128xf32, #tpu.memory_space<vmem>>, vector<1x1x16xf32>,
        %get3A_1009 = vector.shape_cast %get3A_1008 : vector<1x1x16xf32> to vector<16xf32>
        %add3A_1010 = arith.addf %get3A_1003, %get3A_1009 : vector<16xf32>
        %swap3A_1011 = arith.constant 0 : i32
        %swap3A_1012 = arith.index_cast %swap3A_1011 : i32 to index
        %swap3A_1013 = arith.index_cast %add3A_917 : i32 to index
        %swap3A_1014 = arith.constant 64 : index
        %swap3A_1015 = tpu.vector_load %arg11[%swap3A_1012, %swap3A_1013, %swap3A_1014] {strides = array<i32>} : memref<2x128x128xf32, #tpu.memory_space<vmem>>, vector<1x1x16xf32>,
        %swap3A_1016 = vector.shape_cast %swap3A_1015 : vector<1x1x16xf32> to vector<16xf32>
        %swap3A_1017 = vector.shape_cast %add3A_1010 : vector<16xf32> to vector<1x1x16xf32>
        tpu.vector_store %arg11[%swap3A_1012, %swap3A_1013, %swap3A_1014], %swap3A_1017 {strides = array<i32>} : memref<2x128x128xf32, #tpu.memory_space<vmem>>, vector<1x1x16xf32>,
        %get3A_1018 = arith.constant 0 : i32
        %get3A_1019 = arith.index_cast %get3A_1018 : i32 to index
        %get3A_1020 = arith.index_cast %add3A_917 : i32 to index
        %get3A_1021 = arith.constant 80 : index
        %get3A_1022 = tpu.vector_load %arg9[%get3A_1019, %get3A_1020, %get3A_1021] {strides = array<i32>} : memref<2x128x128xf32, #tpu.memory_space<vmem>>, vector<1x1x16xf32>,
        %get3A_1023 = vector.shape_cast %get3A_1022 : vector<1x1x16xf32> to vector<16xf32>
        %get3A_1024 = arith.constant 0 : i32
        %get3A_1025 = arith.index_cast %get3A_1024 : i32 to index
        %get3A_1026 = arith.index_cast %add3A_917 : i32 to index
        %get3A_1027 = arith.constant 80 : index
        %get3A_1028 = tpu.vector_load %arg10[%get3A_1025, %get3A_1026, %get3A_1027] {strides = array<i32>} : memref<2x128x128xf32, #tpu.memory_space<vmem>>, vector<1x1x16xf32>,
        %get3A_1029 = vector.shape_cast %get3A_1028 : vector<1x1x16xf32> to vector<16xf32>
        %add3A_1030 = arith.addf %get3A_1023, %get3A_1029 : vector<16xf32>
        %swap3A_1031 = arith.constant 0 : i32
        %swap3A_1032 = arith.index_cast %swap3A_1031 : i32 to index
        %swap3A_1033 = arith.index_cast %add3A_917 : i32 to index
        %swap3A_1034 = arith.constant 80 : index
        %swap3A_1035 = tpu.vector_load %arg11[%swap3A_1032, %swap3A_1033, %swap3A_1034] {strides = array<i32>} : memref<2x128x128xf32, #tpu.memory_space<vmem>>, vector<1x1x16xf32>,
        %swap3A_1036 = vector.shape_cast %swap3A_1035 : vector<1x1x16xf32> to vector<16xf32>
        %swap3A_1037 = vector.shape_cast %add3A_1030 : vector<16xf32> to vector<1x1x16xf32>
        tpu.vector_store %arg11[%swap3A_1032, %swap3A_1033, %swap3A_1034], %swap3A_1037 {strides = array<i32>} : memref<2x128x128xf32, #tpu.memory_space<vmem>>, vector<1x1x16xf32>,
        %get3A_1038 = arith.constant 0 : i32
        %get3A_1039 = arith.index_cast %get3A_1038 : i32 to index
        %get3A_1040 = arith.index_cast %add3A_917 : i32 to index
        %get3A_1041 = arith.constant 96 : index
        %get3A_1042 = tpu.vector_load %arg9[%get3A_1039, %get3A_1040, %get3A_1041] {strides = array<i32>} : memref<2x128x128xf32, #tpu.memory_space<vmem>>, vector<1x1x16xf32>,
        %get3A_1043 = vector.shape_cast %get3A_1042 : vector<1x1x16xf32> to vector<16xf32>
        %get3A_1044 = arith.constant 0 : i32
        %get3A_1045 = arith.index_cast %get3A_1044 : i32 to index
        %get3A_1046 = arith.index_cast %add3A_917 : i32 to index
        %get3A_1047 = arith.constant 96 : index
        %get3A_1048 = tpu.vector_load %arg10[%get3A_1045, %get3A_1046, %get3A_1047] {strides = array<i32>} : memref<2x128x128xf32, #tpu.memory_space<vmem>>, vector<1x1x16xf32>,
        %get3A_1049 = vector.shape_cast %get3A_1048 : vector<1x1x16xf32> to vector<16xf32>
        %add3A_1050 = arith.addf %get3A_1043, %get3A_1049 : vector<16xf32>
        %swap3A_1051 = arith.constant 0 : i32
        %swap3A_1052 = arith.index_cast %swap3A_1051 : i32 to index
        %swap3A_1053 = arith.index_cast %add3A_917 : i32 to index
        %swap3A_1054 = arith.constant 96 : index
        %swap3A_1055 = tpu.vector_load %arg11[%swap3A_1052, %swap3A_1053, %swap3A_1054] {strides = array<i32>} : memref<2x128x128xf32, #tpu.memory_space<vmem>>, vector<1x1x16xf32>,
        %swap3A_1056 = vector.shape_cast %swap3A_1055 : vector<1x1x16xf32> to vector<16xf32>
        %swap3A_1057 = vector.shape_cast %add3A_1050 : vector<16xf32> to vector<1x1x16xf32>
        tpu.vector_store %arg11[%swap3A_1052, %swap3A_1053, %swap3A_1054], %swap3A_1057 {strides = array<i32>} : memref<2x128x128xf32, #tpu.memory_space<vmem>>, vector<1x1x16xf32>,
        %get3A_1058 = arith.constant 0 : i32
        %get3A_1059 = arith.index_cast %get3A_1058 : i32 to index
        %get3A_1060 = arith.index_cast %add3A_917 : i32 to index
        %get3A_1061 = arith.constant 112 : index
        %get3A_1062 = tpu.vector_load %arg9[%get3A_1059, %get3A_1060, %get3A_1061] {strides = array<i32>} : memref<2x128x128xf32, #tpu.memory_space<vmem>>, vector<1x1x16xf32>,
        %get3A_1063 = vector.shape_cast %get3A_1062 : vector<1x1x16xf32> to vector<16xf32>
        %get3A_1064 = arith.constant 0 : i32
        %get3A_1065 = arith.index_cast %get3A_1064 : i32 to index
        %get3A_1066 = arith.index_cast %add3A_917 : i32 to index
        %get3A_1067 = arith.constant 112 : index
        %get3A_1068 = tpu.vector_load %arg10[%get3A_1065, %get3A_1066, %get3A_1067] {strides = array<i32>} : memref<2x128x128xf32, #tpu.memory_space<vmem>>, vector<1x1x16xf32>,
        %get3A_1069 = vector.shape_cast %get3A_1068 : vector<1x1x16xf32> to vector<16xf32>
        %add3A_1070 = arith.addf %get3A_1063, %get3A_1069 : vector<16xf32>
        %swap3A_1071 = arith.constant 0 : i32
        %swap3A_1072 = arith.index_cast %swap3A_1071 : i32 to index
        %swap3A_1073 = arith.index_cast %add3A_917 : i32 to index
        %swap3A_1074 = arith.constant 112 : index
        %swap3A_1075 = tpu.vector_load %arg11[%swap3A_1072, %swap3A_1073, %swap3A_1074] {strides = array<i32>} : memref<2x128x128xf32, #tpu.memory_space<vmem>>, vector<1x1x16xf32>,
        %swap3A_1076 = vector.shape_cast %swap3A_1075 : vector<1x1x16xf32> to vector<16xf32>
        %swap3A_1077 = vector.shape_cast %add3A_1070 : vector<16xf32> to vector<1x1x16xf32>
        tpu.vector_store %arg11[%swap3A_1072, %swap3A_1073, %swap3A_1074], %swap3A_1077 {strides = array<i32>} : memref<2x128x128xf32, #tpu.memory_space<vmem>>, vector<1x1x16xf32>,
      }
      %scan3A_182 = arith.constant 32 : i32
      %mul3A_183 = arith.constant 128 : i32
      %mul3A_184 = arith.muli %add3A_144, %mul3A_183 : i32
      %add3A_185 = arith.addi %mul3A_2, %mul3A_184 : i32
      %dma_start3A_186 = arith.constant 0 : i32
      %dma_start3A_187 = arith.constant 0 : i32
      %dma_start3A_188 = arith.constant 0 : i32
      %dma_start3A_189 = arith.constant 0 : i32
      %dma_start3A_190 = tpu.memref_slice %arg11[%dma_start3A_186, %dma_start3A_188, %dma_start3A_189] : memref<2x128x128xf32, #tpu.memory_space<vmem>> -> memref<1x128x128xf32, #tpu.memory_space<vmem>>
      %dma_start3A_191 = tpu.memref_squeeze %dma_start3A_190 : memref<1x128x128xf32, #tpu.memory_space<vmem>> -> memref<128x128xf32, #tpu.memory_space<vmem>>
      %dma_start3A_192 = arith.constant 0 : i32
      %dma_start3A_193 = tpu.memref_slice %arg6[%add3A_185, %dma_start3A_192] : memref<819200x128xf32, #tpu.memory_space<hbm>> -> memref<128x128xf32, #tpu.memory_space<hbm>>
      %dma_start3A_194 = tpu.memref_slice %arg16[%dma_start3A_187] : memref<2x!tpu.dma_semaphore, #tpu.memory_space<semaphore_mem>> -> memref<1x!tpu.dma_semaphore, #tpu.memory_space<semaphore_mem>>
      %dma_start3A_195 = tpu.memref_squeeze %dma_start3A_194 : memref<1x!tpu.dma_semaphore, #tpu.memory_space<semaphore_mem>> -> memref<!tpu.dma_semaphore, #tpu.memory_space<semaphore_mem>>
      %dma_start3A_196 = arith.constant 0 : i32
      %dma_start3A_197 = tpu.memref_slice %arg6[%add3A_185, %dma_start3A_196] : memref<819200x128xf32, #tpu.memory_space<hbm>> -> memref<128x128xf32, #tpu.memory_space<hbm>>
      %dma_start3A_198 = arith.constant 0 : i32
      %dma_start3A_199 = arith.constant 0 : i32
      %dma_start3A_200 = tpu.memref_slice %arg11[%dma_start3A_186, %dma_start3A_198, %dma_start3A_199] : memref<2x128x128xf32, #tpu.memory_space<vmem>> -> memref<1x128x128xf32, #tpu.memory_space<vmem>>
      %dma_start3A_201 = tpu.memref_squeeze %dma_start3A_200 : memref<1x128x128xf32, #tpu.memory_space<vmem>> -> memref<128x128xf32, #tpu.memory_space<vmem>>
      tpu.enqueue_dma source(%dma_start3A_201 : memref<128x128xf32, #tpu.memory_space<vmem>>) target(%dma_start3A_197 : memref<128x128xf32, #tpu.memory_space<hbm>>) target_semaphore(%dma_start3A_195 : memref<!tpu.dma_semaphore, #tpu.memory_space<semaphore_mem>>)
      %add3A_202 = arith.constant 2 : i32
      %add3A_203 = arith.addi %add3A_144, %add3A_202 : i32
      %lt3A_204 = arith.constant 200 : i32
      %lt3A_205 = arith.cmpi slt, %add3A_203, %lt3A_204 : i32
      %convert_element_type3A_206 = arith.extui %lt3A_205 : i1 to i32
      %cond3A_207 = arith.constant 0 : i32
      %cond3A_208 = arith.cmpi ne, %convert_element_type3A_206, %cond3A_207 : i32
      scf.if %cond3A_208 {
        %dma_start3A_423 = arith.constant 0 : i32
        %dma_start3A_424 = arith.constant 0 : i32
        %dma_start3A_425 = arith.constant 0 : i32
        %dma_start3A_426 = arith.constant 0 : i32
        %dma_start3A_427 = tpu.memref_slice %arg9[%dma_start3A_423, %dma_start3A_425, %dma_start3A_426] : memref<2x128x128xf32, #tpu.memory_space<vmem>> -> memref<1x128x128xf32, #tpu.memory_space<vmem>>
        %dma_start3A_428 = tpu.memref_squeeze %dma_start3A_427 : memref<1x128x128xf32, #tpu.memory_space<vmem>> -> memref<128x128xf32, #tpu.memory_space<vmem>>
        %dma_start3A_429 = arith.constant 256 : i32
        %dma_start3A_430 = tpu.memref_slice %arg7[%select_n3A_139, %dma_start3A_429] : memref<2x512xi32, #tpu.memory_space<vmem>> -> memref<1x128xi32, #tpu.memory_space<vmem>>
        %dma_start3A_431 = tpu.memref_squeeze %dma_start3A_430 : memref<1x128xi32, #tpu.memory_space<vmem>> -> memref<128xi32, #tpu.memory_space<vmem>>
        %dma_start3A_432 = arith.constant 0 : i32
        %dma_start3A_433 = arith.constant 0 : i32
        %dma_start3A_434 = tpu.memref_slice %arg2[%dma_start3A_432, %dma_start3A_433] : memref<100000x128xf32, #tpu.memory_space<hbm>> -> memref<100000x128xf32, #tpu.memory_space<hbm>>
        %dma_start3A_435 = tpu.memref_slice %arg14[%dma_start3A_424] : memref<2x!tpu.dma_semaphore, #tpu.memory_space<semaphore_mem>> -> memref<1x!tpu.dma_semaphore, #tpu.memory_space<semaphore_mem>>
        %dma_start3A_436 = tpu.memref_squeeze %dma_start3A_435 : memref<1x!tpu.dma_semaphore, #tpu.memory_space<semaphore_mem>> -> memref<!tpu.dma_semaphore, #tpu.memory_space<semaphore_mem>>
        tpu.enqueue_indirect_dma source(%dma_start3A_434 : memref<100000x128xf32, #tpu.memory_space<hbm>>) target(%dma_start3A_428 : memref<128x128xf32, #tpu.memory_space<vmem>>) offsets(%dma_start3A_431 : memref<128xi32, #tpu.memory_space<vmem>>) semaphore(%dma_start3A_436 : memref<!tpu.dma_semaphore, #tpu.memory_space<semaphore_mem>>)
        %dma_start3A_437 = arith.constant 0 : i32
        %dma_start3A_438 = arith.constant 0 : i32
        %dma_start3A_439 = arith.constant 0 : i32
        %dma_start3A_440 = arith.constant 0 : i32
        %dma_start3A_441 = tpu.memref_slice %arg10[%dma_start3A_437, %dma_start3A_439, %dma_start3A_440] : memref<2x128x128xf32, #tpu.memory_space<vmem>> -> memref<1x128x128xf32, #tpu.memory_space<vmem>>
        %dma_start3A_442 = tpu.memref_squeeze %dma_start3A_441 : memref<1x128x128xf32, #tpu.memory_space<vmem>> -> memref<128x128xf32, #tpu.memory_space<vmem>>
        %dma_start3A_443 = arith.constant 256 : i32
        %dma_start3A_444 = tpu.memref_slice %arg8[%select_n3A_139, %dma_start3A_443] : memref<2x512xi32, #tpu.memory_space<vmem>> -> memref<1x128xi32, #tpu.memory_space<vmem>>
        %dma_start3A_445 = tpu.memref_squeeze %dma_start3A_444 : memref<1x128xi32, #tpu.memory_space<vmem>> -> memref<128xi32, #tpu.memory_space<vmem>>
        %dma_start3A_446 = arith.constant 0 : i32
        %dma_start3A_447 = arith.constant 0 : i32
        %dma_start3A_448 = tpu.memref_slice %arg12[%dma_start3A_446, %dma_start3A_447] : memref<1000x128xf32, #tpu.memory_space<vmem_shared>> -> memref<1000x128xf32, #tpu.memory_space<vmem_shared>>
        %dma_start3A_449 = tpu.memref_slice %arg15[%dma_start3A_438] : memref<2x!tpu.dma_semaphore, #tpu.memory_space<semaphore_mem>> -> memref<1x!tpu.dma_semaphore, #tpu.memory_space<semaphore_mem>>
        %dma_start3A_450 = tpu.memref_squeeze %dma_start3A_449 : memref<1x!tpu.dma_semaphore, #tpu.memory_space<semaphore_mem>> -> memref<!tpu.dma_semaphore, #tpu.memory_space<semaphore_mem>>
        tpu.enqueue_indirect_dma source(%dma_start3A_448 : memref<1000x128xf32, #tpu.memory_space<vmem_shared>>) target(%dma_start3A_442 : memref<128x128xf32, #tpu.memory_space<vmem>>) offsets(%dma_start3A_445 : memref<128xi32, #tpu.memory_space<vmem>>) semaphore(%dma_start3A_450 : memref<!tpu.dma_semaphore, #tpu.memory_space<semaphore_mem>>)
      } else {
      }
      %mul3A_209 = arith.constant 4 : i32
      %mul3A_210 = arith.muli %scan3A_129, %mul3A_209 : i32
      %add3A_211 = arith.constant 1 : i32
      %add3A_212 = arith.addi %mul3A_210, %add3A_211 : i32
      %dma_wait3A_213 = arith.constant 1 : i32
      %dma_wait3A_214 = arith.constant 1 : i32
      %dma_wait3A_215 = arith.constant 0 : i32
      %dma_wait3A_216 = arith.constant 0 : i32
      %dma_wait3A_217 = tpu.memref_slice %arg9[%dma_wait3A_213, %dma_wait3A_215, %dma_wait3A_216] : memref<2x128x128xf32, #tpu.memory_space<vmem>> -> memref<1x128x128xf32, #tpu.memory_space<vmem>>
      %dma_wait3A_218 = tpu.memref_squeeze %dma_wait3A_217 : memref<1x128x128xf32, #tpu.memory_space<vmem>> -> memref<128x128xf32, #tpu.memory_space<vmem>>
      %dma_wait3A_219 = arith.constant 128 : i32
      %dma_wait3A_220 = tpu.memref_slice %arg7[%select_n3A_139, %dma_wait3A_219] : memref<2x512xi32, #tpu.memory_space<vmem>> -> memref<1x128xi32, #tpu.memory_space<vmem>>
      %dma_wait3A_221 = tpu.memref_squeeze %dma_wait3A_220 : memref<1x128xi32, #tpu.memory_space<vmem>> -> memref<128xi32, #tpu.memory_space<vmem>>
      %dma_wait3A_222 = arith.constant 0 : i32
      %dma_wait3A_223 = arith.constant 0 : i32
      %dma_wait3A_224 = tpu.memref_slice %arg2[%dma_wait3A_222, %dma_wait3A_223] : memref<100000x128xf32, #tpu.memory_space<hbm>> -> memref<100000x128xf32, #tpu.memory_space<hbm>>
      %dma_wait3A_225 = tpu.memref_slice %arg14[%dma_wait3A_214] : memref<2x!tpu.dma_semaphore, #tpu.memory_space<semaphore_mem>> -> memref<1x!tpu.dma_semaphore, #tpu.memory_space<semaphore_mem>>
      %dma_wait3A_226 = tpu.memref_squeeze %dma_wait3A_225 : memref<1x!tpu.dma_semaphore, #tpu.memory_space<semaphore_mem>> -> memref<!tpu.dma_semaphore, #tpu.memory_space<semaphore_mem>>
      tpu.wait_indirect_dma semaphore(%dma_wait3A_226 : memref<!tpu.dma_semaphore, #tpu.memory_space<semaphore_mem>>) src(%dma_wait3A_224 : memref<100000x128xf32, #tpu.memory_space<hbm>>) dst(%dma_wait3A_218 : memref<128x128xf32, #tpu.memory_space<vmem>>)
      %dma_wait3A_227 = arith.constant 1 : i32
      %dma_wait3A_228 = arith.constant 1 : i32
      %dma_wait3A_229 = arith.constant 0 : i32
      %dma_wait3A_230 = arith.constant 0 : i32
      %dma_wait3A_231 = tpu.memref_slice %arg10[%dma_wait3A_227, %dma_wait3A_229, %dma_wait3A_230] : memref<2x128x128xf32, #tpu.memory_space<vmem>> -> memref<1x128x128xf32, #tpu.memory_space<vmem>>
      %dma_wait3A_232 = tpu.memref_squeeze %dma_wait3A_231 : memref<1x128x128xf32, #tpu.memory_space<vmem>> -> memref<128x128xf32, #tpu.memory_space<vmem>>
      %dma_wait3A_233 = arith.constant 128 : i32
      %dma_wait3A_234 = tpu.memref_slice %arg8[%select_n3A_139, %dma_wait3A_233] : memref<2x512xi32, #tpu.memory_space<vmem>> -> memref<1x128xi32, #tpu.memory_space<vmem>>
      %dma_wait3A_235 = tpu.memref_squeeze %dma_wait3A_234 : memref<1x128xi32, #tpu.memory_space<vmem>> -> memref<128xi32, #tpu.memory_space<vmem>>
      %dma_wait3A_236 = arith.constant 0 : i32
      %dma_wait3A_237 = arith.constant 0 : i32
      %dma_wait3A_238 = tpu.memref_slice %arg12[%dma_wait3A_236, %dma_wait3A_237] : memref<1000x128xf32, #tpu.memory_space<vmem_shared>> -> memref<1000x128xf32, #tpu.memory_space<vmem_shared>>
      %dma_wait3A_239 = tpu.memref_slice %arg15[%dma_wait3A_228] : memref<2x!tpu.dma_semaphore, #tpu.memory_space<semaphore_mem>> -> memref<1x!tpu.dma_semaphore, #tpu.memory_space<semaphore_mem>>
      %dma_wait3A_240 = tpu.memref_squeeze %dma_wait3A_239 : memref<1x!tpu.dma_semaphore, #tpu.memory_space<semaphore_mem>> -> memref<!tpu.dma_semaphore, #tpu.memory_space<semaphore_mem>>
      tpu.wait_indirect_dma semaphore(%dma_wait3A_240 : memref<!tpu.dma_semaphore, #tpu.memory_space<semaphore_mem>>) src(%dma_wait3A_238 : memref<1000x128xf32, #tpu.memory_space<vmem_shared>>) dst(%dma_wait3A_232 : memref<128x128xf32, #tpu.memory_space<vmem>>)
      %ge3A_241 = arith.constant 2 : i32
      %ge3A_242 = arith.cmpi sge, %add3A_212, %ge3A_241 : i32
      %convert_element_type3A_243 = arith.extui %ge3A_242 : i1 to i32
      %cond3A_244 = arith.constant 0 : i32
      %cond3A_245 = arith.cmpi ne, %convert_element_type3A_243, %cond3A_244 : i32
      scf.if %cond3A_245 {
        %dma_wait3A_423 = arith.constant 1 : i32
        %dma_wait3A_424 = arith.constant 1 : i32
        %dma_wait3A_425 = arith.constant 0 : i32
        %dma_wait3A_426 = arith.constant 0 : i32
        %dma_wait3A_427 = tpu.memref_slice %arg11[%dma_wait3A_423, %dma_wait3A_425, %dma_wait3A_426] : memref<2x128x128xf32, #tpu.memory_space<vmem>> -> memref<1x128x128xf32, #tpu.memory_space<vmem>>
        %dma_wait3A_428 = tpu.memref_squeeze %dma_wait3A_427 : memref<1x128x128xf32, #tpu.memory_space<vmem>> -> memref<128x128xf32, #tpu.memory_space<vmem>>
        %dma_wait3A_429 = arith.constant 0 : i32
        %dma_wait3A_430 = tpu.memref_slice %arg6[%mul3A_2, %dma_wait3A_429] : memref<819200x128xf32, #tpu.memory_space<hbm>> -> memref<128x128xf32, #tpu.memory_space<hbm>>
        %dma_wait3A_431 = tpu.memref_slice %arg16[%dma_wait3A_424] : memref<2x!tpu.dma_semaphore, #tpu.memory_space<semaphore_mem>> -> memref<1x!tpu.dma_semaphore, #tpu.memory_space<semaphore_mem>>
        %dma_wait3A_432 = tpu.memref_squeeze %dma_wait3A_431 : memref<1x!tpu.dma_semaphore, #tpu.memory_space<semaphore_mem>> -> memref<!tpu.dma_semaphore, #tpu.memory_space<semaphore_mem>>
        %dma_wait3A_433 = arith.constant 0 : i32
        %dma_wait3A_434 = tpu.memref_slice %arg6[%mul3A_2, %dma_wait3A_433] : memref<819200x128xf32, #tpu.memory_space<hbm>> -> memref<128x128xf32, #tpu.memory_space<hbm>>
        %dma_wait3A_435 = arith.constant 0 : i32
        %dma_wait3A_436 = arith.constant 0 : i32
        %dma_wait3A_437 = tpu.memref_slice %arg11[%dma_wait3A_423, %dma_wait3A_435, %dma_wait3A_436] : memref<2x128x128xf32, #tpu.memory_space<vmem>> -> memref<1x128x128xf32, #tpu.memory_space<vmem>>
        %dma_wait3A_438 = tpu.memref_squeeze %dma_wait3A_437 : memref<1x128x128xf32, #tpu.memory_space<vmem>> -> memref<128x128xf32, #tpu.memory_space<vmem>>
        tpu.wait_dma2 semaphore(%dma_wait3A_432 : memref<!tpu.dma_semaphore, #tpu.memory_space<semaphore_mem>>) src(%dma_wait3A_438 : memref<128x128xf32, #tpu.memory_space<vmem>>) dst(%dma_wait3A_434 : memref<128x128xf32, #tpu.memory_space<hbm>>)
      } else {
      }
      %scan3A_246 = arith.constant 0 : i32
      %scan3A_247 = arith.constant 0 : i32
      %scan3A_248 = arith.constant 32 : i32
      %scan3A_249 = arith.addi %scan3A_247, %scan3A_248 : i32
      %scan3A_250 = arith.constant 1 : i32
      scf.for %scan3A_423 = %scan3A_247 to %scan3A_249 step %scan3A_250  : i32 {
        %mul3A_424 = arith.constant 4 : i32
        %mul3A_425 = arith.muli %scan3A_423, %mul3A_424 : i32
        %add3A_426 = arith.constant 0 : i32
        %add3A_427 = arith.addi %mul3A_425, %add3A_426 : i32
        %get3A = arith.constant 1 : i32
        %get3A_428 = arith.index_cast %get3A : i32 to index
        %get3A_429 = arith.index_cast %add3A_427 : i32 to index
        %get3A_430 = arith.constant 0 : index
        %get3A_431 = tpu.vector_load %arg9[%get3A_428, %get3A_429, %get3A_430] {strides = array<i32>} : memref<2x128x128xf32, #tpu.memory_space<vmem>>, vector<1x1x16xf32>,
        %get3A_432 = vector.shape_cast %get3A_431 : vector<1x1x16xf32> to vector<16xf32>
        %get3A_433 = arith.constant 1 : i32
        %get3A_434 = arith.index_cast %get3A_433 : i32 to index
        %get3A_435 = arith.index_cast %add3A_427 : i32 to index
        %get3A_436 = arith.constant 0 : index
        %get3A_437 = tpu.vector_load %arg10[%get3A_434, %get3A_435, %get3A_436] {strides = array<i32>} : memref<2x128x128xf32, #tpu.memory_space<vmem>>, vector<1x1x16xf32>,
        %get3A_438 = vector.shape_cast %get3A_437 : vector<1x1x16xf32> to vector<16xf32>
        %add3A_439 = arith.addf %get3A_432, %get3A_438 : vector<16xf32>
        %swap3A = arith.constant 1 : i32
        %swap3A_440 = arith.index_cast %swap3A : i32 to index
        %swap3A_441 = arith.index_cast %add3A_427 : i32 to index
        %swap3A_442 = arith.constant 0 : index
        %swap3A_443 = tpu.vector_load %arg11[%swap3A_440, %swap3A_441, %swap3A_442] {strides = array<i32>} : memref<2x128x128xf32, #tpu.memory_space<vmem>>, vector<1x1x16xf32>,
        %swap3A_444 = vector.shape_cast %swap3A_443 : vector<1x1x16xf32> to vector<16xf32>
        %swap3A_445 = vector.shape_cast %add3A_439 : vector<16xf32> to vector<1x1x16xf32>
        tpu.vector_store %arg11[%swap3A_440, %swap3A_441, %swap3A_442], %swap3A_445 {strides = array<i32>} : memref<2x128x128xf32, #tpu.memory_space<vmem>>, vector<1x1x16xf32>,
        %get3A_446 = arith.constant 1 : i32
        %get3A_447 = arith.index_cast %get3A_446 : i32 to index
        %get3A_448 = arith.index_cast %add3A_427 : i32 to index
        %get3A_449 = arith.constant 16 : index
        %get3A_450 = tpu.vector_load %arg9[%get3A_447, %get3A_448, %get3A_449] {strides = array<i32>} : memref<2x128x128xf32, #tpu.memory_space<vmem>>, vector<1x1x16xf32>,
        %get3A_451 = vector.shape_cast %get3A_450 : vector<1x1x16xf32> to vector<16xf32>
        %get3A_452 = arith.constant 1 : i32
        %get3A_453 = arith.index_cast %get3A_452 : i32 to index
        %get3A_454 = arith.index_cast %add3A_427 : i32 to index
        %get3A_455 = arith.constant 16 : index
        %get3A_456 = tpu.vector_load %arg10[%get3A_453, %get3A_454, %get3A_455] {strides = array<i32>} : memref<2x128x128xf32, #tpu.memory_space<vmem>>, vector<1x1x16xf32>,
        %get3A_457 = vector.shape_cast %get3A_456 : vector<1x1x16xf32> to vector<16xf32>
        %add3A_458 = arith.addf %get3A_451, %get3A_457 : vector<16xf32>
        %swap3A_459 = arith.constant 1 : i32
        %swap3A_460 = arith.index_cast %swap3A_459 : i32 to index
        %swap3A_461 = arith.index_cast %add3A_427 : i32 to index
        %swap3A_462 = arith.constant 16 : index
        %swap3A_463 = tpu.vector_load %arg11[%swap3A_460, %swap3A_461, %swap3A_462] {strides = array<i32>} : memref<2x128x128xf32, #tpu.memory_space<vmem>>, vector<1x1x16xf32>,
        %swap3A_464 = vector.shape_cast %swap3A_463 : vector<1x1x16xf32> to vector<16xf32>
        %swap3A_465 = vector.shape_cast %add3A_458 : vector<16xf32> to vector<1x1x16xf32>
        tpu.vector_store %arg11[%swap3A_460, %swap3A_461, %swap3A_462], %swap3A_465 {strides = array<i32>} : memref<2x128x128xf32, #tpu.memory_space<vmem>>, vector<1x1x16xf32>,
        %get3A_466 = arith.constant 1 : i32
        %get3A_467 = arith.index_cast %get3A_466 : i32 to index
        %get3A_468 = arith.index_cast %add3A_427 : i32 to index
        %get3A_469 = arith.constant 32 : index
        %get3A_470 = tpu.vector_load %arg9[%get3A_467, %get3A_468, %get3A_469] {strides = array<i32>} : memref<2x128x128xf32, #tpu.memory_space<vmem>>, vector<1x1x16xf32>,
        %get3A_471 = vector.shape_cast %get3A_470 : vector<1x1x16xf32> to vector<16xf32>
        %get3A_472 = arith.constant 1 : i32
        %get3A_473 = arith.index_cast %get3A_472 : i32 to index
        %get3A_474 = arith.index_cast %add3A_427 : i32 to index
        %get3A_475 = arith.constant 32 : index
        %get3A_476 = tpu.vector_load %arg10[%get3A_473, %get3A_474, %get3A_475] {strides = array<i32>} : memref<2x128x128xf32, #tpu.memory_space<vmem>>, vector<1x1x16xf32>,
        %get3A_477 = vector.shape_cast %get3A_476 : vector<1x1x16xf32> to vector<16xf32>
        %add3A_478 = arith.addf %get3A_471, %get3A_477 : vector<16xf32>
        %swap3A_479 = arith.constant 1 : i32
        %swap3A_480 = arith.index_cast %swap3A_479 : i32 to index
        %swap3A_481 = arith.index_cast %add3A_427 : i32 to index
        %swap3A_482 = arith.constant 32 : index
        %swap3A_483 = tpu.vector_load %arg11[%swap3A_480, %swap3A_481, %swap3A_482] {strides = array<i32>} : memref<2x128x128xf32, #tpu.memory_space<vmem>>, vector<1x1x16xf32>,
        %swap3A_484 = vector.shape_cast %swap3A_483 : vector<1x1x16xf32> to vector<16xf32>
        %swap3A_485 = vector.shape_cast %add3A_478 : vector<16xf32> to vector<1x1x16xf32>
        tpu.vector_store %arg11[%swap3A_480, %swap3A_481, %swap3A_482], %swap3A_485 {strides = array<i32>} : memref<2x128x128xf32, #tpu.memory_space<vmem>>, vector<1x1x16xf32>,
        %get3A_486 = arith.constant 1 : i32
        %get3A_487 = arith.index_cast %get3A_486 : i32 to index
        %get3A_488 = arith.index_cast %add3A_427 : i32 to index
        %get3A_489 = arith.constant 48 : index
        %get3A_490 = tpu.vector_load %arg9[%get3A_487, %get3A_488, %get3A_489] {strides = array<i32>} : memref<2x128x128xf32, #tpu.memory_space<vmem>>, vector<1x1x16xf32>,
        %get3A_491 = vector.shape_cast %get3A_490 : vector<1x1x16xf32> to vector<16xf32>
        %get3A_492 = arith.constant 1 : i32
        %get3A_493 = arith.index_cast %get3A_492 : i32 to index
        %get3A_494 = arith.index_cast %add3A_427 : i32 to index
        %get3A_495 = arith.constant 48 : index
        %get3A_496 = tpu.vector_load %arg10[%get3A_493, %get3A_494, %get3A_495] {strides = array<i32>} : memref<2x128x128xf32, #tpu.memory_space<vmem>>, vector<1x1x16xf32>,
        %get3A_497 = vector.shape_cast %get3A_496 : vector<1x1x16xf32> to vector<16xf32>
        %add3A_498 = arith.addf %get3A_491, %get3A_497 : vector<16xf32>
        %swap3A_499 = arith.constant 1 : i32
        %swap3A_500 = arith.index_cast %swap3A_499 : i32 to index
        %swap3A_501 = arith.index_cast %add3A_427 : i32 to index
        %swap3A_502 = arith.constant 48 : index
        %swap3A_503 = tpu.vector_load %arg11[%swap3A_500, %swap3A_501, %swap3A_502] {strides = array<i32>} : memref<2x128x128xf32, #tpu.memory_space<vmem>>, vector<1x1x16xf32>,
        %swap3A_504 = vector.shape_cast %swap3A_503 : vector<1x1x16xf32> to vector<16xf32>
        %swap3A_505 = vector.shape_cast %add3A_498 : vector<16xf32> to vector<1x1x16xf32>
        tpu.vector_store %arg11[%swap3A_500, %swap3A_501, %swap3A_502], %swap3A_505 {strides = array<i32>} : memref<2x128x128xf32, #tpu.memory_space<vmem>>, vector<1x1x16xf32>,
        %get3A_506 = arith.constant 1 : i32
        %get3A_507 = arith.index_cast %get3A_506 : i32 to index
        %get3A_508 = arith.index_cast %add3A_427 : i32 to index
        %get3A_509 = arith.constant 64 : index
        %get3A_510 = tpu.vector_load %arg9[%get3A_507, %get3A_508, %get3A_509] {strides = array<i32>} : memref<2x128x128xf32, #tpu.memory_space<vmem>>, vector<1x1x16xf32>,
        %get3A_511 = vector.shape_cast %get3A_510 : vector<1x1x16xf32> to vector<16xf32>
        %get3A_512 = arith.constant 1 : i32
        %get3A_513 = arith.index_cast %get3A_512 : i32 to index
        %get3A_514 = arith.index_cast %add3A_427 : i32 to index
        %get3A_515 = arith.constant 64 : index
        %get3A_516 = tpu.vector_load %arg10[%get3A_513, %get3A_514, %get3A_515] {strides = array<i32>} : memref<2x128x128xf32, #tpu.memory_space<vmem>>, vector<1x1x16xf32>,
        %get3A_517 = vector.shape_cast %get3A_516 : vector<1x1x16xf32> to vector<16xf32>
        %add3A_518 = arith.addf %get3A_511, %get3A_517 : vector<16xf32>
        %swap3A_519 = arith.constant 1 : i32
        %swap3A_520 = arith.index_cast %swap3A_519 : i32 to index
        %swap3A_521 = arith.index_cast %add3A_427 : i32 to index
        %swap3A_522 = arith.constant 64 : index
        %swap3A_523 = tpu.vector_load %arg11[%swap3A_520, %swap3A_521, %swap3A_522] {strides = array<i32>} : memref<2x128x128xf32, #tpu.memory_space<vmem>>, vector<1x1x16xf32>,
        %swap3A_524 = vector.shape_cast %swap3A_523 : vector<1x1x16xf32> to vector<16xf32>
        %swap3A_525 = vector.shape_cast %add3A_518 : vector<16xf32> to vector<1x1x16xf32>
        tpu.vector_store %arg11[%swap3A_520, %swap3A_521, %swap3A_522], %swap3A_525 {strides = array<i32>} : memref<2x128x128xf32, #tpu.memory_space<vmem>>, vector<1x1x16xf32>,
        %get3A_526 = arith.constant 1 : i32
        %get3A_527 = arith.index_cast %get3A_526 : i32 to index
        %get3A_528 = arith.index_cast %add3A_427 : i32 to index
        %get3A_529 = arith.constant 80 : index
        %get3A_530 = tpu.vector_load %arg9[%get3A_527, %get3A_528, %get3A_529] {strides = array<i32>} : memref<2x128x128xf32, #tpu.memory_space<vmem>>, vector<1x1x16xf32>,
        %get3A_531 = vector.shape_cast %get3A_530 : vector<1x1x16xf32> to vector<16xf32>
        %get3A_532 = arith.constant 1 : i32
        %get3A_533 = arith.index_cast %get3A_532 : i32 to index
        %get3A_534 = arith.index_cast %add3A_427 : i32 to index
        %get3A_535 = arith.constant 80 : index
        %get3A_536 = tpu.vector_load %arg10[%get3A_533, %get3A_534, %get3A_535] {strides = array<i32>} : memref<2x128x128xf32, #tpu.memory_space<vmem>>, vector<1x1x16xf32>,
        %get3A_537 = vector.shape_cast %get3A_536 : vector<1x1x16xf32> to vector<16xf32>
        %add3A_538 = arith.addf %get3A_531, %get3A_537 : vector<16xf32>
        %swap3A_539 = arith.constant 1 : i32
        %swap3A_540 = arith.index_cast %swap3A_539 : i32 to index
        %swap3A_541 = arith.index_cast %add3A_427 : i32 to index
        %swap3A_542 = arith.constant 80 : index
        %swap3A_543 = tpu.vector_load %arg11[%swap3A_540, %swap3A_541, %swap3A_542] {strides = array<i32>} : memref<2x128x128xf32, #tpu.memory_space<vmem>>, vector<1x1x16xf32>,
        %swap3A_544 = vector.shape_cast %swap3A_543 : vector<1x1x16xf32> to vector<16xf32>
        %swap3A_545 = vector.shape_cast %add3A_538 : vector<16xf32> to vector<1x1x16xf32>
        tpu.vector_store %arg11[%swap3A_540, %swap3A_541, %swap3A_542], %swap3A_545 {strides = array<i32>} : memref<2x128x128xf32, #tpu.memory_space<vmem>>, vector<1x1x16xf32>,
        %get3A_546 = arith.constant 1 : i32
        %get3A_547 = arith.index_cast %get3A_546 : i32 to index
        %get3A_548 = arith.index_cast %add3A_427 : i32 to index
        %get3A_549 = arith.constant 96 : index
        %get3A_550 = tpu.vector_load %arg9[%get3A_547, %get3A_548, %get3A_549] {strides = array<i32>} : memref<2x128x128xf32, #tpu.memory_space<vmem>>, vector<1x1x16xf32>,
        %get3A_551 = vector.shape_cast %get3A_550 : vector<1x1x16xf32> to vector<16xf32>
        %get3A_552 = arith.constant 1 : i32
        %get3A_553 = arith.index_cast %get3A_552 : i32 to index
        %get3A_554 = arith.index_cast %add3A_427 : i32 to index
        %get3A_555 = arith.constant 96 : index
        %get3A_556 = tpu.vector_load %arg10[%get3A_553, %get3A_554, %get3A_555] {strides = array<i32>} : memref<2x128x128xf32, #tpu.memory_space<vmem>>, vector<1x1x16xf32>,
        %get3A_557 = vector.shape_cast %get3A_556 : vector<1x1x16xf32> to vector<16xf32>
        %add3A_558 = arith.addf %get3A_551, %get3A_557 : vector<16xf32>
        %swap3A_559 = arith.constant 1 : i32
        %swap3A_560 = arith.index_cast %swap3A_559 : i32 to index
        %swap3A_561 = arith.index_cast %add3A_427 : i32 to index
        %swap3A_562 = arith.constant 96 : index
        %swap3A_563 = tpu.vector_load %arg11[%swap3A_560, %swap3A_561, %swap3A_562] {strides = array<i32>} : memref<2x128x128xf32, #tpu.memory_space<vmem>>, vector<1x1x16xf32>,
        %swap3A_564 = vector.shape_cast %swap3A_563 : vector<1x1x16xf32> to vector<16xf32>
        %swap3A_565 = vector.shape_cast %add3A_558 : vector<16xf32> to vector<1x1x16xf32>
        tpu.vector_store %arg11[%swap3A_560, %swap3A_561, %swap3A_562], %swap3A_565 {strides = array<i32>} : memref<2x128x128xf32, #tpu.memory_space<vmem>>, vector<1x1x16xf32>,
        %get3A_566 = arith.constant 1 : i32
        %get3A_567 = arith.index_cast %get3A_566 : i32 to index
        %get3A_568 = arith.index_cast %add3A_427 : i32 to index
        %get3A_569 = arith.constant 112 : index
        %get3A_570 = tpu.vector_load %arg9[%get3A_567, %get3A_568, %get3A_569] {strides = array<i32>} : memref<2x128x128xf32, #tpu.memory_space<vmem>>, vector<1x1x16xf32>,
        %get3A_571 = vector.shape_cast %get3A_570 : vector<1x1x16xf32> to vector<16xf32>
        %get3A_572 = arith.constant 1 : i32
        %get3A_573 = arith.index_cast %get3A_572 : i32 to index
        %get3A_574 = arith.index_cast %add3A_427 : i32 to index
        %get3A_575 = arith.constant 112 : index
        %get3A_576 = tpu.vector_load %arg10[%get3A_573, %get3A_574, %get3A_575] {strides = array<i32>} : memref<2x128x128xf32, #tpu.memory_space<vmem>>, vector<1x1x16xf32>,
        %get3A_577 = vector.shape_cast %get3A_576 : vector<1x1x16xf32> to vector<16xf32>
        %add3A_578 = arith.addf %get3A_571, %get3A_577 : vector<16xf32>
        %swap3A_579 = arith.constant 1 : i32
        %swap3A_580 = arith.index_cast %swap3A_579 : i32 to index
        %swap3A_581 = arith.index_cast %add3A_427 : i32 to index
        %swap3A_582 = arith.constant 112 : index
        %swap3A_583 = tpu.vector_load %arg11[%swap3A_580, %swap3A_581, %swap3A_582] {strides = array<i32>} : memref<2x128x128xf32, #tpu.memory_space<vmem>>, vector<1x1x16xf32>,
        %swap3A_584 = vector.shape_cast %swap3A_583 : vector<1x1x16xf32> to vector<16xf32>
        %swap3A_585 = vector.shape_cast %add3A_578 : vector<16xf32> to vector<1x1x16xf32>
        tpu.vector_store %arg11[%swap3A_580, %swap3A_581, %swap3A_582], %swap3A_585 {strides = array<i32>} : memref<2x128x128xf32, #tpu.memory_space<vmem>>, vector<1x1x16xf32>,
        %mul3A_586 = arith.constant 4 : i32
        %mul3A_587 = arith.muli %scan3A_423, %mul3A_586 : i32
        %add3A_588 = arith.constant 1 : i32
        %add3A_589 = arith.addi %mul3A_587, %add3A_588 : i32
        %get3A_590 = arith.constant 1 : i32
        %get3A_591 = arith.index_cast %get3A_590 : i32 to index
        %get3A_592 = arith.index_cast %add3A_589 : i32 to index
        %get3A_593 = arith.constant 0 : index
        %get3A_594 = tpu.vector_load %arg9[%get3A_591, %get3A_592, %get3A_593] {strides = array<i32>} : memref<2x128x128xf32, #tpu.memory_space<vmem>>, vector<1x1x16xf32>,
        %get3A_595 = vector.shape_cast %get3A_594 : vector<1x1x16xf32> to vector<16xf32>
        %get3A_596 = arith.constant 1 : i32
        %get3A_597 = arith.index_cast %get3A_596 : i32 to index
        %get3A_598 = arith.index_cast %add3A_589 : i32 to index
        %get3A_599 = arith.constant 0 : index
        %get3A_600 = tpu.vector_load %arg10[%get3A_597, %get3A_598, %get3A_599] {strides = array<i32>} : memref<2x128x128xf32, #tpu.memory_space<vmem>>, vector<1x1x16xf32>,
        %get3A_601 = vector.shape_cast %get3A_600 : vector<1x1x16xf32> to vector<16xf32>
        %add3A_602 = arith.addf %get3A_595, %get3A_601 : vector<16xf32>
        %swap3A_603 = arith.constant 1 : i32
        %swap3A_604 = arith.index_cast %swap3A_603 : i32 to index
        %swap3A_605 = arith.index_cast %add3A_589 : i32 to index
        %swap3A_606 = arith.constant 0 : index
        %swap3A_607 = tpu.vector_load %arg11[%swap3A_604, %swap3A_605, %swap3A_606] {strides = array<i32>} : memref<2x128x128xf32, #tpu.memory_space<vmem>>, vector<1x1x16xf32>,
        %swap3A_608 = vector.shape_cast %swap3A_607 : vector<1x1x16xf32> to vector<16xf32>
        %swap3A_609 = vector.shape_cast %add3A_602 : vector<16xf32> to vector<1x1x16xf32>
        tpu.vector_store %arg11[%swap3A_604, %swap3A_605, %swap3A_606], %swap3A_609 {strides = array<i32>} : memref<2x128x128xf32, #tpu.memory_space<vmem>>, vector<1x1x16xf32>,
        %get3A_610 = arith.constant 1 : i32
        %get3A_611 = arith.index_cast %get3A_610 : i32 to index
        %get3A_612 = arith.index_cast %add3A_589 : i32 to index
        %get3A_613 = arith.constant 16 : index
        %get3A_614 = tpu.vector_load %arg9[%get3A_611, %get3A_612, %get3A_613] {strides = array<i32>} : memref<2x128x128xf32, #tpu.memory_space<vmem>>, vector<1x1x16xf32>,
        %get3A_615 = vector.shape_cast %get3A_614 : vector<1x1x16xf32> to vector<16xf32>
        %get3A_616 = arith.constant 1 : i32
        %get3A_617 = arith.index_cast %get3A_616 : i32 to index
        %get3A_618 = arith.index_cast %add3A_589 : i32 to index
        %get3A_619 = arith.constant 16 : index
        %get3A_620 = tpu.vector_load %arg10[%get3A_617, %get3A_618, %get3A_619] {strides = array<i32>} : memref<2x128x128xf32, #tpu.memory_space<vmem>>, vector<1x1x16xf32>,
        %get3A_621 = vector.shape_cast %get3A_620 : vector<1x1x16xf32> to vector<16xf32>
        %add3A_622 = arith.addf %get3A_615, %get3A_621 : vector<16xf32>
        %swap3A_623 = arith.constant 1 : i32
        %swap3A_624 = arith.index_cast %swap3A_623 : i32 to index
        %swap3A_625 = arith.index_cast %add3A_589 : i32 to index
        %swap3A_626 = arith.constant 16 : index
        %swap3A_627 = tpu.vector_load %arg11[%swap3A_624, %swap3A_625, %swap3A_626] {strides = array<i32>} : memref<2x128x128xf32, #tpu.memory_space<vmem>>, vector<1x1x16xf32>,
        %swap3A_628 = vector.shape_cast %swap3A_627 : vector<1x1x16xf32> to vector<16xf32>
        %swap3A_629 = vector.shape_cast %add3A_622 : vector<16xf32> to vector<1x1x16xf32>
        tpu.vector_store %arg11[%swap3A_624, %swap3A_625, %swap3A_626], %swap3A_629 {strides = array<i32>} : memref<2x128x128xf32, #tpu.memory_space<vmem>>, vector<1x1x16xf32>,
        %get3A_630 = arith.constant 1 : i32
        %get3A_631 = arith.index_cast %get3A_630 : i32 to index
        %get3A_632 = arith.index_cast %add3A_589 : i32 to index
        %get3A_633 = arith.constant 32 : index
        %get3A_634 = tpu.vector_load %arg9[%get3A_631, %get3A_632, %get3A_633] {strides = array<i32>} : memref<2x128x128xf32, #tpu.memory_space<vmem>>, vector<1x1x16xf32>,
        %get3A_635 = vector.shape_cast %get3A_634 : vector<1x1x16xf32> to vector<16xf32>
        %get3A_636 = arith.constant 1 : i32
        %get3A_637 = arith.index_cast %get3A_636 : i32 to index
        %get3A_638 = arith.index_cast %add3A_589 : i32 to index
        %get3A_639 = arith.constant 32 : index
        %get3A_640 = tpu.vector_load %arg10[%get3A_637, %get3A_638, %get3A_639] {strides = array<i32>} : memref<2x128x128xf32, #tpu.memory_space<vmem>>, vector<1x1x16xf32>,
        %get3A_641 = vector.shape_cast %get3A_640 : vector<1x1x16xf32> to vector<16xf32>
        %add3A_642 = arith.addf %get3A_635, %get3A_641 : vector<16xf32>
        %swap3A_643 = arith.constant 1 : i32
        %swap3A_644 = arith.index_cast %swap3A_643 : i32 to index
        %swap3A_645 = arith.index_cast %add3A_589 : i32 to index
        %swap3A_646 = arith.constant 32 : index
        %swap3A_647 = tpu.vector_load %arg11[%swap3A_644, %swap3A_645, %swap3A_646] {strides = array<i32>} : memref<2x128x128xf32, #tpu.memory_space<vmem>>, vector<1x1x16xf32>,
        %swap3A_648 = vector.shape_cast %swap3A_647 : vector<1x1x16xf32> to vector<16xf32>
        %swap3A_649 = vector.shape_cast %add3A_642 : vector<16xf32> to vector<1x1x16xf32>
        tpu.vector_store %arg11[%swap3A_644, %swap3A_645, %swap3A_646], %swap3A_649 {strides = array<i32>} : memref<2x128x128xf32, #tpu.memory_space<vmem>>, vector<1x1x16xf32>,
        %get3A_650 = arith.constant 1 : i32
        %get3A_651 = arith.index_cast %get3A_650 : i32 to index
        %get3A_652 = arith.index_cast %add3A_589 : i32 to index
        %get3A_653 = arith.constant 48 : index
        %get3A_654 = tpu.vector_load %arg9[%get3A_651, %get3A_652, %get3A_653] {strides = array<i32>} : memref<2x128x128xf32, #tpu.memory_space<vmem>>, vector<1x1x16xf32>,
        %get3A_655 = vector.shape_cast %get3A_654 : vector<1x1x16xf32> to vector<16xf32>
        %get3A_656 = arith.constant 1 : i32
        %get3A_657 = arith.index_cast %get3A_656 : i32 to index
        %get3A_658 = arith.index_cast %add3A_589 : i32 to index
        %get3A_659 = arith.constant 48 : index
        %get3A_660 = tpu.vector_load %arg10[%get3A_657, %get3A_658, %get3A_659] {strides = array<i32>} : memref<2x128x128xf32, #tpu.memory_space<vmem>>, vector<1x1x16xf32>,
        %get3A_661 = vector.shape_cast %get3A_660 : vector<1x1x16xf32> to vector<16xf32>
        %add3A_662 = arith.addf %get3A_655, %get3A_661 : vector<16xf32>
        %swap3A_663 = arith.constant 1 : i32
        %swap3A_664 = arith.index_cast %swap3A_663 : i32 to index
        %swap3A_665 = arith.index_cast %add3A_589 : i32 to index
        %swap3A_666 = arith.constant 48 : index
        %swap3A_667 = tpu.vector_load %arg11[%swap3A_664, %swap3A_665, %swap3A_666] {strides = array<i32>} : memref<2x128x128xf32, #tpu.memory_space<vmem>>, vector<1x1x16xf32>,
        %swap3A_668 = vector.shape_cast %swap3A_667 : vector<1x1x16xf32> to vector<16xf32>
        %swap3A_669 = vector.shape_cast %add3A_662 : vector<16xf32> to vector<1x1x16xf32>
        tpu.vector_store %arg11[%swap3A_664, %swap3A_665, %swap3A_666], %swap3A_669 {strides = array<i32>} : memref<2x128x128xf32, #tpu.memory_space<vmem>>, vector<1x1x16xf32>,
        %get3A_670 = arith.constant 1 : i32
        %get3A_671 = arith.index_cast %get3A_670 : i32 to index
        %get3A_672 = arith.index_cast %add3A_589 : i32 to index
        %get3A_673 = arith.constant 64 : index
        %get3A_674 = tpu.vector_load %arg9[%get3A_671, %get3A_672, %get3A_673] {strides = array<i32>} : memref<2x128x128xf32, #tpu.memory_space<vmem>>, vector<1x1x16xf32>,
        %get3A_675 = vector.shape_cast %get3A_674 : vector<1x1x16xf32> to vector<16xf32>
        %get3A_676 = arith.constant 1 : i32
        %get3A_677 = arith.index_cast %get3A_676 : i32 to index
        %get3A_678 = arith.index_cast %add3A_589 : i32 to index
        %get3A_679 = arith.constant 64 : index
        %get3A_680 = tpu.vector_load %arg10[%get3A_677, %get3A_678, %get3A_679] {strides = array<i32>} : memref<2x128x128xf32, #tpu.memory_space<vmem>>, vector<1x1x16xf32>,
        %get3A_681 = vector.shape_cast %get3A_680 : vector<1x1x16xf32> to vector<16xf32>
        %add3A_682 = arith.addf %get3A_675, %get3A_681 : vector<16xf32>
        %swap3A_683 = arith.constant 1 : i32
        %swap3A_684 = arith.index_cast %swap3A_683 : i32 to index
        %swap3A_685 = arith.index_cast %add3A_589 : i32 to index
        %swap3A_686 = arith.constant 64 : index
        %swap3A_687 = tpu.vector_load %arg11[%swap3A_684, %swap3A_685, %swap3A_686] {strides = array<i32>} : memref<2x128x128xf32, #tpu.memory_space<vmem>>, vector<1x1x16xf32>,
        %swap3A_688 = vector.shape_cast %swap3A_687 : vector<1x1x16xf32> to vector<16xf32>
        %swap3A_689 = vector.shape_cast %add3A_682 : vector<16xf32> to vector<1x1x16xf32>
        tpu.vector_store %arg11[%swap3A_684, %swap3A_685, %swap3A_686], %swap3A_689 {strides = array<i32>} : memref<2x128x128xf32, #tpu.memory_space<vmem>>, vector<1x1x16xf32>,
        %get3A_690 = arith.constant 1 : i32
        %get3A_691 = arith.index_cast %get3A_690 : i32 to index
        %get3A_692 = arith.index_cast %add3A_589 : i32 to index
        %get3A_693 = arith.constant 80 : index
        %get3A_694 = tpu.vector_load %arg9[%get3A_691, %get3A_692, %get3A_693] {strides = array<i32>} : memref<2x128x128xf32, #tpu.memory_space<vmem>>, vector<1x1x16xf32>,
        %get3A_695 = vector.shape_cast %get3A_694 : vector<1x1x16xf32> to vector<16xf32>
        %get3A_696 = arith.constant 1 : i32
        %get3A_697 = arith.index_cast %get3A_696 : i32 to index
        %get3A_698 = arith.index_cast %add3A_589 : i32 to index
        %get3A_699 = arith.constant 80 : index
        %get3A_700 = tpu.vector_load %arg10[%get3A_697, %get3A_698, %get3A_699] {strides = array<i32>} : memref<2x128x128xf32, #tpu.memory_space<vmem>>, vector<1x1x16xf32>,
        %get3A_701 = vector.shape_cast %get3A_700 : vector<1x1x16xf32> to vector<16xf32>
        %add3A_702 = arith.addf %get3A_695, %get3A_701 : vector<16xf32>
        %swap3A_703 = arith.constant 1 : i32
        %swap3A_704 = arith.index_cast %swap3A_703 : i32 to index
        %swap3A_705 = arith.index_cast %add3A_589 : i32 to index
        %swap3A_706 = arith.constant 80 : index
        %swap3A_707 = tpu.vector_load %arg11[%swap3A_704, %swap3A_705, %swap3A_706] {strides = array<i32>} : memref<2x128x128xf32, #tpu.memory_space<vmem>>, vector<1x1x16xf32>,
        %swap3A_708 = vector.shape_cast %swap3A_707 : vector<1x1x16xf32> to vector<16xf32>
        %swap3A_709 = vector.shape_cast %add3A_702 : vector<16xf32> to vector<1x1x16xf32>
        tpu.vector_store %arg11[%swap3A_704, %swap3A_705, %swap3A_706], %swap3A_709 {strides = array<i32>} : memref<2x128x128xf32, #tpu.memory_space<vmem>>, vector<1x1x16xf32>,
        %get3A_710 = arith.constant 1 : i32
        %get3A_711 = arith.index_cast %get3A_710 : i32 to index
        %get3A_712 = arith.index_cast %add3A_589 : i32 to index
        %get3A_713 = arith.constant 96 : index
        %get3A_714 = tpu.vector_load %arg9[%get3A_711, %get3A_712, %get3A_713] {strides = array<i32>} : memref<2x128x128xf32, #tpu.memory_space<vmem>>, vector<1x1x16xf32>,
        %get3A_715 = vector.shape_cast %get3A_714 : vector<1x1x16xf32> to vector<16xf32>
        %get3A_716 = arith.constant 1 : i32
        %get3A_717 = arith.index_cast %get3A_716 : i32 to index
        %get3A_718 = arith.index_cast %add3A_589 : i32 to index
        %get3A_719 = arith.constant 96 : index
        %get3A_720 = tpu.vector_load %arg10[%get3A_717, %get3A_718, %get3A_719] {strides = array<i32>} : memref<2x128x128xf32, #tpu.memory_space<vmem>>, vector<1x1x16xf32>,
        %get3A_721 = vector.shape_cast %get3A_720 : vector<1x1x16xf32> to vector<16xf32>
        %add3A_722 = arith.addf %get3A_715, %get3A_721 : vector<16xf32>
        %swap3A_723 = arith.constant 1 : i32
        %swap3A_724 = arith.index_cast %swap3A_723 : i32 to index
        %swap3A_725 = arith.index_cast %add3A_589 : i32 to index
        %swap3A_726 = arith.constant 96 : index
        %swap3A_727 = tpu.vector_load %arg11[%swap3A_724, %swap3A_725, %swap3A_726] {strides = array<i32>} : memref<2x128x128xf32, #tpu.memory_space<vmem>>, vector<1x1x16xf32>,
        %swap3A_728 = vector.shape_cast %swap3A_727 : vector<1x1x16xf32> to vector<16xf32>
        %swap3A_729 = vector.shape_cast %add3A_722 : vector<16xf32> to vector<1x1x16xf32>
        tpu.vector_store %arg11[%swap3A_724, %swap3A_725, %swap3A_726], %swap3A_729 {strides = array<i32>} : memref<2x128x128xf32, #tpu.memory_space<vmem>>, vector<1x1x16xf32>,
        %get3A_730 = arith.constant 1 : i32
        %get3A_731 = arith.index_cast %get3A_730 : i32 to index
        %get3A_732 = arith.index_cast %add3A_589 : i32 to index
        %get3A_733 = arith.constant 112 : index
        %get3A_734 = tpu.vector_load %arg9[%get3A_731, %get3A_732, %get3A_733] {strides = array<i32>} : memref<2x128x128xf32, #tpu.memory_space<vmem>>, vector<1x1x16xf32>,
        %get3A_735 = vector.shape_cast %get3A_734 : vector<1x1x16xf32> to vector<16xf32>
        %get3A_736 = arith.constant 1 : i32
        %get3A_737 = arith.index_cast %get3A_736 : i32 to index
        %get3A_738 = arith.index_cast %add3A_589 : i32 to index
        %get3A_739 = arith.constant 112 : index
        %get3A_740 = tpu.vector_load %arg10[%get3A_737, %get3A_738, %get3A_739] {strides = array<i32>} : memref<2x128x128xf32, #tpu.memory_space<vmem>>, vector<1x1x16xf32>,
        %get3A_741 = vector.shape_cast %get3A_740 : vector<1x1x16xf32> to vector<16xf32>
        %add3A_742 = arith.addf %get3A_735, %get3A_741 : vector<16xf32>
        %swap3A_743 = arith.constant 1 : i32
        %swap3A_744 = arith.index_cast %swap3A_743 : i32 to index
        %swap3A_745 = arith.index_cast %add3A_589 : i32 to index
        %swap3A_746 = arith.constant 112 : index
        %swap3A_747 = tpu.vector_load %arg11[%swap3A_744, %swap3A_745, %swap3A_746] {strides = array<i32>} : memref<2x128x128xf32, #tpu.memory_space<vmem>>, vector<1x1x16xf32>,
        %swap3A_748 = vector.shape_cast %swap3A_747 : vector<1x1x16xf32> to vector<16xf32>
        %swap3A_749 = vector.shape_cast %add3A_742 : vector<16xf32> to vector<1x1x16xf32>
        tpu.vector_store %arg11[%swap3A_744, %swap3A_745, %swap3A_746], %swap3A_749 {strides = array<i32>} : memref<2x128x128xf32, #tpu.memory_space<vmem>>, vector<1x1x16xf32>,
        %mul3A_750 = arith.constant 4 : i32
        %mul3A_751 = arith.muli %scan3A_423, %mul3A_750 : i32
        %add3A_752 = arith.constant 2 : i32
        %add3A_753 = arith.addi %mul3A_751, %add3A_752 : i32
        %get3A_754 = arith.constant 1 : i32
        %get3A_755 = arith.index_cast %get3A_754 : i32 to index
        %get3A_756 = arith.index_cast %add3A_753 : i32 to index
        %get3A_757 = arith.constant 0 : index
        %get3A_758 = tpu.vector_load %arg9[%get3A_755, %get3A_756, %get3A_757] {strides = array<i32>} : memref<2x128x128xf32, #tpu.memory_space<vmem>>, vector<1x1x16xf32>,
        %get3A_759 = vector.shape_cast %get3A_758 : vector<1x1x16xf32> to vector<16xf32>
        %get3A_760 = arith.constant 1 : i32
        %get3A_761 = arith.index_cast %get3A_760 : i32 to index
        %get3A_762 = arith.index_cast %add3A_753 : i32 to index
        %get3A_763 = arith.constant 0 : index
        %get3A_764 = tpu.vector_load %arg10[%get3A_761, %get3A_762, %get3A_763] {strides = array<i32>} : memref<2x128x128xf32, #tpu.memory_space<vmem>>, vector<1x1x16xf32>,
        %get3A_765 = vector.shape_cast %get3A_764 : vector<1x1x16xf32> to vector<16xf32>
        %add3A_766 = arith.addf %get3A_759, %get3A_765 : vector<16xf32>
        %swap3A_767 = arith.constant 1 : i32
        %swap3A_768 = arith.index_cast %swap3A_767 : i32 to index
        %swap3A_769 = arith.index_cast %add3A_753 : i32 to index
        %swap3A_770 = arith.constant 0 : index
        %swap3A_771 = tpu.vector_load %arg11[%swap3A_768, %swap3A_769, %swap3A_770] {strides = array<i32>} : memref<2x128x128xf32, #tpu.memory_space<vmem>>, vector<1x1x16xf32>,
        %swap3A_772 = vector.shape_cast %swap3A_771 : vector<1x1x16xf32> to vector<16xf32>
        %swap3A_773 = vector.shape_cast %add3A_766 : vector<16xf32> to vector<1x1x16xf32>
        tpu.vector_store %arg11[%swap3A_768, %swap3A_769, %swap3A_770], %swap3A_773 {strides = array<i32>} : memref<2x128x128xf32, #tpu.memory_space<vmem>>, vector<1x1x16xf32>,
        %get3A_774 = arith.constant 1 : i32
        %get3A_775 = arith.index_cast %get3A_774 : i32 to index
        %get3A_776 = arith.index_cast %add3A_753 : i32 to index
        %get3A_777 = arith.constant 16 : index
        %get3A_778 = tpu.vector_load %arg9[%get3A_775, %get3A_776, %get3A_777] {strides = array<i32>} : memref<2x128x128xf32, #tpu.memory_space<vmem>>, vector<1x1x16xf32>,
        %get3A_779 = vector.shape_cast %get3A_778 : vector<1x1x16xf32> to vector<16xf32>
        %get3A_780 = arith.constant 1 : i32
        %get3A_781 = arith.index_cast %get3A_780 : i32 to index
        %get3A_782 = arith.index_cast %add3A_753 : i32 to index
        %get3A_783 = arith.constant 16 : index
        %get3A_784 = tpu.vector_load %arg10[%get3A_781, %get3A_782, %get3A_783] {strides = array<i32>} : memref<2x128x128xf32, #tpu.memory_space<vmem>>, vector<1x1x16xf32>,
        %get3A_785 = vector.shape_cast %get3A_784 : vector<1x1x16xf32> to vector<16xf32>
        %add3A_786 = arith.addf %get3A_779, %get3A_785 : vector<16xf32>
        %swap3A_787 = arith.constant 1 : i32
        %swap3A_788 = arith.index_cast %swap3A_787 : i32 to index
        %swap3A_789 = arith.index_cast %add3A_753 : i32 to index
        %swap3A_790 = arith.constant 16 : index
        %swap3A_791 = tpu.vector_load %arg11[%swap3A_788, %swap3A_789, %swap3A_790] {strides = array<i32>} : memref<2x128x128xf32, #tpu.memory_space<vmem>>, vector<1x1x16xf32>,
        %swap3A_792 = vector.shape_cast %swap3A_791 : vector<1x1x16xf32> to vector<16xf32>
        %swap3A_793 = vector.shape_cast %add3A_786 : vector<16xf32> to vector<1x1x16xf32>
        tpu.vector_store %arg11[%swap3A_788, %swap3A_789, %swap3A_790], %swap3A_793 {strides = array<i32>} : memref<2x128x128xf32, #tpu.memory_space<vmem>>, vector<1x1x16xf32>,
        %get3A_794 = arith.constant 1 : i32
        %get3A_795 = arith.index_cast %get3A_794 : i32 to index
        %get3A_796 = arith.index_cast %add3A_753 : i32 to index
        %get3A_797 = arith.constant 32 : index
        %get3A_798 = tpu.vector_load %arg9[%get3A_795, %get3A_796, %get3A_797] {strides = array<i32>} : memref<2x128x128xf32, #tpu.memory_space<vmem>>, vector<1x1x16xf32>,
        %get3A_799 = vector.shape_cast %get3A_798 : vector<1x1x16xf32> to vector<16xf32>
        %get3A_800 = arith.constant 1 : i32
        %get3A_801 = arith.index_cast %get3A_800 : i32 to index
        %get3A_802 = arith.index_cast %add3A_753 : i32 to index
        %get3A_803 = arith.constant 32 : index
        %get3A_804 = tpu.vector_load %arg10[%get3A_801, %get3A_802, %get3A_803] {strides = array<i32>} : memref<2x128x128xf32, #tpu.memory_space<vmem>>, vector<1x1x16xf32>,
        %get3A_805 = vector.shape_cast %get3A_804 : vector<1x1x16xf32> to vector<16xf32>
        %add3A_806 = arith.addf %get3A_799, %get3A_805 : vector<16xf32>
        %swap3A_807 = arith.constant 1 : i32
        %swap3A_808 = arith.index_cast %swap3A_807 : i32 to index
        %swap3A_809 = arith.index_cast %add3A_753 : i32 to index
        %swap3A_810 = arith.constant 32 : index
        %swap3A_811 = tpu.vector_load %arg11[%swap3A_808, %swap3A_809, %swap3A_810] {strides = array<i32>} : memref<2x128x128xf32, #tpu.memory_space<vmem>>, vector<1x1x16xf32>,
        %swap3A_812 = vector.shape_cast %swap3A_811 : vector<1x1x16xf32> to vector<16xf32>
        %swap3A_813 = vector.shape_cast %add3A_806 : vector<16xf32> to vector<1x1x16xf32>
        tpu.vector_store %arg11[%swap3A_808, %swap3A_809, %swap3A_810], %swap3A_813 {strides = array<i32>} : memref<2x128x128xf32, #tpu.memory_space<vmem>>, vector<1x1x16xf32>,
        %get3A_814 = arith.constant 1 : i32
        %get3A_815 = arith.index_cast %get3A_814 : i32 to index
        %get3A_816 = arith.index_cast %add3A_753 : i32 to index
        %get3A_817 = arith.constant 48 : index
        %get3A_818 = tpu.vector_load %arg9[%get3A_815, %get3A_816, %get3A_817] {strides = array<i32>} : memref<2x128x128xf32, #tpu.memory_space<vmem>>, vector<1x1x16xf32>,
        %get3A_819 = vector.shape_cast %get3A_818 : vector<1x1x16xf32> to vector<16xf32>
        %get3A_820 = arith.constant 1 : i32
        %get3A_821 = arith.index_cast %get3A_820 : i32 to index
        %get3A_822 = arith.index_cast %add3A_753 : i32 to index
        %get3A_823 = arith.constant 48 : index
        %get3A_824 = tpu.vector_load %arg10[%get3A_821, %get3A_822, %get3A_823] {strides = array<i32>} : memref<2x128x128xf32, #tpu.memory_space<vmem>>, vector<1x1x16xf32>,
        %get3A_825 = vector.shape_cast %get3A_824 : vector<1x1x16xf32> to vector<16xf32>
        %add3A_826 = arith.addf %get3A_819, %get3A_825 : vector<16xf32>
        %swap3A_827 = arith.constant 1 : i32
        %swap3A_828 = arith.index_cast %swap3A_827 : i32 to index
        %swap3A_829 = arith.index_cast %add3A_753 : i32 to index
        %swap3A_830 = arith.constant 48 : index
        %swap3A_831 = tpu.vector_load %arg11[%swap3A_828, %swap3A_829, %swap3A_830] {strides = array<i32>} : memref<2x128x128xf32, #tpu.memory_space<vmem>>, vector<1x1x16xf32>,
        %swap3A_832 = vector.shape_cast %swap3A_831 : vector<1x1x16xf32> to vector<16xf32>
        %swap3A_833 = vector.shape_cast %add3A_826 : vector<16xf32> to vector<1x1x16xf32>
        tpu.vector_store %arg11[%swap3A_828, %swap3A_829, %swap3A_830], %swap3A_833 {strides = array<i32>} : memref<2x128x128xf32, #tpu.memory_space<vmem>>, vector<1x1x16xf32>,
        %get3A_834 = arith.constant 1 : i32
        %get3A_835 = arith.index_cast %get3A_834 : i32 to index
        %get3A_836 = arith.index_cast %add3A_753 : i32 to index
        %get3A_837 = arith.constant 64 : index
        %get3A_838 = tpu.vector_load %arg9[%get3A_835, %get3A_836, %get3A_837] {strides = array<i32>} : memref<2x128x128xf32, #tpu.memory_space<vmem>>, vector<1x1x16xf32>,
        %get3A_839 = vector.shape_cast %get3A_838 : vector<1x1x16xf32> to vector<16xf32>
        %get3A_840 = arith.constant 1 : i32
        %get3A_841 = arith.index_cast %get3A_840 : i32 to index
        %get3A_842 = arith.index_cast %add3A_753 : i32 to index
        %get3A_843 = arith.constant 64 : index
        %get3A_844 = tpu.vector_load %arg10[%get3A_841, %get3A_842, %get3A_843] {strides = array<i32>} : memref<2x128x128xf32, #tpu.memory_space<vmem>>, vector<1x1x16xf32>,
        %get3A_845 = vector.shape_cast %get3A_844 : vector<1x1x16xf32> to vector<16xf32>
        %add3A_846 = arith.addf %get3A_839, %get3A_845 : vector<16xf32>
        %swap3A_847 = arith.constant 1 : i32
        %swap3A_848 = arith.index_cast %swap3A_847 : i32 to index
        %swap3A_849 = arith.index_cast %add3A_753 : i32 to index
        %swap3A_850 = arith.constant 64 : index
        %swap3A_851 = tpu.vector_load %arg11[%swap3A_848, %swap3A_849, %swap3A_850] {strides = array<i32>} : memref<2x128x128xf32, #tpu.memory_space<vmem>>, vector<1x1x16xf32>,
        %swap3A_852 = vector.shape_cast %swap3A_851 : vector<1x1x16xf32> to vector<16xf32>
        %swap3A_853 = vector.shape_cast %add3A_846 : vector<16xf32> to vector<1x1x16xf32>
        tpu.vector_store %arg11[%swap3A_848, %swap3A_849, %swap3A_850], %swap3A_853 {strides = array<i32>} : memref<2x128x128xf32, #tpu.memory_space<vmem>>, vector<1x1x16xf32>,
        %get3A_854 = arith.constant 1 : i32
        %get3A_855 = arith.index_cast %get3A_854 : i32 to index
        %get3A_856 = arith.index_cast %add3A_753 : i32 to index
        %get3A_857 = arith.constant 80 : index
        %get3A_858 = tpu.vector_load %arg9[%get3A_855, %get3A_856, %get3A_857] {strides = array<i32>} : memref<2x128x128xf32, #tpu.memory_space<vmem>>, vector<1x1x16xf32>,
        %get3A_859 = vector.shape_cast %get3A_858 : vector<1x1x16xf32> to vector<16xf32>
        %get3A_860 = arith.constant 1 : i32
        %get3A_861 = arith.index_cast %get3A_860 : i32 to index
        %get3A_862 = arith.index_cast %add3A_753 : i32 to index
        %get3A_863 = arith.constant 80 : index
        %get3A_864 = tpu.vector_load %arg10[%get3A_861, %get3A_862, %get3A_863] {strides = array<i32>} : memref<2x128x128xf32, #tpu.memory_space<vmem>>, vector<1x1x16xf32>,
        %get3A_865 = vector.shape_cast %get3A_864 : vector<1x1x16xf32> to vector<16xf32>
        %add3A_866 = arith.addf %get3A_859, %get3A_865 : vector<16xf32>
        %swap3A_867 = arith.constant 1 : i32
        %swap3A_868 = arith.index_cast %swap3A_867 : i32 to index
        %swap3A_869 = arith.index_cast %add3A_753 : i32 to index
        %swap3A_870 = arith.constant 80 : index
        %swap3A_871 = tpu.vector_load %arg11[%swap3A_868, %swap3A_869, %swap3A_870] {strides = array<i32>} : memref<2x128x128xf32, #tpu.memory_space<vmem>>, vector<1x1x16xf32>,
        %swap3A_872 = vector.shape_cast %swap3A_871 : vector<1x1x16xf32> to vector<16xf32>
        %swap3A_873 = vector.shape_cast %add3A_866 : vector<16xf32> to vector<1x1x16xf32>
        tpu.vector_store %arg11[%swap3A_868, %swap3A_869, %swap3A_870], %swap3A_873 {strides = array<i32>} : memref<2x128x128xf32, #tpu.memory_space<vmem>>, vector<1x1x16xf32>,
        %get3A_874 = arith.constant 1 : i32
        %get3A_875 = arith.index_cast %get3A_874 : i32 to index
        %get3A_876 = arith.index_cast %add3A_753 : i32 to index
        %get3A_877 = arith.constant 96 : index
        %get3A_878 = tpu.vector_load %arg9[%get3A_875, %get3A_876, %get3A_877] {strides = array<i32>} : memref<2x128x128xf32, #tpu.memory_space<vmem>>, vector<1x1x16xf32>,
        %get3A_879 = vector.shape_cast %get3A_878 : vector<1x1x16xf32> to vector<16xf32>
        %get3A_880 = arith.constant 1 : i32
        %get3A_881 = arith.index_cast %get3A_880 : i32 to index
        %get3A_882 = arith.index_cast %add3A_753 : i32 to index
        %get3A_883 = arith.constant 96 : index
        %get3A_884 = tpu.vector_load %arg10[%get3A_881, %get3A_882, %get3A_883] {strides = array<i32>} : memref<2x128x128xf32, #tpu.memory_space<vmem>>, vector<1x1x16xf32>,
        %get3A_885 = vector.shape_cast %get3A_884 : vector<1x1x16xf32> to vector<16xf32>
        %add3A_886 = arith.addf %get3A_879, %get3A_885 : vector<16xf32>
        %swap3A_887 = arith.constant 1 : i32
        %swap3A_888 = arith.index_cast %swap3A_887 : i32 to index
        %swap3A_889 = arith.index_cast %add3A_753 : i32 to index
        %swap3A_890 = arith.constant 96 : index
        %swap3A_891 = tpu.vector_load %arg11[%swap3A_888, %swap3A_889, %swap3A_890] {strides = array<i32>} : memref<2x128x128xf32, #tpu.memory_space<vmem>>, vector<1x1x16xf32>,
        %swap3A_892 = vector.shape_cast %swap3A_891 : vector<1x1x16xf32> to vector<16xf32>
        %swap3A_893 = vector.shape_cast %add3A_886 : vector<16xf32> to vector<1x1x16xf32>
        tpu.vector_store %arg11[%swap3A_888, %swap3A_889, %swap3A_890], %swap3A_893 {strides = array<i32>} : memref<2x128x128xf32, #tpu.memory_space<vmem>>, vector<1x1x16xf32>,
        %get3A_894 = arith.constant 1 : i32
        %get3A_895 = arith.index_cast %get3A_894 : i32 to index
        %get3A_896 = arith.index_cast %add3A_753 : i32 to index
        %get3A_897 = arith.constant 112 : index
        %get3A_898 = tpu.vector_load %arg9[%get3A_895, %get3A_896, %get3A_897] {strides = array<i32>} : memref<2x128x128xf32, #tpu.memory_space<vmem>>, vector<1x1x16xf32>,
        %get3A_899 = vector.shape_cast %get3A_898 : vector<1x1x16xf32> to vector<16xf32>
        %get3A_900 = arith.constant 1 : i32
        %get3A_901 = arith.index_cast %get3A_900 : i32 to index
        %get3A_902 = arith.index_cast %add3A_753 : i32 to index
        %get3A_903 = arith.constant 112 : index
        %get3A_904 = tpu.vector_load %arg10[%get3A_901, %get3A_902, %get3A_903] {strides = array<i32>} : memref<2x128x128xf32, #tpu.memory_space<vmem>>, vector<1x1x16xf32>,
        %get3A_905 = vector.shape_cast %get3A_904 : vector<1x1x16xf32> to vector<16xf32>
        %add3A_906 = arith.addf %get3A_899, %get3A_905 : vector<16xf32>
        %swap3A_907 = arith.constant 1 : i32
        %swap3A_908 = arith.index_cast %swap3A_907 : i32 to index
        %swap3A_909 = arith.index_cast %add3A_753 : i32 to index
        %swap3A_910 = arith.constant 112 : index
        %swap3A_911 = tpu.vector_load %arg11[%swap3A_908, %swap3A_909, %swap3A_910] {strides = array<i32>} : memref<2x128x128xf32, #tpu.memory_space<vmem>>, vector<1x1x16xf32>,
        %swap3A_912 = vector.shape_cast %swap3A_911 : vector<1x1x16xf32> to vector<16xf32>
        %swap3A_913 = vector.shape_cast %add3A_906 : vector<16xf32> to vector<1x1x16xf32>
        tpu.vector_store %arg11[%swap3A_908, %swap3A_909, %swap3A_910], %swap3A_913 {strides = array<i32>} : memref<2x128x128xf32, #tpu.memory_space<vmem>>, vector<1x1x16xf32>,
        %mul3A_914 = arith.constant 4 : i32
        %mul3A_915 = arith.muli %scan3A_423, %mul3A_914 : i32
        %add3A_916 = arith.constant 3 : i32
        %add3A_917 = arith.addi %mul3A_915, %add3A_916 : i32
        %get3A_918 = arith.constant 1 : i32
        %get3A_919 = arith.index_cast %get3A_918 : i32 to index
        %get3A_920 = arith.index_cast %add3A_917 : i32 to index
        %get3A_921 = arith.constant 0 : index
        %get3A_922 = tpu.vector_load %arg9[%get3A_919, %get3A_920, %get3A_921] {strides = array<i32>} : memref<2x128x128xf32, #tpu.memory_space<vmem>>, vector<1x1x16xf32>,
        %get3A_923 = vector.shape_cast %get3A_922 : vector<1x1x16xf32> to vector<16xf32>
        %get3A_924 = arith.constant 1 : i32
        %get3A_925 = arith.index_cast %get3A_924 : i32 to index
        %get3A_926 = arith.index_cast %add3A_917 : i32 to index
        %get3A_927 = arith.constant 0 : index
        %get3A_928 = tpu.vector_load %arg10[%get3A_925, %get3A_926, %get3A_927] {strides = array<i32>} : memref<2x128x128xf32, #tpu.memory_space<vmem>>, vector<1x1x16xf32>,
        %get3A_929 = vector.shape_cast %get3A_928 : vector<1x1x16xf32> to vector<16xf32>
        %add3A_930 = arith.addf %get3A_923, %get3A_929 : vector<16xf32>
        %swap3A_931 = arith.constant 1 : i32
        %swap3A_932 = arith.index_cast %swap3A_931 : i32 to index
        %swap3A_933 = arith.index_cast %add3A_917 : i32 to index
        %swap3A_934 = arith.constant 0 : index
        %swap3A_935 = tpu.vector_load %arg11[%swap3A_932, %swap3A_933, %swap3A_934] {strides = array<i32>} : memref<2x128x128xf32, #tpu.memory_space<vmem>>, vector<1x1x16xf32>,
        %swap3A_936 = vector.shape_cast %swap3A_935 : vector<1x1x16xf32> to vector<16xf32>
        %swap3A_937 = vector.shape_cast %add3A_930 : vector<16xf32> to vector<1x1x16xf32>
        tpu.vector_store %arg11[%swap3A_932, %swap3A_933, %swap3A_934], %swap3A_937 {strides = array<i32>} : memref<2x128x128xf32, #tpu.memory_space<vmem>>, vector<1x1x16xf32>,
        %get3A_938 = arith.constant 1 : i32
        %get3A_939 = arith.index_cast %get3A_938 : i32 to index
        %get3A_940 = arith.index_cast %add3A_917 : i32 to index
        %get3A_941 = arith.constant 16 : index
        %get3A_942 = tpu.vector_load %arg9[%get3A_939, %get3A_940, %get3A_941] {strides = array<i32>} : memref<2x128x128xf32, #tpu.memory_space<vmem>>, vector<1x1x16xf32>,
        %get3A_943 = vector.shape_cast %get3A_942 : vector<1x1x16xf32> to vector<16xf32>
        %get3A_944 = arith.constant 1 : i32
        %get3A_945 = arith.index_cast %get3A_944 : i32 to index
        %get3A_946 = arith.index_cast %add3A_917 : i32 to index
        %get3A_947 = arith.constant 16 : index
        %get3A_948 = tpu.vector_load %arg10[%get3A_945, %get3A_946, %get3A_947] {strides = array<i32>} : memref<2x128x128xf32, #tpu.memory_space<vmem>>, vector<1x1x16xf32>,
        %get3A_949 = vector.shape_cast %get3A_948 : vector<1x1x16xf32> to vector<16xf32>
        %add3A_950 = arith.addf %get3A_943, %get3A_949 : vector<16xf32>
        %swap3A_951 = arith.constant 1 : i32
        %swap3A_952 = arith.index_cast %swap3A_951 : i32 to index
        %swap3A_953 = arith.index_cast %add3A_917 : i32 to index
        %swap3A_954 = arith.constant 16 : index
        %swap3A_955 = tpu.vector_load %arg11[%swap3A_952, %swap3A_953, %swap3A_954] {strides = array<i32>} : memref<2x128x128xf32, #tpu.memory_space<vmem>>, vector<1x1x16xf32>,
        %swap3A_956 = vector.shape_cast %swap3A_955 : vector<1x1x16xf32> to vector<16xf32>
        %swap3A_957 = vector.shape_cast %add3A_950 : vector<16xf32> to vector<1x1x16xf32>
        tpu.vector_store %arg11[%swap3A_952, %swap3A_953, %swap3A_954], %swap3A_957 {strides = array<i32>} : memref<2x128x128xf32, #tpu.memory_space<vmem>>, vector<1x1x16xf32>,
        %get3A_958 = arith.constant 1 : i32
        %get3A_959 = arith.index_cast %get3A_958 : i32 to index
        %get3A_960 = arith.index_cast %add3A_917 : i32 to index
        %get3A_961 = arith.constant 32 : index
        %get3A_962 = tpu.vector_load %arg9[%get3A_959, %get3A_960, %get3A_961] {strides = array<i32>} : memref<2x128x128xf32, #tpu.memory_space<vmem>>, vector<1x1x16xf32>,
        %get3A_963 = vector.shape_cast %get3A_962 : vector<1x1x16xf32> to vector<16xf32>
        %get3A_964 = arith.constant 1 : i32
        %get3A_965 = arith.index_cast %get3A_964 : i32 to index
        %get3A_966 = arith.index_cast %add3A_917 : i32 to index
        %get3A_967 = arith.constant 32 : index
        %get3A_968 = tpu.vector_load %arg10[%get3A_965, %get3A_966, %get3A_967] {strides = array<i32>} : memref<2x128x128xf32, #tpu.memory_space<vmem>>, vector<1x1x16xf32>,
        %get3A_969 = vector.shape_cast %get3A_968 : vector<1x1x16xf32> to vector<16xf32>
        %add3A_970 = arith.addf %get3A_963, %get3A_969 : vector<16xf32>
        %swap3A_971 = arith.constant 1 : i32
        %swap3A_972 = arith.index_cast %swap3A_971 : i32 to index
        %swap3A_973 = arith.index_cast %add3A_917 : i32 to index
        %swap3A_974 = arith.constant 32 : index
        %swap3A_975 = tpu.vector_load %arg11[%swap3A_972, %swap3A_973, %swap3A_974] {strides = array<i32>} : memref<2x128x128xf32, #tpu.memory_space<vmem>>, vector<1x1x16xf32>,
        %swap3A_976 = vector.shape_cast %swap3A_975 : vector<1x1x16xf32> to vector<16xf32>
        %swap3A_977 = vector.shape_cast %add3A_970 : vector<16xf32> to vector<1x1x16xf32>
        tpu.vector_store %arg11[%swap3A_972, %swap3A_973, %swap3A_974], %swap3A_977 {strides = array<i32>} : memref<2x128x128xf32, #tpu.memory_space<vmem>>, vector<1x1x16xf32>,
        %get3A_978 = arith.constant 1 : i32
        %get3A_979 = arith.index_cast %get3A_978 : i32 to index
        %get3A_980 = arith.index_cast %add3A_917 : i32 to index
        %get3A_981 = arith.constant 48 : index
        %get3A_982 = tpu.vector_load %arg9[%get3A_979, %get3A_980, %get3A_981] {strides = array<i32>} : memref<2x128x128xf32, #tpu.memory_space<vmem>>, vector<1x1x16xf32>,
        %get3A_983 = vector.shape_cast %get3A_982 : vector<1x1x16xf32> to vector<16xf32>
        %get3A_984 = arith.constant 1 : i32
        %get3A_985 = arith.index_cast %get3A_984 : i32 to index
        %get3A_986 = arith.index_cast %add3A_917 : i32 to index
        %get3A_987 = arith.constant 48 : index
        %get3A_988 = tpu.vector_load %arg10[%get3A_985, %get3A_986, %get3A_987] {strides = array<i32>} : memref<2x128x128xf32, #tpu.memory_space<vmem>>, vector<1x1x16xf32>,
        %get3A_989 = vector.shape_cast %get3A_988 : vector<1x1x16xf32> to vector<16xf32>
        %add3A_990 = arith.addf %get3A_983, %get3A_989 : vector<16xf32>
        %swap3A_991 = arith.constant 1 : i32
        %swap3A_992 = arith.index_cast %swap3A_991 : i32 to index
        %swap3A_993 = arith.index_cast %add3A_917 : i32 to index
        %swap3A_994 = arith.constant 48 : index
        %swap3A_995 = tpu.vector_load %arg11[%swap3A_992, %swap3A_993, %swap3A_994] {strides = array<i32>} : memref<2x128x128xf32, #tpu.memory_space<vmem>>, vector<1x1x16xf32>,
        %swap3A_996 = vector.shape_cast %swap3A_995 : vector<1x1x16xf32> to vector<16xf32>
        %swap3A_997 = vector.shape_cast %add3A_990 : vector<16xf32> to vector<1x1x16xf32>
        tpu.vector_store %arg11[%swap3A_992, %swap3A_993, %swap3A_994], %swap3A_997 {strides = array<i32>} : memref<2x128x128xf32, #tpu.memory_space<vmem>>, vector<1x1x16xf32>,
        %get3A_998 = arith.constant 1 : i32
        %get3A_999 = arith.index_cast %get3A_998 : i32 to index
        %get3A_1000 = arith.index_cast %add3A_917 : i32 to index
        %get3A_1001 = arith.constant 64 : index
        %get3A_1002 = tpu.vector_load %arg9[%get3A_999, %get3A_1000, %get3A_1001] {strides = array<i32>} : memref<2x128x128xf32, #tpu.memory_space<vmem>>, vector<1x1x16xf32>,
        %get3A_1003 = vector.shape_cast %get3A_1002 : vector<1x1x16xf32> to vector<16xf32>
        %get3A_1004 = arith.constant 1 : i32
        %get3A_1005 = arith.index_cast %get3A_1004 : i32 to index
        %get3A_1006 = arith.index_cast %add3A_917 : i32 to index
        %get3A_1007 = arith.constant 64 : index
        %get3A_1008 = tpu.vector_load %arg10[%get3A_1005, %get3A_1006, %get3A_1007] {strides = array<i32>} : memref<2x128x128xf32, #tpu.memory_space<vmem>>, vector<1x1x16xf32>,
        %get3A_1009 = vector.shape_cast %get3A_1008 : vector<1x1x16xf32> to vector<16xf32>
        %add3A_1010 = arith.addf %get3A_1003, %get3A_1009 : vector<16xf32>
        %swap3A_1011 = arith.constant 1 : i32
        %swap3A_1012 = arith.index_cast %swap3A_1011 : i32 to index
        %swap3A_1013 = arith.index_cast %add3A_917 : i32 to index
        %swap3A_1014 = arith.constant 64 : index
        %swap3A_1015 = tpu.vector_load %arg11[%swap3A_1012, %swap3A_1013, %swap3A_1014] {strides = array<i32>} : memref<2x128x128xf32, #tpu.memory_space<vmem>>, vector<1x1x16xf32>,
        %swap3A_1016 = vector.shape_cast %swap3A_1015 : vector<1x1x16xf32> to vector<16xf32>
        %swap3A_1017 = vector.shape_cast %add3A_1010 : vector<16xf32> to vector<1x1x16xf32>
        tpu.vector_store %arg11[%swap3A_1012, %swap3A_1013, %swap3A_1014], %swap3A_1017 {strides = array<i32>} : memref<2x128x128xf32, #tpu.memory_space<vmem>>, vector<1x1x16xf32>,
        %get3A_1018 = arith.constant 1 : i32
        %get3A_1019 = arith.index_cast %get3A_1018 : i32 to index
        %get3A_1020 = arith.index_cast %add3A_917 : i32 to index
        %get3A_1021 = arith.constant 80 : index
        %get3A_1022 = tpu.vector_load %arg9[%get3A_1019, %get3A_1020, %get3A_1021] {strides = array<i32>} : memref<2x128x128xf32, #tpu.memory_space<vmem>>, vector<1x1x16xf32>,
        %get3A_1023 = vector.shape_cast %get3A_1022 : vector<1x1x16xf32> to vector<16xf32>
        %get3A_1024 = arith.constant 1 : i32
        %get3A_1025 = arith.index_cast %get3A_1024 : i32 to index
        %get3A_1026 = arith.index_cast %add3A_917 : i32 to index
        %get3A_1027 = arith.constant 80 : index
        %get3A_1028 = tpu.vector_load %arg10[%get3A_1025, %get3A_1026, %get3A_1027] {strides = array<i32>} : memref<2x128x128xf32, #tpu.memory_space<vmem>>, vector<1x1x16xf32>,
        %get3A_1029 = vector.shape_cast %get3A_1028 : vector<1x1x16xf32> to vector<16xf32>
        %add3A_1030 = arith.addf %get3A_1023, %get3A_1029 : vector<16xf32>
        %swap3A_1031 = arith.constant 1 : i32
        %swap3A_1032 = arith.index_cast %swap3A_1031 : i32 to index
        %swap3A_1033 = arith.index_cast %add3A_917 : i32 to index
        %swap3A_1034 = arith.constant 80 : index
        %swap3A_1035 = tpu.vector_load %arg11[%swap3A_1032, %swap3A_1033, %swap3A_1034] {strides = array<i32>} : memref<2x128x128xf32, #tpu.memory_space<vmem>>, vector<1x1x16xf32>,
        %swap3A_1036 = vector.shape_cast %swap3A_1035 : vector<1x1x16xf32> to vector<16xf32>
        %swap3A_1037 = vector.shape_cast %add3A_1030 : vector<16xf32> to vector<1x1x16xf32>
        tpu.vector_store %arg11[%swap3A_1032, %swap3A_1033, %swap3A_1034], %swap3A_1037 {strides = array<i32>} : memref<2x128x128xf32, #tpu.memory_space<vmem>>, vector<1x1x16xf32>,
        %get3A_1038 = arith.constant 1 : i32
        %get3A_1039 = arith.index_cast %get3A_1038 : i32 to index
        %get3A_1040 = arith.index_cast %add3A_917 : i32 to index
        %get3A_1041 = arith.constant 96 : index
        %get3A_1042 = tpu.vector_load %arg9[%get3A_1039, %get3A_1040, %get3A_1041] {strides = array<i32>} : memref<2x128x128xf32, #tpu.memory_space<vmem>>, vector<1x1x16xf32>,
        %get3A_1043 = vector.shape_cast %get3A_1042 : vector<1x1x16xf32> to vector<16xf32>
        %get3A_1044 = arith.constant 1 : i32
        %get3A_1045 = arith.index_cast %get3A_1044 : i32 to index
        %get3A_1046 = arith.index_cast %add3A_917 : i32 to index
        %get3A_1047 = arith.constant 96 : index
        %get3A_1048 = tpu.vector_load %arg10[%get3A_1045, %get3A_1046, %get3A_1047] {strides = array<i32>} : memref<2x128x128xf32, #tpu.memory_space<vmem>>, vector<1x1x16xf32>,
        %get3A_1049 = vector.shape_cast %get3A_1048 : vector<1x1x16xf32> to vector<16xf32>
        %add3A_1050 = arith.addf %get3A_1043, %get3A_1049 : vector<16xf32>
        %swap3A_1051 = arith.constant 1 : i32
        %swap3A_1052 = arith.index_cast %swap3A_1051 : i32 to index
        %swap3A_1053 = arith.index_cast %add3A_917 : i32 to index
        %swap3A_1054 = arith.constant 96 : index
        %swap3A_1055 = tpu.vector_load %arg11[%swap3A_1052, %swap3A_1053, %swap3A_1054] {strides = array<i32>} : memref<2x128x128xf32, #tpu.memory_space<vmem>>, vector<1x1x16xf32>,
        %swap3A_1056 = vector.shape_cast %swap3A_1055 : vector<1x1x16xf32> to vector<16xf32>
        %swap3A_1057 = vector.shape_cast %add3A_1050 : vector<16xf32> to vector<1x1x16xf32>
        tpu.vector_store %arg11[%swap3A_1052, %swap3A_1053, %swap3A_1054], %swap3A_1057 {strides = array<i32>} : memref<2x128x128xf32, #tpu.memory_space<vmem>>, vector<1x1x16xf32>,
        %get3A_1058 = arith.constant 1 : i32
        %get3A_1059 = arith.index_cast %get3A_1058 : i32 to index
        %get3A_1060 = arith.index_cast %add3A_917 : i32 to index
        %get3A_1061 = arith.constant 112 : index
        %get3A_1062 = tpu.vector_load %arg9[%get3A_1059, %get3A_1060, %get3A_1061] {strides = array<i32>} : memref<2x128x128xf32, #tpu.memory_space<vmem>>, vector<1x1x16xf32>,
        %get3A_1063 = vector.shape_cast %get3A_1062 : vector<1x1x16xf32> to vector<16xf32>
        %get3A_1064 = arith.constant 1 : i32
        %get3A_1065 = arith.index_cast %get3A_1064 : i32 to index
        %get3A_1066 = arith.index_cast %add3A_917 : i32 to index
        %get3A_1067 = arith.constant 112 : index
        %get3A_1068 = tpu.vector_load %arg10[%get3A_1065, %get3A_1066, %get3A_1067] {strides = array<i32>} : memref<2x128x128xf32, #tpu.memory_space<vmem>>, vector<1x1x16xf32>,
        %get3A_1069 = vector.shape_cast %get3A_1068 : vector<1x1x16xf32> to vector<16xf32>
        %add3A_1070 = arith.addf %get3A_1063, %get3A_1069 : vector<16xf32>
        %swap3A_1071 = arith.constant 1 : i32
        %swap3A_1072 = arith.index_cast %swap3A_1071 : i32 to index
        %swap3A_1073 = arith.index_cast %add3A_917 : i32 to index
        %swap3A_1074 = arith.constant 112 : index
        %swap3A_1075 = tpu.vector_load %arg11[%swap3A_1072, %swap3A_1073, %swap3A_1074] {strides = array<i32>} : memref<2x128x128xf32, #tpu.memory_space<vmem>>, vector<1x1x16xf32>,
        %swap3A_1076 = vector.shape_cast %swap3A_1075 : vector<1x1x16xf32> to vector<16xf32>
        %swap3A_1077 = vector.shape_cast %add3A_1070 : vector<16xf32> to vector<1x1x16xf32>
        tpu.vector_store %arg11[%swap3A_1072, %swap3A_1073, %swap3A_1074], %swap3A_1077 {strides = array<i32>} : memref<2x128x128xf32, #tpu.memory_space<vmem>>, vector<1x1x16xf32>,
      }
      %scan3A_251 = arith.constant 32 : i32
      %mul3A_252 = arith.constant 128 : i32
      %mul3A_253 = arith.muli %add3A_212, %mul3A_252 : i32
      %add3A_254 = arith.addi %mul3A_2, %mul3A_253 : i32
      %dma_start3A_255 = arith.constant 1 : i32
      %dma_start3A_256 = arith.constant 1 : i32
      %dma_start3A_257 = arith.constant 0 : i32
      %dma_start3A_258 = arith.constant 0 : i32
      %dma_start3A_259 = tpu.memref_slice %arg11[%dma_start3A_255, %dma_start3A_257, %dma_start3A_258] : memref<2x128x128xf32, #tpu.memory_space<vmem>> -> memref<1x128x128xf32, #tpu.memory_space<vmem>>
      %dma_start3A_260 = tpu.memref_squeeze %dma_start3A_259 : memref<1x128x128xf32, #tpu.memory_space<vmem>> -> memref<128x128xf32, #tpu.memory_space<vmem>>
      %dma_start3A_261 = arith.constant 0 : i32
      %dma_start3A_262 = tpu.memref_slice %arg6[%add3A_254, %dma_start3A_261] : memref<819200x128xf32, #tpu.memory_space<hbm>> -> memref<128x128xf32, #tpu.memory_space<hbm>>
      %dma_start3A_263 = tpu.memref_slice %arg16[%dma_start3A_256] : memref<2x!tpu.dma_semaphore, #tpu.memory_space<semaphore_mem>> -> memref<1x!tpu.dma_semaphore, #tpu.memory_space<semaphore_mem>>
      %dma_start3A_264 = tpu.memref_squeeze %dma_start3A_263 : memref<1x!tpu.dma_semaphore, #tpu.memory_space<semaphore_mem>> -> memref<!tpu.dma_semaphore, #tpu.memory_space<semaphore_mem>>
      %dma_start3A_265 = arith.constant 0 : i32
      %dma_start3A_266 = tpu.memref_slice %arg6[%add3A_254, %dma_start3A_265] : memref<819200x128xf32, #tpu.memory_space<hbm>> -> memref<128x128xf32, #tpu.memory_space<hbm>>
      %dma_start3A_267 = arith.constant 0 : i32
      %dma_start3A_268 = arith.constant 0 : i32
      %dma_start3A_269 = tpu.memref_slice %arg11[%dma_start3A_255, %dma_start3A_267, %dma_start3A_268] : memref<2x128x128xf32, #tpu.memory_space<vmem>> -> memref<1x128x128xf32, #tpu.memory_space<vmem>>
      %dma_start3A_270 = tpu.memref_squeeze %dma_start3A_269 : memref<1x128x128xf32, #tpu.memory_space<vmem>> -> memref<128x128xf32, #tpu.memory_space<vmem>>
      tpu.enqueue_dma source(%dma_start3A_270 : memref<128x128xf32, #tpu.memory_space<vmem>>) target(%dma_start3A_266 : memref<128x128xf32, #tpu.memory_space<hbm>>) target_semaphore(%dma_start3A_264 : memref<!tpu.dma_semaphore, #tpu.memory_space<semaphore_mem>>)
      %add3A_271 = arith.constant 2 : i32
      %add3A_272 = arith.addi %add3A_212, %add3A_271 : i32
      %lt3A_273 = arith.constant 200 : i32
      %lt3A_274 = arith.cmpi slt, %add3A_272, %lt3A_273 : i32
      %convert_element_type3A_275 = arith.extui %lt3A_274 : i1 to i32
      %cond3A_276 = arith.constant 0 : i32
      %cond3A_277 = arith.cmpi ne, %convert_element_type3A_275, %cond3A_276 : i32
      scf.if %cond3A_277 {
        %dma_start3A_423 = arith.constant 1 : i32
        %dma_start3A_424 = arith.constant 1 : i32
        %dma_start3A_425 = arith.constant 0 : i32
        %dma_start3A_426 = arith.constant 0 : i32
        %dma_start3A_427 = tpu.memref_slice %arg9[%dma_start3A_423, %dma_start3A_425, %dma_start3A_426] : memref<2x128x128xf32, #tpu.memory_space<vmem>> -> memref<1x128x128xf32, #tpu.memory_space<vmem>>
        %dma_start3A_428 = tpu.memref_squeeze %dma_start3A_427 : memref<1x128x128xf32, #tpu.memory_space<vmem>> -> memref<128x128xf32, #tpu.memory_space<vmem>>
        %dma_start3A_429 = arith.constant 384 : i32
        %dma_start3A_430 = tpu.memref_slice %arg7[%select_n3A_139, %dma_start3A_429] : memref<2x512xi32, #tpu.memory_space<vmem>> -> memref<1x128xi32, #tpu.memory_space<vmem>>
        %dma_start3A_431 = tpu.memref_squeeze %dma_start3A_430 : memref<1x128xi32, #tpu.memory_space<vmem>> -> memref<128xi32, #tpu.memory_space<vmem>>
        %dma_start3A_432 = arith.constant 0 : i32
        %dma_start3A_433 = arith.constant 0 : i32
        %dma_start3A_434 = tpu.memref_slice %arg2[%dma_start3A_432, %dma_start3A_433] : memref<100000x128xf32, #tpu.memory_space<hbm>> -> memref<100000x128xf32, #tpu.memory_space<hbm>>
        %dma_start3A_435 = tpu.memref_slice %arg14[%dma_start3A_424] : memref<2x!tpu.dma_semaphore, #tpu.memory_space<semaphore_mem>> -> memref<1x!tpu.dma_semaphore, #tpu.memory_space<semaphore_mem>>
        %dma_start3A_436 = tpu.memref_squeeze %dma_start3A_435 : memref<1x!tpu.dma_semaphore, #tpu.memory_space<semaphore_mem>> -> memref<!tpu.dma_semaphore, #tpu.memory_space<semaphore_mem>>
        tpu.enqueue_indirect_dma source(%dma_start3A_434 : memref<100000x128xf32, #tpu.memory_space<hbm>>) target(%dma_start3A_428 : memref<128x128xf32, #tpu.memory_space<vmem>>) offsets(%dma_start3A_431 : memref<128xi32, #tpu.memory_space<vmem>>) semaphore(%dma_start3A_436 : memref<!tpu.dma_semaphore, #tpu.memory_space<semaphore_mem>>)
        %dma_start3A_437 = arith.constant 1 : i32
        %dma_start3A_438 = arith.constant 1 : i32
        %dma_start3A_439 = arith.constant 0 : i32
        %dma_start3A_440 = arith.constant 0 : i32
        %dma_start3A_441 = tpu.memref_slice %arg10[%dma_start3A_437, %dma_start3A_439, %dma_start3A_440] : memref<2x128x128xf32, #tpu.memory_space<vmem>> -> memref<1x128x128xf32, #tpu.memory_space<vmem>>
        %dma_start3A_442 = tpu.memref_squeeze %dma_start3A_441 : memref<1x128x128xf32, #tpu.memory_space<vmem>> -> memref<128x128xf32, #tpu.memory_space<vmem>>
        %dma_start3A_443 = arith.constant 384 : i32
        %dma_start3A_444 = tpu.memref_slice %arg8[%select_n3A_139, %dma_start3A_443] : memref<2x512xi32, #tpu.memory_space<vmem>> -> memref<1x128xi32, #tpu.memory_space<vmem>>
        %dma_start3A_445 = tpu.memref_squeeze %dma_start3A_444 : memref<1x128xi32, #tpu.memory_space<vmem>> -> memref<128xi32, #tpu.memory_space<vmem>>
        %dma_start3A_446 = arith.constant 0 : i32
        %dma_start3A_447 = arith.constant 0 : i32
        %dma_start3A_448 = tpu.memref_slice %arg12[%dma_start3A_446, %dma_start3A_447] : memref<1000x128xf32, #tpu.memory_space<vmem_shared>> -> memref<1000x128xf32, #tpu.memory_space<vmem_shared>>
        %dma_start3A_449 = tpu.memref_slice %arg15[%dma_start3A_438] : memref<2x!tpu.dma_semaphore, #tpu.memory_space<semaphore_mem>> -> memref<1x!tpu.dma_semaphore, #tpu.memory_space<semaphore_mem>>
        %dma_start3A_450 = tpu.memref_squeeze %dma_start3A_449 : memref<1x!tpu.dma_semaphore, #tpu.memory_space<semaphore_mem>> -> memref<!tpu.dma_semaphore, #tpu.memory_space<semaphore_mem>>
        tpu.enqueue_indirect_dma source(%dma_start3A_448 : memref<1000x128xf32, #tpu.memory_space<vmem_shared>>) target(%dma_start3A_442 : memref<128x128xf32, #tpu.memory_space<vmem>>) offsets(%dma_start3A_445 : memref<128xi32, #tpu.memory_space<vmem>>) semaphore(%dma_start3A_450 : memref<!tpu.dma_semaphore, #tpu.memory_space<semaphore_mem>>)
      } else {
      }
      %mul3A_278 = arith.constant 4 : i32
      %mul3A_279 = arith.muli %scan3A_129, %mul3A_278 : i32
      %add3A_280 = arith.constant 2 : i32
      %add3A_281 = arith.addi %mul3A_279, %add3A_280 : i32
      %dma_wait3A_282 = arith.constant 0 : i32
      %dma_wait3A_283 = arith.constant 0 : i32
      %dma_wait3A_284 = arith.constant 0 : i32
      %dma_wait3A_285 = arith.constant 0 : i32
      %dma_wait3A_286 = tpu.memref_slice %arg9[%dma_wait3A_282, %dma_wait3A_284, %dma_wait3A_285] : memref<2x128x128xf32, #tpu.memory_space<vmem>> -> memref<1x128x128xf32, #tpu.memory_space<vmem>>
      %dma_wait3A_287 = tpu.memref_squeeze %dma_wait3A_286 : memref<1x128x128xf32, #tpu.memory_space<vmem>> -> memref<128x128xf32, #tpu.memory_space<vmem>>
      %dma_wait3A_288 = arith.constant 256 : i32
      %dma_wait3A_289 = tpu.memref_slice %arg7[%select_n3A_139, %dma_wait3A_288] : memref<2x512xi32, #tpu.memory_space<vmem>> -> memref<1x128xi32, #tpu.memory_space<vmem>>
      %dma_wait3A_290 = tpu.memref_squeeze %dma_wait3A_289 : memref<1x128xi32, #tpu.memory_space<vmem>> -> memref<128xi32, #tpu.memory_space<vmem>>
      %dma_wait3A_291 = arith.constant 0 : i32
      %dma_wait3A_292 = arith.constant 0 : i32
      %dma_wait3A_293 = tpu.memref_slice %arg2[%dma_wait3A_291, %dma_wait3A_292] : memref<100000x128xf32, #tpu.memory_space<hbm>> -> memref<100000x128xf32, #tpu.memory_space<hbm>>
      %dma_wait3A_294 = tpu.memref_slice %arg14[%dma_wait3A_283] : memref<2x!tpu.dma_semaphore, #tpu.memory_space<semaphore_mem>> -> memref<1x!tpu.dma_semaphore, #tpu.memory_space<semaphore_mem>>
      %dma_wait3A_295 = tpu.memref_squeeze %dma_wait3A_294 : memref<1x!tpu.dma_semaphore, #tpu.memory_space<semaphore_mem>> -> memref<!tpu.dma_semaphore, #tpu.memory_space<semaphore_mem>>
      tpu.wait_indirect_dma semaphore(%dma_wait3A_295 : memref<!tpu.dma_semaphore, #tpu.memory_space<semaphore_mem>>) src(%dma_wait3A_293 : memref<100000x128xf32, #tpu.memory_space<hbm>>) dst(%dma_wait3A_287 : memref<128x128xf32, #tpu.memory_space<vmem>>)
      %dma_wait3A_296 = arith.constant 0 : i32
      %dma_wait3A_297 = arith.constant 0 : i32
      %dma_wait3A_298 = arith.constant 0 : i32
      %dma_wait3A_299 = arith.constant 0 : i32
      %dma_wait3A_300 = tpu.memref_slice %arg10[%dma_wait3A_296, %dma_wait3A_298, %dma_wait3A_299] : memref<2x128x128xf32, #tpu.memory_space<vmem>> -> memref<1x128x128xf32, #tpu.memory_space<vmem>>
      %dma_wait3A_301 = tpu.memref_squeeze %dma_wait3A_300 : memref<1x128x128xf32, #tpu.memory_space<vmem>> -> memref<128x128xf32, #tpu.memory_space<vmem>>
      %dma_wait3A_302 = arith.constant 256 : i32
      %dma_wait3A_303 = tpu.memref_slice %arg8[%select_n3A_139, %dma_wait3A_302] : memref<2x512xi32, #tpu.memory_space<vmem>> -> memref<1x128xi32, #tpu.memory_space<vmem>>
      %dma_wait3A_304 = tpu.memref_squeeze %dma_wait3A_303 : memref<1x128xi32, #tpu.memory_space<vmem>> -> memref<128xi32, #tpu.memory_space<vmem>>
      %dma_wait3A_305 = arith.constant 0 : i32
      %dma_wait3A_306 = arith.constant 0 : i32
      %dma_wait3A_307 = tpu.memref_slice %arg12[%dma_wait3A_305, %dma_wait3A_306] : memref<1000x128xf32, #tpu.memory_space<vmem_shared>> -> memref<1000x128xf32, #tpu.memory_space<vmem_shared>>
      %dma_wait3A_308 = tpu.memref_slice %arg15[%dma_wait3A_297] : memref<2x!tpu.dma_semaphore, #tpu.memory_space<semaphore_mem>> -> memref<1x!tpu.dma_semaphore, #tpu.memory_space<semaphore_mem>>
      %dma_wait3A_309 = tpu.memref_squeeze %dma_wait3A_308 : memref<1x!tpu.dma_semaphore, #tpu.memory_space<semaphore_mem>> -> memref<!tpu.dma_semaphore, #tpu.memory_space<semaphore_mem>>
      tpu.wait_indirect_dma semaphore(%dma_wait3A_309 : memref<!tpu.dma_semaphore, #tpu.memory_space<semaphore_mem>>) src(%dma_wait3A_307 : memref<1000x128xf32, #tpu.memory_space<vmem_shared>>) dst(%dma_wait3A_301 : memref<128x128xf32, #tpu.memory_space<vmem>>)
      %ge3A_310 = arith.constant 2 : i32
      %ge3A_311 = arith.cmpi sge, %add3A_281, %ge3A_310 : i32
      %convert_element_type3A_312 = arith.extui %ge3A_311 : i1 to i32
      %cond3A_313 = arith.constant 0 : i32
      %cond3A_314 = arith.cmpi ne, %convert_element_type3A_312, %cond3A_313 : i32
      scf.if %cond3A_314 {
        %dma_wait3A_423 = arith.constant 0 : i32
        %dma_wait3A_424 = arith.constant 0 : i32
        %dma_wait3A_425 = arith.constant 0 : i32
        %dma_wait3A_426 = arith.constant 0 : i32
        %dma_wait3A_427 = tpu.memref_slice %arg11[%dma_wait3A_423, %dma_wait3A_425, %dma_wait3A_426] : memref<2x128x128xf32, #tpu.memory_space<vmem>> -> memref<1x128x128xf32, #tpu.memory_space<vmem>>
        %dma_wait3A_428 = tpu.memref_squeeze %dma_wait3A_427 : memref<1x128x128xf32, #tpu.memory_space<vmem>> -> memref<128x128xf32, #tpu.memory_space<vmem>>
        %dma_wait3A_429 = arith.constant 0 : i32
        %dma_wait3A_430 = tpu.memref_slice %arg6[%mul3A_2, %dma_wait3A_429] : memref<819200x128xf32, #tpu.memory_space<hbm>> -> memref<128x128xf32, #tpu.memory_space<hbm>>
        %dma_wait3A_431 = tpu.memref_slice %arg16[%dma_wait3A_424] : memref<2x!tpu.dma_semaphore, #tpu.memory_space<semaphore_mem>> -> memref<1x!tpu.dma_semaphore, #tpu.memory_space<semaphore_mem>>
        %dma_wait3A_432 = tpu.memref_squeeze %dma_wait3A_431 : memref<1x!tpu.dma_semaphore, #tpu.memory_space<semaphore_mem>> -> memref<!tpu.dma_semaphore, #tpu.memory_space<semaphore_mem>>
        %dma_wait3A_433 = arith.constant 0 : i32
        %dma_wait3A_434 = tpu.memref_slice %arg6[%mul3A_2, %dma_wait3A_433] : memref<819200x128xf32, #tpu.memory_space<hbm>> -> memref<128x128xf32, #tpu.memory_space<hbm>>
        %dma_wait3A_435 = arith.constant 0 : i32
        %dma_wait3A_436 = arith.constant 0 : i32
        %dma_wait3A_437 = tpu.memref_slice %arg11[%dma_wait3A_423, %dma_wait3A_435, %dma_wait3A_436] : memref<2x128x128xf32, #tpu.memory_space<vmem>> -> memref<1x128x128xf32, #tpu.memory_space<vmem>>
        %dma_wait3A_438 = tpu.memref_squeeze %dma_wait3A_437 : memref<1x128x128xf32, #tpu.memory_space<vmem>> -> memref<128x128xf32, #tpu.memory_space<vmem>>
        tpu.wait_dma2 semaphore(%dma_wait3A_432 : memref<!tpu.dma_semaphore, #tpu.memory_space<semaphore_mem>>) src(%dma_wait3A_438 : memref<128x128xf32, #tpu.memory_space<vmem>>) dst(%dma_wait3A_434 : memref<128x128xf32, #tpu.memory_space<hbm>>)
      } else {
      }
      %scan3A_315 = arith.constant 0 : i32
      %scan3A_316 = arith.constant 0 : i32
      %scan3A_317 = arith.constant 32 : i32
      %scan3A_318 = arith.addi %scan3A_316, %scan3A_317 : i32
      %scan3A_319 = arith.constant 1 : i32
      scf.for %scan3A_423 = %scan3A_316 to %scan3A_318 step %scan3A_319  : i32 {
        %mul3A_424 = arith.constant 4 : i32
        %mul3A_425 = arith.muli %scan3A_423, %mul3A_424 : i32
        %add3A_426 = arith.constant 0 : i32
        %add3A_427 = arith.addi %mul3A_425, %add3A_426 : i32
        %get3A = arith.constant 0 : i32
        %get3A_428 = arith.index_cast %get3A : i32 to index
        %get3A_429 = arith.index_cast %add3A_427 : i32 to index
        %get3A_430 = arith.constant 0 : index
        %get3A_431 = tpu.vector_load %arg9[%get3A_428, %get3A_429, %get3A_430] {strides = array<i32>} : memref<2x128x128xf32, #tpu.memory_space<vmem>>, vector<1x1x16xf32>,
        %get3A_432 = vector.shape_cast %get3A_431 : vector<1x1x16xf32> to vector<16xf32>
        %get3A_433 = arith.constant 0 : i32
        %get3A_434 = arith.index_cast %get3A_433 : i32 to index
        %get3A_435 = arith.index_cast %add3A_427 : i32 to index
        %get3A_436 = arith.constant 0 : index
        %get3A_437 = tpu.vector_load %arg10[%get3A_434, %get3A_435, %get3A_436] {strides = array<i32>} : memref<2x128x128xf32, #tpu.memory_space<vmem>>, vector<1x1x16xf32>,
        %get3A_438 = vector.shape_cast %get3A_437 : vector<1x1x16xf32> to vector<16xf32>
        %add3A_439 = arith.addf %get3A_432, %get3A_438 : vector<16xf32>
        %swap3A = arith.constant 0 : i32
        %swap3A_440 = arith.index_cast %swap3A : i32 to index
        %swap3A_441 = arith.index_cast %add3A_427 : i32 to index
        %swap3A_442 = arith.constant 0 : index
        %swap3A_443 = tpu.vector_load %arg11[%swap3A_440, %swap3A_441, %swap3A_442] {strides = array<i32>} : memref<2x128x128xf32, #tpu.memory_space<vmem>>, vector<1x1x16xf32>,
        %swap3A_444 = vector.shape_cast %swap3A_443 : vector<1x1x16xf32> to vector<16xf32>
        %swap3A_445 = vector.shape_cast %add3A_439 : vector<16xf32> to vector<1x1x16xf32>
        tpu.vector_store %arg11[%swap3A_440, %swap3A_441, %swap3A_442], %swap3A_445 {strides = array<i32>} : memref<2x128x128xf32, #tpu.memory_space<vmem>>, vector<1x1x16xf32>,
        %get3A_446 = arith.constant 0 : i32
        %get3A_447 = arith.index_cast %get3A_446 : i32 to index
        %get3A_448 = arith.index_cast %add3A_427 : i32 to index
        %get3A_449 = arith.constant 16 : index
        %get3A_450 = tpu.vector_load %arg9[%get3A_447, %get3A_448, %get3A_449] {strides = array<i32>} : memref<2x128x128xf32, #tpu.memory_space<vmem>>, vector<1x1x16xf32>,
        %get3A_451 = vector.shape_cast %get3A_450 : vector<1x1x16xf32> to vector<16xf32>
        %get3A_452 = arith.constant 0 : i32
        %get3A_453 = arith.index_cast %get3A_452 : i32 to index
        %get3A_454 = arith.index_cast %add3A_427 : i32 to index
        %get3A_455 = arith.constant 16 : index
        %get3A_456 = tpu.vector_load %arg10[%get3A_453, %get3A_454, %get3A_455] {strides = array<i32>} : memref<2x128x128xf32, #tpu.memory_space<vmem>>, vector<1x1x16xf32>,
        %get3A_457 = vector.shape_cast %get3A_456 : vector<1x1x16xf32> to vector<16xf32>
        %add3A_458 = arith.addf %get3A_451, %get3A_457 : vector<16xf32>
        %swap3A_459 = arith.constant 0 : i32
        %swap3A_460 = arith.index_cast %swap3A_459 : i32 to index
        %swap3A_461 = arith.index_cast %add3A_427 : i32 to index
        %swap3A_462 = arith.constant 16 : index
        %swap3A_463 = tpu.vector_load %arg11[%swap3A_460, %swap3A_461, %swap3A_462] {strides = array<i32>} : memref<2x128x128xf32, #tpu.memory_space<vmem>>, vector<1x1x16xf32>,
        %swap3A_464 = vector.shape_cast %swap3A_463 : vector<1x1x16xf32> to vector<16xf32>
        %swap3A_465 = vector.shape_cast %add3A_458 : vector<16xf32> to vector<1x1x16xf32>
        tpu.vector_store %arg11[%swap3A_460, %swap3A_461, %swap3A_462], %swap3A_465 {strides = array<i32>} : memref<2x128x128xf32, #tpu.memory_space<vmem>>, vector<1x1x16xf32>,
        %get3A_466 = arith.constant 0 : i32
        %get3A_467 = arith.index_cast %get3A_466 : i32 to index
        %get3A_468 = arith.index_cast %add3A_427 : i32 to index
        %get3A_469 = arith.constant 32 : index
        %get3A_470 = tpu.vector_load %arg9[%get3A_467, %get3A_468, %get3A_469] {strides = array<i32>} : memref<2x128x128xf32, #tpu.memory_space<vmem>>, vector<1x1x16xf32>,
        %get3A_471 = vector.shape_cast %get3A_470 : vector<1x1x16xf32> to vector<16xf32>
        %get3A_472 = arith.constant 0 : i32
        %get3A_473 = arith.index_cast %get3A_472 : i32 to index
        %get3A_474 = arith.index_cast %add3A_427 : i32 to index
        %get3A_475 = arith.constant 32 : index
        %get3A_476 = tpu.vector_load %arg10[%get3A_473, %get3A_474, %get3A_475] {strides = array<i32>} : memref<2x128x128xf32, #tpu.memory_space<vmem>>, vector<1x1x16xf32>,
        %get3A_477 = vector.shape_cast %get3A_476 : vector<1x1x16xf32> to vector<16xf32>
        %add3A_478 = arith.addf %get3A_471, %get3A_477 : vector<16xf32>
        %swap3A_479 = arith.constant 0 : i32
        %swap3A_480 = arith.index_cast %swap3A_479 : i32 to index
        %swap3A_481 = arith.index_cast %add3A_427 : i32 to index
        %swap3A_482 = arith.constant 32 : index
        %swap3A_483 = tpu.vector_load %arg11[%swap3A_480, %swap3A_481, %swap3A_482] {strides = array<i32>} : memref<2x128x128xf32, #tpu.memory_space<vmem>>, vector<1x1x16xf32>,
        %swap3A_484 = vector.shape_cast %swap3A_483 : vector<1x1x16xf32> to vector<16xf32>
        %swap3A_485 = vector.shape_cast %add3A_478 : vector<16xf32> to vector<1x1x16xf32>
        tpu.vector_store %arg11[%swap3A_480, %swap3A_481, %swap3A_482], %swap3A_485 {strides = array<i32>} : memref<2x128x128xf32, #tpu.memory_space<vmem>>, vector<1x1x16xf32>,
        %get3A_486 = arith.constant 0 : i32
        %get3A_487 = arith.index_cast %get3A_486 : i32 to index
        %get3A_488 = arith.index_cast %add3A_427 : i32 to index
        %get3A_489 = arith.constant 48 : index
        %get3A_490 = tpu.vector_load %arg9[%get3A_487, %get3A_488, %get3A_489] {strides = array<i32>} : memref<2x128x128xf32, #tpu.memory_space<vmem>>, vector<1x1x16xf32>,
        %get3A_491 = vector.shape_cast %get3A_490 : vector<1x1x16xf32> to vector<16xf32>
        %get3A_492 = arith.constant 0 : i32
        %get3A_493 = arith.index_cast %get3A_492 : i32 to index
        %get3A_494 = arith.index_cast %add3A_427 : i32 to index
        %get3A_495 = arith.constant 48 : index
        %get3A_496 = tpu.vector_load %arg10[%get3A_493, %get3A_494, %get3A_495] {strides = array<i32>} : memref<2x128x128xf32, #tpu.memory_space<vmem>>, vector<1x1x16xf32>,
        %get3A_497 = vector.shape_cast %get3A_496 : vector<1x1x16xf32> to vector<16xf32>
        %add3A_498 = arith.addf %get3A_491, %get3A_497 : vector<16xf32>
        %swap3A_499 = arith.constant 0 : i32
        %swap3A_500 = arith.index_cast %swap3A_499 : i32 to index
        %swap3A_501 = arith.index_cast %add3A_427 : i32 to index
        %swap3A_502 = arith.constant 48 : index
        %swap3A_503 = tpu.vector_load %arg11[%swap3A_500, %swap3A_501, %swap3A_502] {strides = array<i32>} : memref<2x128x128xf32, #tpu.memory_space<vmem>>, vector<1x1x16xf32>,
        %swap3A_504 = vector.shape_cast %swap3A_503 : vector<1x1x16xf32> to vector<16xf32>
        %swap3A_505 = vector.shape_cast %add3A_498 : vector<16xf32> to vector<1x1x16xf32>
        tpu.vector_store %arg11[%swap3A_500, %swap3A_501, %swap3A_502], %swap3A_505 {strides = array<i32>} : memref<2x128x128xf32, #tpu.memory_space<vmem>>, vector<1x1x16xf32>,
        %get3A_506 = arith.constant 0 : i32
        %get3A_507 = arith.index_cast %get3A_506 : i32 to index
        %get3A_508 = arith.index_cast %add3A_427 : i32 to index
        %get3A_509 = arith.constant 64 : index
        %get3A_510 = tpu.vector_load %arg9[%get3A_507, %get3A_508, %get3A_509] {strides = array<i32>} : memref<2x128x128xf32, #tpu.memory_space<vmem>>, vector<1x1x16xf32>,
        %get3A_511 = vector.shape_cast %get3A_510 : vector<1x1x16xf32> to vector<16xf32>
        %get3A_512 = arith.constant 0 : i32
        %get3A_513 = arith.index_cast %get3A_512 : i32 to index
        %get3A_514 = arith.index_cast %add3A_427 : i32 to index
        %get3A_515 = arith.constant 64 : index
        %get3A_516 = tpu.vector_load %arg10[%get3A_513, %get3A_514, %get3A_515] {strides = array<i32>} : memref<2x128x128xf32, #tpu.memory_space<vmem>>, vector<1x1x16xf32>,
        %get3A_517 = vector.shape_cast %get3A_516 : vector<1x1x16xf32> to vector<16xf32>
        %add3A_518 = arith.addf %get3A_511, %get3A_517 : vector<16xf32>
        %swap3A_519 = arith.constant 0 : i32
        %swap3A_520 = arith.index_cast %swap3A_519 : i32 to index
        %swap3A_521 = arith.index_cast %add3A_427 : i32 to index
        %swap3A_522 = arith.constant 64 : index
        %swap3A_523 = tpu.vector_load %arg11[%swap3A_520, %swap3A_521, %swap3A_522] {strides = array<i32>} : memref<2x128x128xf32, #tpu.memory_space<vmem>>, vector<1x1x16xf32>,
        %swap3A_524 = vector.shape_cast %swap3A_523 : vector<1x1x16xf32> to vector<16xf32>
        %swap3A_525 = vector.shape_cast %add3A_518 : vector<16xf32> to vector<1x1x16xf32>
        tpu.vector_store %arg11[%swap3A_520, %swap3A_521, %swap3A_522], %swap3A_525 {strides = array<i32>} : memref<2x128x128xf32, #tpu.memory_space<vmem>>, vector<1x1x16xf32>,
        %get3A_526 = arith.constant 0 : i32
        %get3A_527 = arith.index_cast %get3A_526 : i32 to index
        %get3A_528 = arith.index_cast %add3A_427 : i32 to index
        %get3A_529 = arith.constant 80 : index
        %get3A_530 = tpu.vector_load %arg9[%get3A_527, %get3A_528, %get3A_529] {strides = array<i32>} : memref<2x128x128xf32, #tpu.memory_space<vmem>>, vector<1x1x16xf32>,
        %get3A_531 = vector.shape_cast %get3A_530 : vector<1x1x16xf32> to vector<16xf32>
        %get3A_532 = arith.constant 0 : i32
        %get3A_533 = arith.index_cast %get3A_532 : i32 to index
        %get3A_534 = arith.index_cast %add3A_427 : i32 to index
        %get3A_535 = arith.constant 80 : index
        %get3A_536 = tpu.vector_load %arg10[%get3A_533, %get3A_534, %get3A_535] {strides = array<i32>} : memref<2x128x128xf32, #tpu.memory_space<vmem>>, vector<1x1x16xf32>,
        %get3A_537 = vector.shape_cast %get3A_536 : vector<1x1x16xf32> to vector<16xf32>
        %add3A_538 = arith.addf %get3A_531, %get3A_537 : vector<16xf32>
        %swap3A_539 = arith.constant 0 : i32
        %swap3A_540 = arith.index_cast %swap3A_539 : i32 to index
        %swap3A_541 = arith.index_cast %add3A_427 : i32 to index
        %swap3A_542 = arith.constant 80 : index
        %swap3A_543 = tpu.vector_load %arg11[%swap3A_540, %swap3A_541, %swap3A_542] {strides = array<i32>} : memref<2x128x128xf32, #tpu.memory_space<vmem>>, vector<1x1x16xf32>,
        %swap3A_544 = vector.shape_cast %swap3A_543 : vector<1x1x16xf32> to vector<16xf32>
        %swap3A_545 = vector.shape_cast %add3A_538 : vector<16xf32> to vector<1x1x16xf32>
        tpu.vector_store %arg11[%swap3A_540, %swap3A_541, %swap3A_542], %swap3A_545 {strides = array<i32>} : memref<2x128x128xf32, #tpu.memory_space<vmem>>, vector<1x1x16xf32>,
        %get3A_546 = arith.constant 0 : i32
        %get3A_547 = arith.index_cast %get3A_546 : i32 to index
        %get3A_548 = arith.index_cast %add3A_427 : i32 to index
        %get3A_549 = arith.constant 96 : index
        %get3A_550 = tpu.vector_load %arg9[%get3A_547, %get3A_548, %get3A_549] {strides = array<i32>} : memref<2x128x128xf32, #tpu.memory_space<vmem>>, vector<1x1x16xf32>,
        %get3A_551 = vector.shape_cast %get3A_550 : vector<1x1x16xf32> to vector<16xf32>
        %get3A_552 = arith.constant 0 : i32
        %get3A_553 = arith.index_cast %get3A_552 : i32 to index
        %get3A_554 = arith.index_cast %add3A_427 : i32 to index
        %get3A_555 = arith.constant 96 : index
        %get3A_556 = tpu.vector_load %arg10[%get3A_553, %get3A_554, %get3A_555] {strides = array<i32>} : memref<2x128x128xf32, #tpu.memory_space<vmem>>, vector<1x1x16xf32>,
        %get3A_557 = vector.shape_cast %get3A_556 : vector<1x1x16xf32> to vector<16xf32>
        %add3A_558 = arith.addf %get3A_551, %get3A_557 : vector<16xf32>
        %swap3A_559 = arith.constant 0 : i32
        %swap3A_560 = arith.index_cast %swap3A_559 : i32 to index
        %swap3A_561 = arith.index_cast %add3A_427 : i32 to index
        %swap3A_562 = arith.constant 96 : index
        %swap3A_563 = tpu.vector_load %arg11[%swap3A_560, %swap3A_561, %swap3A_562] {strides = array<i32>} : memref<2x128x128xf32, #tpu.memory_space<vmem>>, vector<1x1x16xf32>,
        %swap3A_564 = vector.shape_cast %swap3A_563 : vector<1x1x16xf32> to vector<16xf32>
        %swap3A_565 = vector.shape_cast %add3A_558 : vector<16xf32> to vector<1x1x16xf32>
        tpu.vector_store %arg11[%swap3A_560, %swap3A_561, %swap3A_562], %swap3A_565 {strides = array<i32>} : memref<2x128x128xf32, #tpu.memory_space<vmem>>, vector<1x1x16xf32>,
        %get3A_566 = arith.constant 0 : i32
        %get3A_567 = arith.index_cast %get3A_566 : i32 to index
        %get3A_568 = arith.index_cast %add3A_427 : i32 to index
        %get3A_569 = arith.constant 112 : index
        %get3A_570 = tpu.vector_load %arg9[%get3A_567, %get3A_568, %get3A_569] {strides = array<i32>} : memref<2x128x128xf32, #tpu.memory_space<vmem>>, vector<1x1x16xf32>,
        %get3A_571 = vector.shape_cast %get3A_570 : vector<1x1x16xf32> to vector<16xf32>
        %get3A_572 = arith.constant 0 : i32
        %get3A_573 = arith.index_cast %get3A_572 : i32 to index
        %get3A_574 = arith.index_cast %add3A_427 : i32 to index
        %get3A_575 = arith.constant 112 : index
        %get3A_576 = tpu.vector_load %arg10[%get3A_573, %get3A_574, %get3A_575] {strides = array<i32>} : memref<2x128x128xf32, #tpu.memory_space<vmem>>, vector<1x1x16xf32>,
        %get3A_577 = vector.shape_cast %get3A_576 : vector<1x1x16xf32> to vector<16xf32>
        %add3A_578 = arith.addf %get3A_571, %get3A_577 : vector<16xf32>
        %swap3A_579 = arith.constant 0 : i32
        %swap3A_580 = arith.index_cast %swap3A_579 : i32 to index
        %swap3A_581 = arith.index_cast %add3A_427 : i32 to index
        %swap3A_582 = arith.constant 112 : index
        %swap3A_583 = tpu.vector_load %arg11[%swap3A_580, %swap3A_581, %swap3A_582] {strides = array<i32>} : memref<2x128x128xf32, #tpu.memory_space<vmem>>, vector<1x1x16xf32>,
        %swap3A_584 = vector.shape_cast %swap3A_583 : vector<1x1x16xf32> to vector<16xf32>
        %swap3A_585 = vector.shape_cast %add3A_578 : vector<16xf32> to vector<1x1x16xf32>
        tpu.vector_store %arg11[%swap3A_580, %swap3A_581, %swap3A_582], %swap3A_585 {strides = array<i32>} : memref<2x128x128xf32, #tpu.memory_space<vmem>>, vector<1x1x16xf32>,
        %mul3A_586 = arith.constant 4 : i32
        %mul3A_587 = arith.muli %scan3A_423, %mul3A_586 : i32
        %add3A_588 = arith.constant 1 : i32
        %add3A_589 = arith.addi %mul3A_587, %add3A_588 : i32
        %get3A_590 = arith.constant 0 : i32
        %get3A_591 = arith.index_cast %get3A_590 : i32 to index
        %get3A_592 = arith.index_cast %add3A_589 : i32 to index
        %get3A_593 = arith.constant 0 : index
        %get3A_594 = tpu.vector_load %arg9[%get3A_591, %get3A_592, %get3A_593] {strides = array<i32>} : memref<2x128x128xf32, #tpu.memory_space<vmem>>, vector<1x1x16xf32>,
        %get3A_595 = vector.shape_cast %get3A_594 : vector<1x1x16xf32> to vector<16xf32>
        %get3A_596 = arith.constant 0 : i32
        %get3A_597 = arith.index_cast %get3A_596 : i32 to index
        %get3A_598 = arith.index_cast %add3A_589 : i32 to index
        %get3A_599 = arith.constant 0 : index
        %get3A_600 = tpu.vector_load %arg10[%get3A_597, %get3A_598, %get3A_599] {strides = array<i32>} : memref<2x128x128xf32, #tpu.memory_space<vmem>>, vector<1x1x16xf32>,
        %get3A_601 = vector.shape_cast %get3A_600 : vector<1x1x16xf32> to vector<16xf32>
        %add3A_602 = arith.addf %get3A_595, %get3A_601 : vector<16xf32>
        %swap3A_603 = arith.constant 0 : i32
        %swap3A_604 = arith.index_cast %swap3A_603 : i32 to index
        %swap3A_605 = arith.index_cast %add3A_589 : i32 to index
        %swap3A_606 = arith.constant 0 : index
        %swap3A_607 = tpu.vector_load %arg11[%swap3A_604, %swap3A_605, %swap3A_606] {strides = array<i32>} : memref<2x128x128xf32, #tpu.memory_space<vmem>>, vector<1x1x16xf32>,
        %swap3A_608 = vector.shape_cast %swap3A_607 : vector<1x1x16xf32> to vector<16xf32>
        %swap3A_609 = vector.shape_cast %add3A_602 : vector<16xf32> to vector<1x1x16xf32>
        tpu.vector_store %arg11[%swap3A_604, %swap3A_605, %swap3A_606], %swap3A_609 {strides = array<i32>} : memref<2x128x128xf32, #tpu.memory_space<vmem>>, vector<1x1x16xf32>,
        %get3A_610 = arith.constant 0 : i32
        %get3A_611 = arith.index_cast %get3A_610 : i32 to index
        %get3A_612 = arith.index_cast %add3A_589 : i32 to index
        %get3A_613 = arith.constant 16 : index
        %get3A_614 = tpu.vector_load %arg9[%get3A_611, %get3A_612, %get3A_613] {strides = array<i32>} : memref<2x128x128xf32, #tpu.memory_space<vmem>>, vector<1x1x16xf32>,
        %get3A_615 = vector.shape_cast %get3A_614 : vector<1x1x16xf32> to vector<16xf32>
        %get3A_616 = arith.constant 0 : i32
        %get3A_617 = arith.index_cast %get3A_616 : i32 to index
        %get3A_618 = arith.index_cast %add3A_589 : i32 to index
        %get3A_619 = arith.constant 16 : index
        %get3A_620 = tpu.vector_load %arg10[%get3A_617, %get3A_618, %get3A_619] {strides = array<i32>} : memref<2x128x128xf32, #tpu.memory_space<vmem>>, vector<1x1x16xf32>,
        %get3A_621 = vector.shape_cast %get3A_620 : vector<1x1x16xf32> to vector<16xf32>
        %add3A_622 = arith.addf %get3A_615, %get3A_621 : vector<16xf32>
        %swap3A_623 = arith.constant 0 : i32
        %swap3A_624 = arith.index_cast %swap3A_623 : i32 to index
        %swap3A_625 = arith.index_cast %add3A_589 : i32 to index
        %swap3A_626 = arith.constant 16 : index
        %swap3A_627 = tpu.vector_load %arg11[%swap3A_624, %swap3A_625, %swap3A_626] {strides = array<i32>} : memref<2x128x128xf32, #tpu.memory_space<vmem>>, vector<1x1x16xf32>,
        %swap3A_628 = vector.shape_cast %swap3A_627 : vector<1x1x16xf32> to vector<16xf32>
        %swap3A_629 = vector.shape_cast %add3A_622 : vector<16xf32> to vector<1x1x16xf32>
        tpu.vector_store %arg11[%swap3A_624, %swap3A_625, %swap3A_626], %swap3A_629 {strides = array<i32>} : memref<2x128x128xf32, #tpu.memory_space<vmem>>, vector<1x1x16xf32>,
        %get3A_630 = arith.constant 0 : i32
        %get3A_631 = arith.index_cast %get3A_630 : i32 to index
        %get3A_632 = arith.index_cast %add3A_589 : i32 to index
        %get3A_633 = arith.constant 32 : index
        %get3A_634 = tpu.vector_load %arg9[%get3A_631, %get3A_632, %get3A_633] {strides = array<i32>} : memref<2x128x128xf32, #tpu.memory_space<vmem>>, vector<1x1x16xf32>,
        %get3A_635 = vector.shape_cast %get3A_634 : vector<1x1x16xf32> to vector<16xf32>
        %get3A_636 = arith.constant 0 : i32
        %get3A_637 = arith.index_cast %get3A_636 : i32 to index
        %get3A_638 = arith.index_cast %add3A_589 : i32 to index
        %get3A_639 = arith.constant 32 : index
        %get3A_640 = tpu.vector_load %arg10[%get3A_637, %get3A_638, %get3A_639] {strides = array<i32>} : memref<2x128x128xf32, #tpu.memory_space<vmem>>, vector<1x1x16xf32>,
        %get3A_641 = vector.shape_cast %get3A_640 : vector<1x1x16xf32> to vector<16xf32>
        %add3A_642 = arith.addf %get3A_635, %get3A_641 : vector<16xf32>
        %swap3A_643 = arith.constant 0 : i32
        %swap3A_644 = arith.index_cast %swap3A_643 : i32 to index
        %swap3A_645 = arith.index_cast %add3A_589 : i32 to index
        %swap3A_646 = arith.constant 32 : index
        %swap3A_647 = tpu.vector_load %arg11[%swap3A_644, %swap3A_645, %swap3A_646] {strides = array<i32>} : memref<2x128x128xf32, #tpu.memory_space<vmem>>, vector<1x1x16xf32>,
        %swap3A_648 = vector.shape_cast %swap3A_647 : vector<1x1x16xf32> to vector<16xf32>
        %swap3A_649 = vector.shape_cast %add3A_642 : vector<16xf32> to vector<1x1x16xf32>
        tpu.vector_store %arg11[%swap3A_644, %swap3A_645, %swap3A_646], %swap3A_649 {strides = array<i32>} : memref<2x128x128xf32, #tpu.memory_space<vmem>>, vector<1x1x16xf32>,
        %get3A_650 = arith.constant 0 : i32
        %get3A_651 = arith.index_cast %get3A_650 : i32 to index
        %get3A_652 = arith.index_cast %add3A_589 : i32 to index
        %get3A_653 = arith.constant 48 : index
        %get3A_654 = tpu.vector_load %arg9[%get3A_651, %get3A_652, %get3A_653] {strides = array<i32>} : memref<2x128x128xf32, #tpu.memory_space<vmem>>, vector<1x1x16xf32>,
        %get3A_655 = vector.shape_cast %get3A_654 : vector<1x1x16xf32> to vector<16xf32>
        %get3A_656 = arith.constant 0 : i32
        %get3A_657 = arith.index_cast %get3A_656 : i32 to index
        %get3A_658 = arith.index_cast %add3A_589 : i32 to index
        %get3A_659 = arith.constant 48 : index
        %get3A_660 = tpu.vector_load %arg10[%get3A_657, %get3A_658, %get3A_659] {strides = array<i32>} : memref<2x128x128xf32, #tpu.memory_space<vmem>>, vector<1x1x16xf32>,
        %get3A_661 = vector.shape_cast %get3A_660 : vector<1x1x16xf32> to vector<16xf32>
        %add3A_662 = arith.addf %get3A_655, %get3A_661 : vector<16xf32>
        %swap3A_663 = arith.constant 0 : i32
        %swap3A_664 = arith.index_cast %swap3A_663 : i32 to index
        %swap3A_665 = arith.index_cast %add3A_589 : i32 to index
        %swap3A_666 = arith.constant 48 : index
        %swap3A_667 = tpu.vector_load %arg11[%swap3A_664, %swap3A_665, %swap3A_666] {strides = array<i32>} : memref<2x128x128xf32, #tpu.memory_space<vmem>>, vector<1x1x16xf32>,
        %swap3A_668 = vector.shape_cast %swap3A_667 : vector<1x1x16xf32> to vector<16xf32>
        %swap3A_669 = vector.shape_cast %add3A_662 : vector<16xf32> to vector<1x1x16xf32>
        tpu.vector_store %arg11[%swap3A_664, %swap3A_665, %swap3A_666], %swap3A_669 {strides = array<i32>} : memref<2x128x128xf32, #tpu.memory_space<vmem>>, vector<1x1x16xf32>,
        %get3A_670 = arith.constant 0 : i32
        %get3A_671 = arith.index_cast %get3A_670 : i32 to index
        %get3A_672 = arith.index_cast %add3A_589 : i32 to index
        %get3A_673 = arith.constant 64 : index
        %get3A_674 = tpu.vector_load %arg9[%get3A_671, %get3A_672, %get3A_673] {strides = array<i32>} : memref<2x128x128xf32, #tpu.memory_space<vmem>>, vector<1x1x16xf32>,
        %get3A_675 = vector.shape_cast %get3A_674 : vector<1x1x16xf32> to vector<16xf32>
        %get3A_676 = arith.constant 0 : i32
        %get3A_677 = arith.index_cast %get3A_676 : i32 to index
        %get3A_678 = arith.index_cast %add3A_589 : i32 to index
        %get3A_679 = arith.constant 64 : index
        %get3A_680 = tpu.vector_load %arg10[%get3A_677, %get3A_678, %get3A_679] {strides = array<i32>} : memref<2x128x128xf32, #tpu.memory_space<vmem>>, vector<1x1x16xf32>,
        %get3A_681 = vector.shape_cast %get3A_680 : vector<1x1x16xf32> to vector<16xf32>
        %add3A_682 = arith.addf %get3A_675, %get3A_681 : vector<16xf32>
        %swap3A_683 = arith.constant 0 : i32
        %swap3A_684 = arith.index_cast %swap3A_683 : i32 to index
        %swap3A_685 = arith.index_cast %add3A_589 : i32 to index
        %swap3A_686 = arith.constant 64 : index
        %swap3A_687 = tpu.vector_load %arg11[%swap3A_684, %swap3A_685, %swap3A_686] {strides = array<i32>} : memref<2x128x128xf32, #tpu.memory_space<vmem>>, vector<1x1x16xf32>,
        %swap3A_688 = vector.shape_cast %swap3A_687 : vector<1x1x16xf32> to vector<16xf32>
        %swap3A_689 = vector.shape_cast %add3A_682 : vector<16xf32> to vector<1x1x16xf32>
        tpu.vector_store %arg11[%swap3A_684, %swap3A_685, %swap3A_686], %swap3A_689 {strides = array<i32>} : memref<2x128x128xf32, #tpu.memory_space<vmem>>, vector<1x1x16xf32>,
        %get3A_690 = arith.constant 0 : i32
        %get3A_691 = arith.index_cast %get3A_690 : i32 to index
        %get3A_692 = arith.index_cast %add3A_589 : i32 to index
        %get3A_693 = arith.constant 80 : index
        %get3A_694 = tpu.vector_load %arg9[%get3A_691, %get3A_692, %get3A_693] {strides = array<i32>} : memref<2x128x128xf32, #tpu.memory_space<vmem>>, vector<1x1x16xf32>,
        %get3A_695 = vector.shape_cast %get3A_694 : vector<1x1x16xf32> to vector<16xf32>
        %get3A_696 = arith.constant 0 : i32
        %get3A_697 = arith.index_cast %get3A_696 : i32 to index
        %get3A_698 = arith.index_cast %add3A_589 : i32 to index
        %get3A_699 = arith.constant 80 : index
        %get3A_700 = tpu.vector_load %arg10[%get3A_697, %get3A_698, %get3A_699] {strides = array<i32>} : memref<2x128x128xf32, #tpu.memory_space<vmem>>, vector<1x1x16xf32>,
        %get3A_701 = vector.shape_cast %get3A_700 : vector<1x1x16xf32> to vector<16xf32>
        %add3A_702 = arith.addf %get3A_695, %get3A_701 : vector<16xf32>
        %swap3A_703 = arith.constant 0 : i32
        %swap3A_704 = arith.index_cast %swap3A_703 : i32 to index
        %swap3A_705 = arith.index_cast %add3A_589 : i32 to index
        %swap3A_706 = arith.constant 80 : index
        %swap3A_707 = tpu.vector_load %arg11[%swap3A_704, %swap3A_705, %swap3A_706] {strides = array<i32>} : memref<2x128x128xf32, #tpu.memory_space<vmem>>, vector<1x1x16xf32>,
        %swap3A_708 = vector.shape_cast %swap3A_707 : vector<1x1x16xf32> to vector<16xf32>
        %swap3A_709 = vector.shape_cast %add3A_702 : vector<16xf32> to vector<1x1x16xf32>
        tpu.vector_store %arg11[%swap3A_704, %swap3A_705, %swap3A_706], %swap3A_709 {strides = array<i32>} : memref<2x128x128xf32, #tpu.memory_space<vmem>>, vector<1x1x16xf32>,
        %get3A_710 = arith.constant 0 : i32
        %get3A_711 = arith.index_cast %get3A_710 : i32 to index
        %get3A_712 = arith.index_cast %add3A_589 : i32 to index
        %get3A_713 = arith.constant 96 : index
        %get3A_714 = tpu.vector_load %arg9[%get3A_711, %get3A_712, %get3A_713] {strides = array<i32>} : memref<2x128x128xf32, #tpu.memory_space<vmem>>, vector<1x1x16xf32>,
        %get3A_715 = vector.shape_cast %get3A_714 : vector<1x1x16xf32> to vector<16xf32>
        %get3A_716 = arith.constant 0 : i32
        %get3A_717 = arith.index_cast %get3A_716 : i32 to index
        %get3A_718 = arith.index_cast %add3A_589 : i32 to index
        %get3A_719 = arith.constant 96 : index
        %get3A_720 = tpu.vector_load %arg10[%get3A_717, %get3A_718, %get3A_719] {strides = array<i32>} : memref<2x128x128xf32, #tpu.memory_space<vmem>>, vector<1x1x16xf32>,
        %get3A_721 = vector.shape_cast %get3A_720 : vector<1x1x16xf32> to vector<16xf32>
        %add3A_722 = arith.addf %get3A_715, %get3A_721 : vector<16xf32>
        %swap3A_723 = arith.constant 0 : i32
        %swap3A_724 = arith.index_cast %swap3A_723 : i32 to index
        %swap3A_725 = arith.index_cast %add3A_589 : i32 to index
        %swap3A_726 = arith.constant 96 : index
        %swap3A_727 = tpu.vector_load %arg11[%swap3A_724, %swap3A_725, %swap3A_726] {strides = array<i32>} : memref<2x128x128xf32, #tpu.memory_space<vmem>>, vector<1x1x16xf32>,
        %swap3A_728 = vector.shape_cast %swap3A_727 : vector<1x1x16xf32> to vector<16xf32>
        %swap3A_729 = vector.shape_cast %add3A_722 : vector<16xf32> to vector<1x1x16xf32>
        tpu.vector_store %arg11[%swap3A_724, %swap3A_725, %swap3A_726], %swap3A_729 {strides = array<i32>} : memref<2x128x128xf32, #tpu.memory_space<vmem>>, vector<1x1x16xf32>,
        %get3A_730 = arith.constant 0 : i32
        %get3A_731 = arith.index_cast %get3A_730 : i32 to index
        %get3A_732 = arith.index_cast %add3A_589 : i32 to index
        %get3A_733 = arith.constant 112 : index
        %get3A_734 = tpu.vector_load %arg9[%get3A_731, %get3A_732, %get3A_733] {strides = array<i32>} : memref<2x128x128xf32, #tpu.memory_space<vmem>>, vector<1x1x16xf32>,
        %get3A_735 = vector.shape_cast %get3A_734 : vector<1x1x16xf32> to vector<16xf32>
        %get3A_736 = arith.constant 0 : i32
        %get3A_737 = arith.index_cast %get3A_736 : i32 to index
        %get3A_738 = arith.index_cast %add3A_589 : i32 to index
        %get3A_739 = arith.constant 112 : index
        %get3A_740 = tpu.vector_load %arg10[%get3A_737, %get3A_738, %get3A_739] {strides = array<i32>} : memref<2x128x128xf32, #tpu.memory_space<vmem>>, vector<1x1x16xf32>,
        %get3A_741 = vector.shape_cast %get3A_740 : vector<1x1x16xf32> to vector<16xf32>
        %add3A_742 = arith.addf %get3A_735, %get3A_741 : vector<16xf32>
        %swap3A_743 = arith.constant 0 : i32
        %swap3A_744 = arith.index_cast %swap3A_743 : i32 to index
        %swap3A_745 = arith.index_cast %add3A_589 : i32 to index
        %swap3A_746 = arith.constant 112 : index
        %swap3A_747 = tpu.vector_load %arg11[%swap3A_744, %swap3A_745, %swap3A_746] {strides = array<i32>} : memref<2x128x128xf32, #tpu.memory_space<vmem>>, vector<1x1x16xf32>,
        %swap3A_748 = vector.shape_cast %swap3A_747 : vector<1x1x16xf32> to vector<16xf32>
        %swap3A_749 = vector.shape_cast %add3A_742 : vector<16xf32> to vector<1x1x16xf32>
        tpu.vector_store %arg11[%swap3A_744, %swap3A_745, %swap3A_746], %swap3A_749 {strides = array<i32>} : memref<2x128x128xf32, #tpu.memory_space<vmem>>, vector<1x1x16xf32>,
        %mul3A_750 = arith.constant 4 : i32
        %mul3A_751 = arith.muli %scan3A_423, %mul3A_750 : i32
        %add3A_752 = arith.constant 2 : i32
        %add3A_753 = arith.addi %mul3A_751, %add3A_752 : i32
        %get3A_754 = arith.constant 0 : i32
        %get3A_755 = arith.index_cast %get3A_754 : i32 to index
        %get3A_756 = arith.index_cast %add3A_753 : i32 to index
        %get3A_757 = arith.constant 0 : index
        %get3A_758 = tpu.vector_load %arg9[%get3A_755, %get3A_756, %get3A_757] {strides = array<i32>} : memref<2x128x128xf32, #tpu.memory_space<vmem>>, vector<1x1x16xf32>,
        %get3A_759 = vector.shape_cast %get3A_758 : vector<1x1x16xf32> to vector<16xf32>
        %get3A_760 = arith.constant 0 : i32
        %get3A_761 = arith.index_cast %get3A_760 : i32 to index
        %get3A_762 = arith.index_cast %add3A_753 : i32 to index
        %get3A_763 = arith.constant 0 : index
        %get3A_764 = tpu.vector_load %arg10[%get3A_761, %get3A_762, %get3A_763] {strides = array<i32>} : memref<2x128x128xf32, #tpu.memory_space<vmem>>, vector<1x1x16xf32>,
        %get3A_765 = vector.shape_cast %get3A_764 : vector<1x1x16xf32> to vector<16xf32>
        %add3A_766 = arith.addf %get3A_759, %get3A_765 : vector<16xf32>
        %swap3A_767 = arith.constant 0 : i32
        %swap3A_768 = arith.index_cast %swap3A_767 : i32 to index
        %swap3A_769 = arith.index_cast %add3A_753 : i32 to index
        %swap3A_770 = arith.constant 0 : index
        %swap3A_771 = tpu.vector_load %arg11[%swap3A_768, %swap3A_769, %swap3A_770] {strides = array<i32>} : memref<2x128x128xf32, #tpu.memory_space<vmem>>, vector<1x1x16xf32>,
        %swap3A_772 = vector.shape_cast %swap3A_771 : vector<1x1x16xf32> to vector<16xf32>
        %swap3A_773 = vector.shape_cast %add3A_766 : vector<16xf32> to vector<1x1x16xf32>
        tpu.vector_store %arg11[%swap3A_768, %swap3A_769, %swap3A_770], %swap3A_773 {strides = array<i32>} : memref<2x128x128xf32, #tpu.memory_space<vmem>>, vector<1x1x16xf32>,
        %get3A_774 = arith.constant 0 : i32
        %get3A_775 = arith.index_cast %get3A_774 : i32 to index
        %get3A_776 = arith.index_cast %add3A_753 : i32 to index
        %get3A_777 = arith.constant 16 : index
        %get3A_778 = tpu.vector_load %arg9[%get3A_775, %get3A_776, %get3A_777] {strides = array<i32>} : memref<2x128x128xf32, #tpu.memory_space<vmem>>, vector<1x1x16xf32>,
        %get3A_779 = vector.shape_cast %get3A_778 : vector<1x1x16xf32> to vector<16xf32>
        %get3A_780 = arith.constant 0 : i32
        %get3A_781 = arith.index_cast %get3A_780 : i32 to index
        %get3A_782 = arith.index_cast %add3A_753 : i32 to index
        %get3A_783 = arith.constant 16 : index
        %get3A_784 = tpu.vector_load %arg10[%get3A_781, %get3A_782, %get3A_783] {strides = array<i32>} : memref<2x128x128xf32, #tpu.memory_space<vmem>>, vector<1x1x16xf32>,
        %get3A_785 = vector.shape_cast %get3A_784 : vector<1x1x16xf32> to vector<16xf32>
        %add3A_786 = arith.addf %get3A_779, %get3A_785 : vector<16xf32>
        %swap3A_787 = arith.constant 0 : i32
        %swap3A_788 = arith.index_cast %swap3A_787 : i32 to index
        %swap3A_789 = arith.index_cast %add3A_753 : i32 to index
        %swap3A_790 = arith.constant 16 : index
        %swap3A_791 = tpu.vector_load %arg11[%swap3A_788, %swap3A_789, %swap3A_790] {strides = array<i32>} : memref<2x128x128xf32, #tpu.memory_space<vmem>>, vector<1x1x16xf32>,
        %swap3A_792 = vector.shape_cast %swap3A_791 : vector<1x1x16xf32> to vector<16xf32>
        %swap3A_793 = vector.shape_cast %add3A_786 : vector<16xf32> to vector<1x1x16xf32>
        tpu.vector_store %arg11[%swap3A_788, %swap3A_789, %swap3A_790], %swap3A_793 {strides = array<i32>} : memref<2x128x128xf32, #tpu.memory_space<vmem>>, vector<1x1x16xf32>,
        %get3A_794 = arith.constant 0 : i32
        %get3A_795 = arith.index_cast %get3A_794 : i32 to index
        %get3A_796 = arith.index_cast %add3A_753 : i32 to index
        %get3A_797 = arith.constant 32 : index
        %get3A_798 = tpu.vector_load %arg9[%get3A_795, %get3A_796, %get3A_797] {strides = array<i32>} : memref<2x128x128xf32, #tpu.memory_space<vmem>>, vector<1x1x16xf32>,
        %get3A_799 = vector.shape_cast %get3A_798 : vector<1x1x16xf32> to vector<16xf32>
        %get3A_800 = arith.constant 0 : i32
        %get3A_801 = arith.index_cast %get3A_800 : i32 to index
        %get3A_802 = arith.index_cast %add3A_753 : i32 to index
        %get3A_803 = arith.constant 32 : index
        %get3A_804 = tpu.vector_load %arg10[%get3A_801, %get3A_802, %get3A_803] {strides = array<i32>} : memref<2x128x128xf32, #tpu.memory_space<vmem>>, vector<1x1x16xf32>,
        %get3A_805 = vector.shape_cast %get3A_804 : vector<1x1x16xf32> to vector<16xf32>
        %add3A_806 = arith.addf %get3A_799, %get3A_805 : vector<16xf32>
        %swap3A_807 = arith.constant 0 : i32
        %swap3A_808 = arith.index_cast %swap3A_807 : i32 to index
        %swap3A_809 = arith.index_cast %add3A_753 : i32 to index
        %swap3A_810 = arith.constant 32 : index
        %swap3A_811 = tpu.vector_load %arg11[%swap3A_808, %swap3A_809, %swap3A_810] {strides = array<i32>} : memref<2x128x128xf32, #tpu.memory_space<vmem>>, vector<1x1x16xf32>,
        %swap3A_812 = vector.shape_cast %swap3A_811 : vector<1x1x16xf32> to vector<16xf32>
        %swap3A_813 = vector.shape_cast %add3A_806 : vector<16xf32> to vector<1x1x16xf32>
        tpu.vector_store %arg11[%swap3A_808, %swap3A_809, %swap3A_810], %swap3A_813 {strides = array<i32>} : memref<2x128x128xf32, #tpu.memory_space<vmem>>, vector<1x1x16xf32>,
        %get3A_814 = arith.constant 0 : i32
        %get3A_815 = arith.index_cast %get3A_814 : i32 to index
        %get3A_816 = arith.index_cast %add3A_753 : i32 to index
        %get3A_817 = arith.constant 48 : index
        %get3A_818 = tpu.vector_load %arg9[%get3A_815, %get3A_816, %get3A_817] {strides = array<i32>} : memref<2x128x128xf32, #tpu.memory_space<vmem>>, vector<1x1x16xf32>,
        %get3A_819 = vector.shape_cast %get3A_818 : vector<1x1x16xf32> to vector<16xf32>
        %get3A_820 = arith.constant 0 : i32
        %get3A_821 = arith.index_cast %get3A_820 : i32 to index
        %get3A_822 = arith.index_cast %add3A_753 : i32 to index
        %get3A_823 = arith.constant 48 : index
        %get3A_824 = tpu.vector_load %arg10[%get3A_821, %get3A_822, %get3A_823] {strides = array<i32>} : memref<2x128x128xf32, #tpu.memory_space<vmem>>, vector<1x1x16xf32>,
        %get3A_825 = vector.shape_cast %get3A_824 : vector<1x1x16xf32> to vector<16xf32>
        %add3A_826 = arith.addf %get3A_819, %get3A_825 : vector<16xf32>
        %swap3A_827 = arith.constant 0 : i32
        %swap3A_828 = arith.index_cast %swap3A_827 : i32 to index
        %swap3A_829 = arith.index_cast %add3A_753 : i32 to index
        %swap3A_830 = arith.constant 48 : index
        %swap3A_831 = tpu.vector_load %arg11[%swap3A_828, %swap3A_829, %swap3A_830] {strides = array<i32>} : memref<2x128x128xf32, #tpu.memory_space<vmem>>, vector<1x1x16xf32>,
        %swap3A_832 = vector.shape_cast %swap3A_831 : vector<1x1x16xf32> to vector<16xf32>
        %swap3A_833 = vector.shape_cast %add3A_826 : vector<16xf32> to vector<1x1x16xf32>
        tpu.vector_store %arg11[%swap3A_828, %swap3A_829, %swap3A_830], %swap3A_833 {strides = array<i32>} : memref<2x128x128xf32, #tpu.memory_space<vmem>>, vector<1x1x16xf32>,
        %get3A_834 = arith.constant 0 : i32
        %get3A_835 = arith.index_cast %get3A_834 : i32 to index
        %get3A_836 = arith.index_cast %add3A_753 : i32 to index
        %get3A_837 = arith.constant 64 : index
        %get3A_838 = tpu.vector_load %arg9[%get3A_835, %get3A_836, %get3A_837] {strides = array<i32>} : memref<2x128x128xf32, #tpu.memory_space<vmem>>, vector<1x1x16xf32>,
        %get3A_839 = vector.shape_cast %get3A_838 : vector<1x1x16xf32> to vector<16xf32>
        %get3A_840 = arith.constant 0 : i32
        %get3A_841 = arith.index_cast %get3A_840 : i32 to index
        %get3A_842 = arith.index_cast %add3A_753 : i32 to index
        %get3A_843 = arith.constant 64 : index
        %get3A_844 = tpu.vector_load %arg10[%get3A_841, %get3A_842, %get3A_843] {strides = array<i32>} : memref<2x128x128xf32, #tpu.memory_space<vmem>>, vector<1x1x16xf32>,
        %get3A_845 = vector.shape_cast %get3A_844 : vector<1x1x16xf32> to vector<16xf32>
        %add3A_846 = arith.addf %get3A_839, %get3A_845 : vector<16xf32>
        %swap3A_847 = arith.constant 0 : i32
        %swap3A_848 = arith.index_cast %swap3A_847 : i32 to index
        %swap3A_849 = arith.index_cast %add3A_753 : i32 to index
        %swap3A_850 = arith.constant 64 : index
        %swap3A_851 = tpu.vector_load %arg11[%swap3A_848, %swap3A_849, %swap3A_850] {strides = array<i32>} : memref<2x128x128xf32, #tpu.memory_space<vmem>>, vector<1x1x16xf32>,
        %swap3A_852 = vector.shape_cast %swap3A_851 : vector<1x1x16xf32> to vector<16xf32>
        %swap3A_853 = vector.shape_cast %add3A_846 : vector<16xf32> to vector<1x1x16xf32>
        tpu.vector_store %arg11[%swap3A_848, %swap3A_849, %swap3A_850], %swap3A_853 {strides = array<i32>} : memref<2x128x128xf32, #tpu.memory_space<vmem>>, vector<1x1x16xf32>,
        %get3A_854 = arith.constant 0 : i32
        %get3A_855 = arith.index_cast %get3A_854 : i32 to index
        %get3A_856 = arith.index_cast %add3A_753 : i32 to index
        %get3A_857 = arith.constant 80 : index
        %get3A_858 = tpu.vector_load %arg9[%get3A_855, %get3A_856, %get3A_857] {strides = array<i32>} : memref<2x128x128xf32, #tpu.memory_space<vmem>>, vector<1x1x16xf32>,
        %get3A_859 = vector.shape_cast %get3A_858 : vector<1x1x16xf32> to vector<16xf32>
        %get3A_860 = arith.constant 0 : i32
        %get3A_861 = arith.index_cast %get3A_860 : i32 to index
        %get3A_862 = arith.index_cast %add3A_753 : i32 to index
        %get3A_863 = arith.constant 80 : index
        %get3A_864 = tpu.vector_load %arg10[%get3A_861, %get3A_862, %get3A_863] {strides = array<i32>} : memref<2x128x128xf32, #tpu.memory_space<vmem>>, vector<1x1x16xf32>,
        %get3A_865 = vector.shape_cast %get3A_864 : vector<1x1x16xf32> to vector<16xf32>
        %add3A_866 = arith.addf %get3A_859, %get3A_865 : vector<16xf32>
        %swap3A_867 = arith.constant 0 : i32
        %swap3A_868 = arith.index_cast %swap3A_867 : i32 to index
        %swap3A_869 = arith.index_cast %add3A_753 : i32 to index
        %swap3A_870 = arith.constant 80 : index
        %swap3A_871 = tpu.vector_load %arg11[%swap3A_868, %swap3A_869, %swap3A_870] {strides = array<i32>} : memref<2x128x128xf32, #tpu.memory_space<vmem>>, vector<1x1x16xf32>,
        %swap3A_872 = vector.shape_cast %swap3A_871 : vector<1x1x16xf32> to vector<16xf32>
        %swap3A_873 = vector.shape_cast %add3A_866 : vector<16xf32> to vector<1x1x16xf32>
        tpu.vector_store %arg11[%swap3A_868, %swap3A_869, %swap3A_870], %swap3A_873 {strides = array<i32>} : memref<2x128x128xf32, #tpu.memory_space<vmem>>, vector<1x1x16xf32>,
        %get3A_874 = arith.constant 0 : i32
        %get3A_875 = arith.index_cast %get3A_874 : i32 to index
        %get3A_876 = arith.index_cast %add3A_753 : i32 to index
        %get3A_877 = arith.constant 96 : index
        %get3A_878 = tpu.vector_load %arg9[%get3A_875, %get3A_876, %get3A_877] {strides = array<i32>} : memref<2x128x128xf32, #tpu.memory_space<vmem>>, vector<1x1x16xf32>,
        %get3A_879 = vector.shape_cast %get3A_878 : vector<1x1x16xf32> to vector<16xf32>
        %get3A_880 = arith.constant 0 : i32
        %get3A_881 = arith.index_cast %get3A_880 : i32 to index
        %get3A_882 = arith.index_cast %add3A_753 : i32 to index
        %get3A_883 = arith.constant 96 : index
        %get3A_884 = tpu.vector_load %arg10[%get3A_881, %get3A_882, %get3A_883] {strides = array<i32>} : memref<2x128x128xf32, #tpu.memory_space<vmem>>, vector<1x1x16xf32>,
        %get3A_885 = vector.shape_cast %get3A_884 : vector<1x1x16xf32> to vector<16xf32>
        %add3A_886 = arith.addf %get3A_879, %get3A_885 : vector<16xf32>
        %swap3A_887 = arith.constant 0 : i32
        %swap3A_888 = arith.index_cast %swap3A_887 : i32 to index
        %swap3A_889 = arith.index_cast %add3A_753 : i32 to index
        %swap3A_890 = arith.constant 96 : index
        %swap3A_891 = tpu.vector_load %arg11[%swap3A_888, %swap3A_889, %swap3A_890] {strides = array<i32>} : memref<2x128x128xf32, #tpu.memory_space<vmem>>, vector<1x1x16xf32>,
        %swap3A_892 = vector.shape_cast %swap3A_891 : vector<1x1x16xf32> to vector<16xf32>
        %swap3A_893 = vector.shape_cast %add3A_886 : vector<16xf32> to vector<1x1x16xf32>
        tpu.vector_store %arg11[%swap3A_888, %swap3A_889, %swap3A_890], %swap3A_893 {strides = array<i32>} : memref<2x128x128xf32, #tpu.memory_space<vmem>>, vector<1x1x16xf32>,
        %get3A_894 = arith.constant 0 : i32
        %get3A_895 = arith.index_cast %get3A_894 : i32 to index
        %get3A_896 = arith.index_cast %add3A_753 : i32 to index
        %get3A_897 = arith.constant 112 : index
        %get3A_898 = tpu.vector_load %arg9[%get3A_895, %get3A_896, %get3A_897] {strides = array<i32>} : memref<2x128x128xf32, #tpu.memory_space<vmem>>, vector<1x1x16xf32>,
        %get3A_899 = vector.shape_cast %get3A_898 : vector<1x1x16xf32> to vector<16xf32>
        %get3A_900 = arith.constant 0 : i32
        %get3A_901 = arith.index_cast %get3A_900 : i32 to index
        %get3A_902 = arith.index_cast %add3A_753 : i32 to index
        %get3A_903 = arith.constant 112 : index
        %get3A_904 = tpu.vector_load %arg10[%get3A_901, %get3A_902, %get3A_903] {strides = array<i32>} : memref<2x128x128xf32, #tpu.memory_space<vmem>>, vector<1x1x16xf32>,
        %get3A_905 = vector.shape_cast %get3A_904 : vector<1x1x16xf32> to vector<16xf32>
        %add3A_906 = arith.addf %get3A_899, %get3A_905 : vector<16xf32>
        %swap3A_907 = arith.constant 0 : i32
        %swap3A_908 = arith.index_cast %swap3A_907 : i32 to index
        %swap3A_909 = arith.index_cast %add3A_753 : i32 to index
        %swap3A_910 = arith.constant 112 : index
        %swap3A_911 = tpu.vector_load %arg11[%swap3A_908, %swap3A_909, %swap3A_910] {strides = array<i32>} : memref<2x128x128xf32, #tpu.memory_space<vmem>>, vector<1x1x16xf32>,
        %swap3A_912 = vector.shape_cast %swap3A_911 : vector<1x1x16xf32> to vector<16xf32>
        %swap3A_913 = vector.shape_cast %add3A_906 : vector<16xf32> to vector<1x1x16xf32>
        tpu.vector_store %arg11[%swap3A_908, %swap3A_909, %swap3A_910], %swap3A_913 {strides = array<i32>} : memref<2x128x128xf32, #tpu.memory_space<vmem>>, vector<1x1x16xf32>,
        %mul3A_914 = arith.constant 4 : i32
        %mul3A_915 = arith.muli %scan3A_423, %mul3A_914 : i32
        %add3A_916 = arith.constant 3 : i32
        %add3A_917 = arith.addi %mul3A_915, %add3A_916 : i32
        %get3A_918 = arith.constant 0 : i32
        %get3A_919 = arith.index_cast %get3A_918 : i32 to index
        %get3A_920 = arith.index_cast %add3A_917 : i32 to index
        %get3A_921 = arith.constant 0 : index
        %get3A_922 = tpu.vector_load %arg9[%get3A_919, %get3A_920, %get3A_921] {strides = array<i32>} : memref<2x128x128xf32, #tpu.memory_space<vmem>>, vector<1x1x16xf32>,
        %get3A_923 = vector.shape_cast %get3A_922 : vector<1x1x16xf32> to vector<16xf32>
        %get3A_924 = arith.constant 0 : i32
        %get3A_925 = arith.index_cast %get3A_924 : i32 to index
        %get3A_926 = arith.index_cast %add3A_917 : i32 to index
        %get3A_927 = arith.constant 0 : index
        %get3A_928 = tpu.vector_load %arg10[%get3A_925, %get3A_926, %get3A_927] {strides = array<i32>} : memref<2x128x128xf32, #tpu.memory_space<vmem>>, vector<1x1x16xf32>,
        %get3A_929 = vector.shape_cast %get3A_928 : vector<1x1x16xf32> to vector<16xf32>
        %add3A_930 = arith.addf %get3A_923, %get3A_929 : vector<16xf32>
        %swap3A_931 = arith.constant 0 : i32
        %swap3A_932 = arith.index_cast %swap3A_931 : i32 to index
        %swap3A_933 = arith.index_cast %add3A_917 : i32 to index
        %swap3A_934 = arith.constant 0 : index
        %swap3A_935 = tpu.vector_load %arg11[%swap3A_932, %swap3A_933, %swap3A_934] {strides = array<i32>} : memref<2x128x128xf32, #tpu.memory_space<vmem>>, vector<1x1x16xf32>,
        %swap3A_936 = vector.shape_cast %swap3A_935 : vector<1x1x16xf32> to vector<16xf32>
        %swap3A_937 = vector.shape_cast %add3A_930 : vector<16xf32> to vector<1x1x16xf32>
        tpu.vector_store %arg11[%swap3A_932, %swap3A_933, %swap3A_934], %swap3A_937 {strides = array<i32>} : memref<2x128x128xf32, #tpu.memory_space<vmem>>, vector<1x1x16xf32>,
        %get3A_938 = arith.constant 0 : i32
        %get3A_939 = arith.index_cast %get3A_938 : i32 to index
        %get3A_940 = arith.index_cast %add3A_917 : i32 to index
        %get3A_941 = arith.constant 16 : index
        %get3A_942 = tpu.vector_load %arg9[%get3A_939, %get3A_940, %get3A_941] {strides = array<i32>} : memref<2x128x128xf32, #tpu.memory_space<vmem>>, vector<1x1x16xf32>,
        %get3A_943 = vector.shape_cast %get3A_942 : vector<1x1x16xf32> to vector<16xf32>
        %get3A_944 = arith.constant 0 : i32
        %get3A_945 = arith.index_cast %get3A_944 : i32 to index
        %get3A_946 = arith.index_cast %add3A_917 : i32 to index
        %get3A_947 = arith.constant 16 : index
        %get3A_948 = tpu.vector_load %arg10[%get3A_945, %get3A_946, %get3A_947] {strides = array<i32>} : memref<2x128x128xf32, #tpu.memory_space<vmem>>, vector<1x1x16xf32>,
        %get3A_949 = vector.shape_cast %get3A_948 : vector<1x1x16xf32> to vector<16xf32>
        %add3A_950 = arith.addf %get3A_943, %get3A_949 : vector<16xf32>
        %swap3A_951 = arith.constant 0 : i32
        %swap3A_952 = arith.index_cast %swap3A_951 : i32 to index
        %swap3A_953 = arith.index_cast %add3A_917 : i32 to index
        %swap3A_954 = arith.constant 16 : index
        %swap3A_955 = tpu.vector_load %arg11[%swap3A_952, %swap3A_953, %swap3A_954] {strides = array<i32>} : memref<2x128x128xf32, #tpu.memory_space<vmem>>, vector<1x1x16xf32>,
        %swap3A_956 = vector.shape_cast %swap3A_955 : vector<1x1x16xf32> to vector<16xf32>
        %swap3A_957 = vector.shape_cast %add3A_950 : vector<16xf32> to vector<1x1x16xf32>
        tpu.vector_store %arg11[%swap3A_952, %swap3A_953, %swap3A_954], %swap3A_957 {strides = array<i32>} : memref<2x128x128xf32, #tpu.memory_space<vmem>>, vector<1x1x16xf32>,
        %get3A_958 = arith.constant 0 : i32
        %get3A_959 = arith.index_cast %get3A_958 : i32 to index
        %get3A_960 = arith.index_cast %add3A_917 : i32 to index
        %get3A_961 = arith.constant 32 : index
        %get3A_962 = tpu.vector_load %arg9[%get3A_959, %get3A_960, %get3A_961] {strides = array<i32>} : memref<2x128x128xf32, #tpu.memory_space<vmem>>, vector<1x1x16xf32>,
        %get3A_963 = vector.shape_cast %get3A_962 : vector<1x1x16xf32> to vector<16xf32>
        %get3A_964 = arith.constant 0 : i32
        %get3A_965 = arith.index_cast %get3A_964 : i32 to index
        %get3A_966 = arith.index_cast %add3A_917 : i32 to index
        %get3A_967 = arith.constant 32 : index
        %get3A_968 = tpu.vector_load %arg10[%get3A_965, %get3A_966, %get3A_967] {strides = array<i32>} : memref<2x128x128xf32, #tpu.memory_space<vmem>>, vector<1x1x16xf32>,
        %get3A_969 = vector.shape_cast %get3A_968 : vector<1x1x16xf32> to vector<16xf32>
        %add3A_970 = arith.addf %get3A_963, %get3A_969 : vector<16xf32>
        %swap3A_971 = arith.constant 0 : i32
        %swap3A_972 = arith.index_cast %swap3A_971 : i32 to index
        %swap3A_973 = arith.index_cast %add3A_917 : i32 to index
        %swap3A_974 = arith.constant 32 : index
        %swap3A_975 = tpu.vector_load %arg11[%swap3A_972, %swap3A_973, %swap3A_974] {strides = array<i32>} : memref<2x128x128xf32, #tpu.memory_space<vmem>>, vector<1x1x16xf32>,
        %swap3A_976 = vector.shape_cast %swap3A_975 : vector<1x1x16xf32> to vector<16xf32>
        %swap3A_977 = vector.shape_cast %add3A_970 : vector<16xf32> to vector<1x1x16xf32>
        tpu.vector_store %arg11[%swap3A_972, %swap3A_973, %swap3A_974], %swap3A_977 {strides = array<i32>} : memref<2x128x128xf32, #tpu.memory_space<vmem>>, vector<1x1x16xf32>,
        %get3A_978 = arith.constant 0 : i32
        %get3A_979 = arith.index_cast %get3A_978 : i32 to index
        %get3A_980 = arith.index_cast %add3A_917 : i32 to index
        %get3A_981 = arith.constant 48 : index
        %get3A_982 = tpu.vector_load %arg9[%get3A_979, %get3A_980, %get3A_981] {strides = array<i32>} : memref<2x128x128xf32, #tpu.memory_space<vmem>>, vector<1x1x16xf32>,
        %get3A_983 = vector.shape_cast %get3A_982 : vector<1x1x16xf32> to vector<16xf32>
        %get3A_984 = arith.constant 0 : i32
        %get3A_985 = arith.index_cast %get3A_984 : i32 to index
        %get3A_986 = arith.index_cast %add3A_917 : i32 to index
        %get3A_987 = arith.constant 48 : index
        %get3A_988 = tpu.vector_load %arg10[%get3A_985, %get3A_986, %get3A_987] {strides = array<i32>} : memref<2x128x128xf32, #tpu.memory_space<vmem>>, vector<1x1x16xf32>,
        %get3A_989 = vector.shape_cast %get3A_988 : vector<1x1x16xf32> to vector<16xf32>
        %add3A_990 = arith.addf %get3A_983, %get3A_989 : vector<16xf32>
        %swap3A_991 = arith.constant 0 : i32
        %swap3A_992 = arith.index_cast %swap3A_991 : i32 to index
        %swap3A_993 = arith.index_cast %add3A_917 : i32 to index
        %swap3A_994 = arith.constant 48 : index
        %swap3A_995 = tpu.vector_load %arg11[%swap3A_992, %swap3A_993, %swap3A_994] {strides = array<i32>} : memref<2x128x128xf32, #tpu.memory_space<vmem>>, vector<1x1x16xf32>,
        %swap3A_996 = vector.shape_cast %swap3A_995 : vector<1x1x16xf32> to vector<16xf32>
        %swap3A_997 = vector.shape_cast %add3A_990 : vector<16xf32> to vector<1x1x16xf32>
        tpu.vector_store %arg11[%swap3A_992, %swap3A_993, %swap3A_994], %swap3A_997 {strides = array<i32>} : memref<2x128x128xf32, #tpu.memory_space<vmem>>, vector<1x1x16xf32>,
        %get3A_998 = arith.constant 0 : i32
        %get3A_999 = arith.index_cast %get3A_998 : i32 to index
        %get3A_1000 = arith.index_cast %add3A_917 : i32 to index
        %get3A_1001 = arith.constant 64 : index
        %get3A_1002 = tpu.vector_load %arg9[%get3A_999, %get3A_1000, %get3A_1001] {strides = array<i32>} : memref<2x128x128xf32, #tpu.memory_space<vmem>>, vector<1x1x16xf32>,
        %get3A_1003 = vector.shape_cast %get3A_1002 : vector<1x1x16xf32> to vector<16xf32>
        %get3A_1004 = arith.constant 0 : i32
        %get3A_1005 = arith.index_cast %get3A_1004 : i32 to index
        %get3A_1006 = arith.index_cast %add3A_917 : i32 to index
        %get3A_1007 = arith.constant 64 : index
        %get3A_1008 = tpu.vector_load %arg10[%get3A_1005, %get3A_1006, %get3A_1007] {strides = array<i32>} : memref<2x128x128xf32, #tpu.memory_space<vmem>>, vector<1x1x16xf32>,
        %get3A_1009 = vector.shape_cast %get3A_1008 : vector<1x1x16xf32> to vector<16xf32>
        %add3A_1010 = arith.addf %get3A_1003, %get3A_1009 : vector<16xf32>
        %swap3A_1011 = arith.constant 0 : i32
        %swap3A_1012 = arith.index_cast %swap3A_1011 : i32 to index
        %swap3A_1013 = arith.index_cast %add3A_917 : i32 to index
        %swap3A_1014 = arith.constant 64 : index
        %swap3A_1015 = tpu.vector_load %arg11[%swap3A_1012, %swap3A_1013, %swap3A_1014] {strides = array<i32>} : memref<2x128x128xf32, #tpu.memory_space<vmem>>, vector<1x1x16xf32>,
        %swap3A_1016 = vector.shape_cast %swap3A_1015 : vector<1x1x16xf32> to vector<16xf32>
        %swap3A_1017 = vector.shape_cast %add3A_1010 : vector<16xf32> to vector<1x1x16xf32>
        tpu.vector_store %arg11[%swap3A_1012, %swap3A_1013, %swap3A_1014], %swap3A_1017 {strides = array<i32>} : memref<2x128x128xf32, #tpu.memory_space<vmem>>, vector<1x1x16xf32>,
        %get3A_1018 = arith.constant 0 : i32
        %get3A_1019 = arith.index_cast %get3A_1018 : i32 to index
        %get3A_1020 = arith.index_cast %add3A_917 : i32 to index
        %get3A_1021 = arith.constant 80 : index
        %get3A_1022 = tpu.vector_load %arg9[%get3A_1019, %get3A_1020, %get3A_1021] {strides = array<i32>} : memref<2x128x128xf32, #tpu.memory_space<vmem>>, vector<1x1x16xf32>,
        %get3A_1023 = vector.shape_cast %get3A_1022 : vector<1x1x16xf32> to vector<16xf32>
        %get3A_1024 = arith.constant 0 : i32
        %get3A_1025 = arith.index_cast %get3A_1024 : i32 to index
        %get3A_1026 = arith.index_cast %add3A_917 : i32 to index
        %get3A_1027 = arith.constant 80 : index
        %get3A_1028 = tpu.vector_load %arg10[%get3A_1025, %get3A_1026, %get3A_1027] {strides = array<i32>} : memref<2x128x128xf32, #tpu.memory_space<vmem>>, vector<1x1x16xf32>,
        %get3A_1029 = vector.shape_cast %get3A_1028 : vector<1x1x16xf32> to vector<16xf32>
        %add3A_1030 = arith.addf %get3A_1023, %get3A_1029 : vector<16xf32>
        %swap3A_1031 = arith.constant 0 : i32
        %swap3A_1032 = arith.index_cast %swap3A_1031 : i32 to index
        %swap3A_1033 = arith.index_cast %add3A_917 : i32 to index
        %swap3A_1034 = arith.constant 80 : index
        %swap3A_1035 = tpu.vector_load %arg11[%swap3A_1032, %swap3A_1033, %swap3A_1034] {strides = array<i32>} : memref<2x128x128xf32, #tpu.memory_space<vmem>>, vector<1x1x16xf32>,
        %swap3A_1036 = vector.shape_cast %swap3A_1035 : vector<1x1x16xf32> to vector<16xf32>
        %swap3A_1037 = vector.shape_cast %add3A_1030 : vector<16xf32> to vector<1x1x16xf32>
        tpu.vector_store %arg11[%swap3A_1032, %swap3A_1033, %swap3A_1034], %swap3A_1037 {strides = array<i32>} : memref<2x128x128xf32, #tpu.memory_space<vmem>>, vector<1x1x16xf32>,
        %get3A_1038 = arith.constant 0 : i32
        %get3A_1039 = arith.index_cast %get3A_1038 : i32 to index
        %get3A_1040 = arith.index_cast %add3A_917 : i32 to index
        %get3A_1041 = arith.constant 96 : index
        %get3A_1042 = tpu.vector_load %arg9[%get3A_1039, %get3A_1040, %get3A_1041] {strides = array<i32>} : memref<2x128x128xf32, #tpu.memory_space<vmem>>, vector<1x1x16xf32>,
        %get3A_1043 = vector.shape_cast %get3A_1042 : vector<1x1x16xf32> to vector<16xf32>
        %get3A_1044 = arith.constant 0 : i32
        %get3A_1045 = arith.index_cast %get3A_1044 : i32 to index
        %get3A_1046 = arith.index_cast %add3A_917 : i32 to index
        %get3A_1047 = arith.constant 96 : index
        %get3A_1048 = tpu.vector_load %arg10[%get3A_1045, %get3A_1046, %get3A_1047] {strides = array<i32>} : memref<2x128x128xf32, #tpu.memory_space<vmem>>, vector<1x1x16xf32>,
        %get3A_1049 = vector.shape_cast %get3A_1048 : vector<1x1x16xf32> to vector<16xf32>
        %add3A_1050 = arith.addf %get3A_1043, %get3A_1049 : vector<16xf32>
        %swap3A_1051 = arith.constant 0 : i32
        %swap3A_1052 = arith.index_cast %swap3A_1051 : i32 to index
        %swap3A_1053 = arith.index_cast %add3A_917 : i32 to index
        %swap3A_1054 = arith.constant 96 : index
        %swap3A_1055 = tpu.vector_load %arg11[%swap3A_1052, %swap3A_1053, %swap3A_1054] {strides = array<i32>} : memref<2x128x128xf32, #tpu.memory_space<vmem>>, vector<1x1x16xf32>,
        %swap3A_1056 = vector.shape_cast %swap3A_1055 : vector<1x1x16xf32> to vector<16xf32>
        %swap3A_1057 = vector.shape_cast %add3A_1050 : vector<16xf32> to vector<1x1x16xf32>
        tpu.vector_store %arg11[%swap3A_1052, %swap3A_1053, %swap3A_1054], %swap3A_1057 {strides = array<i32>} : memref<2x128x128xf32, #tpu.memory_space<vmem>>, vector<1x1x16xf32>,
        %get3A_1058 = arith.constant 0 : i32
        %get3A_1059 = arith.index_cast %get3A_1058 : i32 to index
        %get3A_1060 = arith.index_cast %add3A_917 : i32 to index
        %get3A_1061 = arith.constant 112 : index
        %get3A_1062 = tpu.vector_load %arg9[%get3A_1059, %get3A_1060, %get3A_1061] {strides = array<i32>} : memref<2x128x128xf32, #tpu.memory_space<vmem>>, vector<1x1x16xf32>,
        %get3A_1063 = vector.shape_cast %get3A_1062 : vector<1x1x16xf32> to vector<16xf32>
        %get3A_1064 = arith.constant 0 : i32
        %get3A_1065 = arith.index_cast %get3A_1064 : i32 to index
        %get3A_1066 = arith.index_cast %add3A_917 : i32 to index
        %get3A_1067 = arith.constant 112 : index
        %get3A_1068 = tpu.vector_load %arg10[%get3A_1065, %get3A_1066, %get3A_1067] {strides = array<i32>} : memref<2x128x128xf32, #tpu.memory_space<vmem>>, vector<1x1x16xf32>,
        %get3A_1069 = vector.shape_cast %get3A_1068 : vector<1x1x16xf32> to vector<16xf32>
        %add3A_1070 = arith.addf %get3A_1063, %get3A_1069 : vector<16xf32>
        %swap3A_1071 = arith.constant 0 : i32
        %swap3A_1072 = arith.index_cast %swap3A_1071 : i32 to index
        %swap3A_1073 = arith.index_cast %add3A_917 : i32 to index
        %swap3A_1074 = arith.constant 112 : index
        %swap3A_1075 = tpu.vector_load %arg11[%swap3A_1072, %swap3A_1073, %swap3A_1074] {strides = array<i32>} : memref<2x128x128xf32, #tpu.memory_space<vmem>>, vector<1x1x16xf32>,
        %swap3A_1076 = vector.shape_cast %swap3A_1075 : vector<1x1x16xf32> to vector<16xf32>
        %swap3A_1077 = vector.shape_cast %add3A_1070 : vector<16xf32> to vector<1x1x16xf32>
        tpu.vector_store %arg11[%swap3A_1072, %swap3A_1073, %swap3A_1074], %swap3A_1077 {strides = array<i32>} : memref<2x128x128xf32, #tpu.memory_space<vmem>>, vector<1x1x16xf32>,
      }
      %scan3A_320 = arith.constant 32 : i32
      %mul3A_321 = arith.constant 128 : i32
      %mul3A_322 = arith.muli %add3A_281, %mul3A_321 : i32
      %add3A_323 = arith.addi %mul3A_2, %mul3A_322 : i32
      %dma_start3A_324 = arith.constant 0 : i32
      %dma_start3A_325 = arith.constant 0 : i32
      %dma_start3A_326 = arith.constant 0 : i32
      %dma_start3A_327 = arith.constant 0 : i32
      %dma_start3A_328 = tpu.memref_slice %arg11[%dma_start3A_324, %dma_start3A_326, %dma_start3A_327] : memref<2x128x128xf32, #tpu.memory_space<vmem>> -> memref<1x128x128xf32, #tpu.memory_space<vmem>>
      %dma_start3A_329 = tpu.memref_squeeze %dma_start3A_328 : memref<1x128x128xf32, #tpu.memory_space<vmem>> -> memref<128x128xf32, #tpu.memory_space<vmem>>
      %dma_start3A_330 = arith.constant 0 : i32
      %dma_start3A_331 = tpu.memref_slice %arg6[%add3A_323, %dma_start3A_330] : memref<819200x128xf32, #tpu.memory_space<hbm>> -> memref<128x128xf32, #tpu.memory_space<hbm>>
      %dma_start3A_332 = tpu.memref_slice %arg16[%dma_start3A_325] : memref<2x!tpu.dma_semaphore, #tpu.memory_space<semaphore_mem>> -> memref<1x!tpu.dma_semaphore, #tpu.memory_space<semaphore_mem>>
      %dma_start3A_333 = tpu.memref_squeeze %dma_start3A_332 : memref<1x!tpu.dma_semaphore, #tpu.memory_space<semaphore_mem>> -> memref<!tpu.dma_semaphore, #tpu.memory_space<semaphore_mem>>
      %dma_start3A_334 = arith.constant 0 : i32
      %dma_start3A_335 = tpu.memref_slice %arg6[%add3A_323, %dma_start3A_334] : memref<819200x128xf32, #tpu.memory_space<hbm>> -> memref<128x128xf32, #tpu.memory_space<hbm>>
      %dma_start3A_336 = arith.constant 0 : i32
      %dma_start3A_337 = arith.constant 0 : i32
      %dma_start3A_338 = tpu.memref_slice %arg11[%dma_start3A_324, %dma_start3A_336, %dma_start3A_337] : memref<2x128x128xf32, #tpu.memory_space<vmem>> -> memref<1x128x128xf32, #tpu.memory_space<vmem>>
      %dma_start3A_339 = tpu.memref_squeeze %dma_start3A_338 : memref<1x128x128xf32, #tpu.memory_space<vmem>> -> memref<128x128xf32, #tpu.memory_space<vmem>>
      tpu.enqueue_dma source(%dma_start3A_339 : memref<128x128xf32, #tpu.memory_space<vmem>>) target(%dma_start3A_335 : memref<128x128xf32, #tpu.memory_space<hbm>>) target_semaphore(%dma_start3A_333 : memref<!tpu.dma_semaphore, #tpu.memory_space<semaphore_mem>>)
      %add3A_340 = arith.constant 2 : i32
      %add3A_341 = arith.addi %add3A_281, %add3A_340 : i32
      %lt3A_342 = arith.constant 200 : i32
      %lt3A_343 = arith.cmpi slt, %add3A_341, %lt3A_342 : i32
      %convert_element_type3A_344 = arith.extui %lt3A_343 : i1 to i32
      %cond3A_345 = arith.constant 0 : i32
      %cond3A_346 = arith.cmpi ne, %convert_element_type3A_344, %cond3A_345 : i32
      scf.if %cond3A_346 {
        %dma_wait3A_423 = arith.constant 0 : i32
        %dma_wait3A_424 = tpu.memref_slice %arg7[%sub3A_140, %dma_wait3A_423] : memref<2x512xi32, #tpu.memory_space<vmem>> -> memref<1x512xi32, #tpu.memory_space<vmem>>
        %dma_wait3A_425 = tpu.memref_squeeze %dma_wait3A_424 : memref<1x512xi32, #tpu.memory_space<vmem>> -> memref<512xi32, #tpu.memory_space<vmem>>
        %dma_wait3A_426 = tpu.memref_slice %arg4[%mul3A_2] : memref<819200xi32, #tpu.memory_space<hbm>> -> memref<512xi32, #tpu.memory_space<hbm>>
        %dma_wait3A_427 = tpu.memref_slice %arg13[%sub3A_140] : memref<2x!tpu.dma_semaphore, #tpu.memory_space<semaphore_mem>> -> memref<1x!tpu.dma_semaphore, #tpu.memory_space<semaphore_mem>>
        %dma_wait3A_428 = tpu.memref_squeeze %dma_wait3A_427 : memref<1x!tpu.dma_semaphore, #tpu.memory_space<semaphore_mem>> -> memref<!tpu.dma_semaphore, #tpu.memory_space<semaphore_mem>>
        %dma_wait3A_429 = arith.constant 0 : i32
        %dma_wait3A_430 = tpu.memref_slice %arg7[%sub3A_140, %dma_wait3A_429] : memref<2x512xi32, #tpu.memory_space<vmem>> -> memref<1x512xi32, #tpu.memory_space<vmem>>
        %dma_wait3A_431 = tpu.memref_squeeze %dma_wait3A_430 : memref<1x512xi32, #tpu.memory_space<vmem>> -> memref<512xi32, #tpu.memory_space<vmem>>
        %dma_wait3A_432 = tpu.memref_slice %arg4[%mul3A_2] : memref<819200xi32, #tpu.memory_space<hbm>> -> memref<512xi32, #tpu.memory_space<hbm>>
        tpu.wait_dma2 semaphore(%dma_wait3A_428 : memref<!tpu.dma_semaphore, #tpu.memory_space<semaphore_mem>>) src(%dma_wait3A_432 : memref<512xi32, #tpu.memory_space<hbm>>) dst(%dma_wait3A_431 : memref<512xi32, #tpu.memory_space<vmem>>)
        %dma_wait3A_433 = arith.constant 0 : i32
        %dma_wait3A_434 = tpu.memref_slice %arg8[%sub3A_140, %dma_wait3A_433] : memref<2x512xi32, #tpu.memory_space<vmem>> -> memref<1x512xi32, #tpu.memory_space<vmem>>
        %dma_wait3A_435 = tpu.memref_squeeze %dma_wait3A_434 : memref<1x512xi32, #tpu.memory_space<vmem>> -> memref<512xi32, #tpu.memory_space<vmem>>
        %dma_wait3A_436 = tpu.memref_slice %arg5[%mul3A_2] : memref<819200xi32, #tpu.memory_space<hbm>> -> memref<512xi32, #tpu.memory_space<hbm>>
        %dma_wait3A_437 = tpu.memref_slice %arg13[%sub3A_140] : memref<2x!tpu.dma_semaphore, #tpu.memory_space<semaphore_mem>> -> memref<1x!tpu.dma_semaphore, #tpu.memory_space<semaphore_mem>>
        %dma_wait3A_438 = tpu.memref_squeeze %dma_wait3A_437 : memref<1x!tpu.dma_semaphore, #tpu.memory_space<semaphore_mem>> -> memref<!tpu.dma_semaphore, #tpu.memory_space<semaphore_mem>>
        %dma_wait3A_439 = arith.constant 0 : i32
        %dma_wait3A_440 = tpu.memref_slice %arg8[%sub3A_140, %dma_wait3A_439] : memref<2x512xi32, #tpu.memory_space<vmem>> -> memref<1x512xi32, #tpu.memory_space<vmem>>
        %dma_wait3A_441 = tpu.memref_squeeze %dma_wait3A_440 : memref<1x512xi32, #tpu.memory_space<vmem>> -> memref<512xi32, #tpu.memory_space<vmem>>
        %dma_wait3A_442 = tpu.memref_slice %arg5[%mul3A_2] : memref<819200xi32, #tpu.memory_space<hbm>> -> memref<512xi32, #tpu.memory_space<hbm>>
        tpu.wait_dma2 semaphore(%dma_wait3A_438 : memref<!tpu.dma_semaphore, #tpu.memory_space<semaphore_mem>>) src(%dma_wait3A_442 : memref<512xi32, #tpu.memory_space<hbm>>) dst(%dma_wait3A_441 : memref<512xi32, #tpu.memory_space<vmem>>)
        %dma_start3A_443 = arith.constant 0 : i32
        %dma_start3A_444 = arith.constant 0 : i32
        %dma_start3A_445 = arith.constant 0 : i32
        %dma_start3A_446 = arith.constant 0 : i32
        %dma_start3A_447 = tpu.memref_slice %arg9[%dma_start3A_443, %dma_start3A_445, %dma_start3A_446] : memref<2x128x128xf32, #tpu.memory_space<vmem>> -> memref<1x128x128xf32, #tpu.memory_space<vmem>>
        %dma_start3A_448 = tpu.memref_squeeze %dma_start3A_447 : memref<1x128x128xf32, #tpu.memory_space<vmem>> -> memref<128x128xf32, #tpu.memory_space<vmem>>
        %dma_start3A_449 = arith.constant 0 : i32
        %dma_start3A_450 = tpu.memref_slice %arg7[%sub3A_140, %dma_start3A_449] : memref<2x512xi32, #tpu.memory_space<vmem>> -> memref<1x128xi32, #tpu.memory_space<vmem>>
        %dma_start3A_451 = tpu.memref_squeeze %dma_start3A_450 : memref<1x128xi32, #tpu.memory_space<vmem>> -> memref<128xi32, #tpu.memory_space<vmem>>
        %dma_start3A_452 = arith.constant 0 : i32
        %dma_start3A_453 = arith.constant 0 : i32
        %dma_start3A_454 = tpu.memref_slice %arg2[%dma_start3A_452, %dma_start3A_453] : memref<100000x128xf32, #tpu.memory_space<hbm>> -> memref<100000x128xf32, #tpu.memory_space<hbm>>
        %dma_start3A_455 = tpu.memref_slice %arg14[%dma_start3A_444] : memref<2x!tpu.dma_semaphore, #tpu.memory_space<semaphore_mem>> -> memref<1x!tpu.dma_semaphore, #tpu.memory_space<semaphore_mem>>
        %dma_start3A_456 = tpu.memref_squeeze %dma_start3A_455 : memref<1x!tpu.dma_semaphore, #tpu.memory_space<semaphore_mem>> -> memref<!tpu.dma_semaphore, #tpu.memory_space<semaphore_mem>>
        tpu.enqueue_indirect_dma source(%dma_start3A_454 : memref<100000x128xf32, #tpu.memory_space<hbm>>) target(%dma_start3A_448 : memref<128x128xf32, #tpu.memory_space<vmem>>) offsets(%dma_start3A_451 : memref<128xi32, #tpu.memory_space<vmem>>) semaphore(%dma_start3A_456 : memref<!tpu.dma_semaphore, #tpu.memory_space<semaphore_mem>>)
        %dma_start3A_457 = arith.constant 0 : i32
        %dma_start3A_458 = arith.constant 0 : i32
        %dma_start3A_459 = arith.constant 0 : i32
        %dma_start3A_460 = arith.constant 0 : i32
        %dma_start3A_461 = tpu.memref_slice %arg10[%dma_start3A_457, %dma_start3A_459, %dma_start3A_460] : memref<2x128x128xf32, #tpu.memory_space<vmem>> -> memref<1x128x128xf32, #tpu.memory_space<vmem>>
        %dma_start3A_462 = tpu.memref_squeeze %dma_start3A_461 : memref<1x128x128xf32, #tpu.memory_space<vmem>> -> memref<128x128xf32, #tpu.memory_space<vmem>>
        %dma_start3A_463 = arith.constant 0 : i32
        %dma_start3A_464 = tpu.memref_slice %arg8[%sub3A_140, %dma_start3A_463] : memref<2x512xi32, #tpu.memory_space<vmem>> -> memref<1x128xi32, #tpu.memory_space<vmem>>
        %dma_start3A_465 = tpu.memref_squeeze %dma_start3A_464 : memref<1x128xi32, #tpu.memory_space<vmem>> -> memref<128xi32, #tpu.memory_space<vmem>>
        %dma_start3A_466 = arith.constant 0 : i32
        %dma_start3A_467 = arith.constant 0 : i32
        %dma_start3A_468 = tpu.memref_slice %arg12[%dma_start3A_466, %dma_start3A_467] : memref<1000x128xf32, #tpu.memory_space<vmem_shared>> -> memref<1000x128xf32, #tpu.memory_space<vmem_shared>>
        %dma_start3A_469 = tpu.memref_slice %arg15[%dma_start3A_458] : memref<2x!tpu.dma_semaphore, #tpu.memory_space<semaphore_mem>> -> memref<1x!tpu.dma_semaphore, #tpu.memory_space<semaphore_mem>>
        %dma_start3A_470 = tpu.memref_squeeze %dma_start3A_469 : memref<1x!tpu.dma_semaphore, #tpu.memory_space<semaphore_mem>> -> memref<!tpu.dma_semaphore, #tpu.memory_space<semaphore_mem>>
        tpu.enqueue_indirect_dma source(%dma_start3A_468 : memref<1000x128xf32, #tpu.memory_space<vmem_shared>>) target(%dma_start3A_462 : memref<128x128xf32, #tpu.memory_space<vmem>>) offsets(%dma_start3A_465 : memref<128xi32, #tpu.memory_space<vmem>>) semaphore(%dma_start3A_470 : memref<!tpu.dma_semaphore, #tpu.memory_space<semaphore_mem>>)
      } else {
      }
      %mul3A_347 = arith.constant 4 : i32
      %mul3A_348 = arith.muli %scan3A_129, %mul3A_347 : i32
      %add3A_349 = arith.constant 3 : i32
      %add3A_350 = arith.addi %mul3A_348, %add3A_349 : i32
      %dma_wait3A_351 = arith.constant 1 : i32
      %dma_wait3A_352 = arith.constant 1 : i32
      %dma_wait3A_353 = arith.constant 0 : i32
      %dma_wait3A_354 = arith.constant 0 : i32
      %dma_wait3A_355 = tpu.memref_slice %arg9[%dma_wait3A_351, %dma_wait3A_353, %dma_wait3A_354] : memref<2x128x128xf32, #tpu.memory_space<vmem>> -> memref<1x128x128xf32, #tpu.memory_space<vmem>>
      %dma_wait3A_356 = tpu.memref_squeeze %dma_wait3A_355 : memref<1x128x128xf32, #tpu.memory_space<vmem>> -> memref<128x128xf32, #tpu.memory_space<vmem>>
      %dma_wait3A_357 = arith.constant 384 : i32
      %dma_wait3A_358 = tpu.memref_slice %arg7[%select_n3A_139, %dma_wait3A_357] : memref<2x512xi32, #tpu.memory_space<vmem>> -> memref<1x128xi32, #tpu.memory_space<vmem>>
      %dma_wait3A_359 = tpu.memref_squeeze %dma_wait3A_358 : memref<1x128xi32, #tpu.memory_space<vmem>> -> memref<128xi32, #tpu.memory_space<vmem>>
      %dma_wait3A_360 = arith.constant 0 : i32
      %dma_wait3A_361 = arith.constant 0 : i32
      %dma_wait3A_362 = tpu.memref_slice %arg2[%dma_wait3A_360, %dma_wait3A_361] : memref<100000x128xf32, #tpu.memory_space<hbm>> -> memref<100000x128xf32, #tpu.memory_space<hbm>>
      %dma_wait3A_363 = tpu.memref_slice %arg14[%dma_wait3A_352] : memref<2x!tpu.dma_semaphore, #tpu.memory_space<semaphore_mem>> -> memref<1x!tpu.dma_semaphore, #tpu.memory_space<semaphore_mem>>
      %dma_wait3A_364 = tpu.memref_squeeze %dma_wait3A_363 : memref<1x!tpu.dma_semaphore, #tpu.memory_space<semaphore_mem>> -> memref<!tpu.dma_semaphore, #tpu.memory_space<semaphore_mem>>
      tpu.wait_indirect_dma semaphore(%dma_wait3A_364 : memref<!tpu.dma_semaphore, #tpu.memory_space<semaphore_mem>>) src(%dma_wait3A_362 : memref<100000x128xf32, #tpu.memory_space<hbm>>) dst(%dma_wait3A_356 : memref<128x128xf32, #tpu.memory_space<vmem>>)
      %dma_wait3A_365 = arith.constant 1 : i32
      %dma_wait3A_366 = arith.constant 1 : i32
      %dma_wait3A_367 = arith.constant 0 : i32
      %dma_wait3A_368 = arith.constant 0 : i32
      %dma_wait3A_369 = tpu.memref_slice %arg10[%dma_wait3A_365, %dma_wait3A_367, %dma_wait3A_368] : memref<2x128x128xf32, #tpu.memory_space<vmem>> -> memref<1x128x128xf32, #tpu.memory_space<vmem>>
      %dma_wait3A_370 = tpu.memref_squeeze %dma_wait3A_369 : memref<1x128x128xf32, #tpu.memory_space<vmem>> -> memref<128x128xf32, #tpu.memory_space<vmem>>
      %dma_wait3A_371 = arith.constant 384 : i32
      %dma_wait3A_372 = tpu.memref_slice %arg8[%select_n3A_139, %dma_wait3A_371] : memref<2x512xi32, #tpu.memory_space<vmem>> -> memref<1x128xi32, #tpu.memory_space<vmem>>
      %dma_wait3A_373 = tpu.memref_squeeze %dma_wait3A_372 : memref<1x128xi32, #tpu.memory_space<vmem>> -> memref<128xi32, #tpu.memory_space<vmem>>
      %dma_wait3A_374 = arith.constant 0 : i32
      %dma_wait3A_375 = arith.constant 0 : i32
      %dma_wait3A_376 = tpu.memref_slice %arg12[%dma_wait3A_374, %dma_wait3A_375] : memref<1000x128xf32, #tpu.memory_space<vmem_shared>> -> memref<1000x128xf32, #tpu.memory_space<vmem_shared>>
      %dma_wait3A_377 = tpu.memref_slice %arg15[%dma_wait3A_366] : memref<2x!tpu.dma_semaphore, #tpu.memory_space<semaphore_mem>> -> memref<1x!tpu.dma_semaphore, #tpu.memory_space<semaphore_mem>>
      %dma_wait3A_378 = tpu.memref_squeeze %dma_wait3A_377 : memref<1x!tpu.dma_semaphore, #tpu.memory_space<semaphore_mem>> -> memref<!tpu.dma_semaphore, #tpu.memory_space<semaphore_mem>>
      tpu.wait_indirect_dma semaphore(%dma_wait3A_378 : memref<!tpu.dma_semaphore, #tpu.memory_space<semaphore_mem>>) src(%dma_wait3A_376 : memref<1000x128xf32, #tpu.memory_space<vmem_shared>>) dst(%dma_wait3A_370 : memref<128x128xf32, #tpu.memory_space<vmem>>)
      %ge3A_379 = arith.constant 2 : i32
      %ge3A_380 = arith.cmpi sge, %add3A_350, %ge3A_379 : i32
      %convert_element_type3A_381 = arith.extui %ge3A_380 : i1 to i32
      %cond3A_382 = arith.constant 0 : i32
      %cond3A_383 = arith.cmpi ne, %convert_element_type3A_381, %cond3A_382 : i32
      scf.if %cond3A_383 {
        %dma_wait3A_423 = arith.constant 1 : i32
        %dma_wait3A_424 = arith.constant 1 : i32
        %dma_wait3A_425 = arith.constant 0 : i32
        %dma_wait3A_426 = arith.constant 0 : i32
        %dma_wait3A_427 = tpu.memref_slice %arg11[%dma_wait3A_423, %dma_wait3A_425, %dma_wait3A_426] : memref<2x128x128xf32, #tpu.memory_space<vmem>> -> memref<1x128x128xf32, #tpu.memory_space<vmem>>
        %dma_wait3A_428 = tpu.memref_squeeze %dma_wait3A_427 : memref<1x128x128xf32, #tpu.memory_space<vmem>> -> memref<128x128xf32, #tpu.memory_space<vmem>>
        %dma_wait3A_429 = arith.constant 0 : i32
        %dma_wait3A_430 = tpu.memref_slice %arg6[%mul3A_2, %dma_wait3A_429] : memref<819200x128xf32, #tpu.memory_space<hbm>> -> memref<128x128xf32, #tpu.memory_space<hbm>>
        %dma_wait3A_431 = tpu.memref_slice %arg16[%dma_wait3A_424] : memref<2x!tpu.dma_semaphore, #tpu.memory_space<semaphore_mem>> -> memref<1x!tpu.dma_semaphore, #tpu.memory_space<semaphore_mem>>
        %dma_wait3A_432 = tpu.memref_squeeze %dma_wait3A_431 : memref<1x!tpu.dma_semaphore, #tpu.memory_space<semaphore_mem>> -> memref<!tpu.dma_semaphore, #tpu.memory_space<semaphore_mem>>
        %dma_wait3A_433 = arith.constant 0 : i32
        %dma_wait3A_434 = tpu.memref_slice %arg6[%mul3A_2, %dma_wait3A_433] : memref<819200x128xf32, #tpu.memory_space<hbm>> -> memref<128x128xf32, #tpu.memory_space<hbm>>
        %dma_wait3A_435 = arith.constant 0 : i32
        %dma_wait3A_436 = arith.constant 0 : i32
        %dma_wait3A_437 = tpu.memref_slice %arg11[%dma_wait3A_423, %dma_wait3A_435, %dma_wait3A_436] : memref<2x128x128xf32, #tpu.memory_space<vmem>> -> memref<1x128x128xf32, #tpu.memory_space<vmem>>
        %dma_wait3A_438 = tpu.memref_squeeze %dma_wait3A_437 : memref<1x128x128xf32, #tpu.memory_space<vmem>> -> memref<128x128xf32, #tpu.memory_space<vmem>>
        tpu.wait_dma2 semaphore(%dma_wait3A_432 : memref<!tpu.dma_semaphore, #tpu.memory_space<semaphore_mem>>) src(%dma_wait3A_438 : memref<128x128xf32, #tpu.memory_space<vmem>>) dst(%dma_wait3A_434 : memref<128x128xf32, #tpu.memory_space<hbm>>)
      } else {
      }
      %add3A_384 = arith.constant 5 : i32
      %add3A_385 = arith.addi %add3A_350, %add3A_384 : i32
      %lt3A_386 = arith.constant 200 : i32
      %lt3A_387 = arith.cmpi slt, %add3A_385, %lt3A_386 : i32
      %convert_element_type3A_388 = arith.extui %lt3A_387 : i1 to i32
      %cond3A_389 = arith.constant 0 : i32
      %cond3A_390 = arith.cmpi ne, %convert_element_type3A_388, %cond3A_389 : i32
      scf.if %cond3A_390 {
        %add3A_423 = arith.constant 2 : i32
        %add3A_424 = arith.addi %scan3A_129, %add3A_423 : i32
        %mul3A_425 = arith.constant 4 : i32
        %mul3A_426 = arith.muli %add3A_424, %mul3A_425 : i32
        %mul3A_427 = arith.constant 128 : i32
        %mul3A_428 = arith.muli %mul3A_426, %mul3A_427 : i32
        %add3A_429 = arith.addi %mul3A_2, %mul3A_428 : i32
        %dma_start3A_430 = arith.constant 0 : i32
        %dma_start3A_431 = tpu.memref_slice %arg7[%select_n3A_139, %dma_start3A_430] : memref<2x512xi32, #tpu.memory_space<vmem>> -> memref<1x512xi32, #tpu.memory_space<vmem>>
        %dma_start3A_432 = tpu.memref_squeeze %dma_start3A_431 : memref<1x512xi32, #tpu.memory_space<vmem>> -> memref<512xi32, #tpu.memory_space<vmem>>
        %dma_start3A_433 = tpu.memref_slice %arg4[%add3A_429] : memref<819200xi32, #tpu.memory_space<hbm>> -> memref<512xi32, #tpu.memory_space<hbm>>
        %dma_start3A_434 = tpu.memref_slice %arg13[%select_n3A_139] : memref<2x!tpu.dma_semaphore, #tpu.memory_space<semaphore_mem>> -> memref<1x!tpu.dma_semaphore, #tpu.memory_space<semaphore_mem>>
        %dma_start3A_435 = tpu.memref_squeeze %dma_start3A_434 : memref<1x!tpu.dma_semaphore, #tpu.memory_space<semaphore_mem>> -> memref<!tpu.dma_semaphore, #tpu.memory_space<semaphore_mem>>
        %dma_start3A_436 = arith.constant 0 : i32
        %dma_start3A_437 = tpu.memref_slice %arg7[%select_n3A_139, %dma_start3A_436] : memref<2x512xi32, #tpu.memory_space<vmem>> -> memref<1x512xi32, #tpu.memory_space<vmem>>
        %dma_start3A_438 = tpu.memref_squeeze %dma_start3A_437 : memref<1x512xi32, #tpu.memory_space<vmem>> -> memref<512xi32, #tpu.memory_space<vmem>>
        %dma_start3A_439 = tpu.memref_slice %arg4[%add3A_429] : memref<819200xi32, #tpu.memory_space<hbm>> -> memref<512xi32, #tpu.memory_space<hbm>>
        tpu.enqueue_dma source(%dma_start3A_439 : memref<512xi32, #tpu.memory_space<hbm>>) target(%dma_start3A_438 : memref<512xi32, #tpu.memory_space<vmem>>) target_semaphore(%dma_start3A_435 : memref<!tpu.dma_semaphore, #tpu.memory_space<semaphore_mem>>)
        %dma_start3A_440 = arith.constant 0 : i32
        %dma_start3A_441 = tpu.memref_slice %arg8[%select_n3A_139, %dma_start3A_440] : memref<2x512xi32, #tpu.memory_space<vmem>> -> memref<1x512xi32, #tpu.memory_space<vmem>>
        %dma_start3A_442 = tpu.memref_squeeze %dma_start3A_441 : memref<1x512xi32, #tpu.memory_space<vmem>> -> memref<512xi32, #tpu.memory_space<vmem>>
        %dma_start3A_443 = tpu.memref_slice %arg5[%add3A_429] : memref<819200xi32, #tpu.memory_space<hbm>> -> memref<512xi32, #tpu.memory_space<hbm>>
        %dma_start3A_444 = tpu.memref_slice %arg13[%select_n3A_139] : memref<2x!tpu.dma_semaphore, #tpu.memory_space<semaphore_mem>> -> memref<1x!tpu.dma_semaphore, #tpu.memory_space<semaphore_mem>>
        %dma_start3A_445 = tpu.memref_squeeze %dma_start3A_444 : memref<1x!tpu.dma_semaphore, #tpu.memory_space<semaphore_mem>> -> memref<!tpu.dma_semaphore, #tpu.memory_space<semaphore_mem>>
        %dma_start3A_446 = arith.constant 0 : i32
        %dma_start3A_447 = tpu.memref_slice %arg8[%select_n3A_139, %dma_start3A_446] : memref<2x512xi32, #tpu.memory_space<vmem>> -> memref<1x512xi32, #tpu.memory_space<vmem>>
        %dma_start3A_448 = tpu.memref_squeeze %dma_start3A_447 : memref<1x512xi32, #tpu.memory_space<vmem>> -> memref<512xi32, #tpu.memory_space<vmem>>
        %dma_start3A_449 = tpu.memref_slice %arg5[%add3A_429] : memref<819200xi32, #tpu.memory_space<hbm>> -> memref<512xi32, #tpu.memory_space<hbm>>
        tpu.enqueue_dma source(%dma_start3A_449 : memref<512xi32, #tpu.memory_space<hbm>>) target(%dma_start3A_448 : memref<512xi32, #tpu.memory_space<vmem>>) target_semaphore(%dma_start3A_445 : memref<!tpu.dma_semaphore, #tpu.memory_space<semaphore_mem>>)
      } else {
      }
      %scan3A_391 = arith.constant 0 : i32
      %scan3A_392 = arith.constant 0 : i32
      %scan3A_393 = arith.constant 32 : i32
      %scan3A_394 = arith.addi %scan3A_392, %scan3A_393 : i32
      %scan3A_395 = arith.constant 1 : i32
      scf.for %scan3A_423 = %scan3A_392 to %scan3A_394 step %scan3A_395  : i32 {
        %mul3A_424 = arith.constant 4 : i32
        %mul3A_425 = arith.muli %scan3A_423, %mul3A_424 : i32
        %add3A_426 = arith.constant 0 : i32
        %add3A_427 = arith.addi %mul3A_425, %add3A_426 : i32
        %get3A = arith.constant 1 : i32
        %get3A_428 = arith.index_cast %get3A : i32 to index
        %get3A_429 = arith.index_cast %add3A_427 : i32 to index
        %get3A_430 = arith.constant 0 : index
        %get3A_431 = tpu.vector_load %arg9[%get3A_428, %get3A_429, %get3A_430] {strides = array<i32>} : memref<2x128x128xf32, #tpu.memory_space<vmem>>, vector<1x1x16xf32>,
        %get3A_432 = vector.shape_cast %get3A_431 : vector<1x1x16xf32> to vector<16xf32>
        %get3A_433 = arith.constant 1 : i32
        %get3A_434 = arith.index_cast %get3A_433 : i32 to index
        %get3A_435 = arith.index_cast %add3A_427 : i32 to index
        %get3A_436 = arith.constant 0 : index
        %get3A_437 = tpu.vector_load %arg10[%get3A_434, %get3A_435, %get3A_436] {strides = array<i32>} : memref<2x128x128xf32, #tpu.memory_space<vmem>>, vector<1x1x16xf32>,
        %get3A_438 = vector.shape_cast %get3A_437 : vector<1x1x16xf32> to vector<16xf32>
        %add3A_439 = arith.addf %get3A_432, %get3A_438 : vector<16xf32>
        %swap3A = arith.constant 1 : i32
        %swap3A_440 = arith.index_cast %swap3A : i32 to index
        %swap3A_441 = arith.index_cast %add3A_427 : i32 to index
        %swap3A_442 = arith.constant 0 : index
        %swap3A_443 = tpu.vector_load %arg11[%swap3A_440, %swap3A_441, %swap3A_442] {strides = array<i32>} : memref<2x128x128xf32, #tpu.memory_space<vmem>>, vector<1x1x16xf32>,
        %swap3A_444 = vector.shape_cast %swap3A_443 : vector<1x1x16xf32> to vector<16xf32>
        %swap3A_445 = vector.shape_cast %add3A_439 : vector<16xf32> to vector<1x1x16xf32>
        tpu.vector_store %arg11[%swap3A_440, %swap3A_441, %swap3A_442], %swap3A_445 {strides = array<i32>} : memref<2x128x128xf32, #tpu.memory_space<vmem>>, vector<1x1x16xf32>,
        %get3A_446 = arith.constant 1 : i32
        %get3A_447 = arith.index_cast %get3A_446 : i32 to index
        %get3A_448 = arith.index_cast %add3A_427 : i32 to index
        %get3A_449 = arith.constant 16 : index
        %get3A_450 = tpu.vector_load %arg9[%get3A_447, %get3A_448, %get3A_449] {strides = array<i32>} : memref<2x128x128xf32, #tpu.memory_space<vmem>>, vector<1x1x16xf32>,
        %get3A_451 = vector.shape_cast %get3A_450 : vector<1x1x16xf32> to vector<16xf32>
        %get3A_452 = arith.constant 1 : i32
        %get3A_453 = arith.index_cast %get3A_452 : i32 to index
        %get3A_454 = arith.index_cast %add3A_427 : i32 to index
        %get3A_455 = arith.constant 16 : index
        %get3A_456 = tpu.vector_load %arg10[%get3A_453, %get3A_454, %get3A_455] {strides = array<i32>} : memref<2x128x128xf32, #tpu.memory_space<vmem>>, vector<1x1x16xf32>,
        %get3A_457 = vector.shape_cast %get3A_456 : vector<1x1x16xf32> to vector<16xf32>
        %add3A_458 = arith.addf %get3A_451, %get3A_457 : vector<16xf32>
        %swap3A_459 = arith.constant 1 : i32
        %swap3A_460 = arith.index_cast %swap3A_459 : i32 to index
        %swap3A_461 = arith.index_cast %add3A_427 : i32 to index
        %swap3A_462 = arith.constant 16 : index
        %swap3A_463 = tpu.vector_load %arg11[%swap3A_460, %swap3A_461, %swap3A_462] {strides = array<i32>} : memref<2x128x128xf32, #tpu.memory_space<vmem>>, vector<1x1x16xf32>,
        %swap3A_464 = vector.shape_cast %swap3A_463 : vector<1x1x16xf32> to vector<16xf32>
        %swap3A_465 = vector.shape_cast %add3A_458 : vector<16xf32> to vector<1x1x16xf32>
        tpu.vector_store %arg11[%swap3A_460, %swap3A_461, %swap3A_462], %swap3A_465 {strides = array<i32>} : memref<2x128x128xf32, #tpu.memory_space<vmem>>, vector<1x1x16xf32>,
        %get3A_466 = arith.constant 1 : i32
        %get3A_467 = arith.index_cast %get3A_466 : i32 to index
        %get3A_468 = arith.index_cast %add3A_427 : i32 to index
        %get3A_469 = arith.constant 32 : index
        %get3A_470 = tpu.vector_load %arg9[%get3A_467, %get3A_468, %get3A_469] {strides = array<i32>} : memref<2x128x128xf32, #tpu.memory_space<vmem>>, vector<1x1x16xf32>,
        %get3A_471 = vector.shape_cast %get3A_470 : vector<1x1x16xf32> to vector<16xf32>
        %get3A_472 = arith.constant 1 : i32
        %get3A_473 = arith.index_cast %get3A_472 : i32 to index
        %get3A_474 = arith.index_cast %add3A_427 : i32 to index
        %get3A_475 = arith.constant 32 : index
        %get3A_476 = tpu.vector_load %arg10[%get3A_473, %get3A_474, %get3A_475] {strides = array<i32>} : memref<2x128x128xf32, #tpu.memory_space<vmem>>, vector<1x1x16xf32>,
        %get3A_477 = vector.shape_cast %get3A_476 : vector<1x1x16xf32> to vector<16xf32>
        %add3A_478 = arith.addf %get3A_471, %get3A_477 : vector<16xf32>
        %swap3A_479 = arith.constant 1 : i32
        %swap3A_480 = arith.index_cast %swap3A_479 : i32 to index
        %swap3A_481 = arith.index_cast %add3A_427 : i32 to index
        %swap3A_482 = arith.constant 32 : index
        %swap3A_483 = tpu.vector_load %arg11[%swap3A_480, %swap3A_481, %swap3A_482] {strides = array<i32>} : memref<2x128x128xf32, #tpu.memory_space<vmem>>, vector<1x1x16xf32>,
        %swap3A_484 = vector.shape_cast %swap3A_483 : vector<1x1x16xf32> to vector<16xf32>
        %swap3A_485 = vector.shape_cast %add3A_478 : vector<16xf32> to vector<1x1x16xf32>
        tpu.vector_store %arg11[%swap3A_480, %swap3A_481, %swap3A_482], %swap3A_485 {strides = array<i32>} : memref<2x128x128xf32, #tpu.memory_space<vmem>>, vector<1x1x16xf32>,
        %get3A_486 = arith.constant 1 : i32
        %get3A_487 = arith.index_cast %get3A_486 : i32 to index
        %get3A_488 = arith.index_cast %add3A_427 : i32 to index
        %get3A_489 = arith.constant 48 : index
        %get3A_490 = tpu.vector_load %arg9[%get3A_487, %get3A_488, %get3A_489] {strides = array<i32>} : memref<2x128x128xf32, #tpu.memory_space<vmem>>, vector<1x1x16xf32>,
        %get3A_491 = vector.shape_cast %get3A_490 : vector<1x1x16xf32> to vector<16xf32>
        %get3A_492 = arith.constant 1 : i32
        %get3A_493 = arith.index_cast %get3A_492 : i32 to index
        %get3A_494 = arith.index_cast %add3A_427 : i32 to index
        %get3A_495 = arith.constant 48 : index
        %get3A_496 = tpu.vector_load %arg10[%get3A_493, %get3A_494, %get3A_495] {strides = array<i32>} : memref<2x128x128xf32, #tpu.memory_space<vmem>>, vector<1x1x16xf32>,
        %get3A_497 = vector.shape_cast %get3A_496 : vector<1x1x16xf32> to vector<16xf32>
        %add3A_498 = arith.addf %get3A_491, %get3A_497 : vector<16xf32>
        %swap3A_499 = arith.constant 1 : i32
        %swap3A_500 = arith.index_cast %swap3A_499 : i32 to index
        %swap3A_501 = arith.index_cast %add3A_427 : i32 to index
        %swap3A_502 = arith.constant 48 : index
        %swap3A_503 = tpu.vector_load %arg11[%swap3A_500, %swap3A_501, %swap3A_502] {strides = array<i32>} : memref<2x128x128xf32, #tpu.memory_space<vmem>>, vector<1x1x16xf32>,
        %swap3A_504 = vector.shape_cast %swap3A_503 : vector<1x1x16xf32> to vector<16xf32>
        %swap3A_505 = vector.shape_cast %add3A_498 : vector<16xf32> to vector<1x1x16xf32>
        tpu.vector_store %arg11[%swap3A_500, %swap3A_501, %swap3A_502], %swap3A_505 {strides = array<i32>} : memref<2x128x128xf32, #tpu.memory_space<vmem>>, vector<1x1x16xf32>,
        %get3A_506 = arith.constant 1 : i32
        %get3A_507 = arith.index_cast %get3A_506 : i32 to index
        %get3A_508 = arith.index_cast %add3A_427 : i32 to index
        %get3A_509 = arith.constant 64 : index
        %get3A_510 = tpu.vector_load %arg9[%get3A_507, %get3A_508, %get3A_509] {strides = array<i32>} : memref<2x128x128xf32, #tpu.memory_space<vmem>>, vector<1x1x16xf32>,
        %get3A_511 = vector.shape_cast %get3A_510 : vector<1x1x16xf32> to vector<16xf32>
        %get3A_512 = arith.constant 1 : i32
        %get3A_513 = arith.index_cast %get3A_512 : i32 to index
        %get3A_514 = arith.index_cast %add3A_427 : i32 to index
        %get3A_515 = arith.constant 64 : index
        %get3A_516 = tpu.vector_load %arg10[%get3A_513, %get3A_514, %get3A_515] {strides = array<i32>} : memref<2x128x128xf32, #tpu.memory_space<vmem>>, vector<1x1x16xf32>,
        %get3A_517 = vector.shape_cast %get3A_516 : vector<1x1x16xf32> to vector<16xf32>
        %add3A_518 = arith.addf %get3A_511, %get3A_517 : vector<16xf32>
        %swap3A_519 = arith.constant 1 : i32
        %swap3A_520 = arith.index_cast %swap3A_519 : i32 to index
        %swap3A_521 = arith.index_cast %add3A_427 : i32 to index
        %swap3A_522 = arith.constant 64 : index
        %swap3A_523 = tpu.vector_load %arg11[%swap3A_520, %swap3A_521, %swap3A_522] {strides = array<i32>} : memref<2x128x128xf32, #tpu.memory_space<vmem>>, vector<1x1x16xf32>,
        %swap3A_524 = vector.shape_cast %swap3A_523 : vector<1x1x16xf32> to vector<16xf32>
        %swap3A_525 = vector.shape_cast %add3A_518 : vector<16xf32> to vector<1x1x16xf32>
        tpu.vector_store %arg11[%swap3A_520, %swap3A_521, %swap3A_522], %swap3A_525 {strides = array<i32>} : memref<2x128x128xf32, #tpu.memory_space<vmem>>, vector<1x1x16xf32>,
        %get3A_526 = arith.constant 1 : i32
        %get3A_527 = arith.index_cast %get3A_526 : i32 to index
        %get3A_528 = arith.index_cast %add3A_427 : i32 to index
        %get3A_529 = arith.constant 80 : index
        %get3A_530 = tpu.vector_load %arg9[%get3A_527, %get3A_528, %get3A_529] {strides = array<i32>} : memref<2x128x128xf32, #tpu.memory_space<vmem>>, vector<1x1x16xf32>,
        %get3A_531 = vector.shape_cast %get3A_530 : vector<1x1x16xf32> to vector<16xf32>
        %get3A_532 = arith.constant 1 : i32
        %get3A_533 = arith.index_cast %get3A_532 : i32 to index
        %get3A_534 = arith.index_cast %add3A_427 : i32 to index
        %get3A_535 = arith.constant 80 : index
        %get3A_536 = tpu.vector_load %arg10[%get3A_533, %get3A_534, %get3A_535] {strides = array<i32>} : memref<2x128x128xf32, #tpu.memory_space<vmem>>, vector<1x1x16xf32>,
        %get3A_537 = vector.shape_cast %get3A_536 : vector<1x1x16xf32> to vector<16xf32>
        %add3A_538 = arith.addf %get3A_531, %get3A_537 : vector<16xf32>
        %swap3A_539 = arith.constant 1 : i32
        %swap3A_540 = arith.index_cast %swap3A_539 : i32 to index
        %swap3A_541 = arith.index_cast %add3A_427 : i32 to index
        %swap3A_542 = arith.constant 80 : index
        %swap3A_543 = tpu.vector_load %arg11[%swap3A_540, %swap3A_541, %swap3A_542] {strides = array<i32>} : memref<2x128x128xf32, #tpu.memory_space<vmem>>, vector<1x1x16xf32>,
        %swap3A_544 = vector.shape_cast %swap3A_543 : vector<1x1x16xf32> to vector<16xf32>
        %swap3A_545 = vector.shape_cast %add3A_538 : vector<16xf32> to vector<1x1x16xf32>
        tpu.vector_store %arg11[%swap3A_540, %swap3A_541, %swap3A_542], %swap3A_545 {strides = array<i32>} : memref<2x128x128xf32, #tpu.memory_space<vmem>>, vector<1x1x16xf32>,
        %get3A_546 = arith.constant 1 : i32
        %get3A_547 = arith.index_cast %get3A_546 : i32 to index
        %get3A_548 = arith.index_cast %add3A_427 : i32 to index
        %get3A_549 = arith.constant 96 : index
        %get3A_550 = tpu.vector_load %arg9[%get3A_547, %get3A_548, %get3A_549] {strides = array<i32>} : memref<2x128x128xf32, #tpu.memory_space<vmem>>, vector<1x1x16xf32>,
        %get3A_551 = vector.shape_cast %get3A_550 : vector<1x1x16xf32> to vector<16xf32>
        %get3A_552 = arith.constant 1 : i32
        %get3A_553 = arith.index_cast %get3A_552 : i32 to index
        %get3A_554 = arith.index_cast %add3A_427 : i32 to index
        %get3A_555 = arith.constant 96 : index
        %get3A_556 = tpu.vector_load %arg10[%get3A_553, %get3A_554, %get3A_555] {strides = array<i32>} : memref<2x128x128xf32, #tpu.memory_space<vmem>>, vector<1x1x16xf32>,
        %get3A_557 = vector.shape_cast %get3A_556 : vector<1x1x16xf32> to vector<16xf32>
        %add3A_558 = arith.addf %get3A_551, %get3A_557 : vector<16xf32>
        %swap3A_559 = arith.constant 1 : i32
        %swap3A_560 = arith.index_cast %swap3A_559 : i32 to index
        %swap3A_561 = arith.index_cast %add3A_427 : i32 to index
        %swap3A_562 = arith.constant 96 : index
        %swap3A_563 = tpu.vector_load %arg11[%swap3A_560, %swap3A_561, %swap3A_562] {strides = array<i32>} : memref<2x128x128xf32, #tpu.memory_space<vmem>>, vector<1x1x16xf32>,
        %swap3A_564 = vector.shape_cast %swap3A_563 : vector<1x1x16xf32> to vector<16xf32>
        %swap3A_565 = vector.shape_cast %add3A_558 : vector<16xf32> to vector<1x1x16xf32>
        tpu.vector_store %arg11[%swap3A_560, %swap3A_561, %swap3A_562], %swap3A_565 {strides = array<i32>} : memref<2x128x128xf32, #tpu.memory_space<vmem>>, vector<1x1x16xf32>,
        %get3A_566 = arith.constant 1 : i32
        %get3A_567 = arith.index_cast %get3A_566 : i32 to index
        %get3A_568 = arith.index_cast %add3A_427 : i32 to index
        %get3A_569 = arith.constant 112 : index
        %get3A_570 = tpu.vector_load %arg9[%get3A_567, %get3A_568, %get3A_569] {strides = array<i32>} : memref<2x128x128xf32, #tpu.memory_space<vmem>>, vector<1x1x16xf32>,
        %get3A_571 = vector.shape_cast %get3A_570 : vector<1x1x16xf32> to vector<16xf32>
        %get3A_572 = arith.constant 1 : i32
        %get3A_573 = arith.index_cast %get3A_572 : i32 to index
        %get3A_574 = arith.index_cast %add3A_427 : i32 to index
        %get3A_575 = arith.constant 112 : index
        %get3A_576 = tpu.vector_load %arg10[%get3A_573, %get3A_574, %get3A_575] {strides = array<i32>} : memref<2x128x128xf32, #tpu.memory_space<vmem>>, vector<1x1x16xf32>,
        %get3A_577 = vector.shape_cast %get3A_576 : vector<1x1x16xf32> to vector<16xf32>
        %add3A_578 = arith.addf %get3A_571, %get3A_577 : vector<16xf32>
        %swap3A_579 = arith.constant 1 : i32
        %swap3A_580 = arith.index_cast %swap3A_579 : i32 to index
        %swap3A_581 = arith.index_cast %add3A_427 : i32 to index
        %swap3A_582 = arith.constant 112 : index
        %swap3A_583 = tpu.vector_load %arg11[%swap3A_580, %swap3A_581, %swap3A_582] {strides = array<i32>} : memref<2x128x128xf32, #tpu.memory_space<vmem>>, vector<1x1x16xf32>,
        %swap3A_584 = vector.shape_cast %swap3A_583 : vector<1x1x16xf32> to vector<16xf32>
        %swap3A_585 = vector.shape_cast %add3A_578 : vector<16xf32> to vector<1x1x16xf32>
        tpu.vector_store %arg11[%swap3A_580, %swap3A_581, %swap3A_582], %swap3A_585 {strides = array<i32>} : memref<2x128x128xf32, #tpu.memory_space<vmem>>, vector<1x1x16xf32>,
        %mul3A_586 = arith.constant 4 : i32
        %mul3A_587 = arith.muli %scan3A_423, %mul3A_586 : i32
        %add3A_588 = arith.constant 1 : i32
        %add3A_589 = arith.addi %mul3A_587, %add3A_588 : i32
        %get3A_590 = arith.constant 1 : i32
        %get3A_591 = arith.index_cast %get3A_590 : i32 to index
        %get3A_592 = arith.index_cast %add3A_589 : i32 to index
        %get3A_593 = arith.constant 0 : index
        %get3A_594 = tpu.vector_load %arg9[%get3A_591, %get3A_592, %get3A_593] {strides = array<i32>} : memref<2x128x128xf32, #tpu.memory_space<vmem>>, vector<1x1x16xf32>,
        %get3A_595 = vector.shape_cast %get3A_594 : vector<1x1x16xf32> to vector<16xf32>
        %get3A_596 = arith.constant 1 : i32
        %get3A_597 = arith.index_cast %get3A_596 : i32 to index
        %get3A_598 = arith.index_cast %add3A_589 : i32 to index
        %get3A_599 = arith.constant 0 : index
        %get3A_600 = tpu.vector_load %arg10[%get3A_597, %get3A_598, %get3A_599] {strides = array<i32>} : memref<2x128x128xf32, #tpu.memory_space<vmem>>, vector<1x1x16xf32>,
        %get3A_601 = vector.shape_cast %get3A_600 : vector<1x1x16xf32> to vector<16xf32>
        %add3A_602 = arith.addf %get3A_595, %get3A_601 : vector<16xf32>
        %swap3A_603 = arith.constant 1 : i32
        %swap3A_604 = arith.index_cast %swap3A_603 : i32 to index
        %swap3A_605 = arith.index_cast %add3A_589 : i32 to index
        %swap3A_606 = arith.constant 0 : index
        %swap3A_607 = tpu.vector_load %arg11[%swap3A_604, %swap3A_605, %swap3A_606] {strides = array<i32>} : memref<2x128x128xf32, #tpu.memory_space<vmem>>, vector<1x1x16xf32>,
        %swap3A_608 = vector.shape_cast %swap3A_607 : vector<1x1x16xf32> to vector<16xf32>
        %swap3A_609 = vector.shape_cast %add3A_602 : vector<16xf32> to vector<1x1x16xf32>
        tpu.vector_store %arg11[%swap3A_604, %swap3A_605, %swap3A_606], %swap3A_609 {strides = array<i32>} : memref<2x128x128xf32, #tpu.memory_space<vmem>>, vector<1x1x16xf32>,
        %get3A_610 = arith.constant 1 : i32
        %get3A_611 = arith.index_cast %get3A_610 : i32 to index
        %get3A_612 = arith.index_cast %add3A_589 : i32 to index
        %get3A_613 = arith.constant 16 : index
        %get3A_614 = tpu.vector_load %arg9[%get3A_611, %get3A_612, %get3A_613] {strides = array<i32>} : memref<2x128x128xf32, #tpu.memory_space<vmem>>, vector<1x1x16xf32>,
        %get3A_615 = vector.shape_cast %get3A_614 : vector<1x1x16xf32> to vector<16xf32>
        %get3A_616 = arith.constant 1 : i32
        %get3A_617 = arith.index_cast %get3A_616 : i32 to index
        %get3A_618 = arith.index_cast %add3A_589 : i32 to index
        %get3A_619 = arith.constant 16 : index
        %get3A_620 = tpu.vector_load %arg10[%get3A_617, %get3A_618, %get3A_619] {strides = array<i32>} : memref<2x128x128xf32, #tpu.memory_space<vmem>>, vector<1x1x16xf32>,
        %get3A_621 = vector.shape_cast %get3A_620 : vector<1x1x16xf32> to vector<16xf32>
        %add3A_622 = arith.addf %get3A_615, %get3A_621 : vector<16xf32>
        %swap3A_623 = arith.constant 1 : i32
        %swap3A_624 = arith.index_cast %swap3A_623 : i32 to index
        %swap3A_625 = arith.index_cast %add3A_589 : i32 to index
        %swap3A_626 = arith.constant 16 : index
        %swap3A_627 = tpu.vector_load %arg11[%swap3A_624, %swap3A_625, %swap3A_626] {strides = array<i32>} : memref<2x128x128xf32, #tpu.memory_space<vmem>>, vector<1x1x16xf32>,
        %swap3A_628 = vector.shape_cast %swap3A_627 : vector<1x1x16xf32> to vector<16xf32>
        %swap3A_629 = vector.shape_cast %add3A_622 : vector<16xf32> to vector<1x1x16xf32>
        tpu.vector_store %arg11[%swap3A_624, %swap3A_625, %swap3A_626], %swap3A_629 {strides = array<i32>} : memref<2x128x128xf32, #tpu.memory_space<vmem>>, vector<1x1x16xf32>,
        %get3A_630 = arith.constant 1 : i32
        %get3A_631 = arith.index_cast %get3A_630 : i32 to index
        %get3A_632 = arith.index_cast %add3A_589 : i32 to index
        %get3A_633 = arith.constant 32 : index
        %get3A_634 = tpu.vector_load %arg9[%get3A_631, %get3A_632, %get3A_633] {strides = array<i32>} : memref<2x128x128xf32, #tpu.memory_space<vmem>>, vector<1x1x16xf32>,
        %get3A_635 = vector.shape_cast %get3A_634 : vector<1x1x16xf32> to vector<16xf32>
        %get3A_636 = arith.constant 1 : i32
        %get3A_637 = arith.index_cast %get3A_636 : i32 to index
        %get3A_638 = arith.index_cast %add3A_589 : i32 to index
        %get3A_639 = arith.constant 32 : index
        %get3A_640 = tpu.vector_load %arg10[%get3A_637, %get3A_638, %get3A_639] {strides = array<i32>} : memref<2x128x128xf32, #tpu.memory_space<vmem>>, vector<1x1x16xf32>,
        %get3A_641 = vector.shape_cast %get3A_640 : vector<1x1x16xf32> to vector<16xf32>
        %add3A_642 = arith.addf %get3A_635, %get3A_641 : vector<16xf32>
        %swap3A_643 = arith.constant 1 : i32
        %swap3A_644 = arith.index_cast %swap3A_643 : i32 to index
        %swap3A_645 = arith.index_cast %add3A_589 : i32 to index
        %swap3A_646 = arith.constant 32 : index
        %swap3A_647 = tpu.vector_load %arg11[%swap3A_644, %swap3A_645, %swap3A_646] {strides = array<i32>} : memref<2x128x128xf32, #tpu.memory_space<vmem>>, vector<1x1x16xf32>,
        %swap3A_648 = vector.shape_cast %swap3A_647 : vector<1x1x16xf32> to vector<16xf32>
        %swap3A_649 = vector.shape_cast %add3A_642 : vector<16xf32> to vector<1x1x16xf32>
        tpu.vector_store %arg11[%swap3A_644, %swap3A_645, %swap3A_646], %swap3A_649 {strides = array<i32>} : memref<2x128x128xf32, #tpu.memory_space<vmem>>, vector<1x1x16xf32>,
        %get3A_650 = arith.constant 1 : i32
        %get3A_651 = arith.index_cast %get3A_650 : i32 to index
        %get3A_652 = arith.index_cast %add3A_589 : i32 to index
        %get3A_653 = arith.constant 48 : index
        %get3A_654 = tpu.vector_load %arg9[%get3A_651, %get3A_652, %get3A_653] {strides = array<i32>} : memref<2x128x128xf32, #tpu.memory_space<vmem>>, vector<1x1x16xf32>,
        %get3A_655 = vector.shape_cast %get3A_654 : vector<1x1x16xf32> to vector<16xf32>
        %get3A_656 = arith.constant 1 : i32
        %get3A_657 = arith.index_cast %get3A_656 : i32 to index
        %get3A_658 = arith.index_cast %add3A_589 : i32 to index
        %get3A_659 = arith.constant 48 : index
        %get3A_660 = tpu.vector_load %arg10[%get3A_657, %get3A_658, %get3A_659] {strides = array<i32>} : memref<2x128x128xf32, #tpu.memory_space<vmem>>, vector<1x1x16xf32>,
        %get3A_661 = vector.shape_cast %get3A_660 : vector<1x1x16xf32> to vector<16xf32>
        %add3A_662 = arith.addf %get3A_655, %get3A_661 : vector<16xf32>
        %swap3A_663 = arith.constant 1 : i32
        %swap3A_664 = arith.index_cast %swap3A_663 : i32 to index
        %swap3A_665 = arith.index_cast %add3A_589 : i32 to index
        %swap3A_666 = arith.constant 48 : index
        %swap3A_667 = tpu.vector_load %arg11[%swap3A_664, %swap3A_665, %swap3A_666] {strides = array<i32>} : memref<2x128x128xf32, #tpu.memory_space<vmem>>, vector<1x1x16xf32>,
        %swap3A_668 = vector.shape_cast %swap3A_667 : vector<1x1x16xf32> to vector<16xf32>
        %swap3A_669 = vector.shape_cast %add3A_662 : vector<16xf32> to vector<1x1x16xf32>
        tpu.vector_store %arg11[%swap3A_664, %swap3A_665, %swap3A_666], %swap3A_669 {strides = array<i32>} : memref<2x128x128xf32, #tpu.memory_space<vmem>>, vector<1x1x16xf32>,
        %get3A_670 = arith.constant 1 : i32
        %get3A_671 = arith.index_cast %get3A_670 : i32 to index
        %get3A_672 = arith.index_cast %add3A_589 : i32 to index
        %get3A_673 = arith.constant 64 : index
        %get3A_674 = tpu.vector_load %arg9[%get3A_671, %get3A_672, %get3A_673] {strides = array<i32>} : memref<2x128x128xf32, #tpu.memory_space<vmem>>, vector<1x1x16xf32>,
        %get3A_675 = vector.shape_cast %get3A_674 : vector<1x1x16xf32> to vector<16xf32>
        %get3A_676 = arith.constant 1 : i32
        %get3A_677 = arith.index_cast %get3A_676 : i32 to index
        %get3A_678 = arith.index_cast %add3A_589 : i32 to index
        %get3A_679 = arith.constant 64 : index
        %get3A_680 = tpu.vector_load %arg10[%get3A_677, %get3A_678, %get3A_679] {strides = array<i32>} : memref<2x128x128xf32, #tpu.memory_space<vmem>>, vector<1x1x16xf32>,
        %get3A_681 = vector.shape_cast %get3A_680 : vector<1x1x16xf32> to vector<16xf32>
        %add3A_682 = arith.addf %get3A_675, %get3A_681 : vector<16xf32>
        %swap3A_683 = arith.constant 1 : i32
        %swap3A_684 = arith.index_cast %swap3A_683 : i32 to index
        %swap3A_685 = arith.index_cast %add3A_589 : i32 to index
        %swap3A_686 = arith.constant 64 : index
        %swap3A_687 = tpu.vector_load %arg11[%swap3A_684, %swap3A_685, %swap3A_686] {strides = array<i32>} : memref<2x128x128xf32, #tpu.memory_space<vmem>>, vector<1x1x16xf32>,
        %swap3A_688 = vector.shape_cast %swap3A_687 : vector<1x1x16xf32> to vector<16xf32>
        %swap3A_689 = vector.shape_cast %add3A_682 : vector<16xf32> to vector<1x1x16xf32>
        tpu.vector_store %arg11[%swap3A_684, %swap3A_685, %swap3A_686], %swap3A_689 {strides = array<i32>} : memref<2x128x128xf32, #tpu.memory_space<vmem>>, vector<1x1x16xf32>,
        %get3A_690 = arith.constant 1 : i32
        %get3A_691 = arith.index_cast %get3A_690 : i32 to index
        %get3A_692 = arith.index_cast %add3A_589 : i32 to index
        %get3A_693 = arith.constant 80 : index
        %get3A_694 = tpu.vector_load %arg9[%get3A_691, %get3A_692, %get3A_693] {strides = array<i32>} : memref<2x128x128xf32, #tpu.memory_space<vmem>>, vector<1x1x16xf32>,
        %get3A_695 = vector.shape_cast %get3A_694 : vector<1x1x16xf32> to vector<16xf32>
        %get3A_696 = arith.constant 1 : i32
        %get3A_697 = arith.index_cast %get3A_696 : i32 to index
        %get3A_698 = arith.index_cast %add3A_589 : i32 to index
        %get3A_699 = arith.constant 80 : index
        %get3A_700 = tpu.vector_load %arg10[%get3A_697, %get3A_698, %get3A_699] {strides = array<i32>} : memref<2x128x128xf32, #tpu.memory_space<vmem>>, vector<1x1x16xf32>,
        %get3A_701 = vector.shape_cast %get3A_700 : vector<1x1x16xf32> to vector<16xf32>
        %add3A_702 = arith.addf %get3A_695, %get3A_701 : vector<16xf32>
        %swap3A_703 = arith.constant 1 : i32
        %swap3A_704 = arith.index_cast %swap3A_703 : i32 to index
        %swap3A_705 = arith.index_cast %add3A_589 : i32 to index
        %swap3A_706 = arith.constant 80 : index
        %swap3A_707 = tpu.vector_load %arg11[%swap3A_704, %swap3A_705, %swap3A_706] {strides = array<i32>} : memref<2x128x128xf32, #tpu.memory_space<vmem>>, vector<1x1x16xf32>,
        %swap3A_708 = vector.shape_cast %swap3A_707 : vector<1x1x16xf32> to vector<16xf32>
        %swap3A_709 = vector.shape_cast %add3A_702 : vector<16xf32> to vector<1x1x16xf32>
        tpu.vector_store %arg11[%swap3A_704, %swap3A_705, %swap3A_706], %swap3A_709 {strides = array<i32>} : memref<2x128x128xf32, #tpu.memory_space<vmem>>, vector<1x1x16xf32>,
        %get3A_710 = arith.constant 1 : i32
        %get3A_711 = arith.index_cast %get3A_710 : i32 to index
        %get3A_712 = arith.index_cast %add3A_589 : i32 to index
        %get3A_713 = arith.constant 96 : index
        %get3A_714 = tpu.vector_load %arg9[%get3A_711, %get3A_712, %get3A_713] {strides = array<i32>} : memref<2x128x128xf32, #tpu.memory_space<vmem>>, vector<1x1x16xf32>,
        %get3A_715 = vector.shape_cast %get3A_714 : vector<1x1x16xf32> to vector<16xf32>
        %get3A_716 = arith.constant 1 : i32
        %get3A_717 = arith.index_cast %get3A_716 : i32 to index
        %get3A_718 = arith.index_cast %add3A_589 : i32 to index
        %get3A_719 = arith.constant 96 : index
        %get3A_720 = tpu.vector_load %arg10[%get3A_717, %get3A_718, %get3A_719] {strides = array<i32>} : memref<2x128x128xf32, #tpu.memory_space<vmem>>, vector<1x1x16xf32>,
        %get3A_721 = vector.shape_cast %get3A_720 : vector<1x1x16xf32> to vector<16xf32>
        %add3A_722 = arith.addf %get3A_715, %get3A_721 : vector<16xf32>
        %swap3A_723 = arith.constant 1 : i32
        %swap3A_724 = arith.index_cast %swap3A_723 : i32 to index
        %swap3A_725 = arith.index_cast %add3A_589 : i32 to index
        %swap3A_726 = arith.constant 96 : index
        %swap3A_727 = tpu.vector_load %arg11[%swap3A_724, %swap3A_725, %swap3A_726] {strides = array<i32>} : memref<2x128x128xf32, #tpu.memory_space<vmem>>, vector<1x1x16xf32>,
        %swap3A_728 = vector.shape_cast %swap3A_727 : vector<1x1x16xf32> to vector<16xf32>
        %swap3A_729 = vector.shape_cast %add3A_722 : vector<16xf32> to vector<1x1x16xf32>
        tpu.vector_store %arg11[%swap3A_724, %swap3A_725, %swap3A_726], %swap3A_729 {strides = array<i32>} : memref<2x128x128xf32, #tpu.memory_space<vmem>>, vector<1x1x16xf32>,
        %get3A_730 = arith.constant 1 : i32
        %get3A_731 = arith.index_cast %get3A_730 : i32 to index
        %get3A_732 = arith.index_cast %add3A_589 : i32 to index
        %get3A_733 = arith.constant 112 : index
        %get3A_734 = tpu.vector_load %arg9[%get3A_731, %get3A_732, %get3A_733] {strides = array<i32>} : memref<2x128x128xf32, #tpu.memory_space<vmem>>, vector<1x1x16xf32>,
        %get3A_735 = vector.shape_cast %get3A_734 : vector<1x1x16xf32> to vector<16xf32>
        %get3A_736 = arith.constant 1 : i32
        %get3A_737 = arith.index_cast %get3A_736 : i32 to index
        %get3A_738 = arith.index_cast %add3A_589 : i32 to index
        %get3A_739 = arith.constant 112 : index
        %get3A_740 = tpu.vector_load %arg10[%get3A_737, %get3A_738, %get3A_739] {strides = array<i32>} : memref<2x128x128xf32, #tpu.memory_space<vmem>>, vector<1x1x16xf32>,
        %get3A_741 = vector.shape_cast %get3A_740 : vector<1x1x16xf32> to vector<16xf32>
        %add3A_742 = arith.addf %get3A_735, %get3A_741 : vector<16xf32>
        %swap3A_743 = arith.constant 1 : i32
        %swap3A_744 = arith.index_cast %swap3A_743 : i32 to index
        %swap3A_745 = arith.index_cast %add3A_589 : i32 to index
        %swap3A_746 = arith.constant 112 : index
        %swap3A_747 = tpu.vector_load %arg11[%swap3A_744, %swap3A_745, %swap3A_746] {strides = array<i32>} : memref<2x128x128xf32, #tpu.memory_space<vmem>>, vector<1x1x16xf32>,
        %swap3A_748 = vector.shape_cast %swap3A_747 : vector<1x1x16xf32> to vector<16xf32>
        %swap3A_749 = vector.shape_cast %add3A_742 : vector<16xf32> to vector<1x1x16xf32>
        tpu.vector_store %arg11[%swap3A_744, %swap3A_745, %swap3A_746], %swap3A_749 {strides = array<i32>} : memref<2x128x128xf32, #tpu.memory_space<vmem>>, vector<1x1x16xf32>,
        %mul3A_750 = arith.constant 4 : i32
        %mul3A_751 = arith.muli %scan3A_423, %mul3A_750 : i32
        %add3A_752 = arith.constant 2 : i32
        %add3A_753 = arith.addi %mul3A_751, %add3A_752 : i32
        %get3A_754 = arith.constant 1 : i32
        %get3A_755 = arith.index_cast %get3A_754 : i32 to index
        %get3A_756 = arith.index_cast %add3A_753 : i32 to index
        %get3A_757 = arith.constant 0 : index
        %get3A_758 = tpu.vector_load %arg9[%get3A_755, %get3A_756, %get3A_757] {strides = array<i32>} : memref<2x128x128xf32, #tpu.memory_space<vmem>>, vector<1x1x16xf32>,
        %get3A_759 = vector.shape_cast %get3A_758 : vector<1x1x16xf32> to vector<16xf32>
        %get3A_760 = arith.constant 1 : i32
        %get3A_761 = arith.index_cast %get3A_760 : i32 to index
        %get3A_762 = arith.index_cast %add3A_753 : i32 to index
        %get3A_763 = arith.constant 0 : index
        %get3A_764 = tpu.vector_load %arg10[%get3A_761, %get3A_762, %get3A_763] {strides = array<i32>} : memref<2x128x128xf32, #tpu.memory_space<vmem>>, vector<1x1x16xf32>,
        %get3A_765 = vector.shape_cast %get3A_764 : vector<1x1x16xf32> to vector<16xf32>
        %add3A_766 = arith.addf %get3A_759, %get3A_765 : vector<16xf32>
        %swap3A_767 = arith.constant 1 : i32
        %swap3A_768 = arith.index_cast %swap3A_767 : i32 to index
        %swap3A_769 = arith.index_cast %add3A_753 : i32 to index
        %swap3A_770 = arith.constant 0 : index
        %swap3A_771 = tpu.vector_load %arg11[%swap3A_768, %swap3A_769, %swap3A_770] {strides = array<i32>} : memref<2x128x128xf32, #tpu.memory_space<vmem>>, vector<1x1x16xf32>,
        %swap3A_772 = vector.shape_cast %swap3A_771 : vector<1x1x16xf32> to vector<16xf32>
        %swap3A_773 = vector.shape_cast %add3A_766 : vector<16xf32> to vector<1x1x16xf32>
        tpu.vector_store %arg11[%swap3A_768, %swap3A_769, %swap3A_770], %swap3A_773 {strides = array<i32>} : memref<2x128x128xf32, #tpu.memory_space<vmem>>, vector<1x1x16xf32>,
        %get3A_774 = arith.constant 1 : i32
        %get3A_775 = arith.index_cast %get3A_774 : i32 to index
        %get3A_776 = arith.index_cast %add3A_753 : i32 to index
        %get3A_777 = arith.constant 16 : index
        %get3A_778 = tpu.vector_load %arg9[%get3A_775, %get3A_776, %get3A_777] {strides = array<i32>} : memref<2x128x128xf32, #tpu.memory_space<vmem>>, vector<1x1x16xf32>,
        %get3A_779 = vector.shape_cast %get3A_778 : vector<1x1x16xf32> to vector<16xf32>
        %get3A_780 = arith.constant 1 : i32
        %get3A_781 = arith.index_cast %get3A_780 : i32 to index
        %get3A_782 = arith.index_cast %add3A_753 : i32 to index
        %get3A_783 = arith.constant 16 : index
        %get3A_784 = tpu.vector_load %arg10[%get3A_781, %get3A_782, %get3A_783] {strides = array<i32>} : memref<2x128x128xf32, #tpu.memory_space<vmem>>, vector<1x1x16xf32>,
        %get3A_785 = vector.shape_cast %get3A_784 : vector<1x1x16xf32> to vector<16xf32>
        %add3A_786 = arith.addf %get3A_779, %get3A_785 : vector<16xf32>
        %swap3A_787 = arith.constant 1 : i32
        %swap3A_788 = arith.index_cast %swap3A_787 : i32 to index
        %swap3A_789 = arith.index_cast %add3A_753 : i32 to index
        %swap3A_790 = arith.constant 16 : index
        %swap3A_791 = tpu.vector_load %arg11[%swap3A_788, %swap3A_789, %swap3A_790] {strides = array<i32>} : memref<2x128x128xf32, #tpu.memory_space<vmem>>, vector<1x1x16xf32>,
        %swap3A_792 = vector.shape_cast %swap3A_791 : vector<1x1x16xf32> to vector<16xf32>
        %swap3A_793 = vector.shape_cast %add3A_786 : vector<16xf32> to vector<1x1x16xf32>
        tpu.vector_store %arg11[%swap3A_788, %swap3A_789, %swap3A_790], %swap3A_793 {strides = array<i32>} : memref<2x128x128xf32, #tpu.memory_space<vmem>>, vector<1x1x16xf32>,
        %get3A_794 = arith.constant 1 : i32
        %get3A_795 = arith.index_cast %get3A_794 : i32 to index
        %get3A_796 = arith.index_cast %add3A_753 : i32 to index
        %get3A_797 = arith.constant 32 : index
        %get3A_798 = tpu.vector_load %arg9[%get3A_795, %get3A_796, %get3A_797] {strides = array<i32>} : memref<2x128x128xf32, #tpu.memory_space<vmem>>, vector<1x1x16xf32>,
        %get3A_799 = vector.shape_cast %get3A_798 : vector<1x1x16xf32> to vector<16xf32>
        %get3A_800 = arith.constant 1 : i32
        %get3A_801 = arith.index_cast %get3A_800 : i32 to index
        %get3A_802 = arith.index_cast %add3A_753 : i32 to index
        %get3A_803 = arith.constant 32 : index
        %get3A_804 = tpu.vector_load %arg10[%get3A_801, %get3A_802, %get3A_803] {strides = array<i32>} : memref<2x128x128xf32, #tpu.memory_space<vmem>>, vector<1x1x16xf32>,
        %get3A_805 = vector.shape_cast %get3A_804 : vector<1x1x16xf32> to vector<16xf32>
        %add3A_806 = arith.addf %get3A_799, %get3A_805 : vector<16xf32>
        %swap3A_807 = arith.constant 1 : i32
        %swap3A_808 = arith.index_cast %swap3A_807 : i32 to index
        %swap3A_809 = arith.index_cast %add3A_753 : i32 to index
        %swap3A_810 = arith.constant 32 : index
        %swap3A_811 = tpu.vector_load %arg11[%swap3A_808, %swap3A_809, %swap3A_810] {strides = array<i32>} : memref<2x128x128xf32, #tpu.memory_space<vmem>>, vector<1x1x16xf32>,
        %swap3A_812 = vector.shape_cast %swap3A_811 : vector<1x1x16xf32> to vector<16xf32>
        %swap3A_813 = vector.shape_cast %add3A_806 : vector<16xf32> to vector<1x1x16xf32>
        tpu.vector_store %arg11[%swap3A_808, %swap3A_809, %swap3A_810], %swap3A_813 {strides = array<i32>} : memref<2x128x128xf32, #tpu.memory_space<vmem>>, vector<1x1x16xf32>,
        %get3A_814 = arith.constant 1 : i32
        %get3A_815 = arith.index_cast %get3A_814 : i32 to index
        %get3A_816 = arith.index_cast %add3A_753 : i32 to index
        %get3A_817 = arith.constant 48 : index
        %get3A_818 = tpu.vector_load %arg9[%get3A_815, %get3A_816, %get3A_817] {strides = array<i32>} : memref<2x128x128xf32, #tpu.memory_space<vmem>>, vector<1x1x16xf32>,
        %get3A_819 = vector.shape_cast %get3A_818 : vector<1x1x16xf32> to vector<16xf32>
        %get3A_820 = arith.constant 1 : i32
        %get3A_821 = arith.index_cast %get3A_820 : i32 to index
        %get3A_822 = arith.index_cast %add3A_753 : i32 to index
        %get3A_823 = arith.constant 48 : index
        %get3A_824 = tpu.vector_load %arg10[%get3A_821, %get3A_822, %get3A_823] {strides = array<i32>} : memref<2x128x128xf32, #tpu.memory_space<vmem>>, vector<1x1x16xf32>,
        %get3A_825 = vector.shape_cast %get3A_824 : vector<1x1x16xf32> to vector<16xf32>
        %add3A_826 = arith.addf %get3A_819, %get3A_825 : vector<16xf32>
        %swap3A_827 = arith.constant 1 : i32
        %swap3A_828 = arith.index_cast %swap3A_827 : i32 to index
        %swap3A_829 = arith.index_cast %add3A_753 : i32 to index
        %swap3A_830 = arith.constant 48 : index
        %swap3A_831 = tpu.vector_load %arg11[%swap3A_828, %swap3A_829, %swap3A_830] {strides = array<i32>} : memref<2x128x128xf32, #tpu.memory_space<vmem>>, vector<1x1x16xf32>,
        %swap3A_832 = vector.shape_cast %swap3A_831 : vector<1x1x16xf32> to vector<16xf32>
        %swap3A_833 = vector.shape_cast %add3A_826 : vector<16xf32> to vector<1x1x16xf32>
        tpu.vector_store %arg11[%swap3A_828, %swap3A_829, %swap3A_830], %swap3A_833 {strides = array<i32>} : memref<2x128x128xf32, #tpu.memory_space<vmem>>, vector<1x1x16xf32>,
        %get3A_834 = arith.constant 1 : i32
        %get3A_835 = arith.index_cast %get3A_834 : i32 to index
        %get3A_836 = arith.index_cast %add3A_753 : i32 to index
        %get3A_837 = arith.constant 64 : index
        %get3A_838 = tpu.vector_load %arg9[%get3A_835, %get3A_836, %get3A_837] {strides = array<i32>} : memref<2x128x128xf32, #tpu.memory_space<vmem>>, vector<1x1x16xf32>,
        %get3A_839 = vector.shape_cast %get3A_838 : vector<1x1x16xf32> to vector<16xf32>
        %get3A_840 = arith.constant 1 : i32
        %get3A_841 = arith.index_cast %get3A_840 : i32 to index
        %get3A_842 = arith.index_cast %add3A_753 : i32 to index
        %get3A_843 = arith.constant 64 : index
        %get3A_844 = tpu.vector_load %arg10[%get3A_841, %get3A_842, %get3A_843] {strides = array<i32>} : memref<2x128x128xf32, #tpu.memory_space<vmem>>, vector<1x1x16xf32>,
        %get3A_845 = vector.shape_cast %get3A_844 : vector<1x1x16xf32> to vector<16xf32>
        %add3A_846 = arith.addf %get3A_839, %get3A_845 : vector<16xf32>
        %swap3A_847 = arith.constant 1 : i32
        %swap3A_848 = arith.index_cast %swap3A_847 : i32 to index
        %swap3A_849 = arith.index_cast %add3A_753 : i32 to index
        %swap3A_850 = arith.constant 64 : index
        %swap3A_851 = tpu.vector_load %arg11[%swap3A_848, %swap3A_849, %swap3A_850] {strides = array<i32>} : memref<2x128x128xf32, #tpu.memory_space<vmem>>, vector<1x1x16xf32>,
        %swap3A_852 = vector.shape_cast %swap3A_851 : vector<1x1x16xf32> to vector<16xf32>
        %swap3A_853 = vector.shape_cast %add3A_846 : vector<16xf32> to vector<1x1x16xf32>
        tpu.vector_store %arg11[%swap3A_848, %swap3A_849, %swap3A_850], %swap3A_853 {strides = array<i32>} : memref<2x128x128xf32, #tpu.memory_space<vmem>>, vector<1x1x16xf32>,
        %get3A_854 = arith.constant 1 : i32
        %get3A_855 = arith.index_cast %get3A_854 : i32 to index
        %get3A_856 = arith.index_cast %add3A_753 : i32 to index
        %get3A_857 = arith.constant 80 : index
        %get3A_858 = tpu.vector_load %arg9[%get3A_855, %get3A_856, %get3A_857] {strides = array<i32>} : memref<2x128x128xf32, #tpu.memory_space<vmem>>, vector<1x1x16xf32>,
        %get3A_859 = vector.shape_cast %get3A_858 : vector<1x1x16xf32> to vector<16xf32>
        %get3A_860 = arith.constant 1 : i32
        %get3A_861 = arith.index_cast %get3A_860 : i32 to index
        %get3A_862 = arith.index_cast %add3A_753 : i32 to index
        %get3A_863 = arith.constant 80 : index
        %get3A_864 = tpu.vector_load %arg10[%get3A_861, %get3A_862, %get3A_863] {strides = array<i32>} : memref<2x128x128xf32, #tpu.memory_space<vmem>>, vector<1x1x16xf32>,
        %get3A_865 = vector.shape_cast %get3A_864 : vector<1x1x16xf32> to vector<16xf32>
        %add3A_866 = arith.addf %get3A_859, %get3A_865 : vector<16xf32>
        %swap3A_867 = arith.constant 1 : i32
        %swap3A_868 = arith.index_cast %swap3A_867 : i32 to index
        %swap3A_869 = arith.index_cast %add3A_753 : i32 to index
        %swap3A_870 = arith.constant 80 : index
        %swap3A_871 = tpu.vector_load %arg11[%swap3A_868, %swap3A_869, %swap3A_870] {strides = array<i32>} : memref<2x128x128xf32, #tpu.memory_space<vmem>>, vector<1x1x16xf32>,
        %swap3A_872 = vector.shape_cast %swap3A_871 : vector<1x1x16xf32> to vector<16xf32>
        %swap3A_873 = vector.shape_cast %add3A_866 : vector<16xf32> to vector<1x1x16xf32>
        tpu.vector_store %arg11[%swap3A_868, %swap3A_869, %swap3A_870], %swap3A_873 {strides = array<i32>} : memref<2x128x128xf32, #tpu.memory_space<vmem>>, vector<1x1x16xf32>,
        %get3A_874 = arith.constant 1 : i32
        %get3A_875 = arith.index_cast %get3A_874 : i32 to index
        %get3A_876 = arith.index_cast %add3A_753 : i32 to index
        %get3A_877 = arith.constant 96 : index
        %get3A_878 = tpu.vector_load %arg9[%get3A_875, %get3A_876, %get3A_877] {strides = array<i32>} : memref<2x128x128xf32, #tpu.memory_space<vmem>>, vector<1x1x16xf32>,
        %get3A_879 = vector.shape_cast %get3A_878 : vector<1x1x16xf32> to vector<16xf32>
        %get3A_880 = arith.constant 1 : i32
        %get3A_881 = arith.index_cast %get3A_880 : i32 to index
        %get3A_882 = arith.index_cast %add3A_753 : i32 to index
        %get3A_883 = arith.constant 96 : index
        %get3A_884 = tpu.vector_load %arg10[%get3A_881, %get3A_882, %get3A_883] {strides = array<i32>} : memref<2x128x128xf32, #tpu.memory_space<vmem>>, vector<1x1x16xf32>,
        %get3A_885 = vector.shape_cast %get3A_884 : vector<1x1x16xf32> to vector<16xf32>
        %add3A_886 = arith.addf %get3A_879, %get3A_885 : vector<16xf32>
        %swap3A_887 = arith.constant 1 : i32
        %swap3A_888 = arith.index_cast %swap3A_887 : i32 to index
        %swap3A_889 = arith.index_cast %add3A_753 : i32 to index
        %swap3A_890 = arith.constant 96 : index
        %swap3A_891 = tpu.vector_load %arg11[%swap3A_888, %swap3A_889, %swap3A_890] {strides = array<i32>} : memref<2x128x128xf32, #tpu.memory_space<vmem>>, vector<1x1x16xf32>,
        %swap3A_892 = vector.shape_cast %swap3A_891 : vector<1x1x16xf32> to vector<16xf32>
        %swap3A_893 = vector.shape_cast %add3A_886 : vector<16xf32> to vector<1x1x16xf32>
        tpu.vector_store %arg11[%swap3A_888, %swap3A_889, %swap3A_890], %swap3A_893 {strides = array<i32>} : memref<2x128x128xf32, #tpu.memory_space<vmem>>, vector<1x1x16xf32>,
        %get3A_894 = arith.constant 1 : i32
        %get3A_895 = arith.index_cast %get3A_894 : i32 to index
        %get3A_896 = arith.index_cast %add3A_753 : i32 to index
        %get3A_897 = arith.constant 112 : index
        %get3A_898 = tpu.vector_load %arg9[%get3A_895, %get3A_896, %get3A_897] {strides = array<i32>} : memref<2x128x128xf32, #tpu.memory_space<vmem>>, vector<1x1x16xf32>,
        %get3A_899 = vector.shape_cast %get3A_898 : vector<1x1x16xf32> to vector<16xf32>
        %get3A_900 = arith.constant 1 : i32
        %get3A_901 = arith.index_cast %get3A_900 : i32 to index
        %get3A_902 = arith.index_cast %add3A_753 : i32 to index
        %get3A_903 = arith.constant 112 : index
        %get3A_904 = tpu.vector_load %arg10[%get3A_901, %get3A_902, %get3A_903] {strides = array<i32>} : memref<2x128x128xf32, #tpu.memory_space<vmem>>, vector<1x1x16xf32>,
        %get3A_905 = vector.shape_cast %get3A_904 : vector<1x1x16xf32> to vector<16xf32>
        %add3A_906 = arith.addf %get3A_899, %get3A_905 : vector<16xf32>
        %swap3A_907 = arith.constant 1 : i32
        %swap3A_908 = arith.index_cast %swap3A_907 : i32 to index
        %swap3A_909 = arith.index_cast %add3A_753 : i32 to index
        %swap3A_910 = arith.constant 112 : index
        %swap3A_911 = tpu.vector_load %arg11[%swap3A_908, %swap3A_909, %swap3A_910] {strides = array<i32>} : memref<2x128x128xf32, #tpu.memory_space<vmem>>, vector<1x1x16xf32>,
        %swap3A_912 = vector.shape_cast %swap3A_911 : vector<1x1x16xf32> to vector<16xf32>
        %swap3A_913 = vector.shape_cast %add3A_906 : vector<16xf32> to vector<1x1x16xf32>
        tpu.vector_store %arg11[%swap3A_908, %swap3A_909, %swap3A_910], %swap3A_913 {strides = array<i32>} : memref<2x128x128xf32, #tpu.memory_space<vmem>>, vector<1x1x16xf32>,
        %mul3A_914 = arith.constant 4 : i32
        %mul3A_915 = arith.muli %scan3A_423, %mul3A_914 : i32
        %add3A_916 = arith.constant 3 : i32
        %add3A_917 = arith.addi %mul3A_915, %add3A_916 : i32
        %get3A_918 = arith.constant 1 : i32
        %get3A_919 = arith.index_cast %get3A_918 : i32 to index
        %get3A_920 = arith.index_cast %add3A_917 : i32 to index
        %get3A_921 = arith.constant 0 : index
        %get3A_922 = tpu.vector_load %arg9[%get3A_919, %get3A_920, %get3A_921] {strides = array<i32>} : memref<2x128x128xf32, #tpu.memory_space<vmem>>, vector<1x1x16xf32>,
        %get3A_923 = vector.shape_cast %get3A_922 : vector<1x1x16xf32> to vector<16xf32>
        %get3A_924 = arith.constant 1 : i32
        %get3A_925 = arith.index_cast %get3A_924 : i32 to index
        %get3A_926 = arith.index_cast %add3A_917 : i32 to index
        %get3A_927 = arith.constant 0 : index
        %get3A_928 = tpu.vector_load %arg10[%get3A_925, %get3A_926, %get3A_927] {strides = array<i32>} : memref<2x128x128xf32, #tpu.memory_space<vmem>>, vector<1x1x16xf32>,
        %get3A_929 = vector.shape_cast %get3A_928 : vector<1x1x16xf32> to vector<16xf32>
        %add3A_930 = arith.addf %get3A_923, %get3A_929 : vector<16xf32>
        %swap3A_931 = arith.constant 1 : i32
        %swap3A_932 = arith.index_cast %swap3A_931 : i32 to index
        %swap3A_933 = arith.index_cast %add3A_917 : i32 to index
        %swap3A_934 = arith.constant 0 : index
        %swap3A_935 = tpu.vector_load %arg11[%swap3A_932, %swap3A_933, %swap3A_934] {strides = array<i32>} : memref<2x128x128xf32, #tpu.memory_space<vmem>>, vector<1x1x16xf32>,
        %swap3A_936 = vector.shape_cast %swap3A_935 : vector<1x1x16xf32> to vector<16xf32>
        %swap3A_937 = vector.shape_cast %add3A_930 : vector<16xf32> to vector<1x1x16xf32>
        tpu.vector_store %arg11[%swap3A_932, %swap3A_933, %swap3A_934], %swap3A_937 {strides = array<i32>} : memref<2x128x128xf32, #tpu.memory_space<vmem>>, vector<1x1x16xf32>,
        %get3A_938 = arith.constant 1 : i32
        %get3A_939 = arith.index_cast %get3A_938 : i32 to index
        %get3A_940 = arith.index_cast %add3A_917 : i32 to index
        %get3A_941 = arith.constant 16 : index
        %get3A_942 = tpu.vector_load %arg9[%get3A_939, %get3A_940, %get3A_941] {strides = array<i32>} : memref<2x128x128xf32, #tpu.memory_space<vmem>>, vector<1x1x16xf32>,
        %get3A_943 = vector.shape_cast %get3A_942 : vector<1x1x16xf32> to vector<16xf32>
        %get3A_944 = arith.constant 1 : i32
        %get3A_945 = arith.index_cast %get3A_944 : i32 to index
        %get3A_946 = arith.index_cast %add3A_917 : i32 to index
        %get3A_947 = arith.constant 16 : index
        %get3A_948 = tpu.vector_load %arg10[%get3A_945, %get3A_946, %get3A_947] {strides = array<i32>} : memref<2x128x128xf32, #tpu.memory_space<vmem>>, vector<1x1x16xf32>,
        %get3A_949 = vector.shape_cast %get3A_948 : vector<1x1x16xf32> to vector<16xf32>
        %add3A_950 = arith.addf %get3A_943, %get3A_949 : vector<16xf32>
        %swap3A_951 = arith.constant 1 : i32
        %swap3A_952 = arith.index_cast %swap3A_951 : i32 to index
        %swap3A_953 = arith.index_cast %add3A_917 : i32 to index
        %swap3A_954 = arith.constant 16 : index
        %swap3A_955 = tpu.vector_load %arg11[%swap3A_952, %swap3A_953, %swap3A_954] {strides = array<i32>} : memref<2x128x128xf32, #tpu.memory_space<vmem>>, vector<1x1x16xf32>,
        %swap3A_956 = vector.shape_cast %swap3A_955 : vector<1x1x16xf32> to vector<16xf32>
        %swap3A_957 = vector.shape_cast %add3A_950 : vector<16xf32> to vector<1x1x16xf32>
        tpu.vector_store %arg11[%swap3A_952, %swap3A_953, %swap3A_954], %swap3A_957 {strides = array<i32>} : memref<2x128x128xf32, #tpu.memory_space<vmem>>, vector<1x1x16xf32>,
        %get3A_958 = arith.constant 1 : i32
        %get3A_959 = arith.index_cast %get3A_958 : i32 to index
        %get3A_960 = arith.index_cast %add3A_917 : i32 to index
        %get3A_961 = arith.constant 32 : index
        %get3A_962 = tpu.vector_load %arg9[%get3A_959, %get3A_960, %get3A_961] {strides = array<i32>} : memref<2x128x128xf32, #tpu.memory_space<vmem>>, vector<1x1x16xf32>,
        %get3A_963 = vector.shape_cast %get3A_962 : vector<1x1x16xf32> to vector<16xf32>
        %get3A_964 = arith.constant 1 : i32
        %get3A_965 = arith.index_cast %get3A_964 : i32 to index
        %get3A_966 = arith.index_cast %add3A_917 : i32 to index
        %get3A_967 = arith.constant 32 : index
        %get3A_968 = tpu.vector_load %arg10[%get3A_965, %get3A_966, %get3A_967] {strides = array<i32>} : memref<2x128x128xf32, #tpu.memory_space<vmem>>, vector<1x1x16xf32>,
        %get3A_969 = vector.shape_cast %get3A_968 : vector<1x1x16xf32> to vector<16xf32>
        %add3A_970 = arith.addf %get3A_963, %get3A_969 : vector<16xf32>
        %swap3A_971 = arith.constant 1 : i32
        %swap3A_972 = arith.index_cast %swap3A_971 : i32 to index
        %swap3A_973 = arith.index_cast %add3A_917 : i32 to index
        %swap3A_974 = arith.constant 32 : index
        %swap3A_975 = tpu.vector_load %arg11[%swap3A_972, %swap3A_973, %swap3A_974] {strides = array<i32>} : memref<2x128x128xf32, #tpu.memory_space<vmem>>, vector<1x1x16xf32>,
        %swap3A_976 = vector.shape_cast %swap3A_975 : vector<1x1x16xf32> to vector<16xf32>
        %swap3A_977 = vector.shape_cast %add3A_970 : vector<16xf32> to vector<1x1x16xf32>
        tpu.vector_store %arg11[%swap3A_972, %swap3A_973, %swap3A_974], %swap3A_977 {strides = array<i32>} : memref<2x128x128xf32, #tpu.memory_space<vmem>>, vector<1x1x16xf32>,
        %get3A_978 = arith.constant 1 : i32
        %get3A_979 = arith.index_cast %get3A_978 : i32 to index
        %get3A_980 = arith.index_cast %add3A_917 : i32 to index
        %get3A_981 = arith.constant 48 : index
        %get3A_982 = tpu.vector_load %arg9[%get3A_979, %get3A_980, %get3A_981] {strides = array<i32>} : memref<2x128x128xf32, #tpu.memory_space<vmem>>, vector<1x1x16xf32>,
        %get3A_983 = vector.shape_cast %get3A_982 : vector<1x1x16xf32> to vector<16xf32>
        %get3A_984 = arith.constant 1 : i32
        %get3A_985 = arith.index_cast %get3A_984 : i32 to index
        %get3A_986 = arith.index_cast %add3A_917 : i32 to index
        %get3A_987 = arith.constant 48 : index
        %get3A_988 = tpu.vector_load %arg10[%get3A_985, %get3A_986, %get3A_987] {strides = array<i32>} : memref<2x128x128xf32, #tpu.memory_space<vmem>>, vector<1x1x16xf32>,
        %get3A_989 = vector.shape_cast %get3A_988 : vector<1x1x16xf32> to vector<16xf32>
        %add3A_990 = arith.addf %get3A_983, %get3A_989 : vector<16xf32>
        %swap3A_991 = arith.constant 1 : i32
        %swap3A_992 = arith.index_cast %swap3A_991 : i32 to index
        %swap3A_993 = arith.index_cast %add3A_917 : i32 to index
        %swap3A_994 = arith.constant 48 : index
        %swap3A_995 = tpu.vector_load %arg11[%swap3A_992, %swap3A_993, %swap3A_994] {strides = array<i32>} : memref<2x128x128xf32, #tpu.memory_space<vmem>>, vector<1x1x16xf32>,
        %swap3A_996 = vector.shape_cast %swap3A_995 : vector<1x1x16xf32> to vector<16xf32>
        %swap3A_997 = vector.shape_cast %add3A_990 : vector<16xf32> to vector<1x1x16xf32>
        tpu.vector_store %arg11[%swap3A_992, %swap3A_993, %swap3A_994], %swap3A_997 {strides = array<i32>} : memref<2x128x128xf32, #tpu.memory_space<vmem>>, vector<1x1x16xf32>,
        %get3A_998 = arith.constant 1 : i32
        %get3A_999 = arith.index_cast %get3A_998 : i32 to index
        %get3A_1000 = arith.index_cast %add3A_917 : i32 to index
        %get3A_1001 = arith.constant 64 : index
        %get3A_1002 = tpu.vector_load %arg9[%get3A_999, %get3A_1000, %get3A_1001] {strides = array<i32>} : memref<2x128x128xf32, #tpu.memory_space<vmem>>, vector<1x1x16xf32>,
        %get3A_1003 = vector.shape_cast %get3A_1002 : vector<1x1x16xf32> to vector<16xf32>
        %get3A_1004 = arith.constant 1 : i32
        %get3A_1005 = arith.index_cast %get3A_1004 : i32 to index
        %get3A_1006 = arith.index_cast %add3A_917 : i32 to index
        %get3A_1007 = arith.constant 64 : index
        %get3A_1008 = tpu.vector_load %arg10[%get3A_1005, %get3A_1006, %get3A_1007] {strides = array<i32>} : memref<2x128x128xf32, #tpu.memory_space<vmem>>, vector<1x1x16xf32>,
        %get3A_1009 = vector.shape_cast %get3A_1008 : vector<1x1x16xf32> to vector<16xf32>
        %add3A_1010 = arith.addf %get3A_1003, %get3A_1009 : vector<16xf32>
        %swap3A_1011 = arith.constant 1 : i32
        %swap3A_1012 = arith.index_cast %swap3A_1011 : i32 to index
        %swap3A_1013 = arith.index_cast %add3A_917 : i32 to index
        %swap3A_1014 = arith.constant 64 : index
        %swap3A_1015 = tpu.vector_load %arg11[%swap3A_1012, %swap3A_1013, %swap3A_1014] {strides = array<i32>} : memref<2x128x128xf32, #tpu.memory_space<vmem>>, vector<1x1x16xf32>,
        %swap3A_1016 = vector.shape_cast %swap3A_1015 : vector<1x1x16xf32> to vector<16xf32>
        %swap3A_1017 = vector.shape_cast %add3A_1010 : vector<16xf32> to vector<1x1x16xf32>
        tpu.vector_store %arg11[%swap3A_1012, %swap3A_1013, %swap3A_1014], %swap3A_1017 {strides = array<i32>} : memref<2x128x128xf32, #tpu.memory_space<vmem>>, vector<1x1x16xf32>,
        %get3A_1018 = arith.constant 1 : i32
        %get3A_1019 = arith.index_cast %get3A_1018 : i32 to index
        %get3A_1020 = arith.index_cast %add3A_917 : i32 to index
        %get3A_1021 = arith.constant 80 : index
        %get3A_1022 = tpu.vector_load %arg9[%get3A_1019, %get3A_1020, %get3A_1021] {strides = array<i32>} : memref<2x128x128xf32, #tpu.memory_space<vmem>>, vector<1x1x16xf32>,
        %get3A_1023 = vector.shape_cast %get3A_1022 : vector<1x1x16xf32> to vector<16xf32>
        %get3A_1024 = arith.constant 1 : i32
        %get3A_1025 = arith.index_cast %get3A_1024 : i32 to index
        %get3A_1026 = arith.index_cast %add3A_917 : i32 to index
        %get3A_1027 = arith.constant 80 : index
        %get3A_1028 = tpu.vector_load %arg10[%get3A_1025, %get3A_1026, %get3A_1027] {strides = array<i32>} : memref<2x128x128xf32, #tpu.memory_space<vmem>>, vector<1x1x16xf32>,
        %get3A_1029 = vector.shape_cast %get3A_1028 : vector<1x1x16xf32> to vector<16xf32>
        %add3A_1030 = arith.addf %get3A_1023, %get3A_1029 : vector<16xf32>
        %swap3A_1031 = arith.constant 1 : i32
        %swap3A_1032 = arith.index_cast %swap3A_1031 : i32 to index
        %swap3A_1033 = arith.index_cast %add3A_917 : i32 to index
        %swap3A_1034 = arith.constant 80 : index
        %swap3A_1035 = tpu.vector_load %arg11[%swap3A_1032, %swap3A_1033, %swap3A_1034] {strides = array<i32>} : memref<2x128x128xf32, #tpu.memory_space<vmem>>, vector<1x1x16xf32>,
        %swap3A_1036 = vector.shape_cast %swap3A_1035 : vector<1x1x16xf32> to vector<16xf32>
        %swap3A_1037 = vector.shape_cast %add3A_1030 : vector<16xf32> to vector<1x1x16xf32>
        tpu.vector_store %arg11[%swap3A_1032, %swap3A_1033, %swap3A_1034], %swap3A_1037 {strides = array<i32>} : memref<2x128x128xf32, #tpu.memory_space<vmem>>, vector<1x1x16xf32>,
        %get3A_1038 = arith.constant 1 : i32
        %get3A_1039 = arith.index_cast %get3A_1038 : i32 to index
        %get3A_1040 = arith.index_cast %add3A_917 : i32 to index
        %get3A_1041 = arith.constant 96 : index
        %get3A_1042 = tpu.vector_load %arg9[%get3A_1039, %get3A_1040, %get3A_1041] {strides = array<i32>} : memref<2x128x128xf32, #tpu.memory_space<vmem>>, vector<1x1x16xf32>,
        %get3A_1043 = vector.shape_cast %get3A_1042 : vector<1x1x16xf32> to vector<16xf32>
        %get3A_1044 = arith.constant 1 : i32
        %get3A_1045 = arith.index_cast %get3A_1044 : i32 to index
        %get3A_1046 = arith.index_cast %add3A_917 : i32 to index
        %get3A_1047 = arith.constant 96 : index
        %get3A_1048 = tpu.vector_load %arg10[%get3A_1045, %get3A_1046, %get3A_1047] {strides = array<i32>} : memref<2x128x128xf32, #tpu.memory_space<vmem>>, vector<1x1x16xf32>,
        %get3A_1049 = vector.shape_cast %get3A_1048 : vector<1x1x16xf32> to vector<16xf32>
        %add3A_1050 = arith.addf %get3A_1043, %get3A_1049 : vector<16xf32>
        %swap3A_1051 = arith.constant 1 : i32
        %swap3A_1052 = arith.index_cast %swap3A_1051 : i32 to index
        %swap3A_1053 = arith.index_cast %add3A_917 : i32 to index
        %swap3A_1054 = arith.constant 96 : index
        %swap3A_1055 = tpu.vector_load %arg11[%swap3A_1052, %swap3A_1053, %swap3A_1054] {strides = array<i32>} : memref<2x128x128xf32, #tpu.memory_space<vmem>>, vector<1x1x16xf32>,
        %swap3A_1056 = vector.shape_cast %swap3A_1055 : vector<1x1x16xf32> to vector<16xf32>
        %swap3A_1057 = vector.shape_cast %add3A_1050 : vector<16xf32> to vector<1x1x16xf32>
        tpu.vector_store %arg11[%swap3A_1052, %swap3A_1053, %swap3A_1054], %swap3A_1057 {strides = array<i32>} : memref<2x128x128xf32, #tpu.memory_space<vmem>>, vector<1x1x16xf32>,
        %get3A_1058 = arith.constant 1 : i32
        %get3A_1059 = arith.index_cast %get3A_1058 : i32 to index
        %get3A_1060 = arith.index_cast %add3A_917 : i32 to index
        %get3A_1061 = arith.constant 112 : index
        %get3A_1062 = tpu.vector_load %arg9[%get3A_1059, %get3A_1060, %get3A_1061] {strides = array<i32>} : memref<2x128x128xf32, #tpu.memory_space<vmem>>, vector<1x1x16xf32>,
        %get3A_1063 = vector.shape_cast %get3A_1062 : vector<1x1x16xf32> to vector<16xf32>
        %get3A_1064 = arith.constant 1 : i32
        %get3A_1065 = arith.index_cast %get3A_1064 : i32 to index
        %get3A_1066 = arith.index_cast %add3A_917 : i32 to index
        %get3A_1067 = arith.constant 112 : index
        %get3A_1068 = tpu.vector_load %arg10[%get3A_1065, %get3A_1066, %get3A_1067] {strides = array<i32>} : memref<2x128x128xf32, #tpu.memory_space<vmem>>, vector<1x1x16xf32>,
        %get3A_1069 = vector.shape_cast %get3A_1068 : vector<1x1x16xf32> to vector<16xf32>
        %add3A_1070 = arith.addf %get3A_1063, %get3A_1069 : vector<16xf32>
        %swap3A_1071 = arith.constant 1 : i32
        %swap3A_1072 = arith.index_cast %swap3A_1071 : i32 to index
        %swap3A_1073 = arith.index_cast %add3A_917 : i32 to index
        %swap3A_1074 = arith.constant 112 : index
        %swap3A_1075 = tpu.vector_load %arg11[%swap3A_1072, %swap3A_1073, %swap3A_1074] {strides = array<i32>} : memref<2x128x128xf32, #tpu.memory_space<vmem>>, vector<1x1x16xf32>,
        %swap3A_1076 = vector.shape_cast %swap3A_1075 : vector<1x1x16xf32> to vector<16xf32>
        %swap3A_1077 = vector.shape_cast %add3A_1070 : vector<16xf32> to vector<1x1x16xf32>
        tpu.vector_store %arg11[%swap3A_1072, %swap3A_1073, %swap3A_1074], %swap3A_1077 {strides = array<i32>} : memref<2x128x128xf32, #tpu.memory_space<vmem>>, vector<1x1x16xf32>,
      }
      %scan3A_396 = arith.constant 32 : i32
      %mul3A_397 = arith.constant 128 : i32
      %mul3A_398 = arith.muli %add3A_350, %mul3A_397 : i32
      %add3A_399 = arith.addi %mul3A_2, %mul3A_398 : i32
      %dma_start3A_400 = arith.constant 1 : i32
      %dma_start3A_401 = arith.constant 1 : i32
      %dma_start3A_402 = arith.constant 0 : i32
      %dma_start3A_403 = arith.constant 0 : i32
      %dma_start3A_404 = tpu.memref_slice %arg11[%dma_start3A_400, %dma_start3A_402, %dma_start3A_403] : memref<2x128x128xf32, #tpu.memory_space<vmem>> -> memref<1x128x128xf32, #tpu.memory_space<vmem>>
      %dma_start3A_405 = tpu.memref_squeeze %dma_start3A_404 : memref<1x128x128xf32, #tpu.memory_space<vmem>> -> memref<128x128xf32, #tpu.memory_space<vmem>>
      %dma_start3A_406 = arith.constant 0 : i32
      %dma_start3A_407 = tpu.memref_slice %arg6[%add3A_399, %dma_start3A_406] : memref<819200x128xf32, #tpu.memory_space<hbm>> -> memref<128x128xf32, #tpu.memory_space<hbm>>
      %dma_start3A_408 = tpu.memref_slice %arg16[%dma_start3A_401] : memref<2x!tpu.dma_semaphore, #tpu.memory_space<semaphore_mem>> -> memref<1x!tpu.dma_semaphore, #tpu.memory_space<semaphore_mem>>
      %dma_start3A_409 = tpu.memref_squeeze %dma_start3A_408 : memref<1x!tpu.dma_semaphore, #tpu.memory_space<semaphore_mem>> -> memref<!tpu.dma_semaphore, #tpu.memory_space<semaphore_mem>>
      %dma_start3A_410 = arith.constant 0 : i32
      %dma_start3A_411 = tpu.memref_slice %arg6[%add3A_399, %dma_start3A_410] : memref<819200x128xf32, #tpu.memory_space<hbm>> -> memref<128x128xf32, #tpu.memory_space<hbm>>
      %dma_start3A_412 = arith.constant 0 : i32
      %dma_start3A_413 = arith.constant 0 : i32
      %dma_start3A_414 = tpu.memref_slice %arg11[%dma_start3A_400, %dma_start3A_412, %dma_start3A_413] : memref<2x128x128xf32, #tpu.memory_space<vmem>> -> memref<1x128x128xf32, #tpu.memory_space<vmem>>
      %dma_start3A_415 = tpu.memref_squeeze %dma_start3A_414 : memref<1x128x128xf32, #tpu.memory_space<vmem>> -> memref<128x128xf32, #tpu.memory_space<vmem>>
      tpu.enqueue_dma source(%dma_start3A_415 : memref<128x128xf32, #tpu.memory_space<vmem>>) target(%dma_start3A_411 : memref<128x128xf32, #tpu.memory_space<hbm>>) target_semaphore(%dma_start3A_409 : memref<!tpu.dma_semaphore, #tpu.memory_space<semaphore_mem>>)
      %add3A_416 = arith.constant 2 : i32
      %add3A_417 = arith.addi %add3A_350, %add3A_416 : i32
      %lt3A_418 = arith.constant 200 : i32
      %lt3A_419 = arith.cmpi slt, %add3A_417, %lt3A_418 : i32
      %convert_element_type3A_420 = arith.extui %lt3A_419 : i1 to i32
      %cond3A_421 = arith.constant 0 : i32
      %cond3A_422 = arith.cmpi ne, %convert_element_type3A_420, %cond3A_421 : i32
      scf.if %cond3A_422 {
        %dma_start3A_423 = arith.constant 1 : i32
        %dma_start3A_424 = arith.constant 1 : i32
        %dma_start3A_425 = arith.constant 0 : i32
        %dma_start3A_426 = arith.constant 0 : i32
        %dma_start3A_427 = tpu.memref_slice %arg9[%dma_start3A_423, %dma_start3A_425, %dma_start3A_426] : memref<2x128x128xf32, #tpu.memory_space<vmem>> -> memref<1x128x128xf32, #tpu.memory_space<vmem>>
        %dma_start3A_428 = tpu.memref_squeeze %dma_start3A_427 : memref<1x128x128xf32, #tpu.memory_space<vmem>> -> memref<128x128xf32, #tpu.memory_space<vmem>>
        %dma_start3A_429 = arith.constant 128 : i32
        %dma_start3A_430 = tpu.memref_slice %arg7[%sub3A_140, %dma_start3A_429] : memref<2x512xi32, #tpu.memory_space<vmem>> -> memref<1x128xi32, #tpu.memory_space<vmem>>
        %dma_start3A_431 = tpu.memref_squeeze %dma_start3A_430 : memref<1x128xi32, #tpu.memory_space<vmem>> -> memref<128xi32, #tpu.memory_space<vmem>>
        %dma_start3A_432 = arith.constant 0 : i32
        %dma_start3A_433 = arith.constant 0 : i32
        %dma_start3A_434 = tpu.memref_slice %arg2[%dma_start3A_432, %dma_start3A_433] : memref<100000x128xf32, #tpu.memory_space<hbm>> -> memref<100000x128xf32, #tpu.memory_space<hbm>>
        %dma_start3A_435 = tpu.memref_slice %arg14[%dma_start3A_424] : memref<2x!tpu.dma_semaphore, #tpu.memory_space<semaphore_mem>> -> memref<1x!tpu.dma_semaphore, #tpu.memory_space<semaphore_mem>>
        %dma_start3A_436 = tpu.memref_squeeze %dma_start3A_435 : memref<1x!tpu.dma_semaphore, #tpu.memory_space<semaphore_mem>> -> memref<!tpu.dma_semaphore, #tpu.memory_space<semaphore_mem>>
        tpu.enqueue_indirect_dma source(%dma_start3A_434 : memref<100000x128xf32, #tpu.memory_space<hbm>>) target(%dma_start3A_428 : memref<128x128xf32, #tpu.memory_space<vmem>>) offsets(%dma_start3A_431 : memref<128xi32, #tpu.memory_space<vmem>>) semaphore(%dma_start3A_436 : memref<!tpu.dma_semaphore, #tpu.memory_space<semaphore_mem>>)
        %dma_start3A_437 = arith.constant 1 : i32
        %dma_start3A_438 = arith.constant 1 : i32
        %dma_start3A_439 = arith.constant 0 : i32
        %dma_start3A_440 = arith.constant 0 : i32
        %dma_start3A_441 = tpu.memref_slice %arg10[%dma_start3A_437, %dma_start3A_439, %dma_start3A_440] : memref<2x128x128xf32, #tpu.memory_space<vmem>> -> memref<1x128x128xf32, #tpu.memory_space<vmem>>
        %dma_start3A_442 = tpu.memref_squeeze %dma_start3A_441 : memref<1x128x128xf32, #tpu.memory_space<vmem>> -> memref<128x128xf32, #tpu.memory_space<vmem>>
        %dma_start3A_443 = arith.constant 128 : i32
        %dma_start3A_444 = tpu.memref_slice %arg8[%sub3A_140, %dma_start3A_443] : memref<2x512xi32, #tpu.memory_space<vmem>> -> memref<1x128xi32, #tpu.memory_space<vmem>>
        %dma_start3A_445 = tpu.memref_squeeze %dma_start3A_444 : memref<1x128xi32, #tpu.memory_space<vmem>> -> memref<128xi32, #tpu.memory_space<vmem>>
        %dma_start3A_446 = arith.constant 0 : i32
        %dma_start3A_447 = arith.constant 0 : i32
        %dma_start3A_448 = tpu.memref_slice %arg12[%dma_start3A_446, %dma_start3A_447] : memref<1000x128xf32, #tpu.memory_space<vmem_shared>> -> memref<1000x128xf32, #tpu.memory_space<vmem_shared>>
        %dma_start3A_449 = tpu.memref_slice %arg15[%dma_start3A_438] : memref<2x!tpu.dma_semaphore, #tpu.memory_space<semaphore_mem>> -> memref<1x!tpu.dma_semaphore, #tpu.memory_space<semaphore_mem>>
        %dma_start3A_450 = tpu.memref_squeeze %dma_start3A_449 : memref<1x!tpu.dma_semaphore, #tpu.memory_space<semaphore_mem>> -> memref<!tpu.dma_semaphore, #tpu.memory_space<semaphore_mem>>
        tpu.enqueue_indirect_dma source(%dma_start3A_448 : memref<1000x128xf32, #tpu.memory_space<vmem_shared>>) target(%dma_start3A_442 : memref<128x128xf32, #tpu.memory_space<vmem>>) offsets(%dma_start3A_445 : memref<128xi32, #tpu.memory_space<vmem>>) semaphore(%dma_start3A_450 : memref<!tpu.dma_semaphore, #tpu.memory_space<semaphore_mem>>)
      } else {
      }
    }
    %scan3A_97 = arith.constant 50 : i32
    %dma_wait3A = arith.constant 0 : i32
    %dma_wait3A_98 = arith.constant 0 : i32
    %dma_wait3A_99 = arith.constant 0 : i32
    %dma_wait3A_100 = arith.constant 0 : i32
    %dma_wait3A_101 = tpu.memref_slice %arg11[%dma_wait3A, %dma_wait3A_99, %dma_wait3A_100] : memref<2x128x128xf32, #tpu.memory_space<vmem>> -> memref<1x128x128xf32, #tpu.memory_space<vmem>>
    %dma_wait3A_102 = tpu.memref_squeeze %dma_wait3A_101 : memref<1x128x128xf32, #tpu.memory_space<vmem>> -> memref<128x128xf32, #tpu.memory_space<vmem>>
    %dma_wait3A_103 = arith.constant 0 : i32
    %dma_wait3A_104 = tpu.memref_slice %arg6[%mul3A_2, %dma_wait3A_103] : memref<819200x128xf32, #tpu.memory_space<hbm>> -> memref<128x128xf32, #tpu.memory_space<hbm>>
    %dma_wait3A_105 = tpu.memref_slice %arg16[%dma_wait3A_98] : memref<2x!tpu.dma_semaphore, #tpu.memory_space<semaphore_mem>> -> memref<1x!tpu.dma_semaphore, #tpu.memory_space<semaphore_mem>>
    %dma_wait3A_106 = tpu.memref_squeeze %dma_wait3A_105 : memref<1x!tpu.dma_semaphore, #tpu.memory_space<semaphore_mem>> -> memref<!tpu.dma_semaphore, #tpu.memory_space<semaphore_mem>>
    %dma_wait3A_107 = arith.constant 0 : i32
    %dma_wait3A_108 = tpu.memref_slice %arg6[%mul3A_2, %dma_wait3A_107] : memref<819200x128xf32, #tpu.memory_space<hbm>> -> memref<128x128xf32, #tpu.memory_space<hbm>>
    %dma_wait3A_109 = arith.constant 0 : i32
    %dma_wait3A_110 = arith.constant 0 : i32
    %dma_wait3A_111 = tpu.memref_slice %arg11[%dma_wait3A, %dma_wait3A_109, %dma_wait3A_110] : memref<2x128x128xf32, #tpu.memory_space<vmem>> -> memref<1x128x128xf32, #tpu.memory_space<vmem>>
    %dma_wait3A_112 = tpu.memref_squeeze %dma_wait3A_111 : memref<1x128x128xf32, #tpu.memory_space<vmem>> -> memref<128x128xf32, #tpu.memory_space<vmem>>
    tpu.wait_dma2 semaphore(%dma_wait3A_106 : memref<!tpu.dma_semaphore, #tpu.memory_space<semaphore_mem>>) src(%dma_wait3A_112 : memref<128x128xf32, #tpu.memory_space<vmem>>) dst(%dma_wait3A_108 : memref<128x128xf32, #tpu.memory_space<hbm>>)
    %dma_wait3A_113 = arith.constant 1 : i32
    %dma_wait3A_114 = arith.constant 1 : i32
    %dma_wait3A_115 = arith.constant 0 : i32
    %dma_wait3A_116 = arith.constant 0 : i32
    %dma_wait3A_117 = tpu.memref_slice %arg11[%dma_wait3A_113, %dma_wait3A_115, %dma_wait3A_116] : memref<2x128x128xf32, #tpu.memory_space<vmem>> -> memref<1x128x128xf32, #tpu.memory_space<vmem>>
    %dma_wait3A_118 = tpu.memref_squeeze %dma_wait3A_117 : memref<1x128x128xf32, #tpu.memory_space<vmem>> -> memref<128x128xf32, #tpu.memory_space<vmem>>
    %dma_wait3A_119 = arith.constant 0 : i32
    %dma_wait3A_120 = tpu.memref_slice %arg6[%mul3A_2, %dma_wait3A_119] : memref<819200x128xf32, #tpu.memory_space<hbm>> -> memref<128x128xf32, #tpu.memory_space<hbm>>
    %dma_wait3A_121 = tpu.memref_slice %arg16[%dma_wait3A_114] : memref<2x!tpu.dma_semaphore, #tpu.memory_space<semaphore_mem>> -> memref<1x!tpu.dma_semaphore, #tpu.memory_space<semaphore_mem>>
    %dma_wait3A_122 = tpu.memref_squeeze %dma_wait3A_121 : memref<1x!tpu.dma_semaphore, #tpu.memory_space<semaphore_mem>> -> memref<!tpu.dma_semaphore, #tpu.memory_space<semaphore_mem>>
    %dma_wait3A_123 = arith.constant 0 : i32
    %dma_wait3A_124 = tpu.memref_slice %arg6[%mul3A_2, %dma_wait3A_123] : memref<819200x128xf32, #tpu.memory_space<hbm>> -> memref<128x128xf32, #tpu.memory_space<hbm>>
    %dma_wait3A_125 = arith.constant 0 : i32
    %dma_wait3A_126 = arith.constant 0 : i32
    %dma_wait3A_127 = tpu.memref_slice %arg11[%dma_wait3A_113, %dma_wait3A_125, %dma_wait3A_126] : memref<2x128x128xf32, #tpu.memory_space<vmem>> -> memref<1x128x128xf32, #tpu.memory_space<vmem>>
    %dma_wait3A_128 = tpu.memref_squeeze %dma_wait3A_127 : memref<1x128x128xf32, #tpu.memory_space<vmem>> -> memref<128x128xf32, #tpu.memory_space<vmem>>
    tpu.wait_dma2 semaphore(%dma_wait3A_122 : memref<!tpu.dma_semaphore, #tpu.memory_space<semaphore_mem>>) src(%dma_wait3A_128 : memref<128x128xf32, #tpu.memory_space<vmem>>) dst(%dma_wait3A_124 : memref<128x128xf32, #tpu.memory_space<hbm>>)
    return
  }
}

module attributes {stable_mosaic.version = 14 : i64} {
  func.func @_transform_body(%arg0: i32, %arg1: memref<2000x64xf32, #tpu.memory_space<vmem>>, %arg2: memref<1000x64xf32, #tpu.memory_space<vmem>>, %arg3: memref<128x128xf32, #tpu.memory_space<vmem>>, %arg4: memref<1x128xf32, #tpu.memory_space<vmem>>, %arg5: memref<2000x128xf32, #tpu.memory_space<vmem>>, %arg6: memref<1000x128xf32, #tpu.memory_space<vmem>>) attributes {dimension_semantics = [#tpu.dimension_semantics<arbitrary>], iteration_bounds = array<i64: 50>, scalar_prefetch = 0 : i64, scratch_operands = 0 : i64, tpu.core_type = #tpu.core_type<tc>, window_params = [{transform_indices = @transform_0, window_bounds = array<i64: 2000, 64>}, {pipeline_mode = #tpu.pipeline_mode<synchronous>, transform_indices = @transform_1, window_bounds = array<i64: 1000, 64>}, {pipeline_mode = #tpu.pipeline_mode<synchronous>, transform_indices = @transform_2, window_bounds = array<i64: 128, 128>}, {pipeline_mode = #tpu.pipeline_mode<synchronous>, transform_indices = @transform_3, window_bounds = array<i64: 1, 128>}, {transform_indices = @transform_4, window_bounds = array<i64: 2000, 128>}, {pipeline_mode = #tpu.pipeline_mode<synchronous>, transform_indices = @transform_5, window_bounds = array<i64: 1000, 128>}]} {
    %get3A = arith.constant 0 : index
    %get3A_0 = arith.constant 0 : index
    %get3A_1 = vector.load %arg3[%get3A, %get3A_0] : memref<128x128xf32, #tpu.memory_space<vmem>>, vector<128x64xf32>
    %get3A_2 = arith.constant 0 : index
    %get3A_3 = arith.constant 0 : index
    %get3A_4 = vector.load %arg1[%get3A_2, %get3A_3] : memref<2000x64xf32, #tpu.memory_space<vmem>>, vector<2000x64xf32>
    %dot_general3A = arith.constant dense<0.000000e+00> : vector<2000x128xf32>
    %dot_general3A_5 = tpu.matmul %get3A_4, %get3A_1, %dot_general3A {dimension_numbers = #tpu.dot_dimension_numbers<[1], [1], [0], [0], [0, 0, 1, 0], [], []>, transpose_lhs_hint = false} : vector<2000x64xf32>, vector<128x64xf32>, vector<2000x128xf32> -> vector<2000x128xf32>
    %swap3A = arith.constant 0 : index
    %swap3A_6 = arith.constant 0 : index
    %swap3A_7 = vector.load %arg5[%swap3A, %swap3A_6] : memref<2000x128xf32, #tpu.memory_space<vmem>>, vector<2000x128xf32>
    tpu.vector_store %arg5[%swap3A, %swap3A_6], %dot_general3A_5 {strides = array<i32>} : memref<2000x128xf32, #tpu.memory_space<vmem>>, vector<2000x128xf32>,
    %eq3A = arith.constant 0 : i32
    %eq3A_8 = arith.cmpi eq, %arg0, %eq3A : i32
    %convert_element_type3A = arith.extui %eq3A_8 : i1 to i32
    %cond3A = arith.constant 0 : i32
    %cond3A_9 = arith.cmpi ne, %convert_element_type3A, %cond3A : i32
    scf.if %cond3A_9 {
      %get3A_10 = arith.constant 0 : index
      %get3A_11 = arith.constant 64 : index
      %get3A_12 = vector.load %arg3[%get3A_10, %get3A_11] : memref<128x128xf32, #tpu.memory_space<vmem>>, vector<128x64xf32>
      %get3A_13 = arith.constant 0 : index
      %get3A_14 = arith.constant 0 : index
      %get3A_15 = vector.load %arg2[%get3A_13, %get3A_14] : memref<1000x64xf32, #tpu.memory_space<vmem>>, vector<1000x64xf32>
      %dot_general3A_16 = arith.constant dense<0.000000e+00> : vector<1000x128xf32>
      %dot_general3A_17 = tpu.matmul %get3A_15, %get3A_12, %dot_general3A_16 {dimension_numbers = #tpu.dot_dimension_numbers<[1], [1], [0], [0], [0, 0, 1, 0], [], []>, transpose_lhs_hint = false} : vector<1000x64xf32>, vector<128x64xf32>, vector<1000x128xf32> -> vector<1000x128xf32>
      %get3A_18 = arith.constant 0 : index
      %get3A_19 = arith.constant 0 : index
      %get3A_20 = vector.load %arg4[%get3A_18, %get3A_19] : memref<1x128xf32, #tpu.memory_space<vmem>>, vector<1x128xf32>
      %add3A = vector.broadcast %get3A_20 : vector<1x128xf32> to vector<1000x128xf32>
      %add3A_21 = arith.addf %dot_general3A_17, %add3A : vector<1000x128xf32>
      %swap3A_22 = arith.constant 0 : index
      %swap3A_23 = arith.constant 0 : index
      %swap3A_24 = vector.load %arg6[%swap3A_22, %swap3A_23] : memref<1000x128xf32, #tpu.memory_space<vmem>>, vector<1000x128xf32>
      tpu.vector_store %arg6[%swap3A_22, %swap3A_23], %add3A_21 {strides = array<i32>} : memref<1000x128xf32, #tpu.memory_space<vmem>>, vector<1000x128xf32>,
    } else {
    }
    return
  }
  func.func @transform_0(%arg0: i32) -> (i32, i32) {
    %c0_i32 = arith.constant 0 : i32
    %c0_i32_0 = arith.constant 0 : i32
    return %arg0, %c0_i32 : i32, i32
  }
  func.func @transform_1(%arg0: i32) -> (i32, i32) {
    %c0_i32 = arith.constant 0 : i32
    %c0_i32_0 = arith.constant 0 : i32
    %c0_i32_1 = arith.constant 0 : i32
    return %c0_i32, %c0_i32_0 : i32, i32
  }
  func.func @transform_2(%arg0: i32) -> (i32, i32) {
    %c0_i32 = arith.constant 0 : i32
    %c0_i32_0 = arith.constant 0 : i32
    %c0_i32_1 = arith.constant 0 : i32
    return %c0_i32, %c0_i32_0 : i32, i32
  }
  func.func @transform_3(%arg0: i32) -> (i32, i32) {
    %c0_i32 = arith.constant 0 : i32
    %c0_i32_0 = arith.constant 0 : i32
    %c0_i32_1 = arith.constant 0 : i32
    return %c0_i32, %c0_i32_0 : i32, i32
  }
  func.func @transform_4(%arg0: i32) -> (i32, i32) {
    %c0_i32 = arith.constant 0 : i32
    %c0_i32_0 = arith.constant 0 : i32
    return %arg0, %c0_i32 : i32, i32
  }
  func.func @transform_5(%arg0: i32) -> (i32, i32) {
    %c0_i32 = arith.constant 0 : i32
    %c0_i32_0 = arith.constant 0 : i32
    %c0_i32_1 = arith.constant 0 : i32
    return %c0_i32, %c0_i32_0 : i32, i32
  }
}

</mosaic_0001>

<sc_bundles>
// kernel: kernel.4.cloned.1.call-start
scs
__scs_entry_jumppad:
0x0: {  	(pc) =	sbr.rel $0x88, $3  }
0x1: {  	(tag) =	ssettag $0x0;
	lr =	simm.s32 $0x1  }
0x2: {  	[smem:$0x3F9B] =	sst lr;
	_ =	strace $0xD0000000  }
0x3: {  	_ = 	snop  }
0x4: {  	_ = 	snop  }
0x5: {  	_ = 	snop  }
0x6: {  	_ = 	snop  }
0x7: {  	_ = 	snop  }
__scs_overlays_trampoline_lowered:
0x8: {  	[smem:$0x3FAA] =	sst s0  }
0x9: {  	[smem:$0x3FAB] =	sst s1  }
0xa: {  	[smem:$0x3FAC] =	sst s2  }
0xb: {  	[smem:$0x3FAD] =	sst s3  }
0xc: {  	[smem:$0x3FAE] =	sst s4  }
0xd: {  	[smem:$0x3FAF] =	sst s5  }
0xe: {  	[smem:$0x3FB0] =	sst s6  }
0xf: {  	[smem:$0x3FB1] =	sst s7  }
0x10: {  	[smem:$0x3FB2] =	sst s8  }
0x11: {  	[smem:$0x3FB3] =	sst s9;
	s0 =	simm.s32 @!p0 $0x0  }
0x12: {  	s1 =	sld [smem:$0x3F99];
	s0 =	simm.s32 @p0 $0x1  }
0x13: {  	[smem:$0x3FB4] =	sst s0;
	s0 =	simm.s32 @!p1 $0x0  }
0x14: {  	s2 =	sld [smem:$0x3F98];
	s0 =	simm.s32 @p1 $0x1  }
0x15: {  	[smem:$0x3FB5] =	sst s0;
	s0 =	simm.s32 @!p2 $0x0  }
0x16: {  	s3 =	sld [smem:$0x3FDB];
	s0 =	simm.s32 @p2 $0x1  }
0x17: {  	s4 =	simm.s32 $0x1BF5;
	[smem:$0x3FB7] =	sst s0  }
0x18: {  	s0 =	sld [smem:$0x3F9A];
	_ =	swait.ge [sflag:s4], $0x0  }
0x19: {  	s7 =	sld [smem:$0x3F9B]  }
0x1a: {  	s8 =	sadd.s32 $0xFFFFE003, lr  }
0x1b: {  	s9 =	sadd.s32 $0xFFFFFEF7, lr;
	s5 =	simm.s32 $0xFFFFFFFF;
	p2 =	slt.u32 s8, $0xFFFFF086  }
0x1c: {  	p1 =	slt.u32 s9, $0xF7A;
	s5 =	simm.s32 @!p2 $0x0  }
0x1d: {  	s5 =	simm.s32 @p1 $0x1;
	p0 =	seq.s32 s7, s2  }
0x1e: {  	s7 =	smul.u32 @!p0 $0xF7A, s2;
	p2 =	seq.s32 @!p0 s5, $0x0  }
0x1f: {  	s9 =	smul.u32 $0xF7A, s1;
	s8 =	simm.s32 @!p0 $0x1BF5;
	p2 =	por !p2, p0  }
0x20: {  	[sflag:s8] =	ssyncset.s32 @!p0 $0xFFFFF086;
	s6 =	sadd.s32 @!p0 s3, s7;
	s7 =	simm.s32 @!p0 $0x108  }
0x21: {  	s3 =	sadd.s32 s3, s9;
	s6 =	sadd.s32 @!p0 $0x88, s6;
	s7 =	simm.s32 @p2 $0x1082  }
0x22: {  	[simem:s7], [sflag:s8] =	dma.local @!p0 [hbm:s6], $0xF7A  }
0x23: {  	s9 =	sor.u32 $0xD0000000, s2;
	s6 =	simm.s32 $0x108;
	_ =	swait.ge @!p0 [sflag:s8], $0x0  }
0x24: {  	s3 =	sadd.s32 $0x88, s3;
	s6 =	simm.s32 @!p1 $0x1082;
	[sflag:s4] =	ssyncset.s32 $0xFFFFF086  }
0x25: {  	[simem:s6], [sflag:s4] =	dma.local [hbm:s3], $0xF7A  }
0x26: {  	[smem:$0x3F9B] =	sst s1;
	(tag) =	ssettag s2;
	_ =	strace s9  }
0x27: {  	s1 =	sld [smem:$0x3FAB]  }
0x28: {  	s2 =	sld [smem:$0x3FAC]  }
0x29: {  	s4 =	sld [smem:$0x3FAE]  }
0x2a: {  	p0 =	seq.s32 s5, $0x0;
	s5 =	sld [smem:$0x3FAF]  }
0x2b: {  	s6 =	sld [smem:$0x3FB0]  }
0x2c: {  	s7 =	sld [smem:$0x3FB1]  }
0x2d: {  	s3 =	simm.s32 $0x108;
	s8 =	sld [smem:$0x3FB2]  }
0x2e: {  	s3 =	simm.s32 @!p0 $0x1082;
	s9 =	sld [smem:$0x3FB3]  }
0x2f: {  	lr =	sadd.s32 s0, s3;
	s0 =	sld [smem:$0x3FAA]  }
0x30: {  	s3 =	sld [smem:$0x3FAD]  }
0x31: {  	[smem:$0x3FB6] =	sst s10  }
0x32: {  	s10 =	sld [smem:$0x3FB4];
	_ =	sdelay $0x3  }
0x33: {  	p0 =	seq.s32 s10, $0x1;
	s10 =	sld [smem:$0x3FB6];
	_ =	sdelay $0x3  }
0x34: {  	[smem:$0x3FB6] =	sst s10  }
0x35: {  	s10 =	sld [smem:$0x3FB5];
	_ =	sdelay $0x3  }
0x36: {  	p1 =	seq.s32 s10, $0x1;
	s10 =	sld [smem:$0x3FB6];
	_ =	sdelay $0x3  }
0x37: {  	[smem:$0x3FB6] =	sst s10  }
0x38: {  	s10 =	sld [smem:$0x3FB7]  }
0x39: {  	_ = 	snop;
	(pc) =	sbr.ind lr, $3  }
0x3a: {  	_ = 	snop  }
0x3b: {  	_ = 	snop  }
0x3c: {  	p2 =	seq.s32 s10, $0x1;
	s10 =	sld [smem:$0x3FB6]  }
0x3d: {  	_ =	shalt  }
0x3e: {  	_ =	shalt  }
0x3f: {  	_ =	shalt  }
0x40: {  	_ =	shalt  }
0x41: {  	_ =	shalt  }
0x42: {  	_ =	shalt  }
0x43: {  	_ =	shalt  }
0x44: {  	_ =	shalt  }
0x45: {  	_ =	shalt  }
0x46: {  	_ =	shalt  }
0x47: {  	_ =	shalt  }
0x48: {  	_ =	shalt  }
0x49: {  	_ =	shalt  }
0x4a: {  	_ =	shalt  }
0x4b: {  	_ =	shalt  }
0x4c: {  	_ =	shalt  }
0x4d: {  	_ =	shalt  }
0x4e: {  	_ =	shalt  }
0x4f: {  	_ =	shalt  }
0x50: {  	_ =	shalt  }
0x51: {  	_ =	shalt  }
0x52: {  	_ =	shalt  }
0x53: {  	_ =	shalt  }
0x54: {  	_ =	shalt  }
0x55: {  	_ =	shalt  }
0x56: {  	_ =	shalt  }
0x57: {  	_ =	shalt  }
0x58: {  	_ =	shalt  }
0x59: {  	_ =	shalt  }
0x5a: {  	_ =	shalt  }
0x5b: {  	_ =	shalt  }
0x5c: {  	_ =	shalt  }
0x5d: {  	_ =	shalt  }
0x5e: {  	_ =	shalt  }
0x5f: {  	_ =	shalt  }
0x60: {  	_ =	shalt  }
0x61: {  	_ =	shalt  }
0x62: {  	_ =	shalt  }
0x63: {  	_ =	shalt  }
0x64: {  	_ =	shalt  }
0x65: {  	_ =	shalt  }
0x66: {  	_ =	shalt  }
0x67: {  	_ =	shalt  }
0x68: {  	_ =	shalt  }
0x69: {  	_ =	shalt  }
0x6a: {  	_ =	shalt  }
0x6b: {  	_ =	shalt  }
0x6c: {  	_ =	shalt  }
0x6d: {  	_ =	shalt  }
0x6e: {  	_ =	shalt  }
0x6f: {  	_ =	shalt  }
0x70: {  	_ =	shalt  }
0x71: {  	_ =	shalt  }
0x72: {  	_ =	shalt  }
0x73: {  	_ =	shalt  }
0x74: {  	_ =	shalt  }
0x75: {  	_ =	shalt  }
0x76: {  	_ =	shalt  }
0x77: {  	_ =	shalt  }
0x78: {  	_ =	shalt  }
0x79: {  	_ =	shalt  }
0x7a: {  	_ =	shalt  }
0x7b: {  	_ =	shalt  }
0x7c: {  	_ =	shalt  }
0x7d: {  	_ =	shalt  }
0x7e: {  	_ =	shalt  }
0x7f: {  	_ =	shalt  }
0x80: {  	_ =	shalt  }
0x81: {  	_ =	shalt  }
0x82: {  	_ =	shalt  }
0x83: {  	_ =	shalt  }
0x84: {  	_ =	shalt  }
0x85: {  	_ =	shalt  }
0x86: {  	_ =	shalt  }
0x87: {  	_ =	shalt  }
.Lfunc_end0:
.L_simem_size_0:
called_computation_lowered:
.L_overlay_start_0:
0x88: {  	s2 =	sld [smem:$0x3FD9]  }
0x89: {  	s3 =	sld [smem:$0x3FFE];
	_ =	sdelay $0x1  }
0x8a: {  	s1 =	srdreg.scid  }
0x8b: {  	s0 =	sand.u32 $0x1, s1  }
0x8c: {  	s17 =	sshll.u32 s0, $0xA;
	s2 =	sadd.s32 s3, s2  }
0x8d: {  	s2 =	sadd.s32 s2, s17  }
0x8e: {  	[smem:$0x3FC2] =	sst s2  }
0x8f: {  	_ = 	snop  }
0x90: {  	s2 =	sld [smem:$0x3FD0];
	(tm) =	ssettm $0x1  }
0x91: {  	s18 =	sld [smem:$0x3FFB];
	_ =	sdelay $0x3  }
0x92: {  	_ =	strace s18  }
0x93: {  	s3 =	sld [smem:$0x3FFC];
	_ =	sdelay $0x3  }
0x94: {  	_ =	strace s3  }
0x95: {  	s3 =	sld [smem:$0x3FFD];
	_ =	sdelay $0x3  }
0x96: {  	_ =	strace s3  }
0x97: {  	_ =	strace $0x8FFFFFFF  }
0x98: {  	s19 =	sld [smem:$0x3FDB];
	_ =	sdelay $0x1  }
0x99: {  	s4 =	simm.s32 $_scs_section_size  }
0x9a: {  	s5 =	simm.s32 $_size__tile_overlayer_lowered;
	s6 =	simm.s32 $_tile_overlayer_lowered  }
0x9b: {  	s22 =	simm.s32 $0x1BFF;
	s21 =	sshll.u32 s6, $0x1;
	s3 =	sadd.s32 s4, s19  }
0x9c: {  	s7 =	simm.s32 $0x0;
	s20 =	sshll.u32 s5, $0x1;
	s5 =	sadd.s32 s21, s3  }
0x9d: {  	[timem:s7], [sflag:s22] =	dma.local [hbm:s5], s20  }
0x9e: {  	_ =	swait.ge [sflag:s22], s20  }
0x9f: {  	s4 =	ssub.s32 $0x0, s20;
	[sflag:s22] =	ssyncset.done $0x0  }
0xa0: {  	[sflag:s22] =	ssyncadd.s32 s4;
	_ =	sdelay $0x1  }
0xa1: {  	s23 =	simm.s32 $0x1B8B  }
0xa2: {  	_ =	swait.ge [sflag:s23], $0x1  }
0xa3: {  	[sflag:s23] =	ssyncset.done $0x0  }
0xa4: {  	s25 =	simm.s32 $0x1B8E;
	s24 =	sld [smem:$0x3FFE];
	[sflag:s23] =	ssyncadd.s32 $0xFFFFFFFF  }
0xa5: {  	s26 =	simm.s32 $execute0_lowered;
	[smem:$0x3FD2] =	sst s25  }
0xa6: {  	s5 =	sshll.u32 s26, $0x1;
	_ =	strace $0x80000046;
	[dreg:$0x1] =	wrdreg $0xFFFFFFFF  }
0xa7: {  	s28 =	simm.s32 $_size_execute0_lowered;
	s3 =	sadd.s32 s3, s5;
	[dreg:$0x0] =	wrdreg $0x0  }
0xa8: {  	s5 =	sshll.u32 s28, $0x1;
	[dreg:$0x2] =	wrdreg s3  }
0xa9: {  	[dreg:$0x3] =	wrdreg s5  }
0xaa: {  	[dreg:$0x4] =	wrdreg $0xC0  }
0xab: {  	_ =	task [dreg:s7], $0x5FFFF  }
0xac: {  	[dreg:$0x1] =	wrdreg $0xFFFFFFFF  }
0xad: {  	[dreg:$0x0] =	wrdreg $0x60  }
0xae: {  	[dreg:$0x2] =	wrdreg s24  }
0xaf: {  	[dreg:$0x3] =	wrdreg s2  }
0xb0: {  	[dreg:$0x4] =	wrdreg $0x188000  }
0xb1: {  	[dreg:$0x5] =	wrdreg $0x9  }
0xb2: {  	_ =	task.clear_ibuf [dreg:s7], $0x6FFFF;
	_ =	strace $0x90000046  }
0xb3: {  	s29 =	simm.s32 $0x9;
	_ =	strace $0x80000048  }
0xb4: {  	_ =	swait.ge [sflag:s29], $0x1  }
0xb5: {  	[sflag:s29] =	ssyncadd.s32 $0xFFFFFFFF  }
0xb6: {  	_ =	strace $0x90000048  }
0xb7: {  	_ =	sfence  }
0xb8: {  	s30 =	sld [smem:$0x0];
	_ =	sdelay $0x2  }
0xb9: {  	s31 =	sshll.u32 s1, $0xD;
	s1 =	sshrl.u32 s1, $0x2  }
0xba: {  	s3 =	sand.u32 $0x4000, s31;
	s1 =	sadd.s32 s1, s30  }
0xbb: {  	s0 =	sor.u32 s3, s0;
	s1 =	sshll.u32 s1, $0x11  }
0xbc: {  	s0 =	sor.u32 s1, s0  }
0xbd: {  	s0 =	sadd.s32 $0x8F2B, s0  }
0xbe: {  	[sflag:s0] =	ssyncadd.remote.s32 $0x1  }
0xbf: {  	_ =	sfence.sel $0xFFFF  }
0xc0: {  	[dreg:$0x0] =	wrdreg $0xFFFFFFFF;
	(pc) =	sbr.abs _section_cstart, $3  }
0xc1: {  	[dreg:$0x1] =	wrdreg $0xFFFFFFFF  }
0xc2: {  	_ =	task.clear_ibuf [dreg:s7], $0x2FFFF;
	_ =	strace $0x9FFFFFFF  }
0xc3: {  	(tm) =	ssettm $0x7FFFFFFF  }
tec
execute0_lowered:
.L_overlay_start_1:
0x0: {  	(tag) =	ssettag $0x1  }
0x1: {  	s0 =	rddreg [dreg:$0x0]  }
0x2: {  	s1 =	rddreg [dreg:$0x1]  }
0x3: {  	s2 =	rddreg [dreg:$0x2];
	s4 =	srdreg.scid  }
0x4: {  	s5 =	stileid.u32;
	s3 =	simm.s32 $0x0;
	s30 =	simm.s32 $0x80  }
0x5: {  	s29 =	simm.s32 $0x3;
	s28 =	simm.s32 $0x5;
	s18 =	simm.s32 $0x8  }
0x6: {  	s7 =	sand.u32 $0x1, s4;
	s19 =	sshll.u32 s5, $0x1;
	[smem:$0x7FF] =	sst s3  }
0x7: {  	s4 =	sadd.s32 $0x32E00, s0;
	s6 =	sadd.s32 $0x1B9800, s0;
	s20 =	sadd.s32 $0xE00, s0  }
0x8: {  	s12 =	sadd.s32 $0x19E00, s0;
	p0 =	sne.s32 s5, $0x0;
	s5 =	simm.s32 $0x14800  }
0x9: {  	s8 =	sor.u32 s7, s19;
	_ =	strace $0x80000047;
	[dreg:$0x4] =	wrdreg s6  }
0xa: {  	s10 =	ssub.s32 $0x2, s7;
	s7 =	smov.u32 s20;
	s9 =	smul.u32 $0x6400, s8  }
0xb: {  	s21 =	sshrl.u32 s10, $0x1;
	s16 =	smul.u32 $0x320000, s8;
	s8 =	smov.u32 s12  }
0xc: {  	s0 =	ssub.s32 s10, s21;
	s11 =	sshrl.u32 s9, $0x3;
	s25 =	sor.u32 $0x80, s9  }
0xd: {  	s14 =	sor.u32 $0x8000, s16;
	s15 =	sadd.s32 $0x400, s9;
	s13 =	smov.u32 s16  }
0xe: {  	s16 =	sor.u32 $0xC000, s16;
	s0 =	smax.u32 s0, $0x1;
	[dreg:$0x9] =	wrdreg s25  }
0xf: {  	s22 =	sor.u32 $0x40, s11;
	s23 =	sadd.s32 s12, s11;
	[dreg:$0xa] =	wrdreg s0  }
0x10: {  	s17 =	sadd.s32 s20, s11;
	s0 =	sshrl.u32 @!p0 s2, $0x3;
	[dreg:$0x6] =	wrdreg s23  }
0x11: {  	s25 =	simm.s32 $0x4;
	s6 =	sadd.s32 s20, s22;
	[dreg:$0xb] =	wrdreg s0  }
.Ltmp0:
0x12: {  	s24 =	sadd.s32 s12, s22;
	[dreg:$0x5] =	wrdreg s17;
	(pc) =	sbr.rel .LBB2_1-.Ltmp0, $4  }
0x13: {  	s26 =	sadd.s32 $0x10, s17;
	s31 =	sadd.s32 $0x20, s17;
	[dreg:$0x7] =	wrdreg s6  }
0x14: {  	s22 =	simm.s32 $0x4800;
	s23 =	simm.s32 $0xC800;
	[dreg:$0x8] =	wrdreg s24  }
0x15: {  	s20 =	simm.s32 $0x10800;
	s17 =	simm.s32 $0x7;
	[dreg:$0xc] =	wrdreg s26  }
0x16: {  	[dreg:$0xd] =	wrdreg s31;
	s26 =	simm.s32 $0x6;
	s6 =	simm.s32 $0x0  }
.LBB2_12:
0x17: {  	_ =	swait.ge [sflag:s17], $0x4000  }
0x18: {  	[sflag:s17] =	ssyncset.done $0x0  }
0x19: {  	[sflag:s17] =	ssyncadd.s32 $0xFFFFC000  }
0x1a: {  	_ =	swait.ge [sflag:s18], $0x4000  }
0x1b: {  	s6 =	rddreg [dreg:$0xe]  }
0x1c: {  	s0 =	rddreg [dreg:$0xa];
	s6 =	sadd.s32 $0x1, s6  }
0x1d: {  	p1 =	sne.s32 s6, s0  }
.Ltmp1:
0x1e: {  	_ = 	snop;
	(pc) =	sbr.rel @!p1 .LBB2_13-.Ltmp1, $3  }
0x1f: {  	_ =	sdelay $0x1  }
0x20: {  	[sflag:s18] =	ssyncset.done $0x0  }
0x21: {  	[sflag:s18] =	ssyncadd.s32 $0xFFFFC000  }
.LBB2_1:
0x22: {  	[dreg:$0xe] =	wrdreg s6  }
0x23: {  	s6 =	rddreg [dreg:$0x4]  }
0x24: {  	s0 =	simm.s32 @!p0 $0x1C09;
	s9 =	rddreg [dreg:$0xb]  }
0x25: {  	[spmem:s9], [sflag:s0] =	dma.local @!p0 [hbm:s6], $0x3E80  }
0x26: {  	s0 =	simm.s32 @!p0 $0x9  }
0x27: {  	_ =	swait.ge @!p0 [sflag:s0], $0x3E80  }
0x28: {  	[sflag:s0] =	ssyncset.done @!p0 $0x0  }
0x29: {  	[sflag:s0] =	ssyncadd.s32 @!p0 $0xFFFFC180  }
0x2a: {  	[bflag:$0x0] =	sbarrier.arrive $0xFFFF  }
0x2b: {  	s31 =	rddreg [dreg:$0x5]  }
0x2c: {  	[tilespmem:s3], [sflag:$0x9] =	stream.linear.gather [hbm4b:s31+s3], $0x80, $0x38;
	[tilespmem:$0x1A740] =	vst v63  }
0x2d: {  	s9 =	simm.s32 $0x100;
	s11 =	rddreg [dreg:$0xc]  }
0x2e: {  	[tilespmem:s9], [sflag:$0x9] =	stream.linear.gather [hbm4b:s11+s3], $0x80, $0x38;
	[tilespmem:$0x1A740] =	vst v63  }
0x2f: {  	s10 =	simm.s32 $0x200;
	s12 =	rddreg [dreg:$0xd]  }
0x30: {  	[tilespmem:s10], [sflag:$0x9] =	stream.linear.gather [hbm4b:s12+s3], $0x80, $0x38;
	[tilespmem:$0x1A740] =	vst v63  }
0x31: {  	s19 =	simm.s32 $0x300;
	s0 =	sadd.s32 $0x30, s31;
	s10 =	simm.s32 $0x9  }
0x32: {  	[tilespmem:s19], [sflag:$0x9] =	stream.linear.gather [hbm4b:s0+s3], $0x80, $0x38;
	[tilespmem:$0x1A740] =	vst v63  }
0x33: {  	_ =	swait.ge [sflag:s10], $0x200  }
0x34: {  	[sflag:s10] =	ssyncset.done $0x0  }
0x35: {  	s11 =	simm.s32 $0x400;
	s21 =	rddreg [dreg:$0x6];
	[sflag:s10] =	ssyncadd.s32 $0xFFFFFE00  }
0x36: {  	[tilespmem:s11], [sflag:$0x9] =	stream.linear.gather [hbm4b:s21+s3], $0x80, $0x38;
	[tilespmem:$0x1A740] =	vst v63  }
0x37: {  	s12 =	simm.s32 $0x500;
	s24 =	sadd.s32 $0x10, s21  }
0x38: {  	[tilespmem:s12], [sflag:$0x9] =	stream.linear.gather [hbm4b:s24+s3], $0x80, $0x38;
	[tilespmem:$0x1A740] =	vst v63  }
0x39: {  	s19 =	simm.s32 $0x600;
	s31 =	sadd.s32 $0x20, s21  }
0x3a: {  	[tilespmem:s19], [sflag:$0x9] =	stream.linear.gather [hbm4b:s31+s3], $0x80, $0x38;
	[tilespmem:$0x1A740] =	vst v63  }
0x3b: {  	s6 =	sadd.s32 $0x30, s21;
	s19 =	simm.s32 $0x700  }
0x3c: {  	[tilespmem:s19], [sflag:$0x9] =	stream.linear.gather [hbm4b:s6+s3], $0x80, $0x38;
	[tilespmem:$0x1A740] =	vst v63  }
0x3d: {  	_ =	swait.ge [sflag:s10], $0x200  }
0x3e: {  	[sflag:s10] =	ssyncset.done $0x0  }
0x3f: {  	s21 =	simm.s32 $0x800;
	[sflag:s10] =	ssyncadd.s32 $0xFFFFFE00  }
0x40: {  	[tilespmem:s21], [sflag:$0x3] =	stream.indirect.gather [hbm4b:s4+s30], $0x80, s3, s30, $0xb8;
	[tilespmem:$0x1A740] =	vst v63  }
0x41: {  	s24 =	simm.s32 $0x8800  }
0x42: {  	[tilespmem:s24], [sflag:$0x5] =	stream.indirect.gather [spmem:s2], $0x80, s11, s30, $0xb8;
	[tilespmem:$0x1A740] =	vst v63  }
0x43: {  	_ = 	snop  }
0x44: {  	[tilespmem:s22], [sflag:$0x4] =	stream.indirect.gather [hbm4b:s4+s30], $0x80, s9, s30, $0xb8;
	[tilespmem:$0x1A740] =	vst v63  }
0x45: {  	_ = 	snop  }
0x46: {  	[tilespmem:s23], [sflag:$0x6] =	stream.indirect.gather [spmem:s2], $0x80, s12, s30, $0xb8;
	[tilespmem:$0x1A740] =	vst v63  }
0x47: {  	s31 =	rddreg [dreg:$0x7]  }
0x48: {  	[tilespmem:s30], [sflag:$0x2] =	stream.linear.gather [hbm4b:s31+s3], $0x80, $0x38;
	[tilespmem:$0x1A740] =	vst v63  }
0x49: {  	s10 =	sadd.s32 $0x10, s31;
	s11 =	simm.s32 $0x180  }
0x4a: {  	[tilespmem:s11], [sflag:$0x2] =	stream.linear.gather [hbm4b:s10+s3], $0x80, $0x38;
	[tilespmem:$0x1A740] =	vst v63  }
0x4b: {  	s19 =	simm.s32 $0x280;
	s12 =	sadd.s32 $0x20, s31  }
0x4c: {  	[tilespmem:s19], [sflag:$0x2] =	stream.linear.gather [hbm4b:s12+s3], $0x80, $0x38;
	[tilespmem:$0x1A740] =	vst v63  }
0x4d: {  	s21 =	sadd.s32 $0x30, s31;
	s24 =	simm.s32 $0x380  }
0x4e: {  	[tilespmem:s24], [sflag:$0x2] =	stream.linear.gather [hbm4b:s21+s3], $0x80, $0x38;
	[tilespmem:$0x1A740] =	vst v63  }
0x4f: {  	s31 =	rddreg [dreg:$0x8];
	s10 =	simm.s32 $0x480  }
0x50: {  	[tilespmem:s10], [sflag:$0x2] =	stream.linear.gather [hbm4b:s31+s3], $0x80, $0x38;
	[tilespmem:$0x1A740] =	vst v63  }
0x51: {  	s11 =	sadd.s32 $0x10, s31;
	s12 =	simm.s32 $0x580  }
0x52: {  	[tilespmem:s12], [sflag:$0x2] =	stream.linear.gather [hbm4b:s11+s3], $0x80, $0x38;
	[tilespmem:$0x1A740] =	vst v63  }
0x53: {  	s19 =	sadd.s32 $0x20, s31;
	s21 =	simm.s32 $0x680  }
0x54: {  	[tilespmem:s21], [sflag:$0x2] =	stream.linear.gather [hbm4b:s19+s3], $0x80, $0x38;
	[tilespmem:$0x1A740] =	vst v63  }
0x55: {  	s24 =	sadd.s32 $0x30, s31;
	s31 =	simm.s32 $0x780;
	s21 =	simm.s32 $0x0  }
0x56: {  	[tilespmem:s31], [sflag:$0x2] =	stream.linear.gather [hbm4b:s24+s3], $0x80, $0x38;
	[tilespmem:$0x1A740] =	vst v63  }
.LBB2_2:
0x57: {  	_ =	swait.ge [sflag:s29], $0x4000  }
0x58: {  	[sflag:s29] =	ssyncset.done $0x0  }
0x59: {  	[sflag:s29] =	ssyncadd.s32 $0xFFFFC000  }
0x5a: {  	_ =	swait.ge [sflag:s28], $0x4000  }
0x5b: {  	p1 =	seq.s32 s21, $0x0;
	[sflag:s28] =	ssyncset.done $0x0  }
0x5c: {  	s0 =	simm.s32 @!p1 $0x7;
	[sflag:s28] =	ssyncadd.s32 $0xFFFFC000  }
0x5d: {  	_ =	swait.ge @!p1 [sflag:s0], $0x4000  }
0x5e: {  	[sflag:s0] =	ssyncset.done @!p1 $0x0  }
0x5f: {  	s11 =	simm.s32 $0x0;
	[sflag:s0] =	ssyncadd.s32 @!p1 $0xFFFFC000  }
0x60: {  	v0 =	vld [tilespmem:s11+$0x9F0]  }
0x61: {  	v1 =	vld [tilespmem:s11+$0x89F0]  }
0x62: {  	v2 =	vld [tilespmem:s11+$0x800]  }
0x63: {  	v3 =	vld [tilespmem:s11+$0x8800]  }
0x64: {  	v4 =	vld [tilespmem:s11+$0x810]  }
0x65: {  	v5 =	vld [tilespmem:s11+$0x8810]  }
0x66: {  	v6 =	vld [tilespmem:s11+$0x820]  }
0x67: {  	v7 =	vld [tilespmem:s11+$0x830]  }
0x68: {  	v0 =	vadd.f32 v1, v0;
	v1 =	vld [tilespmem:s11+$0x8820]  }
0x69: {  	v2 =	vadd.f32 v3, v2;
	v3 =	vld [tilespmem:s11+$0x840]  }
0x6a: {  	[tilespmem:s11+$0x109F0] =	vst v0;
	v0 =	vld [tilespmem:s11+$0x8830]  }
0x6b: {  	[tilespmem:s11+$0x10800] =	vst v2;
	v2 =	vadd.f32 v5, v4;
	v4 =	vld [tilespmem:s11+$0x8840]  }
0x6c: {  	v5 =	vld [tilespmem:s11+$0x8850]  }
0x6d: {  	[tilespmem:s11+$0x10810] =	vst v2;
	v2 =	vld [tilespmem:s11+$0x850];
	v1 =	vadd.f32 v1, v6  }
0x6e: {  	v6 =	vld [tilespmem:s11+$0x8860]  }
0x6f: {  	[tilespmem:s11+$0x10820] =	vst v1;
	v0 =	vadd.f32 v0, v7;
	v1 =	vld [tilespmem:s11+$0x860]  }
0x70: {  	v7 =	vld [tilespmem:s11+$0x89B0]  }
0x71: {  	[tilespmem:s11+$0x10830] =	vst v0;
	v0 =	vadd.f32 v4, v3;
	v3 =	vld [tilespmem:s11+$0x870]  }
0x72: {  	v4 =	vld [tilespmem:s11+$0x8870]  }
0x73: {  	[tilespmem:s11+$0x10840] =	vst v0;
	v0 =	vadd.f32 v5, v2;
	v2 =	vld [tilespmem:s11+$0x880]  }
0x74: {  	v5 =	vld [tilespmem:s11+$0x8880]  }
0x75: {  	[tilespmem:s11+$0x10850] =	vst v0;
	v0 =	vadd.f32 v6, v1;
	v1 =	vld [tilespmem:s11+$0x890]  }
0x76: {  	v6 =	vld [tilespmem:s11+$0x8890]  }
0x77: {  	[tilespmem:s11+$0x10860] =	vst v0;
	v0 =	vadd.f32 v4, v3;
	v3 =	vld [tilespmem:s11+$0x8A0]  }
0x78: {  	v4 =	vld [tilespmem:s11+$0x88A0]  }
0x79: {  	[tilespmem:s11+$0x10870] =	vst v0;
	v0 =	vadd.f32 v5, v2;
	v2 =	vld [tilespmem:s11+$0x8B0]  }
0x7a: {  	v5 =	vld [tilespmem:s11+$0x88B0]  }
0x7b: {  	[tilespmem:s11+$0x10880] =	vst v0;
	v0 =	vadd.f32 v6, v1;
	v1 =	vld [tilespmem:s11+$0x8C0]  }
0x7c: {  	v6 =	vld [tilespmem:s11+$0x88C0]  }
0x7d: {  	[tilespmem:s11+$0x10890] =	vst v0;
	v0 =	vadd.f32 v4, v3;
	v3 =	vld [tilespmem:s11+$0x8D0]  }
0x7e: {  	v4 =	vld [tilespmem:s11+$0x88D0]  }
0x7f: {  	[tilespmem:s11+$0x108A0] =	vst v0;
	v0 =	vadd.f32 v5, v2;
	v2 =	vld [tilespmem:s11+$0x8E0]  }
0x80: {  	v5 =	vld [tilespmem:s11+$0x88E0]  }
0x81: {  	[tilespmem:s11+$0x108B0] =	vst v0;
	v0 =	vadd.f32 v6, v1;
	v1 =	vld [tilespmem:s11+$0x8F0]  }
0x82: {  	v6 =	vld [tilespmem:s11+$0x88F0]  }
0x83: {  	[tilespmem:s11+$0x108C0] =	vst v0;
	v0 =	vadd.f32 v4, v3;
	v3 =	vld [tilespmem:s11+$0x900]  }
0x84: {  	v4 =	vld [tilespmem:s11+$0x8900]  }
0x85: {  	[tilespmem:s11+$0x108D0] =	vst v0;
	v0 =	vadd.f32 v5, v2;
	v2 =	vld [tilespmem:s11+$0x910]  }
0x86: {  	v5 =	vld [tilespmem:s11+$0x8910]  }
0x87: {  	[tilespmem:s11+$0x108E0] =	vst v0;
	v0 =	vadd.f32 v6, v1;
	v1 =	vld [tilespmem:s11+$0x920]  }
0x88: {  	v6 =	vld [tilespmem:s11+$0x8920]  }
0x89: {  	[tilespmem:s11+$0x108F0] =	vst v0;
	v0 =	vadd.f32 v4, v3;
	v3 =	vld [tilespmem:s11+$0x930]  }
0x8a: {  	v4 =	vld [tilespmem:s11+$0x8930]  }
0x8b: {  	[tilespmem:s11+$0x10900] =	vst v0;
	v0 =	vadd.f32 v5, v2;
	v2 =	vld [tilespmem:s11+$0x940]  }
0x8c: {  	v5 =	vld [tilespmem:s11+$0x8940]  }
0x8d: {  	[tilespmem:s11+$0x10910] =	vst v0;
	v0 =	vadd.f32 v6, v1;
	v1 =	vld [tilespmem:s11+$0x950]  }
0x8e: {  	v6 =	vld [tilespmem:s11+$0x8950]  }
0x8f: {  	[tilespmem:s11+$0x10920] =	vst v0;
	v0 =	vadd.f32 v4, v3;
	v3 =	vld [tilespmem:s11+$0x960]  }
0x90: {  	v4 =	vld [tilespmem:s11+$0x8960]  }
0x91: {  	[tilespmem:s11+$0x10930] =	vst v0;
	v0 =	vadd.f32 v5, v2;
	v2 =	vld [tilespmem:s11+$0x970]  }
0x92: {  	v5 =	vld [tilespmem:s11+$0x8970]  }
0x93: {  	[tilespmem:s11+$0x10940] =	vst v0;
	v0 =	vadd.f32 v6, v1;
	v1 =	vld [tilespmem:s11+$0x980]  }
0x94: {  	v6 =	vld [tilespmem:s11+$0x8980]  }
0x95: {  	[tilespmem:s11+$0x10950] =	vst v0;
	v0 =	vadd.f32 v4, v3;
	v3 =	vld [tilespmem:s11+$0x990]  }
0x96: {  	v4 =	vld [tilespmem:s11+$0x8990]  }
0x97: {  	[tilespmem:s11+$0x10960] =	vst v0;
	v0 =	vadd.f32 v5, v2;
	v2 =	vld [tilespmem:s11+$0x9A0]  }
0x98: {  	v5 =	vld [tilespmem:s11+$0x89A0]  }
0x99: {  	[tilespmem:s11+$0x10970] =	vst v0;
	v0 =	vadd.f32 v6, v1;
	v6 =	vld [tilespmem:s11+$0x9B0]  }
0x9a: {  	v8 =	vld [tilespmem:s11+$0x9C0]  }
0x9b: {  	v9 =	vld [tilespmem:s11+$0x89C0];
	[tilespmem:s11+$0x10980] =	vst v0;
	v0 =	vadd.f32 v4, v3  }
0x9c: {  	v1 =	vld [tilespmem:s11+$0x9D0]  }
0x9d: {  	v3 =	vld [tilespmem:s11+$0x89D0];
	[tilespmem:s11+$0x10990] =	vst v0;
	v0 =	vadd.f32 v5, v2  }
0x9e: {  	v4 =	vld [tilespmem:s11+$0x89E0];
	v5 =	vadd.f32 v7, v6  }
0x9f: {  	s19 =	simm.s32 $0x200;
	s10 =	sand.u32 $0x1, s21;
	[tilespmem:s11+$0x109A0] =	vst v0;
	v0 =	vld [tilespmem:s11+$0x9E0]  }
0xa0: {  	s12 =	simm.s32 $0x1000;
	s9 =	sxor.u32 $0x1, s10;
	v2 =	vld [tilespmem:s19+$0x9F0];
	[tilespmem:s11+$0x109B0] =	vst v5;
	v5 =	vadd.f32 v9, v8  }
.LBB2_3:
0xa1: {  	p2 =	sne.s32 s12, $0xF800;
	v6 =	vld [tilespmem:s19+$0x89F0]  }
0xa2: {  	v7 =	vld [tilespmem:s19+$0x800];
	[tilespmem:s11+$0x109C0] =	vst v5;
	v1 =	vadd.f32 v3, v1  }
0xa3: {  	v3 =	vld [tilespmem:s19+$0x8800]  }
0xa4: {  	v5 =	vld [tilespmem:s19+$0x810];
	[tilespmem:s11+$0x109D0] =	vst v1;
	v0 =	vadd.f32 v4, v0  }
0xa5: {  	v1 =	vld [tilespmem:s19+$0x8810]  }
0xa6: {  	v4 =	vld [tilespmem:s19+$0x820];
	v2 =	vadd.f32 v6, v2;
	[tilespmem:s11+$0x109E0] =	vst v0;
	s11 =	smov.u32 s19  }
0xa7: {  	v0 =	vld [tilespmem:s11+$0x8820]  }
0xa8: {  	v3 =	vadd.f32 v3, v7;
	v6 =	vld [tilespmem:s11+$0x830];
	[tilespmem:s11+$0x109F0] =	vst v2  }
0xa9: {  	v2 =	vld [tilespmem:s11+$0x8830]  }
0xaa: {  	[tilespmem:s11+$0x10800] =	vst v3;
	v1 =	vadd.f32 v1, v5;
	v3 =	vld [tilespmem:s11+$0x840]  }
0xab: {  	v5 =	vld [tilespmem:s11+$0x8840]  }
0xac: {  	[tilespmem:s11+$0x10810] =	vst v1;
	v0 =	vadd.f32 v0, v4;
	v1 =	vld [tilespmem:s11+$0x850]  }
0xad: {  	v4 =	vld [tilespmem:s11+$0x8850]  }
0xae: {  	[tilespmem:s11+$0x10820] =	vst v0;
	v0 =	vadd.f32 v2, v6;
	v2 =	vld [tilespmem:s11+$0x860]  }
0xaf: {  	v6 =	vld [tilespmem:s11+$0x8860]  }
0xb0: {  	[tilespmem:s11+$0x10830] =	vst v0;
	v0 =	vadd.f32 v5, v3;
	v3 =	vld [tilespmem:s11+$0x870]  }
0xb1: {  	v5 =	vld [tilespmem:s11+$0x8870]  }
0xb2: {  	[tilespmem:s11+$0x10840] =	vst v0;
	v0 =	vadd.f32 v4, v1;
	v1 =	vld [tilespmem:s11+$0x880]  }
0xb3: {  	v4 =	vld [tilespmem:s11+$0x8880]  }
0xb4: {  	[tilespmem:s11+$0x10850] =	vst v0;
	v0 =	vadd.f32 v6, v2;
	v2 =	vld [tilespmem:s11+$0x890]  }
0xb5: {  	v6 =	vld [tilespmem:s11+$0x8890]  }
0xb6: {  	[tilespmem:s11+$0x10860] =	vst v0;
	v0 =	vadd.f32 v5, v3;
	v3 =	vld [tilespmem:s11+$0x8A0]  }
0xb7: {  	v5 =	vld [tilespmem:s11+$0x88A0]  }
0xb8: {  	[tilespmem:s11+$0x10870] =	vst v0;
	v0 =	vadd.f32 v4, v1;
	v1 =	vld [tilespmem:s11+$0x8B0]  }
0xb9: {  	v4 =	vld [tilespmem:s11+$0x88B0]  }
0xba: {  	[tilespmem:s11+$0x10880] =	vst v0;
	v0 =	vadd.f32 v6, v2;
	v2 =	vld [tilespmem:s11+$0x8C0]  }
0xbb: {  	v6 =	vld [tilespmem:s11+$0x88C0]  }
0xbc: {  	[tilespmem:s11+$0x10890] =	vst v0;
	v0 =	vadd.f32 v5, v3;
	v3 =	vld [tilespmem:s11+$0x8D0]  }
0xbd: {  	v5 =	vld [tilespmem:s11+$0x88D0]  }
0xbe: {  	[tilespmem:s11+$0x108A0] =	vst v0;
	v0 =	vadd.f32 v4, v1;
	v1 =	vld [tilespmem:s11+$0x8E0]  }
0xbf: {  	v4 =	vld [tilespmem:s11+$0x88E0]  }
0xc0: {  	[tilespmem:s11+$0x108B0] =	vst v0;
	v0 =	vadd.f32 v6, v2;
	v2 =	vld [tilespmem:s11+$0x8F0]  }
0xc1: {  	v6 =	vld [tilespmem:s11+$0x88F0]  }
0xc2: {  	[tilespmem:s11+$0x108C0] =	vst v0;
	v0 =	vadd.f32 v5, v3;
	v3 =	vld [tilespmem:s11+$0x900]  }
0xc3: {  	v5 =	vld [tilespmem:s11+$0x8900]  }
0xc4: {  	[tilespmem:s11+$0x108D0] =	vst v0;
	v0 =	vadd.f32 v4, v1;
	v1 =	vld [tilespmem:s11+$0x910]  }
0xc5: {  	v4 =	vld [tilespmem:s11+$0x8910]  }
0xc6: {  	[tilespmem:s11+$0x108E0] =	vst v0;
	v0 =	vadd.f32 v6, v2;
	v2 =	vld [tilespmem:s11+$0x920]  }
0xc7: {  	v6 =	vld [tilespmem:s11+$0x8920]  }
0xc8: {  	[tilespmem:s11+$0x108F0] =	vst v0;
	v0 =	vadd.f32 v5, v3;
	v3 =	vld [tilespmem:s11+$0x930]  }
0xc9: {  	v5 =	vld [tilespmem:s11+$0x8930]  }
0xca: {  	[tilespmem:s11+$0x10900] =	vst v0;
	v0 =	vadd.f32 v4, v1;
	v1 =	vld [tilespmem:s11+$0x940]  }
0xcb: {  	v4 =	vld [tilespmem:s11+$0x8940]  }
0xcc: {  	[tilespmem:s11+$0x10910] =	vst v0;
	v0 =	vadd.f32 v6, v2;
	v2 =	vld [tilespmem:s11+$0x950]  }
0xcd: {  	v6 =	vld [tilespmem:s11+$0x8950]  }
0xce: {  	[tilespmem:s11+$0x10920] =	vst v0;
	v0 =	vadd.f32 v5, v3;
	v3 =	vld [tilespmem:s11+$0x960]  }
0xcf: {  	v5 =	vld [tilespmem:s11+$0x8960]  }
0xd0: {  	[tilespmem:s11+$0x10930] =	vst v0;
	v0 =	vadd.f32 v4, v1;
	v1 =	vld [tilespmem:s11+$0x970]  }
0xd1: {  	v4 =	vld [tilespmem:s11+$0x8970]  }
0xd2: {  	[tilespmem:s11+$0x10940] =	vst v0;
	v0 =	vadd.f32 v6, v2;
	v2 =	vld [tilespmem:s11+$0x980]  }
0xd3: {  	v6 =	vld [tilespmem:s11+$0x8980]  }
0xd4: {  	[tilespmem:s11+$0x10950] =	vst v0;
	v0 =	vadd.f32 v5, v3;
	v3 =	vld [tilespmem:s11+$0x990]  }
0xd5: {  	v5 =	vld [tilespmem:s11+$0x8990]  }
0xd6: {  	[tilespmem:s11+$0x10960] =	vst v0;
	v0 =	vadd.f32 v4, v1;
	v1 =	vld [tilespmem:s11+$0x9A0]  }
0xd7: {  	v4 =	vld [tilespmem:s11+$0x89A0]  }
0xd8: {  	[tilespmem:s11+$0x10970] =	vst v0;
	v0 =	vadd.f32 v6, v2;
	v2 =	vld [tilespmem:s11+$0x9B0]  }
0xd9: {  	v6 =	vld [tilespmem:s11+$0x89B0]  }
0xda: {  	[tilespmem:s11+$0x10980] =	vst v0;
	v0 =	vadd.f32 v5, v3;
	v5 =	vld [tilespmem:s11+$0x9C0]  }
0xdb: {  	v7 =	vld [tilespmem:s11+$0x89C0]  }
.Ltmp2:
0xdc: {  	[tilespmem:s11+$0x10990] =	vst v0;
	v0 =	vadd.f32 v4, v1;
	v1 =	vld [tilespmem:s11+$0x9D0];
	(pc) =	sbr.rel @p2 .LBB2_3-.Ltmp2, $4  }
0xdd: {  	v3 =	vld [tilespmem:s11+$0x89D0]  }
0xde: {  	[tilespmem:s11+$0x109A0] =	vst v0;
	v6 =	vadd.f32 v6, v2;
	v0 =	vld [tilespmem:s11+$0x9E0]  }
0xdf: {  	s19 =	sshra.s32 s12, $0x2;
	v4 =	vld [tilespmem:s11+$0x89E0]  }
0xe0: {  	s12 =	sadd.s32 $0x800, s12;
	v2 =	vld [tilespmem:s19+$0x9F0];
	[tilespmem:s11+$0x109B0] =	vst v6;
	v5 =	vadd.f32 v7, v5  }
0xe1: {  	v6 =	vld [tilespmem:s19+$0x89F0]  }
0xe2: {  	v7 =	vld [tilespmem:s19+$0x800];
	[tilespmem:s11+$0x109C0] =	vst v5;
	v1 =	vadd.f32 v3, v1  }
0xe3: {  	v3 =	vld [tilespmem:s19+$0x8800]  }
0xe4: {  	v5 =	vld [tilespmem:s19+$0x810];
	[tilespmem:s11+$0x109D0] =	vst v1;
	v0 =	vadd.f32 v4, v0  }
0xe5: {  	v1 =	vld [tilespmem:s19+$0x8810]  }
0xe6: {  	v4 =	vld [tilespmem:s19+$0x820];
	[tilespmem:s11+$0x109E0] =	vst v0  }
0xe7: {  	v0 =	vadd.f32 v6, v2;
	v2 =	vld [tilespmem:s19+$0x8820]  }
0xe8: {  	v6 =	vld [tilespmem:s19+$0x830]  }
0xe9: {  	v3 =	vadd.f32 v3, v7;
	[tilespmem:s19+$0x109F0] =	vst v0;
	v0 =	vld [tilespmem:s19+$0x8830]  }
0xea: {  	v7 =	vld [tilespmem:s19+$0x89E0]  }
0xeb: {  	[tilespmem:s19+$0x10800] =	vst v3;
	v1 =	vadd.f32 v1, v5;
	v3 =	vld [tilespmem:s19+$0x840]  }
0xec: {  	v5 =	vld [tilespmem:s19+$0x8840]  }
0xed: {  	[tilespmem:s19+$0x10810] =	vst v1;
	v1 =	vadd.f32 v2, v4;
	v2 =	vld [tilespmem:s19+$0x850]  }
0xee: {  	v4 =	vld [tilespmem:s19+$0x8850]  }
0xef: {  	v0 =	vadd.f32 v0, v6;
	v6 =	vld [tilespmem:s19+$0x8860]  }
0xf0: {  	[tilespmem:s19+$0x10820] =	vst v1;
	v1 =	vld [tilespmem:s19+$0x860]  }
0xf1: {  	[tilespmem:s19+$0x10830] =	vst v0;
	v0 =	vadd.f32 v5, v3;
	v3 =	vld [tilespmem:s19+$0x870]  }
0xf2: {  	v5 =	vld [tilespmem:s19+$0x8870]  }
0xf3: {  	[tilespmem:s19+$0x10840] =	vst v0;
	v0 =	vadd.f32 v4, v2;
	v2 =	vld [tilespmem:s19+$0x880]  }
0xf4: {  	v4 =	vld [tilespmem:s19+$0x8880]  }
0xf5: {  	[tilespmem:s19+$0x10850] =	vst v0;
	v0 =	vadd.f32 v6, v1;
	v1 =	vld [tilespmem:s19+$0x890]  }
0xf6: {  	v6 =	vld [tilespmem:s19+$0x8890]  }
0xf7: {  	[tilespmem:s19+$0x10860] =	vst v0;
	v0 =	vadd.f32 v5, v3;
	v3 =	vld [tilespmem:s19+$0x8A0]  }
0xf8: {  	v5 =	vld [tilespmem:s19+$0x88A0]  }
0xf9: {  	[tilespmem:s19+$0x10870] =	vst v0;
	v0 =	vadd.f32 v4, v2;
	v2 =	vld [tilespmem:s19+$0x8B0]  }
0xfa: {  	v4 =	vld [tilespmem:s19+$0x88B0]  }
0xfb: {  	[tilespmem:s19+$0x10880] =	vst v0;
	v0 =	vadd.f32 v6, v1;
	v1 =	vld [tilespmem:s19+$0x8C0]  }
0xfc: {  	v6 =	vld [tilespmem:s19+$0x88C0]  }
0xfd: {  	[tilespmem:s19+$0x10890] =	vst v0;
	v0 =	vadd.f32 v5, v3;
	v3 =	vld [tilespmem:s19+$0x8D0]  }
0xfe: {  	v5 =	vld [tilespmem:s19+$0x88D0]  }
0xff: {  	[tilespmem:s19+$0x108A0] =	vst v0;
	v0 =	vadd.f32 v4, v2;
	v2 =	vld [tilespmem:s19+$0x8E0]  }
0x100: {  	v4 =	vld [tilespmem:s19+$0x88E0]  }
0x101: {  	[tilespmem:s19+$0x108B0] =	vst v0;
	v0 =	vadd.f32 v6, v1;
	v1 =	vld [tilespmem:s19+$0x8F0]  }
0x102: {  	v6 =	vld [tilespmem:s19+$0x88F0]  }
0x103: {  	[tilespmem:s19+$0x108C0] =	vst v0;
	v0 =	vadd.f32 v5, v3;
	v3 =	vld [tilespmem:s19+$0x900]  }
0x104: {  	v5 =	vld [tilespmem:s19+$0x8900]  }
0x105: {  	[tilespmem:s19+$0x108D0] =	vst v0;
	v0 =	vadd.f32 v4, v2;
	v2 =	vld [tilespmem:s19+$0x910]  }
0x106: {  	v4 =	vld [tilespmem:s19+$0x8910]  }
0x107: {  	[tilespmem:s19+$0x108E0] =	vst v0;
	v0 =	vadd.f32 v6, v1;
	v1 =	vld [tilespmem:s19+$0x920]  }
0x108: {  	v6 =	vld [tilespmem:s19+$0x8920]  }
0x109: {  	[tilespmem:s19+$0x108F0] =	vst v0;
	v0 =	vadd.f32 v5, v3;
	v3 =	vld [tilespmem:s19+$0x930]  }
0x10a: {  	v5 =	vld [tilespmem:s19+$0x8930]  }
0x10b: {  	[tilespmem:s19+$0x10900] =	vst v0;
	v0 =	vadd.f32 v4, v2;
	v2 =	vld [tilespmem:s19+$0x940]  }
0x10c: {  	v4 =	vld [tilespmem:s19+$0x8940]  }
0x10d: {  	[tilespmem:s19+$0x10910] =	vst v0;
	v0 =	vadd.f32 v6, v1;
	v1 =	vld [tilespmem:s19+$0x950]  }
0x10e: {  	v6 =	vld [tilespmem:s19+$0x8950]  }
0x10f: {  	[tilespmem:s19+$0x10920] =	vst v0;
	v0 =	vadd.f32 v5, v3;
	v3 =	vld [tilespmem:s19+$0x960]  }
0x110: {  	v5 =	vld [tilespmem:s19+$0x8960]  }
0x111: {  	[tilespmem:s19+$0x10930] =	vst v0;
	v0 =	vadd.f32 v4, v2;
	v2 =	vld [tilespmem:s19+$0x970]  }
0x112: {  	v4 =	vld [tilespmem:s19+$0x8970]  }
0x113: {  	[tilespmem:s19+$0x10940] =	vst v0;
	v0 =	vadd.f32 v6, v1;
	v1 =	vld [tilespmem:s19+$0x980]  }
0x114: {  	v6 =	vld [tilespmem:s19+$0x8980]  }
0x115: {  	[tilespmem:s19+$0x10950] =	vst v0;
	v0 =	vadd.f32 v5, v3;
	v3 =	vld [tilespmem:s19+$0x990]  }
0x116: {  	v5 =	vld [tilespmem:s19+$0x8990]  }
0x117: {  	[tilespmem:s19+$0x10960] =	vst v0;
	v0 =	vadd.f32 v4, v2;
	v2 =	vld [tilespmem:s19+$0x9A0]  }
0x118: {  	v4 =	vld [tilespmem:s19+$0x89A0]  }
0x119: {  	[tilespmem:s19+$0x10970] =	vst v0;
	v0 =	vadd.f32 v6, v1;
	v1 =	vld [tilespmem:s19+$0x9B0]  }
0x11a: {  	v6 =	vld [tilespmem:s19+$0x89B0]  }
0x11b: {  	[tilespmem:s19+$0x10980] =	vst v0;
	v0 =	vadd.f32 v5, v3;
	v3 =	vld [tilespmem:s19+$0x9C0]  }
0x11c: {  	v5 =	vld [tilespmem:s19+$0x89C0]  }
0x11d: {  	[tilespmem:s19+$0x10990] =	vst v0;
	v0 =	vadd.f32 v4, v2;
	v2 =	vld [tilespmem:s19+$0x9D0]  }
0x11e: {  	v4 =	vld [tilespmem:s19+$0x89D0]  }
0x11f: {  	[tilespmem:s19+$0x109A0] =	vst v0;
	v0 =	vld [tilespmem:s19+$0x9E0];
	_ =	sdelay $0x1  }
0x120: {  	v1 =	vadd.f32 v6, v1  }
0x121: {  	v3 =	vadd.f32 v5, v3  }
0x122: {  	s24 =	sshll.u32 s21, $0x10;
	[tilespmem:s19+$0x109B0] =	vst v1;
	v1 =	vadd.f32 v4, v2  }
0x123: {  	s0 =	sadd.s32 s13, s24;
	[tilespmem:s19+$0x109C0] =	vst v3;
	v0 =	vadd.f32 v7, v0  }
0x124: {  	s0 =	sshrl.u32 s0, $0x3;
	[tilespmem:s19+$0x109D0] =	vst v1  }
0x125: {  	s0 =	sadd.s32 s1, s0;
	s11 =	sshll.u32 s10, $0x7;
	[tilespmem:s19+$0x109E0] =	vst v0  }
0x126: {  	[hbm4b:s0+s3] =	stream.linear.scatter [tilespmem:s20], [sflag:$0x7], $0x4000, $0x38;
	[tilespmem:$0x1A740] =	vst v63  }
0x127: {  	s6 =	simm.s32 $0x800;
	s19 =	sor.u32 $0x200, s11  }
0x128: {  	[tilespmem:s6], [sflag:$0x3] =	stream.indirect.gather [hbm4b:s4+s30], $0x80, s19, s30, $0xb8;
	[tilespmem:$0x1A740] =	vst v63  }
0x129: {  	s12 =	sor.u32 $0x600, s11;
	s19 =	simm.s32 $0x8800  }
0x12a: {  	[tilespmem:s19], [sflag:$0x5] =	stream.indirect.gather [spmem:s2], $0x80, s12, s30, $0xb8;
	[tilespmem:$0x1A740] =	vst v63  }
0x12b: {  	_ =	swait.ge [sflag:s25], $0x4000  }
0x12c: {  	[sflag:s25] =	ssyncset.done $0x0  }
0x12d: {  	[sflag:s25] =	ssyncadd.s32 $0xFFFFC000  }
0x12e: {  	_ =	swait.ge [sflag:s26], $0x4000  }
0x12f: {  	[sflag:s26] =	ssyncset.done $0x0  }
0x130: {  	s0 =	simm.s32 @!p1 $0x8;
	[sflag:s26] =	ssyncadd.s32 $0xFFFFC000  }
0x131: {  	_ =	swait.ge @!p1 [sflag:s0], $0x4000  }
0x132: {  	[sflag:s0] =	ssyncset.done @!p1 $0x0  }
0x133: {  	s12 =	simm.s32 $0x0;
	[sflag:s0] =	ssyncadd.s32 @!p1 $0xFFFFC000  }
0x134: {  	v0 =	vld [tilespmem:s12+$0x49F0]  }
0x135: {  	v1 =	vld [tilespmem:s12+$0xC9F0]  }
0x136: {  	v2 =	vld [tilespmem:s12+$0x4800]  }
0x137: {  	v3 =	vld [tilespmem:s12+$0xC800]  }
0x138: {  	v4 =	vld [tilespmem:s12+$0x4810]  }
0x139: {  	v5 =	vld [tilespmem:s12+$0xC810]  }
0x13a: {  	v6 =	vld [tilespmem:s12+$0x4820]  }
0x13b: {  	v7 =	vld [tilespmem:s12+$0x4830];
	v0 =	vadd.f32 v1, v0  }
0x13c: {  	v1 =	vld [tilespmem:s12+$0xC820]  }
0x13d: {  	v2 =	vadd.f32 v3, v2;
	[tilespmem:s12+$0x149F0] =	vst v0;
	v0 =	vld [tilespmem:s12+$0xC830]  }
0x13e: {  	v3 =	vld [tilespmem:s12+$0x4840]  }
0x13f: {  	[tilespmem:s12+$0x14800] =	vst v2;
	v2 =	vadd.f32 v5, v4;
	v4 =	vld [tilespmem:s12+$0xC840]  }
0x140: {  	v5 =	vld [tilespmem:s12+$0xC850]  }
0x141: {  	[tilespmem:s12+$0x14810] =	vst v2;
	v2 =	vld [tilespmem:s12+$0x4850];
	v1 =	vadd.f32 v1, v6  }
0x142: {  	v6 =	vld [tilespmem:s12+$0xC860];
	v0 =	vadd.f32 v0, v7  }
0x143: {  	[tilespmem:s12+$0x14820] =	vst v1;
	v1 =	vld [tilespmem:s12+$0x4860]  }
0x144: {  	[tilespmem:s12+$0x14830] =	vst v0;
	v0 =	vadd.f32 v4, v3;
	v3 =	vld [tilespmem:s12+$0x4870]  }
0x145: {  	v4 =	vld [tilespmem:s12+$0xC870]  }
0x146: {  	[tilespmem:s12+$0x14840] =	vst v0;
	v0 =	vadd.f32 v5, v2;
	v2 =	vld [tilespmem:s12+$0x4880]  }
0x147: {  	v5 =	vld [tilespmem:s12+$0xC880]  }
0x148: {  	[tilespmem:s12+$0x14850] =	vst v0;
	v0 =	vadd.f32 v6, v1;
	v1 =	vld [tilespmem:s12+$0x4890]  }
0x149: {  	v6 =	vld [tilespmem:s12+$0xC890]  }
0x14a: {  	[tilespmem:s12+$0x14860] =	vst v0;
	v0 =	vadd.f32 v4, v3;
	v3 =	vld [tilespmem:s12+$0x48A0]  }
0x14b: {  	v4 =	vld [tilespmem:s12+$0xC8A0]  }
0x14c: {  	[tilespmem:s12+$0x14870] =	vst v0;
	v0 =	vadd.f32 v5, v2;
	v2 =	vld [tilespmem:s12+$0x48B0]  }
0x14d: {  	v5 =	vld [tilespmem:s12+$0xC8B0]  }
0x14e: {  	[tilespmem:s12+$0x14880] =	vst v0;
	v0 =	vadd.f32 v6, v1;
	v1 =	vld [tilespmem:s12+$0x48C0]  }
0x14f: {  	v6 =	vld [tilespmem:s12+$0xC8C0]  }
0x150: {  	[tilespmem:s12+$0x14890] =	vst v0;
	v0 =	vadd.f32 v4, v3;
	v3 =	vld [tilespmem:s12+$0x48D0]  }
0x151: {  	v4 =	vld [tilespmem:s12+$0xC8D0]  }
0x152: {  	[tilespmem:s12+$0x148A0] =	vst v0;
	v0 =	vadd.f32 v5, v2;
	v2 =	vld [tilespmem:s12+$0x48E0]  }
0x153: {  	v5 =	vld [tilespmem:s12+$0xC8E0]  }
0x154: {  	[tilespmem:s12+$0x148B0] =	vst v0;
	v0 =	vadd.f32 v6, v1;
	v1 =	vld [tilespmem:s12+$0x48F0]  }
0x155: {  	v6 =	vld [tilespmem:s12+$0xC8F0]  }
0x156: {  	[tilespmem:s12+$0x148C0] =	vst v0;
	v0 =	vadd.f32 v4, v3;
	v3 =	vld [tilespmem:s12+$0x4900]  }
0x157: {  	v4 =	vld [tilespmem:s12+$0xC900]  }
0x158: {  	[tilespmem:s12+$0x148D0] =	vst v0;
	v0 =	vadd.f32 v5, v2;
	v2 =	vld [tilespmem:s12+$0x4910]  }
0x159: {  	v5 =	vld [tilespmem:s12+$0xC910]  }
0x15a: {  	[tilespmem:s12+$0x148E0] =	vst v0;
	v0 =	vadd.f32 v6, v1;
	v1 =	vld [tilespmem:s12+$0x4920]  }
0x15b: {  	v6 =	vld [tilespmem:s12+$0xC920]  }
0x15c: {  	[tilespmem:s12+$0x148F0] =	vst v0;
	v0 =	vadd.f32 v4, v3;
	v3 =	vld [tilespmem:s12+$0x4930]  }
0x15d: {  	v4 =	vld [tilespmem:s12+$0xC930]  }
0x15e: {  	[tilespmem:s12+$0x14900] =	vst v0;
	v0 =	vadd.f32 v5, v2;
	v2 =	vld [tilespmem:s12+$0x4940]  }
0x15f: {  	v5 =	vld [tilespmem:s12+$0xC940]  }
0x160: {  	[tilespmem:s12+$0x14910] =	vst v0;
	v0 =	vadd.f32 v6, v1;
	v1 =	vld [tilespmem:s12+$0x4950]  }
0x161: {  	v6 =	vld [tilespmem:s12+$0xC950]  }
0x162: {  	[tilespmem:s12+$0x14920] =	vst v0;
	v0 =	vadd.f32 v4, v3;
	v3 =	vld [tilespmem:s12+$0x4960]  }
0x163: {  	v4 =	vld [tilespmem:s12+$0xC960]  }
0x164: {  	[tilespmem:s12+$0x14930] =	vst v0;
	v0 =	vadd.f32 v5, v2;
	v2 =	vld [tilespmem:s12+$0x4970]  }
0x165: {  	v5 =	vld [tilespmem:s12+$0xC970]  }
0x166: {  	[tilespmem:s12+$0x14940] =	vst v0;
	v0 =	vadd.f32 v6, v1;
	v1 =	vld [tilespmem:s12+$0x4980]  }
0x167: {  	v6 =	vld [tilespmem:s12+$0xC980]  }
0x168: {  	[tilespmem:s12+$0x14950] =	vst v0;
	v0 =	vadd.f32 v4, v3;
	v3 =	vld [tilespmem:s12+$0x4990]  }
0x169: {  	v4 =	vld [tilespmem:s12+$0xC990]  }
0x16a: {  	[tilespmem:s12+$0x14960] =	vst v0;
	v0 =	vadd.f32 v5, v2;
	v2 =	vld [tilespmem:s12+$0x49A0]  }
0x16b: {  	v5 =	vld [tilespmem:s12+$0xC9A0]  }
0x16c: {  	[tilespmem:s12+$0x14970] =	vst v0;
	v0 =	vadd.f32 v6, v1;
	v1 =	vld [tilespmem:s12+$0x49B0]  }
0x16d: {  	v6 =	vld [tilespmem:s12+$0xC9B0]  }
0x16e: {  	v8 =	vld [tilespmem:s12+$0xC9C0]  }
0x16f: {  	v7 =	vld [tilespmem:s12+$0x49C0];
	[tilespmem:s12+$0x14980] =	vst v0;
	v0 =	vadd.f32 v4, v3  }
0x170: {  	v3 =	vld [tilespmem:s12+$0xC9D0]  }
0x171: {  	[tilespmem:s12+$0x14990] =	vst v0;
	v0 =	vadd.f32 v5, v2;
	v2 =	vld [tilespmem:s12+$0x49D0]  }
0x172: {  	v4 =	vld [tilespmem:s12+$0xC9E0];
	v5 =	vadd.f32 v6, v1  }
0x173: {  	s31 =	simm.s32 $0x200;
	[tilespmem:s12+$0x149A0] =	vst v0;
	v0 =	vld [tilespmem:s12+$0x49E0]  }
0x174: {  	s19 =	simm.s32 $0x1000;
	v1 =	vld [tilespmem:s31+$0x49F0];
	[tilespmem:s12+$0x149B0] =	vst v5;
	v5 =	vadd.f32 v8, v7  }
.LBB2_5:
0x175: {  	p1 =	sne.s32 s19, $0xF800;
	v6 =	vld [tilespmem:s31+$0xC9F0]  }
0x176: {  	v7 =	vld [tilespmem:s31+$0x4800];
	[tilespmem:s12+$0x149C0] =	vst v5;
	v2 =	vadd.f32 v3, v2  }
0x177: {  	v3 =	vld [tilespmem:s31+$0xC800]  }
0x178: {  	v5 =	vld [tilespmem:s31+$0x4810];
	[tilespmem:s12+$0x149D0] =	vst v2;
	v0 =	vadd.f32 v4, v0  }
0x179: {  	v2 =	vld [tilespmem:s31+$0xC810]  }
0x17a: {  	v4 =	vld [tilespmem:s31+$0x4820];
	v1 =	vadd.f32 v6, v1;
	[tilespmem:s12+$0x149E0] =	vst v0;
	s12 =	smov.u32 s31  }
0x17b: {  	v0 =	vld [tilespmem:s12+$0xC820]  }
0x17c: {  	v3 =	vadd.f32 v3, v7;
	v6 =	vld [tilespmem:s12+$0x4830];
	[tilespmem:s12+$0x149F0] =	vst v1  }
0x17d: {  	v1 =	vld [tilespmem:s12+$0xC830]  }
0x17e: {  	[tilespmem:s12+$0x14800] =	vst v3;
	v2 =	vadd.f32 v2, v5;
	v3 =	vld [tilespmem:s12+$0x4840]  }
0x17f: {  	v5 =	vld [tilespmem:s12+$0xC840]  }
0x180: {  	[tilespmem:s12+$0x14810] =	vst v2;
	v0 =	vadd.f32 v0, v4;
	v2 =	vld [tilespmem:s12+$0x4850]  }
0x181: {  	v4 =	vld [tilespmem:s12+$0xC850]  }
0x182: {  	[tilespmem:s12+$0x14820] =	vst v0;
	v0 =	vadd.f32 v1, v6;
	v1 =	vld [tilespmem:s12+$0x4860]  }
0x183: {  	v6 =	vld [tilespmem:s12+$0xC860]  }
0x184: {  	[tilespmem:s12+$0x14830] =	vst v0;
	v0 =	vadd.f32 v5, v3;
	v3 =	vld [tilespmem:s12+$0x4870]  }
0x185: {  	v5 =	vld [tilespmem:s12+$0xC870]  }
0x186: {  	[tilespmem:s12+$0x14840] =	vst v0;
	v0 =	vadd.f32 v4, v2;
	v2 =	vld [tilespmem:s12+$0x4880]  }
0x187: {  	v4 =	vld [tilespmem:s12+$0xC880]  }
0x188: {  	[tilespmem:s12+$0x14850] =	vst v0;
	v0 =	vadd.f32 v6, v1;
	v1 =	vld [tilespmem:s12+$0x4890]  }
0x189: {  	v6 =	vld [tilespmem:s12+$0xC890]  }
0x18a: {  	[tilespmem:s12+$0x14860] =	vst v0;
	v0 =	vadd.f32 v5, v3;
	v3 =	vld [tilespmem:s12+$0x48A0]  }
0x18b: {  	v5 =	vld [tilespmem:s12+$0xC8A0]  }
0x18c: {  	[tilespmem:s12+$0x14870] =	vst v0;
	v0 =	vadd.f32 v4, v2;
	v2 =	vld [tilespmem:s12+$0x48B0]  }
0x18d: {  	v4 =	vld [tilespmem:s12+$0xC8B0]  }
0x18e: {  	[tilespmem:s12+$0x14880] =	vst v0;
	v0 =	vadd.f32 v6, v1;
	v1 =	vld [tilespmem:s12+$0x48C0]  }
0x18f: {  	v6 =	vld [tilespmem:s12+$0xC8C0]  }
0x190: {  	[tilespmem:s12+$0x14890] =	vst v0;
	v0 =	vadd.f32 v5, v3;
	v3 =	vld [tilespmem:s12+$0x48D0]  }
0x191: {  	v5 =	vld [tilespmem:s12+$0xC8D0]  }
0x192: {  	[tilespmem:s12+$0x148A0] =	vst v0;
	v0 =	vadd.f32 v4, v2;
	v2 =	vld [tilespmem:s12+$0x48E0]  }
0x193: {  	v4 =	vld [tilespmem:s12+$0xC8E0]  }
0x194: {  	[tilespmem:s12+$0x148B0] =	vst v0;
	v0 =	vadd.f32 v6, v1;
	v1 =	vld [tilespmem:s12+$0x48F0]  }
0x195: {  	v6 =	vld [tilespmem:s12+$0xC8F0]  }
0x196: {  	[tilespmem:s12+$0x148C0] =	vst v0;
	v0 =	vadd.f32 v5, v3;
	v3 =	vld [tilespmem:s12+$0x4900]  }
0x197: {  	v5 =	vld [tilespmem:s12+$0xC900]  }
0x198: {  	[tilespmem:s12+$0x148D0] =	vst v0;
	v0 =	vadd.f32 v4, v2;
	v2 =	vld [tilespmem:s12+$0x4910]  }
0x199: {  	v4 =	vld [tilespmem:s12+$0xC910]  }
0x19a: {  	[tilespmem:s12+$0x148E0] =	vst v0;
	v0 =	vadd.f32 v6, v1;
	v1 =	vld [tilespmem:s12+$0x4920]  }
0x19b: {  	v6 =	vld [tilespmem:s12+$0xC920]  }
0x19c: {  	[tilespmem:s12+$0x148F0] =	vst v0;
	v0 =	vadd.f32 v5, v3;
	v3 =	vld [tilespmem:s12+$0x4930]  }
0x19d: {  	v5 =	vld [tilespmem:s12+$0xC930]  }
0x19e: {  	[tilespmem:s12+$0x14900] =	vst v0;
	v0 =	vadd.f32 v4, v2;
	v2 =	vld [tilespmem:s12+$0x4940]  }
0x19f: {  	v4 =	vld [tilespmem:s12+$0xC940]  }
0x1a0: {  	[tilespmem:s12+$0x14910] =	vst v0;
	v0 =	vadd.f32 v6, v1;
	v1 =	vld [tilespmem:s12+$0x4950]  }
0x1a1: {  	v6 =	vld [tilespmem:s12+$0xC950]  }
0x1a2: {  	[tilespmem:s12+$0x14920] =	vst v0;
	v0 =	vadd.f32 v5, v3;
	v3 =	vld [tilespmem:s12+$0x4960]  }
0x1a3: {  	v5 =	vld [tilespmem:s12+$0xC960]  }
0x1a4: {  	[tilespmem:s12+$0x14930] =	vst v0;
	v0 =	vadd.f32 v4, v2;
	v2 =	vld [tilespmem:s12+$0x4970]  }
0x1a5: {  	v4 =	vld [tilespmem:s12+$0xC970]  }
0x1a6: {  	[tilespmem:s12+$0x14940] =	vst v0;
	v0 =	vadd.f32 v6, v1;
	v1 =	vld [tilespmem:s12+$0x4980]  }
0x1a7: {  	v6 =	vld [tilespmem:s12+$0xC980]  }
0x1a8: {  	[tilespmem:s12+$0x14950] =	vst v0;
	v0 =	vadd.f32 v5, v3;
	v3 =	vld [tilespmem:s12+$0x4990]  }
0x1a9: {  	v5 =	vld [tilespmem:s12+$0xC990]  }
0x1aa: {  	[tilespmem:s12+$0x14960] =	vst v0;
	v0 =	vadd.f32 v4, v2;
	v2 =	vld [tilespmem:s12+$0x49A0]  }
0x1ab: {  	v4 =	vld [tilespmem:s12+$0xC9A0]  }
0x1ac: {  	[tilespmem:s12+$0x14970] =	vst v0;
	v0 =	vadd.f32 v6, v1;
	v1 =	vld [tilespmem:s12+$0x49B0]  }
0x1ad: {  	v6 =	vld [tilespmem:s12+$0xC9B0]  }
0x1ae: {  	[tilespmem:s12+$0x14980] =	vst v0;
	v0 =	vadd.f32 v5, v3;
	v5 =	vld [tilespmem:s12+$0x49C0]  }
0x1af: {  	v7 =	vld [tilespmem:s12+$0xC9C0]  }
.Ltmp3:
0x1b0: {  	[tilespmem:s12+$0x14990] =	vst v0;
	v0 =	vadd.f32 v4, v2;
	v2 =	vld [tilespmem:s12+$0x49D0];
	(pc) =	sbr.rel @p1 .LBB2_5-.Ltmp3, $4  }
0x1b1: {  	v3 =	vld [tilespmem:s12+$0xC9D0]  }
0x1b2: {  	[tilespmem:s12+$0x149A0] =	vst v0;
	v6 =	vadd.f32 v6, v1;
	v0 =	vld [tilespmem:s12+$0x49E0]  }
0x1b3: {  	s31 =	sshra.s32 s19, $0x2;
	v4 =	vld [tilespmem:s12+$0xC9E0]  }
0x1b4: {  	s19 =	sadd.s32 $0x800, s19;
	v1 =	vld [tilespmem:s31+$0x49F0];
	[tilespmem:s12+$0x149B0] =	vst v6;
	v5 =	vadd.f32 v7, v5  }
0x1b5: {  	v6 =	vld [tilespmem:s31+$0xC9F0]  }
0x1b6: {  	v7 =	vld [tilespmem:s31+$0x4800];
	[tilespmem:s12+$0x149C0] =	vst v5;
	v2 =	vadd.f32 v3, v2  }
0x1b7: {  	v3 =	vld [tilespmem:s31+$0xC800]  }
0x1b8: {  	v5 =	vld [tilespmem:s31+$0x4810];
	[tilespmem:s12+$0x149D0] =	vst v2;
	v0 =	vadd.f32 v4, v0  }
0x1b9: {  	v2 =	vld [tilespmem:s31+$0xC810]  }
0x1ba: {  	v4 =	vld [tilespmem:s31+$0x4820];
	[tilespmem:s12+$0x149E0] =	vst v0  }
0x1bb: {  	v0 =	vadd.f32 v6, v1;
	v1 =	vld [tilespmem:s31+$0xC820]  }
0x1bc: {  	v6 =	vld [tilespmem:s31+$0x4830]  }
0x1bd: {  	v3 =	vadd.f32 v3, v7;
	[tilespmem:s31+$0x149F0] =	vst v0;
	v0 =	vld [tilespmem:s31+$0xC830]  }
0x1be: {  	v7 =	vld [tilespmem:s31+$0xC9E0]  }
0x1bf: {  	[tilespmem:s31+$0x14800] =	vst v3;
	v2 =	vadd.f32 v2, v5;
	v3 =	vld [tilespmem:s31+$0x4840]  }
0x1c0: {  	v5 =	vld [tilespmem:s31+$0xC840]  }
0x1c1: {  	[tilespmem:s31+$0x14810] =	vst v2;
	v2 =	vld [tilespmem:s31+$0x4850]  }
0x1c2: {  	v1 =	vadd.f32 v1, v4;
	v4 =	vld [tilespmem:s31+$0xC850]  }
0x1c3: {  	v0 =	vadd.f32 v0, v6;
	v6 =	vld [tilespmem:s31+$0xC860]  }
0x1c4: {  	[tilespmem:s31+$0x14820] =	vst v1;
	v1 =	vld [tilespmem:s31+$0x4860]  }
0x1c5: {  	[tilespmem:s31+$0x14830] =	vst v0;
	v0 =	vadd.f32 v5, v3;
	v3 =	vld [tilespmem:s31+$0x4870]  }
0x1c6: {  	v5 =	vld [tilespmem:s31+$0xC870]  }
0x1c7: {  	[tilespmem:s31+$0x14840] =	vst v0;
	v0 =	vadd.f32 v4, v2;
	v2 =	vld [tilespmem:s31+$0x4880]  }
0x1c8: {  	v4 =	vld [tilespmem:s31+$0xC880]  }
0x1c9: {  	[tilespmem:s31+$0x14850] =	vst v0;
	v0 =	vadd.f32 v6, v1;
	v1 =	vld [tilespmem:s31+$0x4890]  }
0x1ca: {  	v6 =	vld [tilespmem:s31+$0xC890]  }
0x1cb: {  	[tilespmem:s31+$0x14860] =	vst v0;
	v0 =	vadd.f32 v5, v3;
	v3 =	vld [tilespmem:s31+$0x48A0]  }
0x1cc: {  	v5 =	vld [tilespmem:s31+$0xC8A0]  }
0x1cd: {  	[tilespmem:s31+$0x14870] =	vst v0;
	v0 =	vadd.f32 v4, v2;
	v2 =	vld [tilespmem:s31+$0x48B0]  }
0x1ce: {  	v4 =	vld [tilespmem:s31+$0xC8B0]  }
0x1cf: {  	[tilespmem:s31+$0x14880] =	vst v0;
	v0 =	vadd.f32 v6, v1;
	v1 =	vld [tilespmem:s31+$0x48C0]  }
0x1d0: {  	v6 =	vld [tilespmem:s31+$0xC8C0]  }
0x1d1: {  	[tilespmem:s31+$0x14890] =	vst v0;
	v0 =	vadd.f32 v5, v3;
	v3 =	vld [tilespmem:s31+$0x48D0]  }
0x1d2: {  	v5 =	vld [tilespmem:s31+$0xC8D0]  }
0x1d3: {  	[tilespmem:s31+$0x148A0] =	vst v0;
	v0 =	vadd.f32 v4, v2;
	v2 =	vld [tilespmem:s31+$0x48E0]  }
0x1d4: {  	v4 =	vld [tilespmem:s31+$0xC8E0]  }
0x1d5: {  	[tilespmem:s31+$0x148B0] =	vst v0;
	v0 =	vadd.f32 v6, v1;
	v1 =	vld [tilespmem:s31+$0x48F0]  }
0x1d6: {  	v6 =	vld [tilespmem:s31+$0xC8F0]  }
0x1d7: {  	[tilespmem:s31+$0x148C0] =	vst v0;
	v0 =	vadd.f32 v5, v3;
	v3 =	vld [tilespmem:s31+$0x4900]  }
0x1d8: {  	v5 =	vld [tilespmem:s31+$0xC900]  }
0x1d9: {  	[tilespmem:s31+$0x148D0] =	vst v0;
	v0 =	vadd.f32 v4, v2;
	v2 =	vld [tilespmem:s31+$0x4910]  }
0x1da: {  	v4 =	vld [tilespmem:s31+$0xC910]  }
0x1db: {  	[tilespmem:s31+$0x148E0] =	vst v0;
	v0 =	vadd.f32 v6, v1;
	v1 =	vld [tilespmem:s31+$0x4920]  }
0x1dc: {  	v6 =	vld [tilespmem:s31+$0xC920]  }
0x1dd: {  	[tilespmem:s31+$0x148F0] =	vst v0;
	v0 =	vadd.f32 v5, v3;
	v3 =	vld [tilespmem:s31+$0x4930]  }
0x1de: {  	v5 =	vld [tilespmem:s31+$0xC930]  }
0x1df: {  	[tilespmem:s31+$0x14900] =	vst v0;
	v0 =	vadd.f32 v4, v2;
	v2 =	vld [tilespmem:s31+$0x4940]  }
0x1e0: {  	v4 =	vld [tilespmem:s31+$0xC940]  }
0x1e1: {  	[tilespmem:s31+$0x14910] =	vst v0;
	v0 =	vadd.f32 v6, v1;
	v1 =	vld [tilespmem:s31+$0x4950]  }
0x1e2: {  	v6 =	vld [tilespmem:s31+$0xC950]  }
0x1e3: {  	[tilespmem:s31+$0x14920] =	vst v0;
	v0 =	vadd.f32 v5, v3;
	v3 =	vld [tilespmem:s31+$0x4960]  }
0x1e4: {  	v5 =	vld [tilespmem:s31+$0xC960]  }
0x1e5: {  	[tilespmem:s31+$0x14930] =	vst v0;
	v0 =	vadd.f32 v4, v2;
	v2 =	vld [tilespmem:s31+$0x4970]  }
0x1e6: {  	v4 =	vld [tilespmem:s31+$0xC970]  }
0x1e7: {  	[tilespmem:s31+$0x14940] =	vst v0;
	v0 =	vadd.f32 v6, v1;
	v1 =	vld [tilespmem:s31+$0x4980]  }
0x1e8: {  	v6 =	vld [tilespmem:s31+$0xC980]  }
0x1e9: {  	[tilespmem:s31+$0x14950] =	vst v0;
	v0 =	vadd.f32 v5, v3;
	v3 =	vld [tilespmem:s31+$0x4990]  }
0x1ea: {  	v5 =	vld [tilespmem:s31+$0xC990]  }
0x1eb: {  	[tilespmem:s31+$0x14960] =	vst v0;
	v0 =	vadd.f32 v4, v2;
	v2 =	vld [tilespmem:s31+$0x49A0]  }
0x1ec: {  	v4 =	vld [tilespmem:s31+$0xC9A0]  }
0x1ed: {  	[tilespmem:s31+$0x14970] =	vst v0;
	v0 =	vadd.f32 v6, v1;
	v1 =	vld [tilespmem:s31+$0x49B0]  }
0x1ee: {  	v6 =	vld [tilespmem:s31+$0xC9B0]  }
0x1ef: {  	[tilespmem:s31+$0x14980] =	vst v0;
	v0 =	vadd.f32 v5, v3;
	v3 =	vld [tilespmem:s31+$0x49C0]  }
0x1f0: {  	v5 =	vld [tilespmem:s31+$0xC9C0]  }
0x1f1: {  	[tilespmem:s31+$0x14990] =	vst v0;
	v0 =	vadd.f32 v4, v2;
	v2 =	vld [tilespmem:s31+$0x49D0]  }
0x1f2: {  	v4 =	vld [tilespmem:s31+$0xC9D0]  }
0x1f3: {  	[tilespmem:s31+$0x149A0] =	vst v0;
	v0 =	vld [tilespmem:s31+$0x49E0];
	_ =	sdelay $0x1  }
0x1f4: {  	v1 =	vadd.f32 v6, v1  }
0x1f5: {  	v3 =	vadd.f32 v5, v3  }
0x1f6: {  	s0 =	rddreg [dreg:$0x9];
	s12 =	sshll.u32 s21, $0x9;
	[tilespmem:s31+$0x149B0] =	vst v1;
	v1 =	vadd.f32 v4, v2  }
0x1f7: {  	s0 =	sadd.s32 s12, s0;
	[tilespmem:s31+$0x149C0] =	vst v3;
	v0 =	vadd.f32 v7, v0  }
0x1f8: {  	s0 =	sshll.u32 s0, $0x4;
	[tilespmem:s31+$0x149D0] =	vst v1  }
0x1f9: {  	s19 =	simm.s32 $0x0;
	s0 =	sadd.s32 s1, s0;
	[tilespmem:s31+$0x149E0] =	vst v0  }
0x1fa: {  	[hbm4b:s0+s19] =	stream.linear.scatter [tilespmem:s5], [sflag:$0x8], $0x4000, $0x38;
	[tilespmem:$0x1A740] =	vst v63  }
0x1fb: {  	s6 =	sor.u32 $0x300, s11  }
0x1fc: {  	[tilespmem:s22], [sflag:$0x4] =	stream.indirect.gather [hbm4b:s4+s30], $0x80, s6, s30, $0xb8;
	[tilespmem:$0x1A740] =	vst v63  }
0x1fd: {  	s19 =	sor.u32 $0x700, s11  }
0x1fe: {  	[tilespmem:s23], [sflag:$0x6] =	stream.indirect.gather [spmem:s2], $0x80, s19, s30, $0xb8;
	[tilespmem:$0x1A740] =	vst v63  }
0x1ff: {  	_ =	swait.ge [sflag:s29], $0x4000  }
0x200: {  	[sflag:s29] =	ssyncset.done $0x0  }
0x201: {  	[sflag:s29] =	ssyncadd.s32 $0xFFFFC000  }
0x202: {  	_ =	swait.ge [sflag:s28], $0x4000  }
0x203: {  	[sflag:s28] =	ssyncset.done $0x0  }
0x204: {  	[sflag:s28] =	ssyncadd.s32 $0xFFFFC000  }
0x205: {  	_ =	swait.ge [sflag:s17], $0x4000  }
0x206: {  	[sflag:s17] =	ssyncset.done $0x0  }
0x207: {  	s19 =	simm.s32 $0x0;
	[sflag:s17] =	ssyncadd.s32 $0xFFFFC000  }
0x208: {  	v0 =	vld [tilespmem:s19+$0x9F0]  }
0x209: {  	v1 =	vld [tilespmem:s19+$0x89F0]  }
0x20a: {  	v2 =	vld [tilespmem:s19+$0x800]  }
0x20b: {  	v3 =	vld [tilespmem:s19+$0x8800]  }
0x20c: {  	v4 =	vld [tilespmem:s19+$0x810]  }
0x20d: {  	v5 =	vld [tilespmem:s19+$0x8810]  }
0x20e: {  	v6 =	vld [tilespmem:s19+$0x820]  }
0x20f: {  	v7 =	vld [tilespmem:s19+$0x830];
	v0 =	vadd.f32 v1, v0  }
0x210: {  	v1 =	vld [tilespmem:s19+$0x8820]  }
0x211: {  	v2 =	vadd.f32 v3, v2;
	[tilespmem:s19+$0x109F0] =	vst v0;
	v0 =	vld [tilespmem:s19+$0x8830]  }
0x212: {  	v3 =	vld [tilespmem:s19+$0x840]  }
0x213: {  	[tilespmem:s19+$0x10800] =	vst v2;
	v2 =	vadd.f32 v5, v4;
	v4 =	vld [tilespmem:s19+$0x8840]  }
0x214: {  	v5 =	vld [tilespmem:s19+$0x8850]  }
0x215: {  	[tilespmem:s19+$0x10810] =	vst v2;
	v2 =	vld [tilespmem:s19+$0x850];
	v1 =	vadd.f32 v1, v6  }
0x216: {  	v6 =	vld [tilespmem:s19+$0x8860];
	v0 =	vadd.f32 v0, v7  }
0x217: {  	[tilespmem:s19+$0x10820] =	vst v1;
	v1 =	vld [tilespmem:s19+$0x860]  }
0x218: {  	[tilespmem:s19+$0x10830] =	vst v0;
	v0 =	vadd.f32 v4, v3;
	v3 =	vld [tilespmem:s19+$0x870]  }
0x219: {  	v4 =	vld [tilespmem:s19+$0x8870]  }
0x21a: {  	[tilespmem:s19+$0x10840] =	vst v0;
	v0 =	vadd.f32 v5, v2;
	v2 =	vld [tilespmem:s19+$0x880]  }
0x21b: {  	v5 =	vld [tilespmem:s19+$0x8880]  }
0x21c: {  	[tilespmem:s19+$0x10850] =	vst v0;
	v0 =	vadd.f32 v6, v1;
	v1 =	vld [tilespmem:s19+$0x890]  }
0x21d: {  	v6 =	vld [tilespmem:s19+$0x8890]  }
0x21e: {  	[tilespmem:s19+$0x10860] =	vst v0;
	v0 =	vadd.f32 v4, v3;
	v3 =	vld [tilespmem:s19+$0x8A0]  }
0x21f: {  	v4 =	vld [tilespmem:s19+$0x88A0]  }
0x220: {  	[tilespmem:s19+$0x10870] =	vst v0;
	v0 =	vadd.f32 v5, v2;
	v2 =	vld [tilespmem:s19+$0x8B0]  }
0x221: {  	v5 =	vld [tilespmem:s19+$0x88B0]  }
0x222: {  	[tilespmem:s19+$0x10880] =	vst v0;
	v0 =	vadd.f32 v6, v1;
	v1 =	vld [tilespmem:s19+$0x8C0]  }
0x223: {  	v6 =	vld [tilespmem:s19+$0x88C0]  }
0x224: {  	[tilespmem:s19+$0x10890] =	vst v0;
	v0 =	vadd.f32 v4, v3;
	v3 =	vld [tilespmem:s19+$0x8D0]  }
0x225: {  	v4 =	vld [tilespmem:s19+$0x88D0]  }
0x226: {  	[tilespmem:s19+$0x108A0] =	vst v0;
	v0 =	vadd.f32 v5, v2;
	v2 =	vld [tilespmem:s19+$0x8E0]  }
0x227: {  	v5 =	vld [tilespmem:s19+$0x88E0]  }
0x228: {  	[tilespmem:s19+$0x108B0] =	vst v0;
	v0 =	vadd.f32 v6, v1;
	v1 =	vld [tilespmem:s19+$0x8F0]  }
0x229: {  	v6 =	vld [tilespmem:s19+$0x88F0]  }
0x22a: {  	[tilespmem:s19+$0x108C0] =	vst v0;
	v0 =	vadd.f32 v4, v3;
	v3 =	vld [tilespmem:s19+$0x900]  }
0x22b: {  	v4 =	vld [tilespmem:s19+$0x8900]  }
0x22c: {  	[tilespmem:s19+$0x108D0] =	vst v0;
	v0 =	vadd.f32 v5, v2;
	v2 =	vld [tilespmem:s19+$0x910]  }
0x22d: {  	v5 =	vld [tilespmem:s19+$0x8910]  }
0x22e: {  	[tilespmem:s19+$0x108E0] =	vst v0;
	v0 =	vadd.f32 v6, v1;
	v1 =	vld [tilespmem:s19+$0x920]  }
0x22f: {  	v6 =	vld [tilespmem:s19+$0x8920]  }
0x230: {  	[tilespmem:s19+$0x108F0] =	vst v0;
	v0 =	vadd.f32 v4, v3;
	v3 =	vld [tilespmem:s19+$0x930]  }
0x231: {  	v4 =	vld [tilespmem:s19+$0x8930]  }
0x232: {  	[tilespmem:s19+$0x10900] =	vst v0;
	v0 =	vadd.f32 v5, v2;
	v2 =	vld [tilespmem:s19+$0x940]  }
0x233: {  	v5 =	vld [tilespmem:s19+$0x8940]  }
0x234: {  	[tilespmem:s19+$0x10910] =	vst v0;
	v0 =	vadd.f32 v6, v1;
	v1 =	vld [tilespmem:s19+$0x950]  }
0x235: {  	v6 =	vld [tilespmem:s19+$0x8950]  }
0x236: {  	[tilespmem:s19+$0x10920] =	vst v0;
	v0 =	vadd.f32 v4, v3;
	v3 =	vld [tilespmem:s19+$0x960]  }
0x237: {  	v4 =	vld [tilespmem:s19+$0x8960]  }
0x238: {  	[tilespmem:s19+$0x10930] =	vst v0;
	v0 =	vadd.f32 v5, v2;
	v2 =	vld [tilespmem:s19+$0x970]  }
0x239: {  	v5 =	vld [tilespmem:s19+$0x8970]  }
0x23a: {  	[tilespmem:s19+$0x10940] =	vst v0;
	v0 =	vadd.f32 v6, v1;
	v1 =	vld [tilespmem:s19+$0x980]  }
0x23b: {  	v6 =	vld [tilespmem:s19+$0x8980]  }
0x23c: {  	[tilespmem:s19+$0x10950] =	vst v0;
	v0 =	vadd.f32 v4, v3;
	v3 =	vld [tilespmem:s19+$0x990]  }
0x23d: {  	v4 =	vld [tilespmem:s19+$0x8990]  }
0x23e: {  	[tilespmem:s19+$0x10960] =	vst v0;
	v0 =	vadd.f32 v5, v2;
	v2 =	vld [tilespmem:s19+$0x9A0]  }
0x23f: {  	v5 =	vld [tilespmem:s19+$0x89A0]  }
0x240: {  	[tilespmem:s19+$0x10970] =	vst v0;
	v0 =	vadd.f32 v6, v1;
	v1 =	vld [tilespmem:s19+$0x9B0]  }
0x241: {  	v6 =	vld [tilespmem:s19+$0x89B0]  }
0x242: {  	v8 =	vld [tilespmem:s19+$0x89C0]  }
0x243: {  	v7 =	vld [tilespmem:s19+$0x9C0];
	[tilespmem:s19+$0x10980] =	vst v0;
	v0 =	vadd.f32 v4, v3  }
0x244: {  	v3 =	vld [tilespmem:s19+$0x89D0]  }
0x245: {  	[tilespmem:s19+$0x10990] =	vst v0;
	v0 =	vadd.f32 v5, v2;
	v2 =	vld [tilespmem:s19+$0x9D0]  }
0x246: {  	v4 =	vld [tilespmem:s19+$0x89E0];
	v5 =	vadd.f32 v6, v1  }
0x247: {  	s0 =	simm.s32 $0x200;
	[tilespmem:s19+$0x109A0] =	vst v0;
	v0 =	vld [tilespmem:s19+$0x9E0]  }
0x248: {  	s31 =	simm.s32 $0x1000;
	v1 =	vld [tilespmem:s0+$0x9F0];
	[tilespmem:s19+$0x109B0] =	vst v5;
	v5 =	vadd.f32 v8, v7  }
.LBB2_7:
0x249: {  	p1 =	sne.s32 s31, $0xF800;
	v6 =	vld [tilespmem:s0+$0x89F0]  }
0x24a: {  	v7 =	vld [tilespmem:s0+$0x800];
	[tilespmem:s19+$0x109C0] =	vst v5;
	v2 =	vadd.f32 v3, v2  }
0x24b: {  	v3 =	vld [tilespmem:s0+$0x8800]  }
0x24c: {  	v5 =	vld [tilespmem:s0+$0x810];
	[tilespmem:s19+$0x109D0] =	vst v2;
	v0 =	vadd.f32 v4, v0  }
0x24d: {  	v2 =	vld [tilespmem:s0+$0x8810]  }
0x24e: {  	v4 =	vld [tilespmem:s0+$0x820];
	v1 =	vadd.f32 v6, v1;
	[tilespmem:s19+$0x109E0] =	vst v0;
	s19 =	smov.u32 s0  }
0x24f: {  	v0 =	vld [tilespmem:s19+$0x8820]  }
0x250: {  	v3 =	vadd.f32 v3, v7;
	v6 =	vld [tilespmem:s19+$0x830];
	[tilespmem:s19+$0x109F0] =	vst v1  }
0x251: {  	v1 =	vld [tilespmem:s19+$0x8830]  }
0x252: {  	[tilespmem:s19+$0x10800] =	vst v3;
	v2 =	vadd.f32 v2, v5;
	v3 =	vld [tilespmem:s19+$0x840]  }
0x253: {  	v5 =	vld [tilespmem:s19+$0x8840]  }
0x254: {  	[tilespmem:s19+$0x10810] =	vst v2;
	v0 =	vadd.f32 v0, v4;
	v2 =	vld [tilespmem:s19+$0x850]  }
0x255: {  	v4 =	vld [tilespmem:s19+$0x8850]  }
0x256: {  	[tilespmem:s19+$0x10820] =	vst v0;
	v0 =	vadd.f32 v1, v6;
	v1 =	vld [tilespmem:s19+$0x860]  }
0x257: {  	v6 =	vld [tilespmem:s19+$0x8860]  }
0x258: {  	[tilespmem:s19+$0x10830] =	vst v0;
	v0 =	vadd.f32 v5, v3;
	v3 =	vld [tilespmem:s19+$0x870]  }
0x259: {  	v5 =	vld [tilespmem:s19+$0x8870]  }
0x25a: {  	[tilespmem:s19+$0x10840] =	vst v0;
	v0 =	vadd.f32 v4, v2;
	v2 =	vld [tilespmem:s19+$0x880]  }
0x25b: {  	v4 =	vld [tilespmem:s19+$0x8880]  }
0x25c: {  	[tilespmem:s19+$0x10850] =	vst v0;
	v0 =	vadd.f32 v6, v1;
	v1 =	vld [tilespmem:s19+$0x890]  }
0x25d: {  	v6 =	vld [tilespmem:s19+$0x8890]  }
0x25e: {  	[tilespmem:s19+$0x10860] =	vst v0;
	v0 =	vadd.f32 v5, v3;
	v3 =	vld [tilespmem:s19+$0x8A0]  }
0x25f: {  	v5 =	vld [tilespmem:s19+$0x88A0]  }
0x260: {  	[tilespmem:s19+$0x10870] =	vst v0;
	v0 =	vadd.f32 v4, v2;
	v2 =	vld [tilespmem:s19+$0x8B0]  }
0x261: {  	v4 =	vld [tilespmem:s19+$0x88B0]  }
0x262: {  	[tilespmem:s19+$0x10880] =	vst v0;
	v0 =	vadd.f32 v6, v1;
	v1 =	vld [tilespmem:s19+$0x8C0]  }
0x263: {  	v6 =	vld [tilespmem:s19+$0x88C0]  }
0x264: {  	[tilespmem:s19+$0x10890] =	vst v0;
	v0 =	vadd.f32 v5, v3;
	v3 =	vld [tilespmem:s19+$0x8D0]  }
0x265: {  	v5 =	vld [tilespmem:s19+$0x88D0]  }
0x266: {  	[tilespmem:s19+$0x108A0] =	vst v0;
	v0 =	vadd.f32 v4, v2;
	v2 =	vld [tilespmem:s19+$0x8E0]  }
0x267: {  	v4 =	vld [tilespmem:s19+$0x88E0]  }
0x268: {  	[tilespmem:s19+$0x108B0] =	vst v0;
	v0 =	vadd.f32 v6, v1;
	v1 =	vld [tilespmem:s19+$0x8F0]  }
0x269: {  	v6 =	vld [tilespmem:s19+$0x88F0]  }
0x26a: {  	[tilespmem:s19+$0x108C0] =	vst v0;
	v0 =	vadd.f32 v5, v3;
	v3 =	vld [tilespmem:s19+$0x900]  }
0x26b: {  	v5 =	vld [tilespmem:s19+$0x8900]  }
0x26c: {  	[tilespmem:s19+$0x108D0] =	vst v0;
	v0 =	vadd.f32 v4, v2;
	v2 =	vld [tilespmem:s19+$0x910]  }
0x26d: {  	v4 =	vld [tilespmem:s19+$0x8910]  }
0x26e: {  	[tilespmem:s19+$0x108E0] =	vst v0;
	v0 =	vadd.f32 v6, v1;
	v1 =	vld [tilespmem:s19+$0x920]  }
0x26f: {  	v6 =	vld [tilespmem:s19+$0x8920]  }
0x270: {  	[tilespmem:s19+$0x108F0] =	vst v0;
	v0 =	vadd.f32 v5, v3;
	v3 =	vld [tilespmem:s19+$0x930]  }
0x271: {  	v5 =	vld [tilespmem:s19+$0x8930]  }
0x272: {  	[tilespmem:s19+$0x10900] =	vst v0;
	v0 =	vadd.f32 v4, v2;
	v2 =	vld [tilespmem:s19+$0x940]  }
0x273: {  	v4 =	vld [tilespmem:s19+$0x8940]  }
0x274: {  	[tilespmem:s19+$0x10910] =	vst v0;
	v0 =	vadd.f32 v6, v1;
	v1 =	vld [tilespmem:s19+$0x950]  }
0x275: {  	v6 =	vld [tilespmem:s19+$0x8950]  }
0x276: {  	[tilespmem:s19+$0x10920] =	vst v0;
	v0 =	vadd.f32 v5, v3;
	v3 =	vld [tilespmem:s19+$0x960]  }
0x277: {  	v5 =	vld [tilespmem:s19+$0x8960]  }
0x278: {  	[tilespmem:s19+$0x10930] =	vst v0;
	v0 =	vadd.f32 v4, v2;
	v2 =	vld [tilespmem:s19+$0x970]  }
0x279: {  	v4 =	vld [tilespmem:s19+$0x8970]  }
0x27a: {  	[tilespmem:s19+$0x10940] =	vst v0;
	v0 =	vadd.f32 v6, v1;
	v1 =	vld [tilespmem:s19+$0x980]  }
0x27b: {  	v6 =	vld [tilespmem:s19+$0x8980]  }
0x27c: {  	[tilespmem:s19+$0x10950] =	vst v0;
	v0 =	vadd.f32 v5, v3;
	v3 =	vld [tilespmem:s19+$0x990]  }
0x27d: {  	v5 =	vld [tilespmem:s19+$0x8990]  }
0x27e: {  	[tilespmem:s19+$0x10960] =	vst v0;
	v0 =	vadd.f32 v4, v2;
	v2 =	vld [tilespmem:s19+$0x9A0]  }
0x27f: {  	v4 =	vld [tilespmem:s19+$0x89A0]  }
0x280: {  	[tilespmem:s19+$0x10970] =	vst v0;
	v0 =	vadd.f32 v6, v1;
	v1 =	vld [tilespmem:s19+$0x9B0]  }
0x281: {  	v6 =	vld [tilespmem:s19+$0x89B0]  }
0x282: {  	[tilespmem:s19+$0x10980] =	vst v0;
	v0 =	vadd.f32 v5, v3;
	v5 =	vld [tilespmem:s19+$0x9C0]  }
0x283: {  	v7 =	vld [tilespmem:s19+$0x89C0]  }
.Ltmp4:
0x284: {  	[tilespmem:s19+$0x10990] =	vst v0;
	v0 =	vadd.f32 v4, v2;
	v2 =	vld [tilespmem:s19+$0x9D0];
	(pc) =	sbr.rel @p1 .LBB2_7-.Ltmp4, $4  }
0x285: {  	v3 =	vld [tilespmem:s19+$0x89D0]  }
0x286: {  	[tilespmem:s19+$0x109A0] =	vst v0;
	v6 =	vadd.f32 v6, v1;
	v0 =	vld [tilespmem:s19+$0x9E0]  }
0x287: {  	s0 =	sshra.s32 s31, $0x2;
	v4 =	vld [tilespmem:s19+$0x89E0]  }
0x288: {  	s31 =	sadd.s32 $0x800, s31;
	v1 =	vld [tilespmem:s0+$0x9F0];
	[tilespmem:s19+$0x109B0] =	vst v6;
	v5 =	vadd.f32 v7, v5  }
0x289: {  	v6 =	vld [tilespmem:s0+$0x89F0]  }
0x28a: {  	v7 =	vld [tilespmem:s0+$0x800];
	[tilespmem:s19+$0x109C0] =	vst v5;
	v2 =	vadd.f32 v3, v2  }
0x28b: {  	v3 =	vld [tilespmem:s0+$0x8800]  }
0x28c: {  	v5 =	vld [tilespmem:s0+$0x810];
	[tilespmem:s19+$0x109D0] =	vst v2;
	v0 =	vadd.f32 v4, v0  }
0x28d: {  	v2 =	vld [tilespmem:s0+$0x8810]  }
0x28e: {  	v4 =	vld [tilespmem:s0+$0x820];
	[tilespmem:s19+$0x109E0] =	vst v0  }
0x28f: {  	v0 =	vadd.f32 v6, v1;
	v1 =	vld [tilespmem:s0+$0x8820]  }
0x290: {  	v6 =	vld [tilespmem:s0+$0x830]  }
0x291: {  	v3 =	vadd.f32 v3, v7;
	[tilespmem:s0+$0x109F0] =	vst v0;
	v0 =	vld [tilespmem:s0+$0x8830]  }
0x292: {  	v7 =	vld [tilespmem:s0+$0x89E0]  }
0x293: {  	[tilespmem:s0+$0x10800] =	vst v3;
	v2 =	vadd.f32 v2, v5;
	v3 =	vld [tilespmem:s0+$0x840]  }
0x294: {  	v5 =	vld [tilespmem:s0+$0x8840]  }
0x295: {  	[tilespmem:s0+$0x10810] =	vst v2;
	v2 =	vld [tilespmem:s0+$0x850]  }
0x296: {  	v1 =	vadd.f32 v1, v4;
	v4 =	vld [tilespmem:s0+$0x8850]  }
0x297: {  	v0 =	vadd.f32 v0, v6;
	v6 =	vld [tilespmem:s0+$0x8860]  }
0x298: {  	[tilespmem:s0+$0x10820] =	vst v1;
	v1 =	vld [tilespmem:s0+$0x860]  }
0x299: {  	[tilespmem:s0+$0x10830] =	vst v0;
	v0 =	vadd.f32 v5, v3;
	v3 =	vld [tilespmem:s0+$0x870]  }
0x29a: {  	v5 =	vld [tilespmem:s0+$0x8870]  }
0x29b: {  	[tilespmem:s0+$0x10840] =	vst v0;
	v0 =	vadd.f32 v4, v2;
	v2 =	vld [tilespmem:s0+$0x880]  }
0x29c: {  	v4 =	vld [tilespmem:s0+$0x8880]  }
0x29d: {  	[tilespmem:s0+$0x10850] =	vst v0;
	v0 =	vadd.f32 v6, v1;
	v1 =	vld [tilespmem:s0+$0x890]  }
0x29e: {  	v6 =	vld [tilespmem:s0+$0x8890]  }
0x29f: {  	[tilespmem:s0+$0x10860] =	vst v0;
	v0 =	vadd.f32 v5, v3;
	v3 =	vld [tilespmem:s0+$0x8A0]  }
0x2a0: {  	v5 =	vld [tilespmem:s0+$0x88A0]  }
0x2a1: {  	[tilespmem:s0+$0x10870] =	vst v0;
	v0 =	vadd.f32 v4, v2;
	v2 =	vld [tilespmem:s0+$0x8B0]  }
0x2a2: {  	v4 =	vld [tilespmem:s0+$0x88B0]  }
0x2a3: {  	[tilespmem:s0+$0x10880] =	vst v0;
	v0 =	vadd.f32 v6, v1;
	v1 =	vld [tilespmem:s0+$0x8C0]  }
0x2a4: {  	v6 =	vld [tilespmem:s0+$0x88C0]  }
0x2a5: {  	[tilespmem:s0+$0x10890] =	vst v0;
	v0 =	vadd.f32 v5, v3;
	v3 =	vld [tilespmem:s0+$0x8D0]  }
0x2a6: {  	v5 =	vld [tilespmem:s0+$0x88D0]  }
0x2a7: {  	[tilespmem:s0+$0x108A0] =	vst v0;
	v0 =	vadd.f32 v4, v2;
	v2 =	vld [tilespmem:s0+$0x8E0]  }
0x2a8: {  	v4 =	vld [tilespmem:s0+$0x88E0]  }
0x2a9: {  	[tilespmem:s0+$0x108B0] =	vst v0;
	v0 =	vadd.f32 v6, v1;
	v1 =	vld [tilespmem:s0+$0x8F0]  }
0x2aa: {  	v6 =	vld [tilespmem:s0+$0x88F0]  }
0x2ab: {  	[tilespmem:s0+$0x108C0] =	vst v0;
	v0 =	vadd.f32 v5, v3;
	v3 =	vld [tilespmem:s0+$0x900]  }
0x2ac: {  	v5 =	vld [tilespmem:s0+$0x8900]  }
0x2ad: {  	[tilespmem:s0+$0x108D0] =	vst v0;
	v0 =	vadd.f32 v4, v2;
	v2 =	vld [tilespmem:s0+$0x910]  }
0x2ae: {  	v4 =	vld [tilespmem:s0+$0x8910]  }
0x2af: {  	[tilespmem:s0+$0x108E0] =	vst v0;
	v0 =	vadd.f32 v6, v1;
	v1 =	vld [tilespmem:s0+$0x920]  }
0x2b0: {  	v6 =	vld [tilespmem:s0+$0x8920]  }
0x2b1: {  	[tilespmem:s0+$0x108F0] =	vst v0;
	v0 =	vadd.f32 v5, v3;
	v3 =	vld [tilespmem:s0+$0x930]  }
0x2b2: {  	v5 =	vld [tilespmem:s0+$0x8930]  }
0x2b3: {  	[tilespmem:s0+$0x10900] =	vst v0;
	v0 =	vadd.f32 v4, v2;
	v2 =	vld [tilespmem:s0+$0x940]  }
0x2b4: {  	v4 =	vld [tilespmem:s0+$0x8940]  }
0x2b5: {  	[tilespmem:s0+$0x10910] =	vst v0;
	v0 =	vadd.f32 v6, v1;
	v1 =	vld [tilespmem:s0+$0x950]  }
0x2b6: {  	v6 =	vld [tilespmem:s0+$0x8950]  }
0x2b7: {  	[tilespmem:s0+$0x10920] =	vst v0;
	v0 =	vadd.f32 v5, v3;
	v3 =	vld [tilespmem:s0+$0x960]  }
0x2b8: {  	v5 =	vld [tilespmem:s0+$0x8960]  }
0x2b9: {  	[tilespmem:s0+$0x10930] =	vst v0;
	v0 =	vadd.f32 v4, v2;
	v2 =	vld [tilespmem:s0+$0x970]  }
0x2ba: {  	v4 =	vld [tilespmem:s0+$0x8970]  }
0x2bb: {  	[tilespmem:s0+$0x10940] =	vst v0;
	v0 =	vadd.f32 v6, v1;
	v1 =	vld [tilespmem:s0+$0x980]  }
0x2bc: {  	v6 =	vld [tilespmem:s0+$0x8980]  }
0x2bd: {  	[tilespmem:s0+$0x10950] =	vst v0;
	v0 =	vadd.f32 v5, v3;
	v3 =	vld [tilespmem:s0+$0x990]  }
0x2be: {  	v5 =	vld [tilespmem:s0+$0x8990]  }
0x2bf: {  	[tilespmem:s0+$0x10960] =	vst v0;
	v0 =	vadd.f32 v4, v2;
	v2 =	vld [tilespmem:s0+$0x9A0]  }
0x2c0: {  	v4 =	vld [tilespmem:s0+$0x89A0]  }
0x2c1: {  	[tilespmem:s0+$0x10970] =	vst v0;
	v0 =	vadd.f32 v6, v1;
	v1 =	vld [tilespmem:s0+$0x9B0]  }
0x2c2: {  	v6 =	vld [tilespmem:s0+$0x89B0]  }
0x2c3: {  	[tilespmem:s0+$0x10980] =	vst v0;
	v0 =	vadd.f32 v5, v3;
	v3 =	vld [tilespmem:s0+$0x9C0]  }
0x2c4: {  	v5 =	vld [tilespmem:s0+$0x89C0]  }
0x2c5: {  	[tilespmem:s0+$0x10990] =	vst v0;
	v0 =	vadd.f32 v4, v2;
	v2 =	vld [tilespmem:s0+$0x9D0]  }
0x2c6: {  	v4 =	vld [tilespmem:s0+$0x89D0]  }
0x2c7: {  	[tilespmem:s0+$0x109A0] =	vst v0;
	v0 =	vld [tilespmem:s0+$0x9E0];
	_ =	sdelay $0x1  }
0x2c8: {  	v1 =	vadd.f32 v6, v1  }
0x2c9: {  	v3 =	vadd.f32 v5, v3  }
0x2ca: {  	[tilespmem:s0+$0x109B0] =	vst v1;
	v1 =	vadd.f32 v4, v2  }
0x2cb: {  	s6 =	sadd.s32 s24, s14;
	[tilespmem:s0+$0x109C0] =	vst v3;
	v0 =	vadd.f32 v7, v0  }
0x2cc: {  	p1 =	seq.s32 s21, $0x31;
	s19 =	sshrl.u32 s6, $0x3;
	[tilespmem:s0+$0x109D0] =	vst v1  }
0x2cd: {  	s31 =	sadd.s32 s1, s19;
	[tilespmem:s0+$0x109E0] =	vst v0;
	s0 =	sadd.s32 @!p1 $0x1, s9  }
0x2ce: {  	[hbm4b:s31+s3] =	stream.linear.scatter [tilespmem:s20], [sflag:$0x7], $0x4000, $0x38;
	[tilespmem:$0x1A740] =	vst v63  }
0x2cf: {  	_ =	swait.ge @!p1 [sflag:s0], $0x200  }
0x2d0: {  	[sflag:s0] =	ssyncset.done @!p1 $0x0  }
0x2d1: {  	[sflag:s0] =	ssyncadd.s32 @!p1 $0xFFFFFE00  }
0x2d2: {  	_ =	swait.ge @!p1 [sflag:s0], $0x200  }
0x2d3: {  	s19 =	sshll.u32 @!p1 s9, $0x7;
	[sflag:s0] =	ssyncset.done @!p1 $0x0  }
0x2d4: {  	s31 =	simm.s32 @!p1 $0x800;
	[sflag:s0] =	ssyncadd.s32 @!p1 $0xFFFFFE00;
	s0 =	simm.s32 @!p1 $0x80  }
0x2d5: {  	[tilespmem:s31], [sflag:$0x3] =	stream.indirect.gather @!p1 [hbm4b:s4+s0], $0x80, s19, s0, $0xb8;
	[tilespmem:$0x1A740] =	vst v63  }
0x2d6: {  	s19 =	sor.u32 @!p1 $0x400, s19;
	s31 =	simm.s32 @!p1 $0x8800  }
0x2d7: {  	[tilespmem:s31], [sflag:$0x5] =	stream.indirect.gather @!p1 [spmem:s2], $0x80, s19, s0, $0xb8;
	[tilespmem:$0x1A740] =	vst v63  }
0x2d8: {  	_ =	swait.ge [sflag:s25], $0x4000  }
0x2d9: {  	[sflag:s25] =	ssyncset.done $0x0  }
0x2da: {  	[sflag:s25] =	ssyncadd.s32 $0xFFFFC000  }
0x2db: {  	_ =	swait.ge [sflag:s26], $0x4000  }
0x2dc: {  	[sflag:s26] =	ssyncset.done $0x0  }
0x2dd: {  	p2 =	sgt.u32 s21, $0x2F;
	[sflag:s26] =	ssyncadd.s32 $0xFFFFC000  }
0x2de: {  	s0 =	sadd.s32 @!p2 s12, s15;
	_ =	swait.ge [sflag:s18], $0x4000  }
0x2df: {  	s10 =	sadd.s32 @!p2 $0x1, s10;
	s0 =	sshrl.u32 @!p2 s0, $0x3;
	[sflag:s18] =	ssyncset.done $0x0  }
0x2e0: {  	s19 =	simm.s32 @!p2 $0x0;
	s12 =	sadd.s32 @!p2 s7, s0;
	[sflag:s18] =	ssyncadd.s32 $0xFFFFC000  }
0x2e1: {  	[tilespmem:s11], [sflag:s10] =	stream.linear.gather @!p2 [hbm4b:s12+s19], $0x80, $0x38;
	[tilespmem:$0x1A740] =	vst v63  }
0x2e2: {  	s6 =	sor.u32 @!p2 $0x100, s11;
	s31 =	sadd.s32 @!p2 $0x10, s12  }
0x2e3: {  	[tilespmem:s6], [sflag:s10] =	stream.linear.gather @!p2 [hbm4b:s31+s19], $0x80, $0x38;
	[tilespmem:$0x1A740] =	vst v63  }
0x2e4: {  	s6 =	sadd.s32 @!p2 $0x20, s12;
	s31 =	sor.u32 @!p2 $0x200, s11  }
0x2e5: {  	[tilespmem:s31], [sflag:s10] =	stream.linear.gather @!p2 [hbm4b:s6+s19], $0x80, $0x38;
	[tilespmem:$0x1A740] =	vst v63  }
0x2e6: {  	s6 =	sadd.s32 @!p2 $0x30, s12;
	s12 =	sor.u32 @!p2 $0x300, s11  }
0x2e7: {  	[tilespmem:s12], [sflag:s10] =	stream.linear.gather @!p2 [hbm4b:s6+s19], $0x80, $0x38;
	[tilespmem:$0x1A740] =	vst v63  }
0x2e8: {  	s0 =	sadd.s32 @!p2 s8, s0;
	s6 =	sor.u32 @!p2 $0x400, s11  }
0x2e9: {  	[tilespmem:s6], [sflag:s10] =	stream.linear.gather @!p2 [hbm4b:s0+s19], $0x80, $0x38;
	[tilespmem:$0x1A740] =	vst v63  }
0x2ea: {  	s12 =	sor.u32 @!p2 $0x500, s11;
	s6 =	sadd.s32 @!p2 $0x10, s0  }
0x2eb: {  	[tilespmem:s12], [sflag:s10] =	stream.linear.gather @!p2 [hbm4b:s6+s19], $0x80, $0x38;
	[tilespmem:$0x1A740] =	vst v63  }
0x2ec: {  	s6 =	sadd.s32 @!p2 $0x20, s0;
	s12 =	sor.u32 @!p2 $0x600, s11  }
0x2ed: {  	[tilespmem:s12], [sflag:s10] =	stream.linear.gather @!p2 [hbm4b:s6+s19], $0x80, $0x38;
	[tilespmem:$0x1A740] =	vst v63  }
0x2ee: {  	s0 =	sadd.s32 @!p2 $0x30, s0;
	s6 =	sor.u32 @!p2 $0x700, s11  }
0x2ef: {  	[tilespmem:s6], [sflag:s10] =	stream.linear.gather @!p2 [hbm4b:s0+s19], $0x80, $0x38;
	[tilespmem:$0x1A740] =	vst v63  }
0x2f0: {  	s10 =	simm.s32 $0x0  }
0x2f1: {  	v0 =	vld [tilespmem:s10+$0x49F0]  }
0x2f2: {  	v1 =	vld [tilespmem:s10+$0xC9F0]  }
0x2f3: {  	v2 =	vld [tilespmem:s10+$0x4800]  }
0x2f4: {  	v3 =	vld [tilespmem:s10+$0xC800]  }
0x2f5: {  	v4 =	vld [tilespmem:s10+$0x4810]  }
0x2f6: {  	v5 =	vld [tilespmem:s10+$0xC810]  }
0x2f7: {  	v6 =	vld [tilespmem:s10+$0x4820]  }
0x2f8: {  	v7 =	vld [tilespmem:s10+$0x4830];
	v0 =	vadd.f32 v1, v0  }
0x2f9: {  	v1 =	vld [tilespmem:s10+$0xC820]  }
0x2fa: {  	v2 =	vadd.f32 v3, v2;
	[tilespmem:s10+$0x149F0] =	vst v0;
	v0 =	vld [tilespmem:s10+$0xC830]  }
0x2fb: {  	v3 =	vld [tilespmem:s10+$0x4840]  }
0x2fc: {  	[tilespmem:s10+$0x14800] =	vst v2;
	v2 =	vadd.f32 v5, v4;
	v4 =	vld [tilespmem:s10+$0xC840]  }
0x2fd: {  	v5 =	vld [tilespmem:s10+$0xC850]  }
0x2fe: {  	[tilespmem:s10+$0x14810] =	vst v2;
	v2 =	vld [tilespmem:s10+$0x4850];
	v1 =	vadd.f32 v1, v6  }
0x2ff: {  	v6 =	vld [tilespmem:s10+$0xC860];
	v0 =	vadd.f32 v0, v7  }
0x300: {  	[tilespmem:s10+$0x14820] =	vst v1;
	v1 =	vld [tilespmem:s10+$0x4860]  }
0x301: {  	[tilespmem:s10+$0x14830] =	vst v0;
	v0 =	vadd.f32 v4, v3;
	v3 =	vld [tilespmem:s10+$0x4870]  }
0x302: {  	v4 =	vld [tilespmem:s10+$0xC870]  }
0x303: {  	[tilespmem:s10+$0x14840] =	vst v0;
	v0 =	vadd.f32 v5, v2;
	v2 =	vld [tilespmem:s10+$0x4880]  }
0x304: {  	v5 =	vld [tilespmem:s10+$0xC880]  }
0x305: {  	[tilespmem:s10+$0x14850] =	vst v0;
	v0 =	vadd.f32 v6, v1;
	v1 =	vld [tilespmem:s10+$0x4890]  }
0x306: {  	v6 =	vld [tilespmem:s10+$0xC890]  }
0x307: {  	[tilespmem:s10+$0x14860] =	vst v0;
	v0 =	vadd.f32 v4, v3;
	v3 =	vld [tilespmem:s10+$0x48A0]  }
0x308: {  	v4 =	vld [tilespmem:s10+$0xC8A0]  }
0x309: {  	[tilespmem:s10+$0x14870] =	vst v0;
	v0 =	vadd.f32 v5, v2;
	v2 =	vld [tilespmem:s10+$0x48B0]  }
0x30a: {  	v5 =	vld [tilespmem:s10+$0xC8B0]  }
0x30b: {  	[tilespmem:s10+$0x14880] =	vst v0;
	v0 =	vadd.f32 v6, v1;
	v1 =	vld [tilespmem:s10+$0x48C0]  }
0x30c: {  	v6 =	vld [tilespmem:s10+$0xC8C0]  }
0x30d: {  	[tilespmem:s10+$0x14890] =	vst v0;
	v0 =	vadd.f32 v4, v3;
	v3 =	vld [tilespmem:s10+$0x48D0]  }
0x30e: {  	v4 =	vld [tilespmem:s10+$0xC8D0]  }
0x30f: {  	[tilespmem:s10+$0x148A0] =	vst v0;
	v0 =	vadd.f32 v5, v2;
	v2 =	vld [tilespmem:s10+$0x48E0]  }
0x310: {  	v5 =	vld [tilespmem:s10+$0xC8E0]  }
0x311: {  	[tilespmem:s10+$0x148B0] =	vst v0;
	v0 =	vadd.f32 v6, v1;
	v1 =	vld [tilespmem:s10+$0x48F0]  }
0x312: {  	v6 =	vld [tilespmem:s10+$0xC8F0]  }
0x313: {  	[tilespmem:s10+$0x148C0] =	vst v0;
	v0 =	vadd.f32 v4, v3;
	v3 =	vld [tilespmem:s10+$0x4900]  }
0x314: {  	v4 =	vld [tilespmem:s10+$0xC900]  }
0x315: {  	[tilespmem:s10+$0x148D0] =	vst v0;
	v0 =	vadd.f32 v5, v2;
	v2 =	vld [tilespmem:s10+$0x4910]  }
0x316: {  	v5 =	vld [tilespmem:s10+$0xC910]  }
0x317: {  	[tilespmem:s10+$0x148E0] =	vst v0;
	v0 =	vadd.f32 v6, v1;
	v1 =	vld [tilespmem:s10+$0x4920]  }
0x318: {  	v6 =	vld [tilespmem:s10+$0xC920]  }
0x319: {  	[tilespmem:s10+$0x148F0] =	vst v0;
	v0 =	vadd.f32 v4, v3;
	v3 =	vld [tilespmem:s10+$0x4930]  }
0x31a: {  	v4 =	vld [tilespmem:s10+$0xC930]  }
0x31b: {  	[tilespmem:s10+$0x14900] =	vst v0;
	v0 =	vadd.f32 v5, v2;
	v2 =	vld [tilespmem:s10+$0x4940]  }
0x31c: {  	v5 =	vld [tilespmem:s10+$0xC940]  }
0x31d: {  	[tilespmem:s10+$0x14910] =	vst v0;
	v0 =	vadd.f32 v6, v1;
	v1 =	vld [tilespmem:s10+$0x4950]  }
0x31e: {  	v6 =	vld [tilespmem:s10+$0xC950]  }
0x31f: {  	[tilespmem:s10+$0x14920] =	vst v0;
	v0 =	vadd.f32 v4, v3;
	v3 =	vld [tilespmem:s10+$0x4960]  }
0x320: {  	v4 =	vld [tilespmem:s10+$0xC960]  }
0x321: {  	[tilespmem:s10+$0x14930] =	vst v0;
	v0 =	vadd.f32 v5, v2;
	v2 =	vld [tilespmem:s10+$0x4970]  }
0x322: {  	v5 =	vld [tilespmem:s10+$0xC970]  }
0x323: {  	[tilespmem:s10+$0x14940] =	vst v0;
	v0 =	vadd.f32 v6, v1;
	v1 =	vld [tilespmem:s10+$0x4980]  }
0x324: {  	v6 =	vld [tilespmem:s10+$0xC980]  }
0x325: {  	[tilespmem:s10+$0x14950] =	vst v0;
	v0 =	vadd.f32 v4, v3;
	v3 =	vld [tilespmem:s10+$0x4990]  }
0x326: {  	v4 =	vld [tilespmem:s10+$0xC990]  }
0x327: {  	[tilespmem:s10+$0x14960] =	vst v0;
	v0 =	vadd.f32 v5, v2;
	v2 =	vld [tilespmem:s10+$0x49A0]  }
0x328: {  	v5 =	vld [tilespmem:s10+$0xC9A0]  }
0x329: {  	[tilespmem:s10+$0x14970] =	vst v0;
	v0 =	vadd.f32 v6, v1;
	v1 =	vld [tilespmem:s10+$0x49B0]  }
0x32a: {  	v6 =	vld [tilespmem:s10+$0xC9B0]  }
0x32b: {  	v8 =	vld [tilespmem:s10+$0xC9C0]  }
0x32c: {  	v7 =	vld [tilespmem:s10+$0x49C0];
	[tilespmem:s10+$0x14980] =	vst v0;
	v0 =	vadd.f32 v4, v3  }
0x32d: {  	v3 =	vld [tilespmem:s10+$0xC9D0]  }
0x32e: {  	[tilespmem:s10+$0x14990] =	vst v0;
	v0 =	vadd.f32 v5, v2;
	v2 =	vld [tilespmem:s10+$0x49D0]  }
0x32f: {  	v4 =	vld [tilespmem:s10+$0xC9E0];
	v5 =	vadd.f32 v6, v1  }
0x330: {  	s0 =	simm.s32 $0x200;
	[tilespmem:s10+$0x149A0] =	vst v0;
	v0 =	vld [tilespmem:s10+$0x49E0]  }
0x331: {  	s11 =	simm.s32 $0x1000;
	v1 =	vld [tilespmem:s0+$0x49F0];
	[tilespmem:s10+$0x149B0] =	vst v5;
	v5 =	vadd.f32 v8, v7  }
.LBB2_9:
0x332: {  	p2 =	sne.s32 s11, $0xF800;
	v6 =	vld [tilespmem:s0+$0xC9F0]  }
0x333: {  	v7 =	vld [tilespmem:s0+$0x4800];
	[tilespmem:s10+$0x149C0] =	vst v5;
	v2 =	vadd.f32 v3, v2  }
0x334: {  	v3 =	vld [tilespmem:s0+$0xC800]  }
0x335: {  	v5 =	vld [tilespmem:s0+$0x4810];
	[tilespmem:s10+$0x149D0] =	vst v2;
	v0 =	vadd.f32 v4, v0  }
0x336: {  	v2 =	vld [tilespmem:s0+$0xC810]  }
0x337: {  	v4 =	vld [tilespmem:s0+$0x4820];
	v1 =	vadd.f32 v6, v1;
	[tilespmem:s10+$0x149E0] =	vst v0;
	s10 =	smov.u32 s0  }
0x338: {  	v0 =	vld [tilespmem:s10+$0xC820]  }
0x339: {  	v3 =	vadd.f32 v3, v7;
	v6 =	vld [tilespmem:s10+$0x4830];
	[tilespmem:s10+$0x149F0] =	vst v1  }
0x33a: {  	v1 =	vld [tilespmem:s10+$0xC830]  }
0x33b: {  	[tilespmem:s10+$0x14800] =	vst v3;
	v2 =	vadd.f32 v2, v5;
	v3 =	vld [tilespmem:s10+$0x4840]  }
0x33c: {  	v5 =	vld [tilespmem:s10+$0xC840]  }
0x33d: {  	[tilespmem:s10+$0x14810] =	vst v2;
	v0 =	vadd.f32 v0, v4;
	v2 =	vld [tilespmem:s10+$0x4850]  }
0x33e: {  	v4 =	vld [tilespmem:s10+$0xC850]  }
0x33f: {  	[tilespmem:s10+$0x14820] =	vst v0;
	v0 =	vadd.f32 v1, v6;
	v1 =	vld [tilespmem:s10+$0x4860]  }
0x340: {  	v6 =	vld [tilespmem:s10+$0xC860]  }
0x341: {  	[tilespmem:s10+$0x14830] =	vst v0;
	v0 =	vadd.f32 v5, v3;
	v3 =	vld [tilespmem:s10+$0x4870]  }
0x342: {  	v5 =	vld [tilespmem:s10+$0xC870]  }
0x343: {  	[tilespmem:s10+$0x14840] =	vst v0;
	v0 =	vadd.f32 v4, v2;
	v2 =	vld [tilespmem:s10+$0x4880]  }
0x344: {  	v4 =	vld [tilespmem:s10+$0xC880]  }
0x345: {  	[tilespmem:s10+$0x14850] =	vst v0;
	v0 =	vadd.f32 v6, v1;
	v1 =	vld [tilespmem:s10+$0x4890]  }
0x346: {  	v6 =	vld [tilespmem:s10+$0xC890]  }
0x347: {  	[tilespmem:s10+$0x14860] =	vst v0;
	v0 =	vadd.f32 v5, v3;
	v3 =	vld [tilespmem:s10+$0x48A0]  }
0x348: {  	v5 =	vld [tilespmem:s10+$0xC8A0]  }
0x349: {  	[tilespmem:s10+$0x14870] =	vst v0;
	v0 =	vadd.f32 v4, v2;
	v2 =	vld [tilespmem:s10+$0x48B0]  }
0x34a: {  	v4 =	vld [tilespmem:s10+$0xC8B0]  }
0x34b: {  	[tilespmem:s10+$0x14880] =	vst v0;
	v0 =	vadd.f32 v6, v1;
	v1 =	vld [tilespmem:s10+$0x48C0]  }
0x34c: {  	v6 =	vld [tilespmem:s10+$0xC8C0]  }
0x34d: {  	[tilespmem:s10+$0x14890] =	vst v0;
	v0 =	vadd.f32 v5, v3;
	v3 =	vld [tilespmem:s10+$0x48D0]  }
0x34e: {  	v5 =	vld [tilespmem:s10+$0xC8D0]  }
0x34f: {  	[tilespmem:s10+$0x148A0] =	vst v0;
	v0 =	vadd.f32 v4, v2;
	v2 =	vld [tilespmem:s10+$0x48E0]  }
0x350: {  	v4 =	vld [tilespmem:s10+$0xC8E0]  }
0x351: {  	[tilespmem:s10+$0x148B0] =	vst v0;
	v0 =	vadd.f32 v6, v1;
	v1 =	vld [tilespmem:s10+$0x48F0]  }
0x352: {  	v6 =	vld [tilespmem:s10+$0xC8F0]  }
0x353: {  	[tilespmem:s10+$0x148C0] =	vst v0;
	v0 =	vadd.f32 v5, v3;
	v3 =	vld [tilespmem:s10+$0x4900]  }
0x354: {  	v5 =	vld [tilespmem:s10+$0xC900]  }
0x355: {  	[tilespmem:s10+$0x148D0] =	vst v0;
	v0 =	vadd.f32 v4, v2;
	v2 =	vld [tilespmem:s10+$0x4910]  }
0x356: {  	v4 =	vld [tilespmem:s10+$0xC910]  }
0x357: {  	[tilespmem:s10+$0x148E0] =	vst v0;
	v0 =	vadd.f32 v6, v1;
	v1 =	vld [tilespmem:s10+$0x4920]  }
0x358: {  	v6 =	vld [tilespmem:s10+$0xC920]  }
0x359: {  	[tilespmem:s10+$0x148F0] =	vst v0;
	v0 =	vadd.f32 v5, v3;
	v3 =	vld [tilespmem:s10+$0x4930]  }
0x35a: {  	v5 =	vld [tilespmem:s10+$0xC930]  }
0x35b: {  	[tilespmem:s10+$0x14900] =	vst v0;
	v0 =	vadd.f32 v4, v2;
	v2 =	vld [tilespmem:s10+$0x4940]  }
0x35c: {  	v4 =	vld [tilespmem:s10+$0xC940]  }
0x35d: {  	[tilespmem:s10+$0x14910] =	vst v0;
	v0 =	vadd.f32 v6, v1;
	v1 =	vld [tilespmem:s10+$0x4950]  }
0x35e: {  	v6 =	vld [tilespmem:s10+$0xC950]  }
0x35f: {  	[tilespmem:s10+$0x14920] =	vst v0;
	v0 =	vadd.f32 v5, v3;
	v3 =	vld [tilespmem:s10+$0x4960]  }
0x360: {  	v5 =	vld [tilespmem:s10+$0xC960]  }
0x361: {  	[tilespmem:s10+$0x14930] =	vst v0;
	v0 =	vadd.f32 v4, v2;
	v2 =	vld [tilespmem:s10+$0x4970]  }
0x362: {  	v4 =	vld [tilespmem:s10+$0xC970]  }
0x363: {  	[tilespmem:s10+$0x14940] =	vst v0;
	v0 =	vadd.f32 v6, v1;
	v1 =	vld [tilespmem:s10+$0x4980]  }
0x364: {  	v6 =	vld [tilespmem:s10+$0xC980]  }
0x365: {  	[tilespmem:s10+$0x14950] =	vst v0;
	v0 =	vadd.f32 v5, v3;
	v3 =	vld [tilespmem:s10+$0x4990]  }
0x366: {  	v5 =	vld [tilespmem:s10+$0xC990]  }
0x367: {  	[tilespmem:s10+$0x14960] =	vst v0;
	v0 =	vadd.f32 v4, v2;
	v2 =	vld [tilespmem:s10+$0x49A0]  }
0x368: {  	v4 =	vld [tilespmem:s10+$0xC9A0]  }
0x369: {  	[tilespmem:s10+$0x14970] =	vst v0;
	v0 =	vadd.f32 v6, v1;
	v1 =	vld [tilespmem:s10+$0x49B0]  }
0x36a: {  	v6 =	vld [tilespmem:s10+$0xC9B0]  }
0x36b: {  	[tilespmem:s10+$0x14980] =	vst v0;
	v0 =	vadd.f32 v5, v3;
	v5 =	vld [tilespmem:s10+$0x49C0]  }
0x36c: {  	v7 =	vld [tilespmem:s10+$0xC9C0]  }
.Ltmp5:
0x36d: {  	[tilespmem:s10+$0x14990] =	vst v0;
	v0 =	vadd.f32 v4, v2;
	v2 =	vld [tilespmem:s10+$0x49D0];
	(pc) =	sbr.rel @p2 .LBB2_9-.Ltmp5, $4  }
0x36e: {  	v3 =	vld [tilespmem:s10+$0xC9D0]  }
0x36f: {  	[tilespmem:s10+$0x149A0] =	vst v0;
	v6 =	vadd.f32 v6, v1;
	v0 =	vld [tilespmem:s10+$0x49E0]  }
0x370: {  	s0 =	sshra.s32 s11, $0x2;
	v4 =	vld [tilespmem:s10+$0xC9E0]  }
0x371: {  	s11 =	sadd.s32 $0x800, s11;
	v1 =	vld [tilespmem:s0+$0x49F0];
	[tilespmem:s10+$0x149B0] =	vst v6;
	v5 =	vadd.f32 v7, v5  }
0x372: {  	v6 =	vld [tilespmem:s0+$0xC9F0]  }
0x373: {  	v7 =	vld [tilespmem:s0+$0x4800];
	[tilespmem:s10+$0x149C0] =	vst v5;
	v2 =	vadd.f32 v3, v2  }
0x374: {  	v35 =	vld [tilespmem:s0+$0xC800]  }
0x375: {  	v5 =	vld [tilespmem:s0+$0x4810];
	[tilespmem:s10+$0x149D0] =	vst v2;
	v0 =	vadd.f32 v4, v0  }
0x376: {  	v2 =	vld [tilespmem:s0+$0xC810]  }
0x377: {  	v36 =	vld [tilespmem:s0+$0x4820];
	[tilespmem:s10+$0x149E0] =	vst v0  }
0x378: {  	v38 =	vld [tilespmem:s0+$0xC820]  }
0x379: {  	v39 =	vld [tilespmem:s0+$0x4830]  }
0x37a: {  	v40 =	vld [tilespmem:s0+$0xC830]  }
0x37b: {  	v41 =	vld [tilespmem:s0+$0x4840]  }
0x37c: {  	v42 =	vld [tilespmem:s0+$0xC840]  }
0x37d: {  	v43 =	vld [tilespmem:s0+$0x4850]  }
0x37e: {  	v44 =	vld [tilespmem:s0+$0xC850]  }
0x37f: {  	v45 =	vld [tilespmem:s0+$0x4860]  }
0x380: {  	v46 =	vld [tilespmem:s0+$0xC860]  }
0x381: {  	v48 =	vld [tilespmem:s0+$0x4870]  }
0x382: {  	v49 =	vld [tilespmem:s0+$0xC870]  }
0x383: {  	v51 =	vld [tilespmem:s0+$0x4880]  }
0x384: {  	v52 =	vld [tilespmem:s0+$0xC880]  }
0x385: {  	v54 =	vld [tilespmem:s0+$0x4890]  }
0x386: {  	v55 =	vld [tilespmem:s0+$0xC890]  }
0x387: {  	v57 =	vld [tilespmem:s0+$0x48A0]  }
0x388: {  	v58 =	vld [tilespmem:s0+$0xC8A0]  }
0x389: {  	v60 =	vld [tilespmem:s0+$0x48B0]  }
0x38a: {  	v61 =	vld [tilespmem:s0+$0xC8B0]  }
0x38b: {  	v63 =	vld [tilespmem:s0+$0x48C0]  }
0x38c: {  	v9 =	vld [tilespmem:s0+$0xC8C0]  }
0x38d: {  	v11 =	vld [tilespmem:s0+$0x48D0]  }
0x38e: {  	v12 =	vld [tilespmem:s0+$0xC8D0]  }
0x38f: {  	v14 =	vld [tilespmem:s0+$0x48E0]  }
0x390: {  	v15 =	vld [tilespmem:s0+$0xC8E0]  }
0x391: {  	v17 =	vld [tilespmem:s0+$0x48F0]  }
0x392: {  	v18 =	vld [tilespmem:s0+$0xC8F0]  }
0x393: {  	v20 =	vld [tilespmem:s0+$0x4900]  }
0x394: {  	v21 =	vld [tilespmem:s0+$0xC900]  }
0x395: {  	v23 =	vld [tilespmem:s0+$0x4910]  }
0x396: {  	v37 =	vadd.f32 v6, v1;
	v24 =	vld [tilespmem:s0+$0xC910]  }
0x397: {  	v26 =	vld [tilespmem:s0+$0x4920];
	v3 =	vadd.f32 v35, v7  }
0x398: {  	v27 =	vld [tilespmem:s0+$0xC920];
	[tilespmem:s0+$0x149F0] =	vst v37;
	v2 =	vadd.f32 v2, v5  }
0x399: {  	v29 =	vld [tilespmem:s0+$0x4930];
	[tilespmem:s0+$0x14800] =	vst v3;
	v1 =	vadd.f32 v38, v36  }
0x39a: {  	v30 =	vld [tilespmem:s0+$0xC930];
	[tilespmem:s0+$0x14810] =	vst v2;
	v0 =	vadd.f32 v40, v39  }
0x39b: {  	v32 =	vld [tilespmem:s0+$0x4940];
	v47 =	vadd.f32 v42, v41;
	[tilespmem:s0+$0x14820] =	vst v1  }
0x39c: {  	v33 =	vld [tilespmem:s0+$0xC940];
	v50 =	vadd.f32 v44, v43;
	[tilespmem:s0+$0x14830] =	vst v0  }
0x39d: {  	v35 =	vld [tilespmem:s0+$0x4950];
	v53 =	vadd.f32 v46, v45;
	[tilespmem:s0+$0x14840] =	vst v47  }
0x39e: {  	v56 =	vadd.f32 v49, v48;
	v36 =	vld [tilespmem:s0+$0xC950];
	[tilespmem:s0+$0x14850] =	vst v50  }
0x39f: {  	v59 =	vadd.f32 v52, v51;
	v38 =	vld [tilespmem:s0+$0x4960];
	[tilespmem:s0+$0x14860] =	vst v53  }
0x3a0: {  	v62 =	vadd.f32 v55, v54;
	v39 =	vld [tilespmem:s0+$0xC960];
	[tilespmem:s0+$0x14870] =	vst v56  }
0x3a1: {  	v10 =	vadd.f32 v58, v57;
	v41 =	vld [tilespmem:s0+$0x4970];
	[tilespmem:s0+$0x14880] =	vst v59  }
0x3a2: {  	v13 =	vadd.f32 v61, v60;
	v42 =	vld [tilespmem:s0+$0xC970];
	[tilespmem:s0+$0x14890] =	vst v62  }
0x3a3: {  	v16 =	vadd.f32 v9, v63;
	v44 =	vld [tilespmem:s0+$0x4980];
	[tilespmem:s0+$0x148A0] =	vst v10  }
0x3a4: {  	v19 =	vadd.f32 v12, v11;
	v45 =	vld [tilespmem:s0+$0xC980];
	[tilespmem:s0+$0x148B0] =	vst v13  }
0x3a5: {  	v22 =	vadd.f32 v15, v14;
	v48 =	vld [tilespmem:s0+$0xC990];
	[tilespmem:s0+$0x148C0] =	vst v16  }
0x3a6: {  	v25 =	vadd.f32 v18, v17;
	v51 =	vld [tilespmem:s0+$0xC9A0];
	[tilespmem:s0+$0x148D0] =	vst v19  }
0x3a7: {  	v28 =	vadd.f32 v21, v20;
	v54 =	vld [tilespmem:s0+$0xC9B0];
	[tilespmem:s0+$0x148E0] =	vst v22  }
0x3a8: {  	v31 =	vadd.f32 v24, v23;
	v57 =	vld [tilespmem:s0+$0xC9C0];
	[tilespmem:s0+$0x148F0] =	vst v25  }
0x3a9: {  	v34 =	vadd.f32 v27, v26;
	v60 =	vld [tilespmem:s0+$0xC9D0];
	[tilespmem:s0+$0x14900] =	vst v28  }
0x3aa: {  	v37 =	vadd.f32 v30, v29;
	v61 =	vld [tilespmem:s0+$0x49E0];
	[tilespmem:s0+$0x14910] =	vst v31  }
0x3ab: {  	v40 =	vadd.f32 v33, v32;
	[tilespmem:s0+$0x14920] =	vst v34;
	v47 =	vld [tilespmem:s0+$0x4990]  }
0x3ac: {  	[tilespmem:s0+$0x14930] =	vst v37;
	v50 =	vld [tilespmem:s0+$0x49A0];
	v43 =	vadd.f32 v36, v35  }
0x3ad: {  	[tilespmem:s0+$0x14940] =	vst v40;
	v53 =	vld [tilespmem:s0+$0x49B0];
	v46 =	vadd.f32 v39, v38  }
0x3ae: {  	v56 =	vld [tilespmem:s0+$0x49C0];
	v49 =	vadd.f32 v42, v41;
	[tilespmem:s0+$0x14950] =	vst v43  }
0x3af: {  	v59 =	vld [tilespmem:s0+$0x49D0];
	v52 =	vadd.f32 v45, v44;
	[tilespmem:s0+$0x14960] =	vst v46  }
0x3b0: {  	v62 =	vld [tilespmem:s0+$0xC9E0];
	[tilespmem:s0+$0x14970] =	vst v49;
	v55 =	vadd.f32 v48, v47  }
0x3b1: {  	[tilespmem:s0+$0x14980] =	vst v52;
	v58 =	vadd.f32 v51, v50  }
0x3b2: {  	v1 =	vadd.f32 v54, v53;
	[tilespmem:s0+$0x14990] =	vst v55  }
0x3b3: {  	v3 =	vadd.f32 v57, v56;
	[tilespmem:s0+$0x149A0] =	vst v58  }
.Ltmp6:
0x3b4: {  	v63 =	vadd.f32 v60, v59;
	[tilespmem:s0+$0x149B0] =	vst v1;
	(pc) =	sbr.rel @p1 .LBB2_12-.Ltmp6, $4  }
0x3b5: {  	s6 =	sadd.s32 s24, s16;
	v0 =	vadd.f32 v62, v61;
	[tilespmem:s0+$0x149C0] =	vst v3  }
0x3b6: {  	s6 =	sshrl.u32 s6, $0x3;
	[tilespmem:s0+$0x149D0] =	vst v63  }
0x3b7: {  	s31 =	sadd.s32 s1, s6;
	[tilespmem:s0+$0x149E0] =	vst v0  }
0x3b8: {  	[hbm4b:s31+s3] =	stream.linear.scatter [tilespmem:s5], [sflag:$0x8], $0x4000, $0x38;
	[tilespmem:$0x1A740] =	vst v63  }
.Ltmp7:
0x3b9: {  	s0 =	sshll.u32 s9, $0x7;
	(pc) =	sbr.rel .LBB2_2-.Ltmp7, $4  }
0x3ba: {  	s6 =	sor.u32 $0x100, s0  }
0x3bb: {  	[tilespmem:s22], [sflag:$0x4] =	stream.indirect.gather [hbm4b:s4+s30], $0x80, s6, s30, $0xb8;
	[tilespmem:$0x1A740] =	vst v63  }
0x3bc: {  	s21 =	sadd.s32 $0x1, s21;
	s0 =	sor.u32 $0x500, s0  }
0x3bd: {  	[tilespmem:s23], [sflag:$0x6] =	stream.indirect.gather [spmem:s2], $0x80, s0, s30, $0xb8;
	[tilespmem:$0x1A740] =	vst v63  }
.LBB2_13:
0x3be: {  	_ =	sfence.sel $0x180000  }
0x3bf: {  	[bflag:$0x0] =	sbarrier.arrive $0xFFFF  }
0x3c0: {  	_ =	strace $0x90000047  }
0x3c1: {  	[bflag:$0x2] =	sbarrier.arrive $0xFFFF  }
0x3c2: {  	s0 =	rddreg [dreg:$0x3]  }
0x3c3: {  	s0 =	sadd.s32 @!p0 $0x100000, s0  }
0x3c4: {  	[sflag:s0] =	ssyncadd.tile.s32 @!p0 $0x1;
	_ =	shalt  }
.Lfunc_end2:
_tile_overlayer_lowered:
.L_overlay_start_2:
0x3c5: {  	(tag) =	ssettag $0x2  }
0x3c6: {  	s0 =	rddreg [dreg:$0x0];
	s2 =	stileid.u32  }
0x3c7: {  	s1 =	rddreg [dreg:$0x1];
	p0 =	sne.s32 s2, $0x0  }
0x3c8: {  	s3 =	rddreg [dreg:$0x2];
	[bflag:$0x3] =	sbarrier.arrive $0xFFFF;
	s2 =	simm.s32 @!p0 $0x1C09  }
0x3c9: {  	[timem:s3], [sflag:s2] =	dma.local @!p0 [hbm:s0], s1  }
0x3ca: {  	s0 =	simm.s32 @!p0 $0x9  }
0x3cb: {  	_ =	swait.ge @!p0 [sflag:s0], s1  }
0x3cc: {  	s1 =	ssub.s32 @!p0 $0x0, s1;
	[sflag:s0] =	ssyncset.done @!p0 $0x0  }
0x3cd: {  	[sflag:s0] =	ssyncadd.s32 @!p0 s1  }
0x3ce: {  	[bflag:$0x3] =	sbarrier.arrive $0xFFFF  }
0x3cf: {  	_ =	shalt  }

</sc_bundles>
